<compile_context>
chip_gen: v7x
topology: tpu7x:2x2x1
jax: 0.10.2.dev20260603
libtpu: 0.0.44.dev20260713+nightly
codegen_flags: <defaults>
</compile_context>

<pallas_src>
import jax
import jax.numpy as jnp
from jax import lax
from jax.experimental import pallas as pl
from jax.experimental.pallas import tpu as pltpu
from jax.experimental.pallas import tpu_sc as plsc

B, C = 16384, 1000
NW = 32
RPW = B // NW
CH = 32
NCHUNK = RPW // CH
GPC = CH // 16
NLOAD = C // 16
TAIL0 = C - 16


def _cw_body(pred_hbm, y_hbm, out_hbm, buf0, buf1, y_v, out_v, scr,
             sem0, sem1):
    cid = lax.axis_index("c")
    sid = lax.axis_index("s")
    wid = sid * 2 + cid
    row0 = wid * RPW
    pltpu.sync_copy(y_hbm.at[pl.ds(row0, RPW)], y_v)

    bufs = [buf0, buf1]
    sems = [sem0, sem1]
    neg_inf = jnp.full((16,), -jnp.inf, jnp.float32)
    lane = lax.iota(jnp.int32, 16)
    last = jnp.full((16,), 15, jnp.int32)

    pltpu.async_copy(pred_hbm.at[pl.ds(row0, CH)], bufs[0], sems[0])
    pltpu.async_copy(pred_hbm.at[pl.ds(row0 + CH, CH)], bufs[1], sems[1])

    def chunk_pair(cc, carry):
        for b in range(2):
            ci = cc * 2 + b
            buf, sem = bufs[b], sems[b]
            pltpu.make_async_copy(
                pred_hbm.at[pl.ds(row0, CH)], buf, sem).wait()
            for g in range(GPC):
                goff = ci * CH + g * 16
                yv = y_v[pl.ds(pl.multiple_of(goff, 16), 16)]
                rowv = g * 16 + lane
                class_pred = plsc.load_gather(buf, [rowv, yv])
                plsc.store_scatter(buf, [rowv, yv], neg_inf)

                def row_quad(i, carry):
                    for u in range(4):
                        r = g * 16 + i * 4 + u
                        accs = [neg_inf, neg_inf, neg_inf, neg_inf]
                        for k in range(NLOAD):
                            accs[k % 4] = jnp.maximum(
                                accs[k % 4], buf[r, pl.ds(16 * k, 16)])
                        accs[2] = jnp.maximum(
                            accs[2], buf[r, pl.ds(TAIL0, 16)])
                        comb = jnp.maximum(jnp.maximum(accs[0], accs[1]),
                                           jnp.maximum(accs[2], accs[3]))
                        scr[i * 4 + u, pl.ds(0, 16)] = plsc.cummax(comb)
                    return carry

                lax.fori_loop(0, 4, row_quad, 0)
                rowmax = plsc.load_gather(scr, [lane, last])
                out_v[pl.ds(pl.multiple_of(goff, 16), 16)] = (
                    rowmax - class_pred)

            @pl.when(ci + 2 < NCHUNK)
            def _():
                nxt = row0 + pl.multiple_of((ci + 2) * CH, CH)
                pltpu.async_copy(
                    pred_hbm.at[pl.ds(nxt, CH)], buf, sem)

        return carry

    lax.fori_loop(0, NCHUNK // 2, chunk_pair, 0)
    pltpu.sync_copy(out_v, out_hbm.at[pl.ds(row0, RPW)])


_run = pl.kernel(
    _cw_body,
    out_type=jax.ShapeDtypeStruct((B,), jnp.float32),
    mesh=plsc.VectorSubcoreMesh(core_axis_name="c", subcore_axis_name="s"),
    scratch_types=[
        pltpu.VMEM((CH, C), jnp.float32),
        pltpu.VMEM((CH, C), jnp.float32),
        pltpu.VMEM((RPW,), jnp.int32),
        pltpu.VMEM((RPW,), jnp.float32),
        pltpu.VMEM((16, 16), jnp.float32),
        pltpu.SemaphoreType.DMA,
        pltpu.SemaphoreType.DMA,
    ],
    compiler_params=pltpu.CompilerParams(needs_layout_passes=False),
)


@jax.jit
def kernel(pred, y):
    return _run(pred, y.astype(jnp.int32))

# --- scband reference (transcript-rebuilt; emitter-appended) ---
"""Pipeline reference for scband-cwloss-1030792151433 (READ-ONLY COPY).

The authoritative reference and input builder live on the scoring server;
editing this copy changes nothing except your own understanding.
"""

import jax, jax.numpy as jnp
import numpy as np

B, C = 16384, 1000

def setup_inputs(seed: int = 0) -> dict:
    key = jax.random.key(seed)
    k1, k2 = jax.random.split(key)
    pred = jax.random.normal(k1, (B, C), dtype=jnp.float32)
    y = jax.random.randint(k2, (B,), 0, C, dtype=jnp.int64 if jax.config.jax_enable_x64 else jnp.int32)
    return {"pred": pred, "y": y}

def reference(pred, y):
    # sort descending along class dim, keeping indices (faithful to torch .sort(descending=True))
    order = jnp.argsort(-pred, axis=1)
    pred_sorted = jnp.take_along_axis(pred, order, axis=1)
    class_pred = pred[jnp.arange(pred.shape[0]), y]
    target_pred = jnp.where(order[:, 0] == y, pred_sorted[:, 1], pred_sorted[:, 0])
    loss = target_pred - class_pred
    return loss

if __name__ == "__main__":
    import jax
    _d = setup_inputs()
    print(jax.jit(kernel)(*tuple(_d.values())))

</pallas_src>

<mosaic_0001>
#map = affine_map<(d0, d1) -> (0, 0)>
#map1 = affine_map<(d0, d1) -> (0)>
module attributes {stable_mosaic.version = 14 : i64} {
  func.func @_cw_body(%arg0: i32, %arg1: i32, %arg2: memref<16384x1000xf32, #tpu.memory_space<hbm>>, %arg3: memref<16384xi32, #tpu.memory_space<hbm>>, %arg4: memref<16384xf32, #tpu.memory_space<hbm>>, %arg5: memref<32x1000xf32, #tpu.memory_space<vmem>>, %arg6: memref<32x1000xf32, #tpu.memory_space<vmem>>, %arg7: memref<512xi32, #tpu.memory_space<vmem>>, %arg8: memref<512xf32, #tpu.memory_space<vmem>>, %arg9: memref<16x16xf32, #tpu.memory_space<vmem>>, %arg10: memref<!tpu.dma_semaphore, #tpu.memory_space<semaphore_mem>>, %arg11: memref<!tpu.dma_semaphore, #tpu.memory_space<semaphore_mem>>) attributes {dimension_semantics = [#tpu.dimension_semantics<core_parallel>, #tpu.dimension_semantics<subcore_parallel>], iteration_bounds = array<i64: 2, 16>, scalar_prefetch = 0 : i64, scratch_operands = 7 : i64, tpu.core_type = #tpu.core_type<sc_vector_subcore>, window_params = [{transform_indices = #map}, {transform_indices = #map1}, {transform_indices = #map1}]} {
    %mul3A = arith.constant 2 : i32
    %mul3A_0 = arith.muli %arg1, %mul3A : i32
    %add3A = arith.addi %mul3A_0, %arg0 : i32
    %mul3A_1 = arith.constant 512 : i32
    %mul3A_2 = arith.muli %add3A, %mul3A_1 : i32
    "tpu.region"() ({
      %run_scoped3A = tpu.sem_alloc : memref<!tpu.dma_semaphore, #tpu.memory_space<semaphore_mem>>
      %dma_start3A_20 = tpu.memref_slice %arg3[%mul3A_2] : memref<16384xi32, #tpu.memory_space<hbm>> -> memref<512xi32, #tpu.memory_space<hbm>>
      %dma_start3A_21 = tpu.memref_slice %arg3[%mul3A_2] : memref<16384xi32, #tpu.memory_space<hbm>> -> memref<512xi32, #tpu.memory_space<hbm>>
      tpu.enqueue_dma source(%dma_start3A_21 : memref<512xi32, #tpu.memory_space<hbm>>) target(%arg7 : memref<512xi32, #tpu.memory_space<vmem>>) target_semaphore(%run_scoped3A : memref<!tpu.dma_semaphore, #tpu.memory_space<semaphore_mem>>)
      %dma_wait3A = tpu.memref_slice %arg3[%mul3A_2] : memref<16384xi32, #tpu.memory_space<hbm>> -> memref<512xi32, #tpu.memory_space<hbm>>
      %dma_wait3A_22 = tpu.memref_slice %arg3[%mul3A_2] : memref<16384xi32, #tpu.memory_space<hbm>> -> memref<512xi32, #tpu.memory_space<hbm>>
      tpu.wait_dma2 semaphore(%run_scoped3A : memref<!tpu.dma_semaphore, #tpu.memory_space<semaphore_mem>>) src(%dma_wait3A_22 : memref<512xi32, #tpu.memory_space<hbm>>) dst(%arg7 : memref<512xi32, #tpu.memory_space<vmem>>)
      tpu.yield
    }) : () -> ()
    %broadcast_in_dim3A = arith.constant 0xFF800000 : f32
    %broadcast_in_dim3A_3 = vector.broadcast %broadcast_in_dim3A : f32 to vector<16xf32>
    %iota3A = tpu.iota {dimensions = array<i32: 0>} : vector<16xi32>
    %broadcast_in_dim3A_4 = arith.constant 15 : i32
    %broadcast_in_dim3A_5 = vector.broadcast %broadcast_in_dim3A_4 : i32 to vector<16xi32>
    %dma_start3A = arith.constant 0 : i32
    %dma_start3A_6 = tpu.memref_slice %arg2[%mul3A_2, %dma_start3A] : memref<16384x1000xf32, #tpu.memory_space<hbm>> -> memref<32x1000xf32, #tpu.memory_space<hbm>>
    %dma_start3A_7 = arith.constant 0 : i32
    %dma_start3A_8 = tpu.memref_slice %arg2[%mul3A_2, %dma_start3A_7] : memref<16384x1000xf32, #tpu.memory_space<hbm>> -> memref<32x1000xf32, #tpu.memory_space<hbm>>
    tpu.enqueue_dma source(%dma_start3A_8 : memref<32x1000xf32, #tpu.memory_space<hbm>>) target(%arg5 : memref<32x1000xf32, #tpu.memory_space<vmem>>) target_semaphore(%arg10 : memref<!tpu.dma_semaphore, #tpu.memory_space<semaphore_mem>>)
    %add3A_9 = arith.constant 32 : i32
    %add3A_10 = arith.addi %mul3A_2, %add3A_9 : i32
    %dma_start3A_11 = arith.constant 0 : i32
    %dma_start3A_12 = tpu.memref_slice %arg2[%add3A_10, %dma_start3A_11] : memref<16384x1000xf32, #tpu.memory_space<hbm>> -> memref<32x1000xf32, #tpu.memory_space<hbm>>
    %dma_start3A_13 = arith.constant 0 : i32
    %dma_start3A_14 = tpu.memref_slice %arg2[%add3A_10, %dma_start3A_13] : memref<16384x1000xf32, #tpu.memory_space<hbm>> -> memref<32x1000xf32, #tpu.memory_space<hbm>>
    tpu.enqueue_dma source(%dma_start3A_14 : memref<32x1000xf32, #tpu.memory_space<hbm>>) target(%arg6 : memref<32x1000xf32, #tpu.memory_space<vmem>>) target_semaphore(%arg11 : memref<!tpu.dma_semaphore, #tpu.memory_space<semaphore_mem>>)
    %scan3A = arith.constant 0 : i32
    %scan3A_15 = arith.constant 0 : i32
    %scan3A_16 = arith.constant 8 : i32
    %scan3A_17 = arith.addi %scan3A_15, %scan3A_16 : i32
    %scan3A_18 = arith.constant 1 : i32
    scf.for %scan3A_20 = %scan3A_15 to %scan3A_17 step %scan3A_18  : i32 {
      %mul3A_21 = arith.constant 2 : i32
      %mul3A_22 = arith.muli %scan3A_20, %mul3A_21 : i32
      %add3A_23 = arith.constant 0 : i32
      %add3A_24 = arith.addi %mul3A_22, %add3A_23 : i32
      %dma_wait3A = arith.constant 0 : i32
      %dma_wait3A_25 = tpu.memref_slice %arg2[%mul3A_2, %dma_wait3A] : memref<16384x1000xf32, #tpu.memory_space<hbm>> -> memref<32x1000xf32, #tpu.memory_space<hbm>>
      %dma_wait3A_26 = arith.constant 0 : i32
      %dma_wait3A_27 = tpu.memref_slice %arg2[%mul3A_2, %dma_wait3A_26] : memref<16384x1000xf32, #tpu.memory_space<hbm>> -> memref<32x1000xf32, #tpu.memory_space<hbm>>
      tpu.wait_dma2 semaphore(%arg10 : memref<!tpu.dma_semaphore, #tpu.memory_space<semaphore_mem>>) src(%dma_wait3A_27 : memref<32x1000xf32, #tpu.memory_space<hbm>>) dst(%arg5 : memref<32x1000xf32, #tpu.memory_space<vmem>>)
      %mul3A_28 = arith.constant 32 : i32
      %mul3A_29 = arith.muli %add3A_24, %mul3A_28 : i32
      %add3A_30 = arith.constant 0 : i32
      %add3A_31 = arith.addi %mul3A_29, %add3A_30 : i32
      %multiple_of3A = tpu.assume_multiple %add3A_31, 16 : i32
      %get3A = arith.index_cast %multiple_of3A : i32 to index
      %get3A_32 = tpu.vector_load %arg7[%get3A] {strides = array<i32>} : memref<512xi32, #tpu.memory_space<vmem>>, vector<16xi32>,
      %add3A_33 = arith.constant 0 : i32
      %add3A_34 = vector.broadcast %add3A_33 : i32 to vector<16xi32>
      %add3A_35 = arith.addi %add3A_34, %iota3A : vector<16xi32>
      %gather3A = tpu.vector_load_idx %arg5[%add3A_35, %get3A_32] : memref<32x1000xf32, #tpu.memory_space<vmem>>[vector<16xi32>, vector<16xi32>], vector<16xf32>,
      tpu.vector_store_idx %arg5[%add3A_35, %get3A_32], %broadcast_in_dim3A_3 : memref<32x1000xf32, #tpu.memory_space<vmem>>[vector<16xi32>, vector<16xi32>], vector<16xf32>,
      %scan3A_36 = arith.constant 0 : i32
      %scan3A_37 = arith.constant 0 : i32
      %scan3A_38 = arith.constant 4 : i32
      %scan3A_39 = arith.addi %scan3A_37, %scan3A_38 : i32
      %scan3A_40 = arith.constant 1 : i32
      scf.for %scan3A_130 = %scan3A_37 to %scan3A_39 step %scan3A_40  : i32 {
        %mul3A_131 = arith.constant 4 : i32
        %mul3A_132 = arith.muli %scan3A_130, %mul3A_131 : i32
        %add3A_133 = arith.constant 0 : i32
        %add3A_134 = arith.addi %add3A_133, %mul3A_132 : i32
        %add3A_135 = arith.constant 0 : i32
        %add3A_136 = arith.addi %add3A_134, %add3A_135 : i32
        %get3A_137 = arith.index_cast %add3A_136 : i32 to index
        %get3A_138 = arith.constant 0 : index
        %get3A_139 = tpu.vector_load %arg5[%get3A_137, %get3A_138] {strides = array<i32>} : memref<32x1000xf32, #tpu.memory_space<vmem>>, vector<16xf32>,
        %max3A = arith.maximumf %broadcast_in_dim3A_3, %get3A_139 : vector<16xf32>
        %get3A_140 = arith.index_cast %add3A_136 : i32 to index
        %get3A_141 = arith.constant 16 : index
        %get3A_142 = tpu.vector_load %arg5[%get3A_140, %get3A_141] {strides = array<i32>} : memref<32x1000xf32, #tpu.memory_space<vmem>>, vector<16xf32>,
        %max3A_143 = arith.maximumf %broadcast_in_dim3A_3, %get3A_142 : vector<16xf32>
        %get3A_144 = arith.index_cast %add3A_136 : i32 to index
        %get3A_145 = arith.constant 32 : index
        %get3A_146 = tpu.vector_load %arg5[%get3A_144, %get3A_145] {strides = array<i32>} : memref<32x1000xf32, #tpu.memory_space<vmem>>, vector<16xf32>,
        %max3A_147 = arith.maximumf %broadcast_in_dim3A_3, %get3A_146 : vector<16xf32>
        %get3A_148 = arith.index_cast %add3A_136 : i32 to index
        %get3A_149 = arith.constant 48 : index
        %get3A_150 = tpu.vector_load %arg5[%get3A_148, %get3A_149] {strides = array<i32>} : memref<32x1000xf32, #tpu.memory_space<vmem>>, vector<16xf32>,
        %max3A_151 = arith.maximumf %broadcast_in_dim3A_3, %get3A_150 : vector<16xf32>
        %get3A_152 = arith.index_cast %add3A_136 : i32 to index
        %get3A_153 = arith.constant 64 : index
        %get3A_154 = tpu.vector_load %arg5[%get3A_152, %get3A_153] {strides = array<i32>} : memref<32x1000xf32, #tpu.memory_space<vmem>>, vector<16xf32>,
        %max3A_155 = arith.maximumf %max3A, %get3A_154 : vector<16xf32>
        %get3A_156 = arith.index_cast %add3A_136 : i32 to index
        %get3A_157 = arith.constant 80 : index
        %get3A_158 = tpu.vector_load %arg5[%get3A_156, %get3A_157] {strides = array<i32>} : memref<32x1000xf32, #tpu.memory_space<vmem>>, vector<16xf32>,
        %max3A_159 = arith.maximumf %max3A_143, %get3A_158 : vector<16xf32>
        %get3A_160 = arith.index_cast %add3A_136 : i32 to index
        %get3A_161 = arith.constant 96 : index
        %get3A_162 = tpu.vector_load %arg5[%get3A_160, %get3A_161] {strides = array<i32>} : memref<32x1000xf32, #tpu.memory_space<vmem>>, vector<16xf32>,
        %max3A_163 = arith.maximumf %max3A_147, %get3A_162 : vector<16xf32>
        %get3A_164 = arith.index_cast %add3A_136 : i32 to index
        %get3A_165 = arith.constant 112 : index
        %get3A_166 = tpu.vector_load %arg5[%get3A_164, %get3A_165] {strides = array<i32>} : memref<32x1000xf32, #tpu.memory_space<vmem>>, vector<16xf32>,
        %max3A_167 = arith.maximumf %max3A_151, %get3A_166 : vector<16xf32>
        %get3A_168 = arith.index_cast %add3A_136 : i32 to index
        %get3A_169 = arith.constant 128 : index
        %get3A_170 = tpu.vector_load %arg5[%get3A_168, %get3A_169] {strides = array<i32>} : memref<32x1000xf32, #tpu.memory_space<vmem>>, vector<16xf32>,
        %max3A_171 = arith.maximumf %max3A_155, %get3A_170 : vector<16xf32>
        %get3A_172 = arith.index_cast %add3A_136 : i32 to index
        %get3A_173 = arith.constant 144 : index
        %get3A_174 = tpu.vector_load %arg5[%get3A_172, %get3A_173] {strides = array<i32>} : memref<32x1000xf32, #tpu.memory_space<vmem>>, vector<16xf32>,
        %max3A_175 = arith.maximumf %max3A_159, %get3A_174 : vector<16xf32>
        %get3A_176 = arith.index_cast %add3A_136 : i32 to index
        %get3A_177 = arith.constant 160 : index
        %get3A_178 = tpu.vector_load %arg5[%get3A_176, %get3A_177] {strides = array<i32>} : memref<32x1000xf32, #tpu.memory_space<vmem>>, vector<16xf32>,
        %max3A_179 = arith.maximumf %max3A_163, %get3A_178 : vector<16xf32>
        %get3A_180 = arith.index_cast %add3A_136 : i32 to index
        %get3A_181 = arith.constant 176 : index
        %get3A_182 = tpu.vector_load %arg5[%get3A_180, %get3A_181] {strides = array<i32>} : memref<32x1000xf32, #tpu.memory_space<vmem>>, vector<16xf32>,
        %max3A_183 = arith.maximumf %max3A_167, %get3A_182 : vector<16xf32>
        %get3A_184 = arith.index_cast %add3A_136 : i32 to index
        %get3A_185 = arith.constant 192 : index
        %get3A_186 = tpu.vector_load %arg5[%get3A_184, %get3A_185] {strides = array<i32>} : memref<32x1000xf32, #tpu.memory_space<vmem>>, vector<16xf32>,
        %max3A_187 = arith.maximumf %max3A_171, %get3A_186 : vector<16xf32>
        %get3A_188 = arith.index_cast %add3A_136 : i32 to index
        %get3A_189 = arith.constant 208 : index
        %get3A_190 = tpu.vector_load %arg5[%get3A_188, %get3A_189] {strides = array<i32>} : memref<32x1000xf32, #tpu.memory_space<vmem>>, vector<16xf32>,
        %max3A_191 = arith.maximumf %max3A_175, %get3A_190 : vector<16xf32>
        %get3A_192 = arith.index_cast %add3A_136 : i32 to index
        %get3A_193 = arith.constant 224 : index
        %get3A_194 = tpu.vector_load %arg5[%get3A_192, %get3A_193] {strides = array<i32>} : memref<32x1000xf32, #tpu.memory_space<vmem>>, vector<16xf32>,
        %max3A_195 = arith.maximumf %max3A_179, %get3A_194 : vector<16xf32>
        %get3A_196 = arith.index_cast %add3A_136 : i32 to index
        %get3A_197 = arith.constant 240 : index
        %get3A_198 = tpu.vector_load %arg5[%get3A_196, %get3A_197] {strides = array<i32>} : memref<32x1000xf32, #tpu.memory_space<vmem>>, vector<16xf32>,
        %max3A_199 = arith.maximumf %max3A_183, %get3A_198 : vector<16xf32>
        %get3A_200 = arith.index_cast %add3A_136 : i32 to index
        %get3A_201 = arith.constant 256 : index
        %get3A_202 = tpu.vector_load %arg5[%get3A_200, %get3A_201] {strides = array<i32>} : memref<32x1000xf32, #tpu.memory_space<vmem>>, vector<16xf32>,
        %max3A_203 = arith.maximumf %max3A_187, %get3A_202 : vector<16xf32>
        %get3A_204 = arith.index_cast %add3A_136 : i32 to index
        %get3A_205 = arith.constant 272 : index
        %get3A_206 = tpu.vector_load %arg5[%get3A_204, %get3A_205] {strides = array<i32>} : memref<32x1000xf32, #tpu.memory_space<vmem>>, vector<16xf32>,
        %max3A_207 = arith.maximumf %max3A_191, %get3A_206 : vector<16xf32>
        %get3A_208 = arith.index_cast %add3A_136 : i32 to index
        %get3A_209 = arith.constant 288 : index
        %get3A_210 = tpu.vector_load %arg5[%get3A_208, %get3A_209] {strides = array<i32>} : memref<32x1000xf32, #tpu.memory_space<vmem>>, vector<16xf32>,
        %max3A_211 = arith.maximumf %max3A_195, %get3A_210 : vector<16xf32>
        %get3A_212 = arith.index_cast %add3A_136 : i32 to index
        %get3A_213 = arith.constant 304 : index
        %get3A_214 = tpu.vector_load %arg5[%get3A_212, %get3A_213] {strides = array<i32>} : memref<32x1000xf32, #tpu.memory_space<vmem>>, vector<16xf32>,
        %max3A_215 = arith.maximumf %max3A_199, %get3A_214 : vector<16xf32>
        %get3A_216 = arith.index_cast %add3A_136 : i32 to index
        %get3A_217 = arith.constant 320 : index
        %get3A_218 = tpu.vector_load %arg5[%get3A_216, %get3A_217] {strides = array<i32>} : memref<32x1000xf32, #tpu.memory_space<vmem>>, vector<16xf32>,
        %max3A_219 = arith.maximumf %max3A_203, %get3A_218 : vector<16xf32>
        %get3A_220 = arith.index_cast %add3A_136 : i32 to index
        %get3A_221 = arith.constant 336 : index
        %get3A_222 = tpu.vector_load %arg5[%get3A_220, %get3A_221] {strides = array<i32>} : memref<32x1000xf32, #tpu.memory_space<vmem>>, vector<16xf32>,
        %max3A_223 = arith.maximumf %max3A_207, %get3A_222 : vector<16xf32>
        %get3A_224 = arith.index_cast %add3A_136 : i32 to index
        %get3A_225 = arith.constant 352 : index
        %get3A_226 = tpu.vector_load %arg5[%get3A_224, %get3A_225] {strides = array<i32>} : memref<32x1000xf32, #tpu.memory_space<vmem>>, vector<16xf32>,
        %max3A_227 = arith.maximumf %max3A_211, %get3A_226 : vector<16xf32>
        %get3A_228 = arith.index_cast %add3A_136 : i32 to index
        %get3A_229 = arith.constant 368 : index
        %get3A_230 = tpu.vector_load %arg5[%get3A_228, %get3A_229] {strides = array<i32>} : memref<32x1000xf32, #tpu.memory_space<vmem>>, vector<16xf32>,
        %max3A_231 = arith.maximumf %max3A_215, %get3A_230 : vector<16xf32>
        %get3A_232 = arith.index_cast %add3A_136 : i32 to index
        %get3A_233 = arith.constant 384 : index
        %get3A_234 = tpu.vector_load %arg5[%get3A_232, %get3A_233] {strides = array<i32>} : memref<32x1000xf32, #tpu.memory_space<vmem>>, vector<16xf32>,
        %max3A_235 = arith.maximumf %max3A_219, %get3A_234 : vector<16xf32>
        %get3A_236 = arith.index_cast %add3A_136 : i32 to index
        %get3A_237 = arith.constant 400 : index
        %get3A_238 = tpu.vector_load %arg5[%get3A_236, %get3A_237] {strides = array<i32>} : memref<32x1000xf32, #tpu.memory_space<vmem>>, vector<16xf32>,
        %max3A_239 = arith.maximumf %max3A_223, %get3A_238 : vector<16xf32>
        %get3A_240 = arith.index_cast %add3A_136 : i32 to index
        %get3A_241 = arith.constant 416 : index
        %get3A_242 = tpu.vector_load %arg5[%get3A_240, %get3A_241] {strides = array<i32>} : memref<32x1000xf32, #tpu.memory_space<vmem>>, vector<16xf32>,
        %max3A_243 = arith.maximumf %max3A_227, %get3A_242 : vector<16xf32>
        %get3A_244 = arith.index_cast %add3A_136 : i32 to index
        %get3A_245 = arith.constant 432 : index
        %get3A_246 = tpu.vector_load %arg5[%get3A_244, %get3A_245] {strides = array<i32>} : memref<32x1000xf32, #tpu.memory_space<vmem>>, vector<16xf32>,
        %max3A_247 = arith.maximumf %max3A_231, %get3A_246 : vector<16xf32>
        %get3A_248 = arith.index_cast %add3A_136 : i32 to index
        %get3A_249 = arith.constant 448 : index
        %get3A_250 = tpu.vector_load %arg5[%get3A_248, %get3A_249] {strides = array<i32>} : memref<32x1000xf32, #tpu.memory_space<vmem>>, vector<16xf32>,
        %max3A_251 = arith.maximumf %max3A_235, %get3A_250 : vector<16xf32>
        %get3A_252 = arith.index_cast %add3A_136 : i32 to index
        %get3A_253 = arith.constant 464 : index
        %get3A_254 = tpu.vector_load %arg5[%get3A_252, %get3A_253] {strides = array<i32>} : memref<32x1000xf32, #tpu.memory_space<vmem>>, vector<16xf32>,
        %max3A_255 = arith.maximumf %max3A_239, %get3A_254 : vector<16xf32>
        %get3A_256 = arith.index_cast %add3A_136 : i32 to index
        %get3A_257 = arith.constant 480 : index
        %get3A_258 = tpu.vector_load %arg5[%get3A_256, %get3A_257] {strides = array<i32>} : memref<32x1000xf32, #tpu.memory_space<vmem>>, vector<16xf32>,
        %max3A_259 = arith.maximumf %max3A_243, %get3A_258 : vector<16xf32>
        %get3A_260 = arith.index_cast %add3A_136 : i32 to index
        %get3A_261 = arith.constant 496 : index
        %get3A_262 = tpu.vector_load %arg5[%get3A_260, %get3A_261] {strides = array<i32>} : memref<32x1000xf32, #tpu.memory_space<vmem>>, vector<16xf32>,
        %max3A_263 = arith.maximumf %max3A_247, %get3A_262 : vector<16xf32>
        %get3A_264 = arith.index_cast %add3A_136 : i32 to index
        %get3A_265 = arith.constant 512 : index
        %get3A_266 = tpu.vector_load %arg5[%get3A_264, %get3A_265] {strides = array<i32>} : memref<32x1000xf32, #tpu.memory_space<vmem>>, vector<16xf32>,
        %max3A_267 = arith.maximumf %max3A_251, %get3A_266 : vector<16xf32>
        %get3A_268 = arith.index_cast %add3A_136 : i32 to index
        %get3A_269 = arith.constant 528 : index
        %get3A_270 = tpu.vector_load %arg5[%get3A_268, %get3A_269] {strides = array<i32>} : memref<32x1000xf32, #tpu.memory_space<vmem>>, vector<16xf32>,
        %max3A_271 = arith.maximumf %max3A_255, %get3A_270 : vector<16xf32>
        %get3A_272 = arith.index_cast %add3A_136 : i32 to index
        %get3A_273 = arith.constant 544 : index
        %get3A_274 = tpu.vector_load %arg5[%get3A_272, %get3A_273] {strides = array<i32>} : memref<32x1000xf32, #tpu.memory_space<vmem>>, vector<16xf32>,
        %max3A_275 = arith.maximumf %max3A_259, %get3A_274 : vector<16xf32>
        %get3A_276 = arith.index_cast %add3A_136 : i32 to index
        %get3A_277 = arith.constant 560 : index
        %get3A_278 = tpu.vector_load %arg5[%get3A_276, %get3A_277] {strides = array<i32>} : memref<32x1000xf32, #tpu.memory_space<vmem>>, vector<16xf32>,
        %max3A_279 = arith.maximumf %max3A_263, %get3A_278 : vector<16xf32>
        %get3A_280 = arith.index_cast %add3A_136 : i32 to index
        %get3A_281 = arith.constant 576 : index
        %get3A_282 = tpu.vector_load %arg5[%get3A_280, %get3A_281] {strides = array<i32>} : memref<32x1000xf32, #tpu.memory_space<vmem>>, vector<16xf32>,
        %max3A_283 = arith.maximumf %max3A_267, %get3A_282 : vector<16xf32>
        %get3A_284 = arith.index_cast %add3A_136 : i32 to index
        %get3A_285 = arith.constant 592 : index
        %get3A_286 = tpu.vector_load %arg5[%get3A_284, %get3A_285] {strides = array<i32>} : memref<32x1000xf32, #tpu.memory_space<vmem>>, vector<16xf32>,
        %max3A_287 = arith.maximumf %max3A_271, %get3A_286 : vector<16xf32>
        %get3A_288 = arith.index_cast %add3A_136 : i32 to index
        %get3A_289 = arith.constant 608 : index
        %get3A_290 = tpu.vector_load %arg5[%get3A_288, %get3A_289] {strides = array<i32>} : memref<32x1000xf32, #tpu.memory_space<vmem>>, vector<16xf32>,
        %max3A_291 = arith.maximumf %max3A_275, %get3A_290 : vector<16xf32>
        %get3A_292 = arith.index_cast %add3A_136 : i32 to index
        %get3A_293 = arith.constant 624 : index
        %get3A_294 = tpu.vector_load %arg5[%get3A_292, %get3A_293] {strides = array<i32>} : memref<32x1000xf32, #tpu.memory_space<vmem>>, vector<16xf32>,
        %max3A_295 = arith.maximumf %max3A_279, %get3A_294 : vector<16xf32>
        %get3A_296 = arith.index_cast %add3A_136 : i32 to index
        %get3A_297 = arith.constant 640 : index
        %get3A_298 = tpu.vector_load %arg5[%get3A_296, %get3A_297] {strides = array<i32>} : memref<32x1000xf32, #tpu.memory_space<vmem>>, vector<16xf32>,
        %max3A_299 = arith.maximumf %max3A_283, %get3A_298 : vector<16xf32>
        %get3A_300 = arith.index_cast %add3A_136 : i32 to index
        %get3A_301 = arith.constant 656 : index
        %get3A_302 = tpu.vector_load %arg5[%get3A_300, %get3A_301] {strides = array<i32>} : memref<32x1000xf32, #tpu.memory_space<vmem>>, vector<16xf32>,
        %max3A_303 = arith.maximumf %max3A_287, %get3A_302 : vector<16xf32>
        %get3A_304 = arith.index_cast %add3A_136 : i32 to index
        %get3A_305 = arith.constant 672 : index
        %get3A_306 = tpu.vector_load %arg5[%get3A_304, %get3A_305] {strides = array<i32>} : memref<32x1000xf32, #tpu.memory_space<vmem>>, vector<16xf32>,
        %max3A_307 = arith.maximumf %max3A_291, %get3A_306 : vector<16xf32>
        %get3A_308 = arith.index_cast %add3A_136 : i32 to index
        %get3A_309 = arith.constant 688 : index
        %get3A_310 = tpu.vector_load %arg5[%get3A_308, %get3A_309] {strides = array<i32>} : memref<32x1000xf32, #tpu.memory_space<vmem>>, vector<16xf32>,
        %max3A_311 = arith.maximumf %max3A_295, %get3A_310 : vector<16xf32>
        %get3A_312 = arith.index_cast %add3A_136 : i32 to index
        %get3A_313 = arith.constant 704 : index
        %get3A_314 = tpu.vector_load %arg5[%get3A_312, %get3A_313] {strides = array<i32>} : memref<32x1000xf32, #tpu.memory_space<vmem>>, vector<16xf32>,
        %max3A_315 = arith.maximumf %max3A_299, %get3A_314 : vector<16xf32>
        %get3A_316 = arith.index_cast %add3A_136 : i32 to index
        %get3A_317 = arith.constant 720 : index
        %get3A_318 = tpu.vector_load %arg5[%get3A_316, %get3A_317] {strides = array<i32>} : memref<32x1000xf32, #tpu.memory_space<vmem>>, vector<16xf32>,
        %max3A_319 = arith.maximumf %max3A_303, %get3A_318 : vector<16xf32>
        %get3A_320 = arith.index_cast %add3A_136 : i32 to index
        %get3A_321 = arith.constant 736 : index
        %get3A_322 = tpu.vector_load %arg5[%get3A_320, %get3A_321] {strides = array<i32>} : memref<32x1000xf32, #tpu.memory_space<vmem>>, vector<16xf32>,
        %max3A_323 = arith.maximumf %max3A_307, %get3A_322 : vector<16xf32>
        %get3A_324 = arith.index_cast %add3A_136 : i32 to index
        %get3A_325 = arith.constant 752 : index
        %get3A_326 = tpu.vector_load %arg5[%get3A_324, %get3A_325] {strides = array<i32>} : memref<32x1000xf32, #tpu.memory_space<vmem>>, vector<16xf32>,
        %max3A_327 = arith.maximumf %max3A_311, %get3A_326 : vector<16xf32>
        %get3A_328 = arith.index_cast %add3A_136 : i32 to index
        %get3A_329 = arith.constant 768 : index
        %get3A_330 = tpu.vector_load %arg5[%get3A_328, %get3A_329] {strides = array<i32>} : memref<32x1000xf32, #tpu.memory_space<vmem>>, vector<16xf32>,
        %max3A_331 = arith.maximumf %max3A_315, %get3A_330 : vector<16xf32>
        %get3A_332 = arith.index_cast %add3A_136 : i32 to index
        %get3A_333 = arith.constant 784 : index
        %get3A_334 = tpu.vector_load %arg5[%get3A_332, %get3A_333] {strides = array<i32>} : memref<32x1000xf32, #tpu.memory_space<vmem>>, vector<16xf32>,
        %max3A_335 = arith.maximumf %max3A_319, %get3A_334 : vector<16xf32>
        %get3A_336 = arith.index_cast %add3A_136 : i32 to index
        %get3A_337 = arith.constant 800 : index
        %get3A_338 = tpu.vector_load %arg5[%get3A_336, %get3A_337] {strides = array<i32>} : memref<32x1000xf32, #tpu.memory_space<vmem>>, vector<16xf32>,
        %max3A_339 = arith.maximumf %max3A_323, %get3A_338 : vector<16xf32>
        %get3A_340 = arith.index_cast %add3A_136 : i32 to index
        %get3A_341 = arith.constant 816 : index
        %get3A_342 = tpu.vector_load %arg5[%get3A_340, %get3A_341] {strides = array<i32>} : memref<32x1000xf32, #tpu.memory_space<vmem>>, vector<16xf32>,
        %max3A_343 = arith.maximumf %max3A_327, %get3A_342 : vector<16xf32>
        %get3A_344 = arith.index_cast %add3A_136 : i32 to index
        %get3A_345 = arith.constant 832 : index
        %get3A_346 = tpu.vector_load %arg5[%get3A_344, %get3A_345] {strides = array<i32>} : memref<32x1000xf32, #tpu.memory_space<vmem>>, vector<16xf32>,
        %max3A_347 = arith.maximumf %max3A_331, %get3A_346 : vector<16xf32>
        %get3A_348 = arith.index_cast %add3A_136 : i32 to index
        %get3A_349 = arith.constant 848 : index
        %get3A_350 = tpu.vector_load %arg5[%get3A_348, %get3A_349] {strides = array<i32>} : memref<32x1000xf32, #tpu.memory_space<vmem>>, vector<16xf32>,
        %max3A_351 = arith.maximumf %max3A_335, %get3A_350 : vector<16xf32>
        %get3A_352 = arith.index_cast %add3A_136 : i32 to index
        %get3A_353 = arith.constant 864 : index
        %get3A_354 = tpu.vector_load %arg5[%get3A_352, %get3A_353] {strides = array<i32>} : memref<32x1000xf32, #tpu.memory_space<vmem>>, vector<16xf32>,
        %max3A_355 = arith.maximumf %max3A_339, %get3A_354 : vector<16xf32>
        %get3A_356 = arith.index_cast %add3A_136 : i32 to index
        %get3A_357 = arith.constant 880 : index
        %get3A_358 = tpu.vector_load %arg5[%get3A_356, %get3A_357] {strides = array<i32>} : memref<32x1000xf32, #tpu.memory_space<vmem>>, vector<16xf32>,
        %max3A_359 = arith.maximumf %max3A_343, %get3A_358 : vector<16xf32>
        %get3A_360 = arith.index_cast %add3A_136 : i32 to index
        %get3A_361 = arith.constant 896 : index
        %get3A_362 = tpu.vector_load %arg5[%get3A_360, %get3A_361] {strides = array<i32>} : memref<32x1000xf32, #tpu.memory_space<vmem>>, vector<16xf32>,
        %max3A_363 = arith.maximumf %max3A_347, %get3A_362 : vector<16xf32>
        %get3A_364 = arith.index_cast %add3A_136 : i32 to index
        %get3A_365 = arith.constant 912 : index
        %get3A_366 = tpu.vector_load %arg5[%get3A_364, %get3A_365] {strides = array<i32>} : memref<32x1000xf32, #tpu.memory_space<vmem>>, vector<16xf32>,
        %max3A_367 = arith.maximumf %max3A_351, %get3A_366 : vector<16xf32>
        %get3A_368 = arith.index_cast %add3A_136 : i32 to index
        %get3A_369 = arith.constant 928 : index
        %get3A_370 = tpu.vector_load %arg5[%get3A_368, %get3A_369] {strides = array<i32>} : memref<32x1000xf32, #tpu.memory_space<vmem>>, vector<16xf32>,
        %max3A_371 = arith.maximumf %max3A_355, %get3A_370 : vector<16xf32>
        %get3A_372 = arith.index_cast %add3A_136 : i32 to index
        %get3A_373 = arith.constant 944 : index
        %get3A_374 = tpu.vector_load %arg5[%get3A_372, %get3A_373] {strides = array<i32>} : memref<32x1000xf32, #tpu.memory_space<vmem>>, vector<16xf32>,
        %max3A_375 = arith.maximumf %max3A_359, %get3A_374 : vector<16xf32>
        %get3A_376 = arith.index_cast %add3A_136 : i32 to index
        %get3A_377 = arith.constant 960 : index
        %get3A_378 = tpu.vector_load %arg5[%get3A_376, %get3A_377] {strides = array<i32>} : memref<32x1000xf32, #tpu.memory_space<vmem>>, vector<16xf32>,
        %max3A_379 = arith.maximumf %max3A_363, %get3A_378 : vector<16xf32>
        %get3A_380 = arith.index_cast %add3A_136 : i32 to index
        %get3A_381 = arith.constant 976 : index
        %get3A_382 = tpu.vector_load %arg5[%get3A_380, %get3A_381] {strides = array<i32>} : memref<32x1000xf32, #tpu.memory_space<vmem>>, vector<16xf32>,
        %max3A_383 = arith.maximumf %max3A_367, %get3A_382 : vector<16xf32>
        %get3A_384 = arith.index_cast %add3A_136 : i32 to index
        %get3A_385 = arith.constant 984 : index
        %get3A_386 = tpu.vector_load %arg5[%get3A_384, %get3A_385] {strides = array<i32>} : memref<32x1000xf32, #tpu.memory_space<vmem>>, vector<16xf32>,
        %max3A_387 = arith.maximumf %max3A_371, %get3A_386 : vector<16xf32>
        %max3A_388 = arith.maximumf %max3A_379, %max3A_383 : vector<16xf32>
        %max3A_389 = arith.maximumf %max3A_387, %max3A_375 : vector<16xf32>
        %max3A_390 = arith.maximumf %max3A_388, %max3A_389 : vector<16xf32>
        %broadcast_in_dim3A_391 = arith.constant true
        %broadcast_in_dim3A_392 = vector.broadcast %broadcast_in_dim3A_391 : i1 to vector<16xi1>
        %masked_cummax3A = tpu.scan <max>, %max3A_390 masked %broadcast_in_dim3A_392 : vector<16xf32>, vector<16xi1> -> vector<16xf32>
        %mul3A_393 = arith.constant 4 : i32
        %mul3A_394 = arith.muli %scan3A_130, %mul3A_393 : i32
        %add3A_395 = arith.constant 0 : i32
        %add3A_396 = arith.addi %mul3A_394, %add3A_395 : i32
        %swap3A_397 = arith.index_cast %add3A_396 : i32 to index
        %swap3A_398 = arith.constant 0 : index
        %swap3A_399 = tpu.vector_load %arg9[%swap3A_397, %swap3A_398] {strides = array<i32>} : memref<16x16xf32, #tpu.memory_space<vmem>>, vector<16xf32>,
        tpu.vector_store %arg9[%swap3A_397, %swap3A_398], %masked_cummax3A {strides = array<i32>} : memref<16x16xf32, #tpu.memory_space<vmem>>, vector<16xf32>,
        %mul3A_400 = arith.constant 4 : i32
        %mul3A_401 = arith.muli %scan3A_130, %mul3A_400 : i32
        %add3A_402 = arith.constant 0 : i32
        %add3A_403 = arith.addi %add3A_402, %mul3A_401 : i32
        %add3A_404 = arith.constant 1 : i32
        %add3A_405 = arith.addi %add3A_403, %add3A_404 : i32
        %get3A_406 = arith.index_cast %add3A_405 : i32 to index
        %get3A_407 = arith.constant 0 : index
        %get3A_408 = tpu.vector_load %arg5[%get3A_406, %get3A_407] {strides = array<i32>} : memref<32x1000xf32, #tpu.memory_space<vmem>>, vector<16xf32>,
        %max3A_409 = arith.maximumf %broadcast_in_dim3A_3, %get3A_408 : vector<16xf32>
        %get3A_410 = arith.index_cast %add3A_405 : i32 to index
        %get3A_411 = arith.constant 16 : index
        %get3A_412 = tpu.vector_load %arg5[%get3A_410, %get3A_411] {strides = array<i32>} : memref<32x1000xf32, #tpu.memory_space<vmem>>, vector<16xf32>,
        %max3A_413 = arith.maximumf %broadcast_in_dim3A_3, %get3A_412 : vector<16xf32>
        %get3A_414 = arith.index_cast %add3A_405 : i32 to index
        %get3A_415 = arith.constant 32 : index
        %get3A_416 = tpu.vector_load %arg5[%get3A_414, %get3A_415] {strides = array<i32>} : memref<32x1000xf32, #tpu.memory_space<vmem>>, vector<16xf32>,
        %max3A_417 = arith.maximumf %broadcast_in_dim3A_3, %get3A_416 : vector<16xf32>
        %get3A_418 = arith.index_cast %add3A_405 : i32 to index
        %get3A_419 = arith.constant 48 : index
        %get3A_420 = tpu.vector_load %arg5[%get3A_418, %get3A_419] {strides = array<i32>} : memref<32x1000xf32, #tpu.memory_space<vmem>>, vector<16xf32>,
        %max3A_421 = arith.maximumf %broadcast_in_dim3A_3, %get3A_420 : vector<16xf32>
        %get3A_422 = arith.index_cast %add3A_405 : i32 to index
        %get3A_423 = arith.constant 64 : index
        %get3A_424 = tpu.vector_load %arg5[%get3A_422, %get3A_423] {strides = array<i32>} : memref<32x1000xf32, #tpu.memory_space<vmem>>, vector<16xf32>,
        %max3A_425 = arith.maximumf %max3A_409, %get3A_424 : vector<16xf32>
        %get3A_426 = arith.index_cast %add3A_405 : i32 to index
        %get3A_427 = arith.constant 80 : index
        %get3A_428 = tpu.vector_load %arg5[%get3A_426, %get3A_427] {strides = array<i32>} : memref<32x1000xf32, #tpu.memory_space<vmem>>, vector<16xf32>,
        %max3A_429 = arith.maximumf %max3A_413, %get3A_428 : vector<16xf32>
        %get3A_430 = arith.index_cast %add3A_405 : i32 to index
        %get3A_431 = arith.constant 96 : index
        %get3A_432 = tpu.vector_load %arg5[%get3A_430, %get3A_431] {strides = array<i32>} : memref<32x1000xf32, #tpu.memory_space<vmem>>, vector<16xf32>,
        %max3A_433 = arith.maximumf %max3A_417, %get3A_432 : vector<16xf32>
        %get3A_434 = arith.index_cast %add3A_405 : i32 to index
        %get3A_435 = arith.constant 112 : index
        %get3A_436 = tpu.vector_load %arg5[%get3A_434, %get3A_435] {strides = array<i32>} : memref<32x1000xf32, #tpu.memory_space<vmem>>, vector<16xf32>,
        %max3A_437 = arith.maximumf %max3A_421, %get3A_436 : vector<16xf32>
        %get3A_438 = arith.index_cast %add3A_405 : i32 to index
        %get3A_439 = arith.constant 128 : index
        %get3A_440 = tpu.vector_load %arg5[%get3A_438, %get3A_439] {strides = array<i32>} : memref<32x1000xf32, #tpu.memory_space<vmem>>, vector<16xf32>,
        %max3A_441 = arith.maximumf %max3A_425, %get3A_440 : vector<16xf32>
        %get3A_442 = arith.index_cast %add3A_405 : i32 to index
        %get3A_443 = arith.constant 144 : index
        %get3A_444 = tpu.vector_load %arg5[%get3A_442, %get3A_443] {strides = array<i32>} : memref<32x1000xf32, #tpu.memory_space<vmem>>, vector<16xf32>,
        %max3A_445 = arith.maximumf %max3A_429, %get3A_444 : vector<16xf32>
        %get3A_446 = arith.index_cast %add3A_405 : i32 to index
        %get3A_447 = arith.constant 160 : index
        %get3A_448 = tpu.vector_load %arg5[%get3A_446, %get3A_447] {strides = array<i32>} : memref<32x1000xf32, #tpu.memory_space<vmem>>, vector<16xf32>,
        %max3A_449 = arith.maximumf %max3A_433, %get3A_448 : vector<16xf32>
        %get3A_450 = arith.index_cast %add3A_405 : i32 to index
        %get3A_451 = arith.constant 176 : index
        %get3A_452 = tpu.vector_load %arg5[%get3A_450, %get3A_451] {strides = array<i32>} : memref<32x1000xf32, #tpu.memory_space<vmem>>, vector<16xf32>,
        %max3A_453 = arith.maximumf %max3A_437, %get3A_452 : vector<16xf32>
        %get3A_454 = arith.index_cast %add3A_405 : i32 to index
        %get3A_455 = arith.constant 192 : index
        %get3A_456 = tpu.vector_load %arg5[%get3A_454, %get3A_455] {strides = array<i32>} : memref<32x1000xf32, #tpu.memory_space<vmem>>, vector<16xf32>,
        %max3A_457 = arith.maximumf %max3A_441, %get3A_456 : vector<16xf32>
        %get3A_458 = arith.index_cast %add3A_405 : i32 to index
        %get3A_459 = arith.constant 208 : index
        %get3A_460 = tpu.vector_load %arg5[%get3A_458, %get3A_459] {strides = array<i32>} : memref<32x1000xf32, #tpu.memory_space<vmem>>, vector<16xf32>,
        %max3A_461 = arith.maximumf %max3A_445, %get3A_460 : vector<16xf32>
        %get3A_462 = arith.index_cast %add3A_405 : i32 to index
        %get3A_463 = arith.constant 224 : index
        %get3A_464 = tpu.vector_load %arg5[%get3A_462, %get3A_463] {strides = array<i32>} : memref<32x1000xf32, #tpu.memory_space<vmem>>, vector<16xf32>,
        %max3A_465 = arith.maximumf %max3A_449, %get3A_464 : vector<16xf32>
        %get3A_466 = arith.index_cast %add3A_405 : i32 to index
        %get3A_467 = arith.constant 240 : index
        %get3A_468 = tpu.vector_load %arg5[%get3A_466, %get3A_467] {strides = array<i32>} : memref<32x1000xf32, #tpu.memory_space<vmem>>, vector<16xf32>,
        %max3A_469 = arith.maximumf %max3A_453, %get3A_468 : vector<16xf32>
        %get3A_470 = arith.index_cast %add3A_405 : i32 to index
        %get3A_471 = arith.constant 256 : index
        %get3A_472 = tpu.vector_load %arg5[%get3A_470, %get3A_471] {strides = array<i32>} : memref<32x1000xf32, #tpu.memory_space<vmem>>, vector<16xf32>,
        %max3A_473 = arith.maximumf %max3A_457, %get3A_472 : vector<16xf32>
        %get3A_474 = arith.index_cast %add3A_405 : i32 to index
        %get3A_475 = arith.constant 272 : index
        %get3A_476 = tpu.vector_load %arg5[%get3A_474, %get3A_475] {strides = array<i32>} : memref<32x1000xf32, #tpu.memory_space<vmem>>, vector<16xf32>,
        %max3A_477 = arith.maximumf %max3A_461, %get3A_476 : vector<16xf32>
        %get3A_478 = arith.index_cast %add3A_405 : i32 to index
        %get3A_479 = arith.constant 288 : index
        %get3A_480 = tpu.vector_load %arg5[%get3A_478, %get3A_479] {strides = array<i32>} : memref<32x1000xf32, #tpu.memory_space<vmem>>, vector<16xf32>,
        %max3A_481 = arith.maximumf %max3A_465, %get3A_480 : vector<16xf32>
        %get3A_482 = arith.index_cast %add3A_405 : i32 to index
        %get3A_483 = arith.constant 304 : index
        %get3A_484 = tpu.vector_load %arg5[%get3A_482, %get3A_483] {strides = array<i32>} : memref<32x1000xf32, #tpu.memory_space<vmem>>, vector<16xf32>,
        %max3A_485 = arith.maximumf %max3A_469, %get3A_484 : vector<16xf32>
        %get3A_486 = arith.index_cast %add3A_405 : i32 to index
        %get3A_487 = arith.constant 320 : index
        %get3A_488 = tpu.vector_load %arg5[%get3A_486, %get3A_487] {strides = array<i32>} : memref<32x1000xf32, #tpu.memory_space<vmem>>, vector<16xf32>,
        %max3A_489 = arith.maximumf %max3A_473, %get3A_488 : vector<16xf32>
        %get3A_490 = arith.index_cast %add3A_405 : i32 to index
        %get3A_491 = arith.constant 336 : index
        %get3A_492 = tpu.vector_load %arg5[%get3A_490, %get3A_491] {strides = array<i32>} : memref<32x1000xf32, #tpu.memory_space<vmem>>, vector<16xf32>,
        %max3A_493 = arith.maximumf %max3A_477, %get3A_492 : vector<16xf32>
        %get3A_494 = arith.index_cast %add3A_405 : i32 to index
        %get3A_495 = arith.constant 352 : index
        %get3A_496 = tpu.vector_load %arg5[%get3A_494, %get3A_495] {strides = array<i32>} : memref<32x1000xf32, #tpu.memory_space<vmem>>, vector<16xf32>,
        %max3A_497 = arith.maximumf %max3A_481, %get3A_496 : vector<16xf32>
        %get3A_498 = arith.index_cast %add3A_405 : i32 to index
        %get3A_499 = arith.constant 368 : index
        %get3A_500 = tpu.vector_load %arg5[%get3A_498, %get3A_499] {strides = array<i32>} : memref<32x1000xf32, #tpu.memory_space<vmem>>, vector<16xf32>,
        %max3A_501 = arith.maximumf %max3A_485, %get3A_500 : vector<16xf32>
        %get3A_502 = arith.index_cast %add3A_405 : i32 to index
        %get3A_503 = arith.constant 384 : index
        %get3A_504 = tpu.vector_load %arg5[%get3A_502, %get3A_503] {strides = array<i32>} : memref<32x1000xf32, #tpu.memory_space<vmem>>, vector<16xf32>,
        %max3A_505 = arith.maximumf %max3A_489, %get3A_504 : vector<16xf32>
        %get3A_506 = arith.index_cast %add3A_405 : i32 to index
        %get3A_507 = arith.constant 400 : index
        %get3A_508 = tpu.vector_load %arg5[%get3A_506, %get3A_507] {strides = array<i32>} : memref<32x1000xf32, #tpu.memory_space<vmem>>, vector<16xf32>,
        %max3A_509 = arith.maximumf %max3A_493, %get3A_508 : vector<16xf32>
        %get3A_510 = arith.index_cast %add3A_405 : i32 to index
        %get3A_511 = arith.constant 416 : index
        %get3A_512 = tpu.vector_load %arg5[%get3A_510, %get3A_511] {strides = array<i32>} : memref<32x1000xf32, #tpu.memory_space<vmem>>, vector<16xf32>,
        %max3A_513 = arith.maximumf %max3A_497, %get3A_512 : vector<16xf32>
        %get3A_514 = arith.index_cast %add3A_405 : i32 to index
        %get3A_515 = arith.constant 432 : index
        %get3A_516 = tpu.vector_load %arg5[%get3A_514, %get3A_515] {strides = array<i32>} : memref<32x1000xf32, #tpu.memory_space<vmem>>, vector<16xf32>,
        %max3A_517 = arith.maximumf %max3A_501, %get3A_516 : vector<16xf32>
        %get3A_518 = arith.index_cast %add3A_405 : i32 to index
        %get3A_519 = arith.constant 448 : index
        %get3A_520 = tpu.vector_load %arg5[%get3A_518, %get3A_519] {strides = array<i32>} : memref<32x1000xf32, #tpu.memory_space<vmem>>, vector<16xf32>,
        %max3A_521 = arith.maximumf %max3A_505, %get3A_520 : vector<16xf32>
        %get3A_522 = arith.index_cast %add3A_405 : i32 to index
        %get3A_523 = arith.constant 464 : index
        %get3A_524 = tpu.vector_load %arg5[%get3A_522, %get3A_523] {strides = array<i32>} : memref<32x1000xf32, #tpu.memory_space<vmem>>, vector<16xf32>,
        %max3A_525 = arith.maximumf %max3A_509, %get3A_524 : vector<16xf32>
        %get3A_526 = arith.index_cast %add3A_405 : i32 to index
        %get3A_527 = arith.constant 480 : index
        %get3A_528 = tpu.vector_load %arg5[%get3A_526, %get3A_527] {strides = array<i32>} : memref<32x1000xf32, #tpu.memory_space<vmem>>, vector<16xf32>,
        %max3A_529 = arith.maximumf %max3A_513, %get3A_528 : vector<16xf32>
        %get3A_530 = arith.index_cast %add3A_405 : i32 to index
        %get3A_531 = arith.constant 496 : index
        %get3A_532 = tpu.vector_load %arg5[%get3A_530, %get3A_531] {strides = array<i32>} : memref<32x1000xf32, #tpu.memory_space<vmem>>, vector<16xf32>,
        %max3A_533 = arith.maximumf %max3A_517, %get3A_532 : vector<16xf32>
        %get3A_534 = arith.index_cast %add3A_405 : i32 to index
        %get3A_535 = arith.constant 512 : index
        %get3A_536 = tpu.vector_load %arg5[%get3A_534, %get3A_535] {strides = array<i32>} : memref<32x1000xf32, #tpu.memory_space<vmem>>, vector<16xf32>,
        %max3A_537 = arith.maximumf %max3A_521, %get3A_536 : vector<16xf32>
        %get3A_538 = arith.index_cast %add3A_405 : i32 to index
        %get3A_539 = arith.constant 528 : index
        %get3A_540 = tpu.vector_load %arg5[%get3A_538, %get3A_539] {strides = array<i32>} : memref<32x1000xf32, #tpu.memory_space<vmem>>, vector<16xf32>,
        %max3A_541 = arith.maximumf %max3A_525, %get3A_540 : vector<16xf32>
        %get3A_542 = arith.index_cast %add3A_405 : i32 to index
        %get3A_543 = arith.constant 544 : index
        %get3A_544 = tpu.vector_load %arg5[%get3A_542, %get3A_543] {strides = array<i32>} : memref<32x1000xf32, #tpu.memory_space<vmem>>, vector<16xf32>,
        %max3A_545 = arith.maximumf %max3A_529, %get3A_544 : vector<16xf32>
        %get3A_546 = arith.index_cast %add3A_405 : i32 to index
        %get3A_547 = arith.constant 560 : index
        %get3A_548 = tpu.vector_load %arg5[%get3A_546, %get3A_547] {strides = array<i32>} : memref<32x1000xf32, #tpu.memory_space<vmem>>, vector<16xf32>,
        %max3A_549 = arith.maximumf %max3A_533, %get3A_548 : vector<16xf32>
        %get3A_550 = arith.index_cast %add3A_405 : i32 to index
        %get3A_551 = arith.constant 576 : index
        %get3A_552 = tpu.vector_load %arg5[%get3A_550, %get3A_551] {strides = array<i32>} : memref<32x1000xf32, #tpu.memory_space<vmem>>, vector<16xf32>,
        %max3A_553 = arith.maximumf %max3A_537, %get3A_552 : vector<16xf32>
        %get3A_554 = arith.index_cast %add3A_405 : i32 to index
        %get3A_555 = arith.constant 592 : index
        %get3A_556 = tpu.vector_load %arg5[%get3A_554, %get3A_555] {strides = array<i32>} : memref<32x1000xf32, #tpu.memory_space<vmem>>, vector<16xf32>,
        %max3A_557 = arith.maximumf %max3A_541, %get3A_556 : vector<16xf32>
        %get3A_558 = arith.index_cast %add3A_405 : i32 to index
        %get3A_559 = arith.constant 608 : index
        %get3A_560 = tpu.vector_load %arg5[%get3A_558, %get3A_559] {strides = array<i32>} : memref<32x1000xf32, #tpu.memory_space<vmem>>, vector<16xf32>,
        %max3A_561 = arith.maximumf %max3A_545, %get3A_560 : vector<16xf32>
        %get3A_562 = arith.index_cast %add3A_405 : i32 to index
        %get3A_563 = arith.constant 624 : index
        %get3A_564 = tpu.vector_load %arg5[%get3A_562, %get3A_563] {strides = array<i32>} : memref<32x1000xf32, #tpu.memory_space<vmem>>, vector<16xf32>,
        %max3A_565 = arith.maximumf %max3A_549, %get3A_564 : vector<16xf32>
        %get3A_566 = arith.index_cast %add3A_405 : i32 to index
        %get3A_567 = arith.constant 640 : index
        %get3A_568 = tpu.vector_load %arg5[%get3A_566, %get3A_567] {strides = array<i32>} : memref<32x1000xf32, #tpu.memory_space<vmem>>, vector<16xf32>,
        %max3A_569 = arith.maximumf %max3A_553, %get3A_568 : vector<16xf32>
        %get3A_570 = arith.index_cast %add3A_405 : i32 to index
        %get3A_571 = arith.constant 656 : index
        %get3A_572 = tpu.vector_load %arg5[%get3A_570, %get3A_571] {strides = array<i32>} : memref<32x1000xf32, #tpu.memory_space<vmem>>, vector<16xf32>,
        %max3A_573 = arith.maximumf %max3A_557, %get3A_572 : vector<16xf32>
        %get3A_574 = arith.index_cast %add3A_405 : i32 to index
        %get3A_575 = arith.constant 672 : index
        %get3A_576 = tpu.vector_load %arg5[%get3A_574, %get3A_575] {strides = array<i32>} : memref<32x1000xf32, #tpu.memory_space<vmem>>, vector<16xf32>,
        %max3A_577 = arith.maximumf %max3A_561, %get3A_576 : vector<16xf32>
        %get3A_578 = arith.index_cast %add3A_405 : i32 to index
        %get3A_579 = arith.constant 688 : index
        %get3A_580 = tpu.vector_load %arg5[%get3A_578, %get3A_579] {strides = array<i32>} : memref<32x1000xf32, #tpu.memory_space<vmem>>, vector<16xf32>,
        %max3A_581 = arith.maximumf %max3A_565, %get3A_580 : vector<16xf32>
        %get3A_582 = arith.index_cast %add3A_405 : i32 to index
        %get3A_583 = arith.constant 704 : index
        %get3A_584 = tpu.vector_load %arg5[%get3A_582, %get3A_583] {strides = array<i32>} : memref<32x1000xf32, #tpu.memory_space<vmem>>, vector<16xf32>,
        %max3A_585 = arith.maximumf %max3A_569, %get3A_584 : vector<16xf32>
        %get3A_586 = arith.index_cast %add3A_405 : i32 to index
        %get3A_587 = arith.constant 720 : index
        %get3A_588 = tpu.vector_load %arg5[%get3A_586, %get3A_587] {strides = array<i32>} : memref<32x1000xf32, #tpu.memory_space<vmem>>, vector<16xf32>,
        %max3A_589 = arith.maximumf %max3A_573, %get3A_588 : vector<16xf32>
        %get3A_590 = arith.index_cast %add3A_405 : i32 to index
        %get3A_591 = arith.constant 736 : index
        %get3A_592 = tpu.vector_load %arg5[%get3A_590, %get3A_591] {strides = array<i32>} : memref<32x1000xf32, #tpu.memory_space<vmem>>, vector<16xf32>,
        %max3A_593 = arith.maximumf %max3A_577, %get3A_592 : vector<16xf32>
        %get3A_594 = arith.index_cast %add3A_405 : i32 to index
        %get3A_595 = arith.constant 752 : index
        %get3A_596 = tpu.vector_load %arg5[%get3A_594, %get3A_595] {strides = array<i32>} : memref<32x1000xf32, #tpu.memory_space<vmem>>, vector<16xf32>,
        %max3A_597 = arith.maximumf %max3A_581, %get3A_596 : vector<16xf32>
        %get3A_598 = arith.index_cast %add3A_405 : i32 to index
        %get3A_599 = arith.constant 768 : index
        %get3A_600 = tpu.vector_load %arg5[%get3A_598, %get3A_599] {strides = array<i32>} : memref<32x1000xf32, #tpu.memory_space<vmem>>, vector<16xf32>,
        %max3A_601 = arith.maximumf %max3A_585, %get3A_600 : vector<16xf32>
        %get3A_602 = arith.index_cast %add3A_405 : i32 to index
        %get3A_603 = arith.constant 784 : index
        %get3A_604 = tpu.vector_load %arg5[%get3A_602, %get3A_603] {strides = array<i32>} : memref<32x1000xf32, #tpu.memory_space<vmem>>, vector<16xf32>,
        %max3A_605 = arith.maximumf %max3A_589, %get3A_604 : vector<16xf32>
        %get3A_606 = arith.index_cast %add3A_405 : i32 to index
        %get3A_607 = arith.constant 800 : index
        %get3A_608 = tpu.vector_load %arg5[%get3A_606, %get3A_607] {strides = array<i32>} : memref<32x1000xf32, #tpu.memory_space<vmem>>, vector<16xf32>,
        %max3A_609 = arith.maximumf %max3A_593, %get3A_608 : vector<16xf32>
        %get3A_610 = arith.index_cast %add3A_405 : i32 to index
        %get3A_611 = arith.constant 816 : index
        %get3A_612 = tpu.vector_load %arg5[%get3A_610, %get3A_611] {strides = array<i32>} : memref<32x1000xf32, #tpu.memory_space<vmem>>, vector<16xf32>,
        %max3A_613 = arith.maximumf %max3A_597, %get3A_612 : vector<16xf32>
        %get3A_614 = arith.index_cast %add3A_405 : i32 to index
        %get3A_615 = arith.constant 832 : index
        %get3A_616 = tpu.vector_load %arg5[%get3A_614, %get3A_615] {strides = array<i32>} : memref<32x1000xf32, #tpu.memory_space<vmem>>, vector<16xf32>,
        %max3A_617 = arith.maximumf %max3A_601, %get3A_616 : vector<16xf32>
        %get3A_618 = arith.index_cast %add3A_405 : i32 to index
        %get3A_619 = arith.constant 848 : index
        %get3A_620 = tpu.vector_load %arg5[%get3A_618, %get3A_619] {strides = array<i32>} : memref<32x1000xf32, #tpu.memory_space<vmem>>, vector<16xf32>,
        %max3A_621 = arith.maximumf %max3A_605, %get3A_620 : vector<16xf32>
        %get3A_622 = arith.index_cast %add3A_405 : i32 to index
        %get3A_623 = arith.constant 864 : index
        %get3A_624 = tpu.vector_load %arg5[%get3A_622, %get3A_623] {strides = array<i32>} : memref<32x1000xf32, #tpu.memory_space<vmem>>, vector<16xf32>,
        %max3A_625 = arith.maximumf %max3A_609, %get3A_624 : vector<16xf32>
        %get3A_626 = arith.index_cast %add3A_405 : i32 to index
        %get3A_627 = arith.constant 880 : index
        %get3A_628 = tpu.vector_load %arg5[%get3A_626, %get3A_627] {strides = array<i32>} : memref<32x1000xf32, #tpu.memory_space<vmem>>, vector<16xf32>,
        %max3A_629 = arith.maximumf %max3A_613, %get3A_628 : vector<16xf32>
        %get3A_630 = arith.index_cast %add3A_405 : i32 to index
        %get3A_631 = arith.constant 896 : index
        %get3A_632 = tpu.vector_load %arg5[%get3A_630, %get3A_631] {strides = array<i32>} : memref<32x1000xf32, #tpu.memory_space<vmem>>, vector<16xf32>,
        %max3A_633 = arith.maximumf %max3A_617, %get3A_632 : vector<16xf32>
        %get3A_634 = arith.index_cast %add3A_405 : i32 to index
        %get3A_635 = arith.constant 912 : index
        %get3A_636 = tpu.vector_load %arg5[%get3A_634, %get3A_635] {strides = array<i32>} : memref<32x1000xf32, #tpu.memory_space<vmem>>, vector<16xf32>,
        %max3A_637 = arith.maximumf %max3A_621, %get3A_636 : vector<16xf32>
        %get3A_638 = arith.index_cast %add3A_405 : i32 to index
        %get3A_639 = arith.constant 928 : index
        %get3A_640 = tpu.vector_load %arg5[%get3A_638, %get3A_639] {strides = array<i32>} : memref<32x1000xf32, #tpu.memory_space<vmem>>, vector<16xf32>,
        %max3A_641 = arith.maximumf %max3A_625, %get3A_640 : vector<16xf32>
        %get3A_642 = arith.index_cast %add3A_405 : i32 to index
        %get3A_643 = arith.constant 944 : index
        %get3A_644 = tpu.vector_load %arg5[%get3A_642, %get3A_643] {strides = array<i32>} : memref<32x1000xf32, #tpu.memory_space<vmem>>, vector<16xf32>,
        %max3A_645 = arith.maximumf %max3A_629, %get3A_644 : vector<16xf32>
        %get3A_646 = arith.index_cast %add3A_405 : i32 to index
        %get3A_647 = arith.constant 960 : index
        %get3A_648 = tpu.vector_load %arg5[%get3A_646, %get3A_647] {strides = array<i32>} : memref<32x1000xf32, #tpu.memory_space<vmem>>, vector<16xf32>,
        %max3A_649 = arith.maximumf %max3A_633, %get3A_648 : vector<16xf32>
        %get3A_650 = arith.index_cast %add3A_405 : i32 to index
        %get3A_651 = arith.constant 976 : index
        %get3A_652 = tpu.vector_load %arg5[%get3A_650, %get3A_651] {strides = array<i32>} : memref<32x1000xf32, #tpu.memory_space<vmem>>, vector<16xf32>,
        %max3A_653 = arith.maximumf %max3A_637, %get3A_652 : vector<16xf32>
        %get3A_654 = arith.index_cast %add3A_405 : i32 to index
        %get3A_655 = arith.constant 984 : index
        %get3A_656 = tpu.vector_load %arg5[%get3A_654, %get3A_655] {strides = array<i32>} : memref<32x1000xf32, #tpu.memory_space<vmem>>, vector<16xf32>,
        %max3A_657 = arith.maximumf %max3A_641, %get3A_656 : vector<16xf32>
        %max3A_658 = arith.maximumf %max3A_649, %max3A_653 : vector<16xf32>
        %max3A_659 = arith.maximumf %max3A_657, %max3A_645 : vector<16xf32>
        %max3A_660 = arith.maximumf %max3A_658, %max3A_659 : vector<16xf32>
        %broadcast_in_dim3A_661 = arith.constant true
        %broadcast_in_dim3A_662 = vector.broadcast %broadcast_in_dim3A_661 : i1 to vector<16xi1>
        %masked_cummax3A_663 = tpu.scan <max>, %max3A_660 masked %broadcast_in_dim3A_662 : vector<16xf32>, vector<16xi1> -> vector<16xf32>
        %mul3A_664 = arith.constant 4 : i32
        %mul3A_665 = arith.muli %scan3A_130, %mul3A_664 : i32
        %add3A_666 = arith.constant 1 : i32
        %add3A_667 = arith.addi %mul3A_665, %add3A_666 : i32
        %swap3A_668 = arith.index_cast %add3A_667 : i32 to index
        %swap3A_669 = arith.constant 0 : index
        %swap3A_670 = tpu.vector_load %arg9[%swap3A_668, %swap3A_669] {strides = array<i32>} : memref<16x16xf32, #tpu.memory_space<vmem>>, vector<16xf32>,
        tpu.vector_store %arg9[%swap3A_668, %swap3A_669], %masked_cummax3A_663 {strides = array<i32>} : memref<16x16xf32, #tpu.memory_space<vmem>>, vector<16xf32>,
        %mul3A_671 = arith.constant 4 : i32
        %mul3A_672 = arith.muli %scan3A_130, %mul3A_671 : i32
        %add3A_673 = arith.constant 0 : i32
        %add3A_674 = arith.addi %add3A_673, %mul3A_672 : i32
        %add3A_675 = arith.constant 2 : i32
        %add3A_676 = arith.addi %add3A_674, %add3A_675 : i32
        %get3A_677 = arith.index_cast %add3A_676 : i32 to index
        %get3A_678 = arith.constant 0 : index
        %get3A_679 = tpu.vector_load %arg5[%get3A_677, %get3A_678] {strides = array<i32>} : memref<32x1000xf32, #tpu.memory_space<vmem>>, vector<16xf32>,
        %max3A_680 = arith.maximumf %broadcast_in_dim3A_3, %get3A_679 : vector<16xf32>
        %get3A_681 = arith.index_cast %add3A_676 : i32 to index
        %get3A_682 = arith.constant 16 : index
        %get3A_683 = tpu.vector_load %arg5[%get3A_681, %get3A_682] {strides = array<i32>} : memref<32x1000xf32, #tpu.memory_space<vmem>>, vector<16xf32>,
        %max3A_684 = arith.maximumf %broadcast_in_dim3A_3, %get3A_683 : vector<16xf32>
        %get3A_685 = arith.index_cast %add3A_676 : i32 to index
        %get3A_686 = arith.constant 32 : index
        %get3A_687 = tpu.vector_load %arg5[%get3A_685, %get3A_686] {strides = array<i32>} : memref<32x1000xf32, #tpu.memory_space<vmem>>, vector<16xf32>,
        %max3A_688 = arith.maximumf %broadcast_in_dim3A_3, %get3A_687 : vector<16xf32>
        %get3A_689 = arith.index_cast %add3A_676 : i32 to index
        %get3A_690 = arith.constant 48 : index
        %get3A_691 = tpu.vector_load %arg5[%get3A_689, %get3A_690] {strides = array<i32>} : memref<32x1000xf32, #tpu.memory_space<vmem>>, vector<16xf32>,
        %max3A_692 = arith.maximumf %broadcast_in_dim3A_3, %get3A_691 : vector<16xf32>
        %get3A_693 = arith.index_cast %add3A_676 : i32 to index
        %get3A_694 = arith.constant 64 : index
        %get3A_695 = tpu.vector_load %arg5[%get3A_693, %get3A_694] {strides = array<i32>} : memref<32x1000xf32, #tpu.memory_space<vmem>>, vector<16xf32>,
        %max3A_696 = arith.maximumf %max3A_680, %get3A_695 : vector<16xf32>
        %get3A_697 = arith.index_cast %add3A_676 : i32 to index
        %get3A_698 = arith.constant 80 : index
        %get3A_699 = tpu.vector_load %arg5[%get3A_697, %get3A_698] {strides = array<i32>} : memref<32x1000xf32, #tpu.memory_space<vmem>>, vector<16xf32>,
        %max3A_700 = arith.maximumf %max3A_684, %get3A_699 : vector<16xf32>
        %get3A_701 = arith.index_cast %add3A_676 : i32 to index
        %get3A_702 = arith.constant 96 : index
        %get3A_703 = tpu.vector_load %arg5[%get3A_701, %get3A_702] {strides = array<i32>} : memref<32x1000xf32, #tpu.memory_space<vmem>>, vector<16xf32>,
        %max3A_704 = arith.maximumf %max3A_688, %get3A_703 : vector<16xf32>
        %get3A_705 = arith.index_cast %add3A_676 : i32 to index
        %get3A_706 = arith.constant 112 : index
        %get3A_707 = tpu.vector_load %arg5[%get3A_705, %get3A_706] {strides = array<i32>} : memref<32x1000xf32, #tpu.memory_space<vmem>>, vector<16xf32>,
        %max3A_708 = arith.maximumf %max3A_692, %get3A_707 : vector<16xf32>
        %get3A_709 = arith.index_cast %add3A_676 : i32 to index
        %get3A_710 = arith.constant 128 : index
        %get3A_711 = tpu.vector_load %arg5[%get3A_709, %get3A_710] {strides = array<i32>} : memref<32x1000xf32, #tpu.memory_space<vmem>>, vector<16xf32>,
        %max3A_712 = arith.maximumf %max3A_696, %get3A_711 : vector<16xf32>
        %get3A_713 = arith.index_cast %add3A_676 : i32 to index
        %get3A_714 = arith.constant 144 : index
        %get3A_715 = tpu.vector_load %arg5[%get3A_713, %get3A_714] {strides = array<i32>} : memref<32x1000xf32, #tpu.memory_space<vmem>>, vector<16xf32>,
        %max3A_716 = arith.maximumf %max3A_700, %get3A_715 : vector<16xf32>
        %get3A_717 = arith.index_cast %add3A_676 : i32 to index
        %get3A_718 = arith.constant 160 : index
        %get3A_719 = tpu.vector_load %arg5[%get3A_717, %get3A_718] {strides = array<i32>} : memref<32x1000xf32, #tpu.memory_space<vmem>>, vector<16xf32>,
        %max3A_720 = arith.maximumf %max3A_704, %get3A_719 : vector<16xf32>
        %get3A_721 = arith.index_cast %add3A_676 : i32 to index
        %get3A_722 = arith.constant 176 : index
        %get3A_723 = tpu.vector_load %arg5[%get3A_721, %get3A_722] {strides = array<i32>} : memref<32x1000xf32, #tpu.memory_space<vmem>>, vector<16xf32>,
        %max3A_724 = arith.maximumf %max3A_708, %get3A_723 : vector<16xf32>
        %get3A_725 = arith.index_cast %add3A_676 : i32 to index
        %get3A_726 = arith.constant 192 : index
        %get3A_727 = tpu.vector_load %arg5[%get3A_725, %get3A_726] {strides = array<i32>} : memref<32x1000xf32, #tpu.memory_space<vmem>>, vector<16xf32>,
        %max3A_728 = arith.maximumf %max3A_712, %get3A_727 : vector<16xf32>
        %get3A_729 = arith.index_cast %add3A_676 : i32 to index
        %get3A_730 = arith.constant 208 : index
        %get3A_731 = tpu.vector_load %arg5[%get3A_729, %get3A_730] {strides = array<i32>} : memref<32x1000xf32, #tpu.memory_space<vmem>>, vector<16xf32>,
        %max3A_732 = arith.maximumf %max3A_716, %get3A_731 : vector<16xf32>
        %get3A_733 = arith.index_cast %add3A_676 : i32 to index
        %get3A_734 = arith.constant 224 : index
        %get3A_735 = tpu.vector_load %arg5[%get3A_733, %get3A_734] {strides = array<i32>} : memref<32x1000xf32, #tpu.memory_space<vmem>>, vector<16xf32>,
        %max3A_736 = arith.maximumf %max3A_720, %get3A_735 : vector<16xf32>
        %get3A_737 = arith.index_cast %add3A_676 : i32 to index
        %get3A_738 = arith.constant 240 : index
        %get3A_739 = tpu.vector_load %arg5[%get3A_737, %get3A_738] {strides = array<i32>} : memref<32x1000xf32, #tpu.memory_space<vmem>>, vector<16xf32>,
        %max3A_740 = arith.maximumf %max3A_724, %get3A_739 : vector<16xf32>
        %get3A_741 = arith.index_cast %add3A_676 : i32 to index
        %get3A_742 = arith.constant 256 : index
        %get3A_743 = tpu.vector_load %arg5[%get3A_741, %get3A_742] {strides = array<i32>} : memref<32x1000xf32, #tpu.memory_space<vmem>>, vector<16xf32>,
        %max3A_744 = arith.maximumf %max3A_728, %get3A_743 : vector<16xf32>
        %get3A_745 = arith.index_cast %add3A_676 : i32 to index
        %get3A_746 = arith.constant 272 : index
        %get3A_747 = tpu.vector_load %arg5[%get3A_745, %get3A_746] {strides = array<i32>} : memref<32x1000xf32, #tpu.memory_space<vmem>>, vector<16xf32>,
        %max3A_748 = arith.maximumf %max3A_732, %get3A_747 : vector<16xf32>
        %get3A_749 = arith.index_cast %add3A_676 : i32 to index
        %get3A_750 = arith.constant 288 : index
        %get3A_751 = tpu.vector_load %arg5[%get3A_749, %get3A_750] {strides = array<i32>} : memref<32x1000xf32, #tpu.memory_space<vmem>>, vector<16xf32>,
        %max3A_752 = arith.maximumf %max3A_736, %get3A_751 : vector<16xf32>
        %get3A_753 = arith.index_cast %add3A_676 : i32 to index
        %get3A_754 = arith.constant 304 : index
        %get3A_755 = tpu.vector_load %arg5[%get3A_753, %get3A_754] {strides = array<i32>} : memref<32x1000xf32, #tpu.memory_space<vmem>>, vector<16xf32>,
        %max3A_756 = arith.maximumf %max3A_740, %get3A_755 : vector<16xf32>
        %get3A_757 = arith.index_cast %add3A_676 : i32 to index
        %get3A_758 = arith.constant 320 : index
        %get3A_759 = tpu.vector_load %arg5[%get3A_757, %get3A_758] {strides = array<i32>} : memref<32x1000xf32, #tpu.memory_space<vmem>>, vector<16xf32>,
        %max3A_760 = arith.maximumf %max3A_744, %get3A_759 : vector<16xf32>
        %get3A_761 = arith.index_cast %add3A_676 : i32 to index
        %get3A_762 = arith.constant 336 : index
        %get3A_763 = tpu.vector_load %arg5[%get3A_761, %get3A_762] {strides = array<i32>} : memref<32x1000xf32, #tpu.memory_space<vmem>>, vector<16xf32>,
        %max3A_764 = arith.maximumf %max3A_748, %get3A_763 : vector<16xf32>
        %get3A_765 = arith.index_cast %add3A_676 : i32 to index
        %get3A_766 = arith.constant 352 : index
        %get3A_767 = tpu.vector_load %arg5[%get3A_765, %get3A_766] {strides = array<i32>} : memref<32x1000xf32, #tpu.memory_space<vmem>>, vector<16xf32>,
        %max3A_768 = arith.maximumf %max3A_752, %get3A_767 : vector<16xf32>
        %get3A_769 = arith.index_cast %add3A_676 : i32 to index
        %get3A_770 = arith.constant 368 : index
        %get3A_771 = tpu.vector_load %arg5[%get3A_769, %get3A_770] {strides = array<i32>} : memref<32x1000xf32, #tpu.memory_space<vmem>>, vector<16xf32>,
        %max3A_772 = arith.maximumf %max3A_756, %get3A_771 : vector<16xf32>
        %get3A_773 = arith.index_cast %add3A_676 : i32 to index
        %get3A_774 = arith.constant 384 : index
        %get3A_775 = tpu.vector_load %arg5[%get3A_773, %get3A_774] {strides = array<i32>} : memref<32x1000xf32, #tpu.memory_space<vmem>>, vector<16xf32>,
        %max3A_776 = arith.maximumf %max3A_760, %get3A_775 : vector<16xf32>
        %get3A_777 = arith.index_cast %add3A_676 : i32 to index
        %get3A_778 = arith.constant 400 : index
        %get3A_779 = tpu.vector_load %arg5[%get3A_777, %get3A_778] {strides = array<i32>} : memref<32x1000xf32, #tpu.memory_space<vmem>>, vector<16xf32>,
        %max3A_780 = arith.maximumf %max3A_764, %get3A_779 : vector<16xf32>
        %get3A_781 = arith.index_cast %add3A_676 : i32 to index
        %get3A_782 = arith.constant 416 : index
        %get3A_783 = tpu.vector_load %arg5[%get3A_781, %get3A_782] {strides = array<i32>} : memref<32x1000xf32, #tpu.memory_space<vmem>>, vector<16xf32>,
        %max3A_784 = arith.maximumf %max3A_768, %get3A_783 : vector<16xf32>
        %get3A_785 = arith.index_cast %add3A_676 : i32 to index
        %get3A_786 = arith.constant 432 : index
        %get3A_787 = tpu.vector_load %arg5[%get3A_785, %get3A_786] {strides = array<i32>} : memref<32x1000xf32, #tpu.memory_space<vmem>>, vector<16xf32>,
        %max3A_788 = arith.maximumf %max3A_772, %get3A_787 : vector<16xf32>
        %get3A_789 = arith.index_cast %add3A_676 : i32 to index
        %get3A_790 = arith.constant 448 : index
        %get3A_791 = tpu.vector_load %arg5[%get3A_789, %get3A_790] {strides = array<i32>} : memref<32x1000xf32, #tpu.memory_space<vmem>>, vector<16xf32>,
        %max3A_792 = arith.maximumf %max3A_776, %get3A_791 : vector<16xf32>
        %get3A_793 = arith.index_cast %add3A_676 : i32 to index
        %get3A_794 = arith.constant 464 : index
        %get3A_795 = tpu.vector_load %arg5[%get3A_793, %get3A_794] {strides = array<i32>} : memref<32x1000xf32, #tpu.memory_space<vmem>>, vector<16xf32>,
        %max3A_796 = arith.maximumf %max3A_780, %get3A_795 : vector<16xf32>
        %get3A_797 = arith.index_cast %add3A_676 : i32 to index
        %get3A_798 = arith.constant 480 : index
        %get3A_799 = tpu.vector_load %arg5[%get3A_797, %get3A_798] {strides = array<i32>} : memref<32x1000xf32, #tpu.memory_space<vmem>>, vector<16xf32>,
        %max3A_800 = arith.maximumf %max3A_784, %get3A_799 : vector<16xf32>
        %get3A_801 = arith.index_cast %add3A_676 : i32 to index
        %get3A_802 = arith.constant 496 : index
        %get3A_803 = tpu.vector_load %arg5[%get3A_801, %get3A_802] {strides = array<i32>} : memref<32x1000xf32, #tpu.memory_space<vmem>>, vector<16xf32>,
        %max3A_804 = arith.maximumf %max3A_788, %get3A_803 : vector<16xf32>
        %get3A_805 = arith.index_cast %add3A_676 : i32 to index
        %get3A_806 = arith.constant 512 : index
        %get3A_807 = tpu.vector_load %arg5[%get3A_805, %get3A_806] {strides = array<i32>} : memref<32x1000xf32, #tpu.memory_space<vmem>>, vector<16xf32>,
        %max3A_808 = arith.maximumf %max3A_792, %get3A_807 : vector<16xf32>
        %get3A_809 = arith.index_cast %add3A_676 : i32 to index
        %get3A_810 = arith.constant 528 : index
        %get3A_811 = tpu.vector_load %arg5[%get3A_809, %get3A_810] {strides = array<i32>} : memref<32x1000xf32, #tpu.memory_space<vmem>>, vector<16xf32>,
        %max3A_812 = arith.maximumf %max3A_796, %get3A_811 : vector<16xf32>
        %get3A_813 = arith.index_cast %add3A_676 : i32 to index
        %get3A_814 = arith.constant 544 : index
        %get3A_815 = tpu.vector_load %arg5[%get3A_813, %get3A_814] {strides = array<i32>} : memref<32x1000xf32, #tpu.memory_space<vmem>>, vector<16xf32>,
        %max3A_816 = arith.maximumf %max3A_800, %get3A_815 : vector<16xf32>
        %get3A_817 = arith.index_cast %add3A_676 : i32 to index
        %get3A_818 = arith.constant 560 : index
        %get3A_819 = tpu.vector_load %arg5[%get3A_817, %get3A_818] {strides = array<i32>} : memref<32x1000xf32, #tpu.memory_space<vmem>>, vector<16xf32>,
        %max3A_820 = arith.maximumf %max3A_804, %get3A_819 : vector<16xf32>
        %get3A_821 = arith.index_cast %add3A_676 : i32 to index
        %get3A_822 = arith.constant 576 : index
        %get3A_823 = tpu.vector_load %arg5[%get3A_821, %get3A_822] {strides = array<i32>} : memref<32x1000xf32, #tpu.memory_space<vmem>>, vector<16xf32>,
        %max3A_824 = arith.maximumf %max3A_808, %get3A_823 : vector<16xf32>
        %get3A_825 = arith.index_cast %add3A_676 : i32 to index
        %get3A_826 = arith.constant 592 : index
        %get3A_827 = tpu.vector_load %arg5[%get3A_825, %get3A_826] {strides = array<i32>} : memref<32x1000xf32, #tpu.memory_space<vmem>>, vector<16xf32>,
        %max3A_828 = arith.maximumf %max3A_812, %get3A_827 : vector<16xf32>
        %get3A_829 = arith.index_cast %add3A_676 : i32 to index
        %get3A_830 = arith.constant 608 : index
        %get3A_831 = tpu.vector_load %arg5[%get3A_829, %get3A_830] {strides = array<i32>} : memref<32x1000xf32, #tpu.memory_space<vmem>>, vector<16xf32>,
        %max3A_832 = arith.maximumf %max3A_816, %get3A_831 : vector<16xf32>
        %get3A_833 = arith.index_cast %add3A_676 : i32 to index
        %get3A_834 = arith.constant 624 : index
        %get3A_835 = tpu.vector_load %arg5[%get3A_833, %get3A_834] {strides = array<i32>} : memref<32x1000xf32, #tpu.memory_space<vmem>>, vector<16xf32>,
        %max3A_836 = arith.maximumf %max3A_820, %get3A_835 : vector<16xf32>
        %get3A_837 = arith.index_cast %add3A_676 : i32 to index
        %get3A_838 = arith.constant 640 : index
        %get3A_839 = tpu.vector_load %arg5[%get3A_837, %get3A_838] {strides = array<i32>} : memref<32x1000xf32, #tpu.memory_space<vmem>>, vector<16xf32>,
        %max3A_840 = arith.maximumf %max3A_824, %get3A_839 : vector<16xf32>
        %get3A_841 = arith.index_cast %add3A_676 : i32 to index
        %get3A_842 = arith.constant 656 : index
        %get3A_843 = tpu.vector_load %arg5[%get3A_841, %get3A_842] {strides = array<i32>} : memref<32x1000xf32, #tpu.memory_space<vmem>>, vector<16xf32>,
        %max3A_844 = arith.maximumf %max3A_828, %get3A_843 : vector<16xf32>
        %get3A_845 = arith.index_cast %add3A_676 : i32 to index
        %get3A_846 = arith.constant 672 : index
        %get3A_847 = tpu.vector_load %arg5[%get3A_845, %get3A_846] {strides = array<i32>} : memref<32x1000xf32, #tpu.memory_space<vmem>>, vector<16xf32>,
        %max3A_848 = arith.maximumf %max3A_832, %get3A_847 : vector<16xf32>
        %get3A_849 = arith.index_cast %add3A_676 : i32 to index
        %get3A_850 = arith.constant 688 : index
        %get3A_851 = tpu.vector_load %arg5[%get3A_849, %get3A_850] {strides = array<i32>} : memref<32x1000xf32, #tpu.memory_space<vmem>>, vector<16xf32>,
        %max3A_852 = arith.maximumf %max3A_836, %get3A_851 : vector<16xf32>
        %get3A_853 = arith.index_cast %add3A_676 : i32 to index
        %get3A_854 = arith.constant 704 : index
        %get3A_855 = tpu.vector_load %arg5[%get3A_853, %get3A_854] {strides = array<i32>} : memref<32x1000xf32, #tpu.memory_space<vmem>>, vector<16xf32>,
        %max3A_856 = arith.maximumf %max3A_840, %get3A_855 : vector<16xf32>
        %get3A_857 = arith.index_cast %add3A_676 : i32 to index
        %get3A_858 = arith.constant 720 : index
        %get3A_859 = tpu.vector_load %arg5[%get3A_857, %get3A_858] {strides = array<i32>} : memref<32x1000xf32, #tpu.memory_space<vmem>>, vector<16xf32>,
        %max3A_860 = arith.maximumf %max3A_844, %get3A_859 : vector<16xf32>
        %get3A_861 = arith.index_cast %add3A_676 : i32 to index
        %get3A_862 = arith.constant 736 : index
        %get3A_863 = tpu.vector_load %arg5[%get3A_861, %get3A_862] {strides = array<i32>} : memref<32x1000xf32, #tpu.memory_space<vmem>>, vector<16xf32>,
        %max3A_864 = arith.maximumf %max3A_848, %get3A_863 : vector<16xf32>
        %get3A_865 = arith.index_cast %add3A_676 : i32 to index
        %get3A_866 = arith.constant 752 : index
        %get3A_867 = tpu.vector_load %arg5[%get3A_865, %get3A_866] {strides = array<i32>} : memref<32x1000xf32, #tpu.memory_space<vmem>>, vector<16xf32>,
        %max3A_868 = arith.maximumf %max3A_852, %get3A_867 : vector<16xf32>
        %get3A_869 = arith.index_cast %add3A_676 : i32 to index
        %get3A_870 = arith.constant 768 : index
        %get3A_871 = tpu.vector_load %arg5[%get3A_869, %get3A_870] {strides = array<i32>} : memref<32x1000xf32, #tpu.memory_space<vmem>>, vector<16xf32>,
        %max3A_872 = arith.maximumf %max3A_856, %get3A_871 : vector<16xf32>
        %get3A_873 = arith.index_cast %add3A_676 : i32 to index
        %get3A_874 = arith.constant 784 : index
        %get3A_875 = tpu.vector_load %arg5[%get3A_873, %get3A_874] {strides = array<i32>} : memref<32x1000xf32, #tpu.memory_space<vmem>>, vector<16xf32>,
        %max3A_876 = arith.maximumf %max3A_860, %get3A_875 : vector<16xf32>
        %get3A_877 = arith.index_cast %add3A_676 : i32 to index
        %get3A_878 = arith.constant 800 : index
        %get3A_879 = tpu.vector_load %arg5[%get3A_877, %get3A_878] {strides = array<i32>} : memref<32x1000xf32, #tpu.memory_space<vmem>>, vector<16xf32>,
        %max3A_880 = arith.maximumf %max3A_864, %get3A_879 : vector<16xf32>
        %get3A_881 = arith.index_cast %add3A_676 : i32 to index
        %get3A_882 = arith.constant 816 : index
        %get3A_883 = tpu.vector_load %arg5[%get3A_881, %get3A_882] {strides = array<i32>} : memref<32x1000xf32, #tpu.memory_space<vmem>>, vector<16xf32>,
        %max3A_884 = arith.maximumf %max3A_868, %get3A_883 : vector<16xf32>
        %get3A_885 = arith.index_cast %add3A_676 : i32 to index
        %get3A_886 = arith.constant 832 : index
        %get3A_887 = tpu.vector_load %arg5[%get3A_885, %get3A_886] {strides = array<i32>} : memref<32x1000xf32, #tpu.memory_space<vmem>>, vector<16xf32>,
        %max3A_888 = arith.maximumf %max3A_872, %get3A_887 : vector<16xf32>
        %get3A_889 = arith.index_cast %add3A_676 : i32 to index
        %get3A_890 = arith.constant 848 : index
        %get3A_891 = tpu.vector_load %arg5[%get3A_889, %get3A_890] {strides = array<i32>} : memref<32x1000xf32, #tpu.memory_space<vmem>>, vector<16xf32>,
        %max3A_892 = arith.maximumf %max3A_876, %get3A_891 : vector<16xf32>
        %get3A_893 = arith.index_cast %add3A_676 : i32 to index
        %get3A_894 = arith.constant 864 : index
        %get3A_895 = tpu.vector_load %arg5[%get3A_893, %get3A_894] {strides = array<i32>} : memref<32x1000xf32, #tpu.memory_space<vmem>>, vector<16xf32>,
        %max3A_896 = arith.maximumf %max3A_880, %get3A_895 : vector<16xf32>
        %get3A_897 = arith.index_cast %add3A_676 : i32 to index
        %get3A_898 = arith.constant 880 : index
        %get3A_899 = tpu.vector_load %arg5[%get3A_897, %get3A_898] {strides = array<i32>} : memref<32x1000xf32, #tpu.memory_space<vmem>>, vector<16xf32>,
        %max3A_900 = arith.maximumf %max3A_884, %get3A_899 : vector<16xf32>
        %get3A_901 = arith.index_cast %add3A_676 : i32 to index
        %get3A_902 = arith.constant 896 : index
        %get3A_903 = tpu.vector_load %arg5[%get3A_901, %get3A_902] {strides = array<i32>} : memref<32x1000xf32, #tpu.memory_space<vmem>>, vector<16xf32>,
        %max3A_904 = arith.maximumf %max3A_888, %get3A_903 : vector<16xf32>
        %get3A_905 = arith.index_cast %add3A_676 : i32 to index
        %get3A_906 = arith.constant 912 : index
        %get3A_907 = tpu.vector_load %arg5[%get3A_905, %get3A_906] {strides = array<i32>} : memref<32x1000xf32, #tpu.memory_space<vmem>>, vector<16xf32>,
        %max3A_908 = arith.maximumf %max3A_892, %get3A_907 : vector<16xf32>
        %get3A_909 = arith.index_cast %add3A_676 : i32 to index
        %get3A_910 = arith.constant 928 : index
        %get3A_911 = tpu.vector_load %arg5[%get3A_909, %get3A_910] {strides = array<i32>} : memref<32x1000xf32, #tpu.memory_space<vmem>>, vector<16xf32>,
        %max3A_912 = arith.maximumf %max3A_896, %get3A_911 : vector<16xf32>
        %get3A_913 = arith.index_cast %add3A_676 : i32 to index
        %get3A_914 = arith.constant 944 : index
        %get3A_915 = tpu.vector_load %arg5[%get3A_913, %get3A_914] {strides = array<i32>} : memref<32x1000xf32, #tpu.memory_space<vmem>>, vector<16xf32>,
        %max3A_916 = arith.maximumf %max3A_900, %get3A_915 : vector<16xf32>
        %get3A_917 = arith.index_cast %add3A_676 : i32 to index
        %get3A_918 = arith.constant 960 : index
        %get3A_919 = tpu.vector_load %arg5[%get3A_917, %get3A_918] {strides = array<i32>} : memref<32x1000xf32, #tpu.memory_space<vmem>>, vector<16xf32>,
        %max3A_920 = arith.maximumf %max3A_904, %get3A_919 : vector<16xf32>
        %get3A_921 = arith.index_cast %add3A_676 : i32 to index
        %get3A_922 = arith.constant 976 : index
        %get3A_923 = tpu.vector_load %arg5[%get3A_921, %get3A_922] {strides = array<i32>} : memref<32x1000xf32, #tpu.memory_space<vmem>>, vector<16xf32>,
        %max3A_924 = arith.maximumf %max3A_908, %get3A_923 : vector<16xf32>
        %get3A_925 = arith.index_cast %add3A_676 : i32 to index
        %get3A_926 = arith.constant 984 : index
        %get3A_927 = tpu.vector_load %arg5[%get3A_925, %get3A_926] {strides = array<i32>} : memref<32x1000xf32, #tpu.memory_space<vmem>>, vector<16xf32>,
        %max3A_928 = arith.maximumf %max3A_912, %get3A_927 : vector<16xf32>
        %max3A_929 = arith.maximumf %max3A_920, %max3A_924 : vector<16xf32>
        %max3A_930 = arith.maximumf %max3A_928, %max3A_916 : vector<16xf32>
        %max3A_931 = arith.maximumf %max3A_929, %max3A_930 : vector<16xf32>
        %broadcast_in_dim3A_932 = arith.constant true
        %broadcast_in_dim3A_933 = vector.broadcast %broadcast_in_dim3A_932 : i1 to vector<16xi1>
        %masked_cummax3A_934 = tpu.scan <max>, %max3A_931 masked %broadcast_in_dim3A_933 : vector<16xf32>, vector<16xi1> -> vector<16xf32>
        %mul3A_935 = arith.constant 4 : i32
        %mul3A_936 = arith.muli %scan3A_130, %mul3A_935 : i32
        %add3A_937 = arith.constant 2 : i32
        %add3A_938 = arith.addi %mul3A_936, %add3A_937 : i32
        %swap3A_939 = arith.index_cast %add3A_938 : i32 to index
        %swap3A_940 = arith.constant 0 : index
        %swap3A_941 = tpu.vector_load %arg9[%swap3A_939, %swap3A_940] {strides = array<i32>} : memref<16x16xf32, #tpu.memory_space<vmem>>, vector<16xf32>,
        tpu.vector_store %arg9[%swap3A_939, %swap3A_940], %masked_cummax3A_934 {strides = array<i32>} : memref<16x16xf32, #tpu.memory_space<vmem>>, vector<16xf32>,
        %mul3A_942 = arith.constant 4 : i32
        %mul3A_943 = arith.muli %scan3A_130, %mul3A_942 : i32
        %add3A_944 = arith.constant 0 : i32
        %add3A_945 = arith.addi %add3A_944, %mul3A_943 : i32
        %add3A_946 = arith.constant 3 : i32
        %add3A_947 = arith.addi %add3A_945, %add3A_946 : i32
        %get3A_948 = arith.index_cast %add3A_947 : i32 to index
        %get3A_949 = arith.constant 0 : index
        %get3A_950 = tpu.vector_load %arg5[%get3A_948, %get3A_949] {strides = array<i32>} : memref<32x1000xf32, #tpu.memory_space<vmem>>, vector<16xf32>,
        %max3A_951 = arith.maximumf %broadcast_in_dim3A_3, %get3A_950 : vector<16xf32>
        %get3A_952 = arith.index_cast %add3A_947 : i32 to index
        %get3A_953 = arith.constant 16 : index
        %get3A_954 = tpu.vector_load %arg5[%get3A_952, %get3A_953] {strides = array<i32>} : memref<32x1000xf32, #tpu.memory_space<vmem>>, vector<16xf32>,
        %max3A_955 = arith.maximumf %broadcast_in_dim3A_3, %get3A_954 : vector<16xf32>
        %get3A_956 = arith.index_cast %add3A_947 : i32 to index
        %get3A_957 = arith.constant 32 : index
        %get3A_958 = tpu.vector_load %arg5[%get3A_956, %get3A_957] {strides = array<i32>} : memref<32x1000xf32, #tpu.memory_space<vmem>>, vector<16xf32>,
        %max3A_959 = arith.maximumf %broadcast_in_dim3A_3, %get3A_958 : vector<16xf32>
        %get3A_960 = arith.index_cast %add3A_947 : i32 to index
        %get3A_961 = arith.constant 48 : index
        %get3A_962 = tpu.vector_load %arg5[%get3A_960, %get3A_961] {strides = array<i32>} : memref<32x1000xf32, #tpu.memory_space<vmem>>, vector<16xf32>,
        %max3A_963 = arith.maximumf %broadcast_in_dim3A_3, %get3A_962 : vector<16xf32>
        %get3A_964 = arith.index_cast %add3A_947 : i32 to index
        %get3A_965 = arith.constant 64 : index
        %get3A_966 = tpu.vector_load %arg5[%get3A_964, %get3A_965] {strides = array<i32>} : memref<32x1000xf32, #tpu.memory_space<vmem>>, vector<16xf32>,
        %max3A_967 = arith.maximumf %max3A_951, %get3A_966 : vector<16xf32>
        %get3A_968 = arith.index_cast %add3A_947 : i32 to index
        %get3A_969 = arith.constant 80 : index
        %get3A_970 = tpu.vector_load %arg5[%get3A_968, %get3A_969] {strides = array<i32>} : memref<32x1000xf32, #tpu.memory_space<vmem>>, vector<16xf32>,
        %max3A_971 = arith.maximumf %max3A_955, %get3A_970 : vector<16xf32>
        %get3A_972 = arith.index_cast %add3A_947 : i32 to index
        %get3A_973 = arith.constant 96 : index
        %get3A_974 = tpu.vector_load %arg5[%get3A_972, %get3A_973] {strides = array<i32>} : memref<32x1000xf32, #tpu.memory_space<vmem>>, vector<16xf32>,
        %max3A_975 = arith.maximumf %max3A_959, %get3A_974 : vector<16xf32>
        %get3A_976 = arith.index_cast %add3A_947 : i32 to index
        %get3A_977 = arith.constant 112 : index
        %get3A_978 = tpu.vector_load %arg5[%get3A_976, %get3A_977] {strides = array<i32>} : memref<32x1000xf32, #tpu.memory_space<vmem>>, vector<16xf32>,
        %max3A_979 = arith.maximumf %max3A_963, %get3A_978 : vector<16xf32>
        %get3A_980 = arith.index_cast %add3A_947 : i32 to index
        %get3A_981 = arith.constant 128 : index
        %get3A_982 = tpu.vector_load %arg5[%get3A_980, %get3A_981] {strides = array<i32>} : memref<32x1000xf32, #tpu.memory_space<vmem>>, vector<16xf32>,
        %max3A_983 = arith.maximumf %max3A_967, %get3A_982 : vector<16xf32>
        %get3A_984 = arith.index_cast %add3A_947 : i32 to index
        %get3A_985 = arith.constant 144 : index
        %get3A_986 = tpu.vector_load %arg5[%get3A_984, %get3A_985] {strides = array<i32>} : memref<32x1000xf32, #tpu.memory_space<vmem>>, vector<16xf32>,
        %max3A_987 = arith.maximumf %max3A_971, %get3A_986 : vector<16xf32>
        %get3A_988 = arith.index_cast %add3A_947 : i32 to index
        %get3A_989 = arith.constant 160 : index
        %get3A_990 = tpu.vector_load %arg5[%get3A_988, %get3A_989] {strides = array<i32>} : memref<32x1000xf32, #tpu.memory_space<vmem>>, vector<16xf32>,
        %max3A_991 = arith.maximumf %max3A_975, %get3A_990 : vector<16xf32>
        %get3A_992 = arith.index_cast %add3A_947 : i32 to index
        %get3A_993 = arith.constant 176 : index
        %get3A_994 = tpu.vector_load %arg5[%get3A_992, %get3A_993] {strides = array<i32>} : memref<32x1000xf32, #tpu.memory_space<vmem>>, vector<16xf32>,
        %max3A_995 = arith.maximumf %max3A_979, %get3A_994 : vector<16xf32>
        %get3A_996 = arith.index_cast %add3A_947 : i32 to index
        %get3A_997 = arith.constant 192 : index
        %get3A_998 = tpu.vector_load %arg5[%get3A_996, %get3A_997] {strides = array<i32>} : memref<32x1000xf32, #tpu.memory_space<vmem>>, vector<16xf32>,
        %max3A_999 = arith.maximumf %max3A_983, %get3A_998 : vector<16xf32>
        %get3A_1000 = arith.index_cast %add3A_947 : i32 to index
        %get3A_1001 = arith.constant 208 : index
        %get3A_1002 = tpu.vector_load %arg5[%get3A_1000, %get3A_1001] {strides = array<i32>} : memref<32x1000xf32, #tpu.memory_space<vmem>>, vector<16xf32>,
        %max3A_1003 = arith.maximumf %max3A_987, %get3A_1002 : vector<16xf32>
        %get3A_1004 = arith.index_cast %add3A_947 : i32 to index
        %get3A_1005 = arith.constant 224 : index
        %get3A_1006 = tpu.vector_load %arg5[%get3A_1004, %get3A_1005] {strides = array<i32>} : memref<32x1000xf32, #tpu.memory_space<vmem>>, vector<16xf32>,
        %max3A_1007 = arith.maximumf %max3A_991, %get3A_1006 : vector<16xf32>
        %get3A_1008 = arith.index_cast %add3A_947 : i32 to index
        %get3A_1009 = arith.constant 240 : index
        %get3A_1010 = tpu.vector_load %arg5[%get3A_1008, %get3A_1009] {strides = array<i32>} : memref<32x1000xf32, #tpu.memory_space<vmem>>, vector<16xf32>,
        %max3A_1011 = arith.maximumf %max3A_995, %get3A_1010 : vector<16xf32>
        %get3A_1012 = arith.index_cast %add3A_947 : i32 to index
        %get3A_1013 = arith.constant 256 : index
        %get3A_1014 = tpu.vector_load %arg5[%get3A_1012, %get3A_1013] {strides = array<i32>} : memref<32x1000xf32, #tpu.memory_space<vmem>>, vector<16xf32>,
        %max3A_1015 = arith.maximumf %max3A_999, %get3A_1014 : vector<16xf32>
        %get3A_1016 = arith.index_cast %add3A_947 : i32 to index
        %get3A_1017 = arith.constant 272 : index
        %get3A_1018 = tpu.vector_load %arg5[%get3A_1016, %get3A_1017] {strides = array<i32>} : memref<32x1000xf32, #tpu.memory_space<vmem>>, vector<16xf32>,
        %max3A_1019 = arith.maximumf %max3A_1003, %get3A_1018 : vector<16xf32>
        %get3A_1020 = arith.index_cast %add3A_947 : i32 to index
        %get3A_1021 = arith.constant 288 : index
        %get3A_1022 = tpu.vector_load %arg5[%get3A_1020, %get3A_1021] {strides = array<i32>} : memref<32x1000xf32, #tpu.memory_space<vmem>>, vector<16xf32>,
        %max3A_1023 = arith.maximumf %max3A_1007, %get3A_1022 : vector<16xf32>
        %get3A_1024 = arith.index_cast %add3A_947 : i32 to index
        %get3A_1025 = arith.constant 304 : index
        %get3A_1026 = tpu.vector_load %arg5[%get3A_1024, %get3A_1025] {strides = array<i32>} : memref<32x1000xf32, #tpu.memory_space<vmem>>, vector<16xf32>,
        %max3A_1027 = arith.maximumf %max3A_1011, %get3A_1026 : vector<16xf32>
        %get3A_1028 = arith.index_cast %add3A_947 : i32 to index
        %get3A_1029 = arith.constant 320 : index
        %get3A_1030 = tpu.vector_load %arg5[%get3A_1028, %get3A_1029] {strides = array<i32>} : memref<32x1000xf32, #tpu.memory_space<vmem>>, vector<16xf32>,
        %max3A_1031 = arith.maximumf %max3A_1015, %get3A_1030 : vector<16xf32>
        %get3A_1032 = arith.index_cast %add3A_947 : i32 to index
        %get3A_1033 = arith.constant 336 : index
        %get3A_1034 = tpu.vector_load %arg5[%get3A_1032, %get3A_1033] {strides = array<i32>} : memref<32x1000xf32, #tpu.memory_space<vmem>>, vector<16xf32>,
        %max3A_1035 = arith.maximumf %max3A_1019, %get3A_1034 : vector<16xf32>
        %get3A_1036 = arith.index_cast %add3A_947 : i32 to index
        %get3A_1037 = arith.constant 352 : index
        %get3A_1038 = tpu.vector_load %arg5[%get3A_1036, %get3A_1037] {strides = array<i32>} : memref<32x1000xf32, #tpu.memory_space<vmem>>, vector<16xf32>,
        %max3A_1039 = arith.maximumf %max3A_1023, %get3A_1038 : vector<16xf32>
        %get3A_1040 = arith.index_cast %add3A_947 : i32 to index
        %get3A_1041 = arith.constant 368 : index
        %get3A_1042 = tpu.vector_load %arg5[%get3A_1040, %get3A_1041] {strides = array<i32>} : memref<32x1000xf32, #tpu.memory_space<vmem>>, vector<16xf32>,
        %max3A_1043 = arith.maximumf %max3A_1027, %get3A_1042 : vector<16xf32>
        %get3A_1044 = arith.index_cast %add3A_947 : i32 to index
        %get3A_1045 = arith.constant 384 : index
        %get3A_1046 = tpu.vector_load %arg5[%get3A_1044, %get3A_1045] {strides = array<i32>} : memref<32x1000xf32, #tpu.memory_space<vmem>>, vector<16xf32>,
        %max3A_1047 = arith.maximumf %max3A_1031, %get3A_1046 : vector<16xf32>
        %get3A_1048 = arith.index_cast %add3A_947 : i32 to index
        %get3A_1049 = arith.constant 400 : index
        %get3A_1050 = tpu.vector_load %arg5[%get3A_1048, %get3A_1049] {strides = array<i32>} : memref<32x1000xf32, #tpu.memory_space<vmem>>, vector<16xf32>,
        %max3A_1051 = arith.maximumf %max3A_1035, %get3A_1050 : vector<16xf32>
        %get3A_1052 = arith.index_cast %add3A_947 : i32 to index
        %get3A_1053 = arith.constant 416 : index
        %get3A_1054 = tpu.vector_load %arg5[%get3A_1052, %get3A_1053] {strides = array<i32>} : memref<32x1000xf32, #tpu.memory_space<vmem>>, vector<16xf32>,
        %max3A_1055 = arith.maximumf %max3A_1039, %get3A_1054 : vector<16xf32>
        %get3A_1056 = arith.index_cast %add3A_947 : i32 to index
        %get3A_1057 = arith.constant 432 : index
        %get3A_1058 = tpu.vector_load %arg5[%get3A_1056, %get3A_1057] {strides = array<i32>} : memref<32x1000xf32, #tpu.memory_space<vmem>>, vector<16xf32>,
        %max3A_1059 = arith.maximumf %max3A_1043, %get3A_1058 : vector<16xf32>
        %get3A_1060 = arith.index_cast %add3A_947 : i32 to index
        %get3A_1061 = arith.constant 448 : index
        %get3A_1062 = tpu.vector_load %arg5[%get3A_1060, %get3A_1061] {strides = array<i32>} : memref<32x1000xf32, #tpu.memory_space<vmem>>, vector<16xf32>,
        %max3A_1063 = arith.maximumf %max3A_1047, %get3A_1062 : vector<16xf32>
        %get3A_1064 = arith.index_cast %add3A_947 : i32 to index
        %get3A_1065 = arith.constant 464 : index
        %get3A_1066 = tpu.vector_load %arg5[%get3A_1064, %get3A_1065] {strides = array<i32>} : memref<32x1000xf32, #tpu.memory_space<vmem>>, vector<16xf32>,
        %max3A_1067 = arith.maximumf %max3A_1051, %get3A_1066 : vector<16xf32>
        %get3A_1068 = arith.index_cast %add3A_947 : i32 to index
        %get3A_1069 = arith.constant 480 : index
        %get3A_1070 = tpu.vector_load %arg5[%get3A_1068, %get3A_1069] {strides = array<i32>} : memref<32x1000xf32, #tpu.memory_space<vmem>>, vector<16xf32>,
        %max3A_1071 = arith.maximumf %max3A_1055, %get3A_1070 : vector<16xf32>
        %get3A_1072 = arith.index_cast %add3A_947 : i32 to index
        %get3A_1073 = arith.constant 496 : index
        %get3A_1074 = tpu.vector_load %arg5[%get3A_1072, %get3A_1073] {strides = array<i32>} : memref<32x1000xf32, #tpu.memory_space<vmem>>, vector<16xf32>,
        %max3A_1075 = arith.maximumf %max3A_1059, %get3A_1074 : vector<16xf32>
        %get3A_1076 = arith.index_cast %add3A_947 : i32 to index
        %get3A_1077 = arith.constant 512 : index
        %get3A_1078 = tpu.vector_load %arg5[%get3A_1076, %get3A_1077] {strides = array<i32>} : memref<32x1000xf32, #tpu.memory_space<vmem>>, vector<16xf32>,
        %max3A_1079 = arith.maximumf %max3A_1063, %get3A_1078 : vector<16xf32>
        %get3A_1080 = arith.index_cast %add3A_947 : i32 to index
        %get3A_1081 = arith.constant 528 : index
        %get3A_1082 = tpu.vector_load %arg5[%get3A_1080, %get3A_1081] {strides = array<i32>} : memref<32x1000xf32, #tpu.memory_space<vmem>>, vector<16xf32>,
        %max3A_1083 = arith.maximumf %max3A_1067, %get3A_1082 : vector<16xf32>
        %get3A_1084 = arith.index_cast %add3A_947 : i32 to index
        %get3A_1085 = arith.constant 544 : index
        %get3A_1086 = tpu.vector_load %arg5[%get3A_1084, %get3A_1085] {strides = array<i32>} : memref<32x1000xf32, #tpu.memory_space<vmem>>, vector<16xf32>,
        %max3A_1087 = arith.maximumf %max3A_1071, %get3A_1086 : vector<16xf32>
        %get3A_1088 = arith.index_cast %add3A_947 : i32 to index
        %get3A_1089 = arith.constant 560 : index
        %get3A_1090 = tpu.vector_load %arg5[%get3A_1088, %get3A_1089] {strides = array<i32>} : memref<32x1000xf32, #tpu.memory_space<vmem>>, vector<16xf32>,
        %max3A_1091 = arith.maximumf %max3A_1075, %get3A_1090 : vector<16xf32>
        %get3A_1092 = arith.index_cast %add3A_947 : i32 to index
        %get3A_1093 = arith.constant 576 : index
        %get3A_1094 = tpu.vector_load %arg5[%get3A_1092, %get3A_1093] {strides = array<i32>} : memref<32x1000xf32, #tpu.memory_space<vmem>>, vector<16xf32>,
        %max3A_1095 = arith.maximumf %max3A_1079, %get3A_1094 : vector<16xf32>
        %get3A_1096 = arith.index_cast %add3A_947 : i32 to index
        %get3A_1097 = arith.constant 592 : index
        %get3A_1098 = tpu.vector_load %arg5[%get3A_1096, %get3A_1097] {strides = array<i32>} : memref<32x1000xf32, #tpu.memory_space<vmem>>, vector<16xf32>,
        %max3A_1099 = arith.maximumf %max3A_1083, %get3A_1098 : vector<16xf32>
        %get3A_1100 = arith.index_cast %add3A_947 : i32 to index
        %get3A_1101 = arith.constant 608 : index
        %get3A_1102 = tpu.vector_load %arg5[%get3A_1100, %get3A_1101] {strides = array<i32>} : memref<32x1000xf32, #tpu.memory_space<vmem>>, vector<16xf32>,
        %max3A_1103 = arith.maximumf %max3A_1087, %get3A_1102 : vector<16xf32>
        %get3A_1104 = arith.index_cast %add3A_947 : i32 to index
        %get3A_1105 = arith.constant 624 : index
        %get3A_1106 = tpu.vector_load %arg5[%get3A_1104, %get3A_1105] {strides = array<i32>} : memref<32x1000xf32, #tpu.memory_space<vmem>>, vector<16xf32>,
        %max3A_1107 = arith.maximumf %max3A_1091, %get3A_1106 : vector<16xf32>
        %get3A_1108 = arith.index_cast %add3A_947 : i32 to index
        %get3A_1109 = arith.constant 640 : index
        %get3A_1110 = tpu.vector_load %arg5[%get3A_1108, %get3A_1109] {strides = array<i32>} : memref<32x1000xf32, #tpu.memory_space<vmem>>, vector<16xf32>,
        %max3A_1111 = arith.maximumf %max3A_1095, %get3A_1110 : vector<16xf32>
        %get3A_1112 = arith.index_cast %add3A_947 : i32 to index
        %get3A_1113 = arith.constant 656 : index
        %get3A_1114 = tpu.vector_load %arg5[%get3A_1112, %get3A_1113] {strides = array<i32>} : memref<32x1000xf32, #tpu.memory_space<vmem>>, vector<16xf32>,
        %max3A_1115 = arith.maximumf %max3A_1099, %get3A_1114 : vector<16xf32>
        %get3A_1116 = arith.index_cast %add3A_947 : i32 to index
        %get3A_1117 = arith.constant 672 : index
        %get3A_1118 = tpu.vector_load %arg5[%get3A_1116, %get3A_1117] {strides = array<i32>} : memref<32x1000xf32, #tpu.memory_space<vmem>>, vector<16xf32>,
        %max3A_1119 = arith.maximumf %max3A_1103, %get3A_1118 : vector<16xf32>
        %get3A_1120 = arith.index_cast %add3A_947 : i32 to index
        %get3A_1121 = arith.constant 688 : index
        %get3A_1122 = tpu.vector_load %arg5[%get3A_1120, %get3A_1121] {strides = array<i32>} : memref<32x1000xf32, #tpu.memory_space<vmem>>, vector<16xf32>,
        %max3A_1123 = arith.maximumf %max3A_1107, %get3A_1122 : vector<16xf32>
        %get3A_1124 = arith.index_cast %add3A_947 : i32 to index
        %get3A_1125 = arith.constant 704 : index
        %get3A_1126 = tpu.vector_load %arg5[%get3A_1124, %get3A_1125] {strides = array<i32>} : memref<32x1000xf32, #tpu.memory_space<vmem>>, vector<16xf32>,
        %max3A_1127 = arith.maximumf %max3A_1111, %get3A_1126 : vector<16xf32>
        %get3A_1128 = arith.index_cast %add3A_947 : i32 to index
        %get3A_1129 = arith.constant 720 : index
        %get3A_1130 = tpu.vector_load %arg5[%get3A_1128, %get3A_1129] {strides = array<i32>} : memref<32x1000xf32, #tpu.memory_space<vmem>>, vector<16xf32>,
        %max3A_1131 = arith.maximumf %max3A_1115, %get3A_1130 : vector<16xf32>
        %get3A_1132 = arith.index_cast %add3A_947 : i32 to index
        %get3A_1133 = arith.constant 736 : index
        %get3A_1134 = tpu.vector_load %arg5[%get3A_1132, %get3A_1133] {strides = array<i32>} : memref<32x1000xf32, #tpu.memory_space<vmem>>, vector<16xf32>,
        %max3A_1135 = arith.maximumf %max3A_1119, %get3A_1134 : vector<16xf32>
        %get3A_1136 = arith.index_cast %add3A_947 : i32 to index
        %get3A_1137 = arith.constant 752 : index
        %get3A_1138 = tpu.vector_load %arg5[%get3A_1136, %get3A_1137] {strides = array<i32>} : memref<32x1000xf32, #tpu.memory_space<vmem>>, vector<16xf32>,
        %max3A_1139 = arith.maximumf %max3A_1123, %get3A_1138 : vector<16xf32>
        %get3A_1140 = arith.index_cast %add3A_947 : i32 to index
        %get3A_1141 = arith.constant 768 : index
        %get3A_1142 = tpu.vector_load %arg5[%get3A_1140, %get3A_1141] {strides = array<i32>} : memref<32x1000xf32, #tpu.memory_space<vmem>>, vector<16xf32>,
        %max3A_1143 = arith.maximumf %max3A_1127, %get3A_1142 : vector<16xf32>
        %get3A_1144 = arith.index_cast %add3A_947 : i32 to index
        %get3A_1145 = arith.constant 784 : index
        %get3A_1146 = tpu.vector_load %arg5[%get3A_1144, %get3A_1145] {strides = array<i32>} : memref<32x1000xf32, #tpu.memory_space<vmem>>, vector<16xf32>,
        %max3A_1147 = arith.maximumf %max3A_1131, %get3A_1146 : vector<16xf32>
        %get3A_1148 = arith.index_cast %add3A_947 : i32 to index
        %get3A_1149 = arith.constant 800 : index
        %get3A_1150 = tpu.vector_load %arg5[%get3A_1148, %get3A_1149] {strides = array<i32>} : memref<32x1000xf32, #tpu.memory_space<vmem>>, vector<16xf32>,
        %max3A_1151 = arith.maximumf %max3A_1135, %get3A_1150 : vector<16xf32>
        %get3A_1152 = arith.index_cast %add3A_947 : i32 to index
        %get3A_1153 = arith.constant 816 : index
        %get3A_1154 = tpu.vector_load %arg5[%get3A_1152, %get3A_1153] {strides = array<i32>} : memref<32x1000xf32, #tpu.memory_space<vmem>>, vector<16xf32>,
        %max3A_1155 = arith.maximumf %max3A_1139, %get3A_1154 : vector<16xf32>
        %get3A_1156 = arith.index_cast %add3A_947 : i32 to index
        %get3A_1157 = arith.constant 832 : index
        %get3A_1158 = tpu.vector_load %arg5[%get3A_1156, %get3A_1157] {strides = array<i32>} : memref<32x1000xf32, #tpu.memory_space<vmem>>, vector<16xf32>,
        %max3A_1159 = arith.maximumf %max3A_1143, %get3A_1158 : vector<16xf32>
        %get3A_1160 = arith.index_cast %add3A_947 : i32 to index
        %get3A_1161 = arith.constant 848 : index
        %get3A_1162 = tpu.vector_load %arg5[%get3A_1160, %get3A_1161] {strides = array<i32>} : memref<32x1000xf32, #tpu.memory_space<vmem>>, vector<16xf32>,
        %max3A_1163 = arith.maximumf %max3A_1147, %get3A_1162 : vector<16xf32>
        %get3A_1164 = arith.index_cast %add3A_947 : i32 to index
        %get3A_1165 = arith.constant 864 : index
        %get3A_1166 = tpu.vector_load %arg5[%get3A_1164, %get3A_1165] {strides = array<i32>} : memref<32x1000xf32, #tpu.memory_space<vmem>>, vector<16xf32>,
        %max3A_1167 = arith.maximumf %max3A_1151, %get3A_1166 : vector<16xf32>
        %get3A_1168 = arith.index_cast %add3A_947 : i32 to index
        %get3A_1169 = arith.constant 880 : index
        %get3A_1170 = tpu.vector_load %arg5[%get3A_1168, %get3A_1169] {strides = array<i32>} : memref<32x1000xf32, #tpu.memory_space<vmem>>, vector<16xf32>,
        %max3A_1171 = arith.maximumf %max3A_1155, %get3A_1170 : vector<16xf32>
        %get3A_1172 = arith.index_cast %add3A_947 : i32 to index
        %get3A_1173 = arith.constant 896 : index
        %get3A_1174 = tpu.vector_load %arg5[%get3A_1172, %get3A_1173] {strides = array<i32>} : memref<32x1000xf32, #tpu.memory_space<vmem>>, vector<16xf32>,
        %max3A_1175 = arith.maximumf %max3A_1159, %get3A_1174 : vector<16xf32>
        %get3A_1176 = arith.index_cast %add3A_947 : i32 to index
        %get3A_1177 = arith.constant 912 : index
        %get3A_1178 = tpu.vector_load %arg5[%get3A_1176, %get3A_1177] {strides = array<i32>} : memref<32x1000xf32, #tpu.memory_space<vmem>>, vector<16xf32>,
        %max3A_1179 = arith.maximumf %max3A_1163, %get3A_1178 : vector<16xf32>
        %get3A_1180 = arith.index_cast %add3A_947 : i32 to index
        %get3A_1181 = arith.constant 928 : index
        %get3A_1182 = tpu.vector_load %arg5[%get3A_1180, %get3A_1181] {strides = array<i32>} : memref<32x1000xf32, #tpu.memory_space<vmem>>, vector<16xf32>,
        %max3A_1183 = arith.maximumf %max3A_1167, %get3A_1182 : vector<16xf32>
        %get3A_1184 = arith.index_cast %add3A_947 : i32 to index
        %get3A_1185 = arith.constant 944 : index
        %get3A_1186 = tpu.vector_load %arg5[%get3A_1184, %get3A_1185] {strides = array<i32>} : memref<32x1000xf32, #tpu.memory_space<vmem>>, vector<16xf32>,
        %max3A_1187 = arith.maximumf %max3A_1171, %get3A_1186 : vector<16xf32>
        %get3A_1188 = arith.index_cast %add3A_947 : i32 to index
        %get3A_1189 = arith.constant 960 : index
        %get3A_1190 = tpu.vector_load %arg5[%get3A_1188, %get3A_1189] {strides = array<i32>} : memref<32x1000xf32, #tpu.memory_space<vmem>>, vector<16xf32>,
        %max3A_1191 = arith.maximumf %max3A_1175, %get3A_1190 : vector<16xf32>
        %get3A_1192 = arith.index_cast %add3A_947 : i32 to index
        %get3A_1193 = arith.constant 976 : index
        %get3A_1194 = tpu.vector_load %arg5[%get3A_1192, %get3A_1193] {strides = array<i32>} : memref<32x1000xf32, #tpu.memory_space<vmem>>, vector<16xf32>,
        %max3A_1195 = arith.maximumf %max3A_1179, %get3A_1194 : vector<16xf32>
        %get3A_1196 = arith.index_cast %add3A_947 : i32 to index
        %get3A_1197 = arith.constant 984 : index
        %get3A_1198 = tpu.vector_load %arg5[%get3A_1196, %get3A_1197] {strides = array<i32>} : memref<32x1000xf32, #tpu.memory_space<vmem>>, vector<16xf32>,
        %max3A_1199 = arith.maximumf %max3A_1183, %get3A_1198 : vector<16xf32>
        %max3A_1200 = arith.maximumf %max3A_1191, %max3A_1195 : vector<16xf32>
        %max3A_1201 = arith.maximumf %max3A_1199, %max3A_1187 : vector<16xf32>
        %max3A_1202 = arith.maximumf %max3A_1200, %max3A_1201 : vector<16xf32>
        %broadcast_in_dim3A_1203 = arith.constant true
        %broadcast_in_dim3A_1204 = vector.broadcast %broadcast_in_dim3A_1203 : i1 to vector<16xi1>
        %masked_cummax3A_1205 = tpu.scan <max>, %max3A_1202 masked %broadcast_in_dim3A_1204 : vector<16xf32>, vector<16xi1> -> vector<16xf32>
        %mul3A_1206 = arith.constant 4 : i32
        %mul3A_1207 = arith.muli %scan3A_130, %mul3A_1206 : i32
        %add3A_1208 = arith.constant 3 : i32
        %add3A_1209 = arith.addi %mul3A_1207, %add3A_1208 : i32
        %swap3A_1210 = arith.index_cast %add3A_1209 : i32 to index
        %swap3A_1211 = arith.constant 0 : index
        %swap3A_1212 = tpu.vector_load %arg9[%swap3A_1210, %swap3A_1211] {strides = array<i32>} : memref<16x16xf32, #tpu.memory_space<vmem>>, vector<16xf32>,
        tpu.vector_store %arg9[%swap3A_1210, %swap3A_1211], %masked_cummax3A_1205 {strides = array<i32>} : memref<16x16xf32, #tpu.memory_space<vmem>>, vector<16xf32>,
      }
      %scan3A_41 = arith.constant 4 : i32
      %gather3A_42 = tpu.vector_load_idx %arg9[%iota3A, %broadcast_in_dim3A_5] : memref<16x16xf32, #tpu.memory_space<vmem>>[vector<16xi32>, vector<16xi32>], vector<16xf32>,
      %sub3A = arith.subf %gather3A_42, %gather3A : vector<16xf32>
      %multiple_of3A_43 = tpu.assume_multiple %add3A_31, 16 : i32
      %swap3A = arith.index_cast %multiple_of3A_43 : i32 to index
      %swap3A_44 = tpu.vector_load %arg8[%swap3A] {strides = array<i32>} : memref<512xf32, #tpu.memory_space<vmem>>, vector<16xf32>,
      tpu.vector_store %arg8[%swap3A], %sub3A {strides = array<i32>} : memref<512xf32, #tpu.memory_space<vmem>>, vector<16xf32>,
      %mul3A_45 = arith.constant 32 : i32
      %mul3A_46 = arith.muli %add3A_24, %mul3A_45 : i32
      %add3A_47 = arith.constant 16 : i32
      %add3A_48 = arith.addi %mul3A_46, %add3A_47 : i32
      %multiple_of3A_49 = tpu.assume_multiple %add3A_48, 16 : i32
      %get3A_50 = arith.index_cast %multiple_of3A_49 : i32 to index
      %get3A_51 = tpu.vector_load %arg7[%get3A_50] {strides = array<i32>} : memref<512xi32, #tpu.memory_space<vmem>>, vector<16xi32>,
      %add3A_52 = arith.constant 16 : i32
      %add3A_53 = vector.broadcast %add3A_52 : i32 to vector<16xi32>
      %add3A_54 = arith.addi %add3A_53, %iota3A : vector<16xi32>
      %gather3A_55 = tpu.vector_load_idx %arg5[%add3A_54, %get3A_51] : memref<32x1000xf32, #tpu.memory_space<vmem>>[vector<16xi32>, vector<16xi32>], vector<16xf32>,
      tpu.vector_store_idx %arg5[%add3A_54, %get3A_51], %broadcast_in_dim3A_3 : memref<32x1000xf32, #tpu.memory_space<vmem>>[vector<16xi32>, vector<16xi32>], vector<16xf32>,
      %scan3A_56 = arith.constant 0 : i32
      %scan3A_57 = arith.constant 0 : i32
      %scan3A_58 = arith.constant 4 : i32
      %scan3A_59 = arith.addi %scan3A_57, %scan3A_58 : i32
      %scan3A_60 = arith.constant 1 : i32
      scf.for %scan3A_130 = %scan3A_57 to %scan3A_59 step %scan3A_60  : i32 {
        %mul3A_131 = arith.constant 4 : i32
        %mul3A_132 = arith.muli %scan3A_130, %mul3A_131 : i32
        %add3A_133 = arith.constant 16 : i32
        %add3A_134 = arith.addi %add3A_133, %mul3A_132 : i32
        %add3A_135 = arith.constant 0 : i32
        %add3A_136 = arith.addi %add3A_134, %add3A_135 : i32
        %get3A_137 = arith.index_cast %add3A_136 : i32 to index
        %get3A_138 = arith.constant 0 : index
        %get3A_139 = tpu.vector_load %arg5[%get3A_137, %get3A_138] {strides = array<i32>} : memref<32x1000xf32, #tpu.memory_space<vmem>>, vector<16xf32>,
        %max3A = arith.maximumf %broadcast_in_dim3A_3, %get3A_139 : vector<16xf32>
        %get3A_140 = arith.index_cast %add3A_136 : i32 to index
        %get3A_141 = arith.constant 16 : index
        %get3A_142 = tpu.vector_load %arg5[%get3A_140, %get3A_141] {strides = array<i32>} : memref<32x1000xf32, #tpu.memory_space<vmem>>, vector<16xf32>,
        %max3A_143 = arith.maximumf %broadcast_in_dim3A_3, %get3A_142 : vector<16xf32>
        %get3A_144 = arith.index_cast %add3A_136 : i32 to index
        %get3A_145 = arith.constant 32 : index
        %get3A_146 = tpu.vector_load %arg5[%get3A_144, %get3A_145] {strides = array<i32>} : memref<32x1000xf32, #tpu.memory_space<vmem>>, vector<16xf32>,
        %max3A_147 = arith.maximumf %broadcast_in_dim3A_3, %get3A_146 : vector<16xf32>
        %get3A_148 = arith.index_cast %add3A_136 : i32 to index
        %get3A_149 = arith.constant 48 : index
        %get3A_150 = tpu.vector_load %arg5[%get3A_148, %get3A_149] {strides = array<i32>} : memref<32x1000xf32, #tpu.memory_space<vmem>>, vector<16xf32>,
        %max3A_151 = arith.maximumf %broadcast_in_dim3A_3, %get3A_150 : vector<16xf32>
        %get3A_152 = arith.index_cast %add3A_136 : i32 to index
        %get3A_153 = arith.constant 64 : index
        %get3A_154 = tpu.vector_load %arg5[%get3A_152, %get3A_153] {strides = array<i32>} : memref<32x1000xf32, #tpu.memory_space<vmem>>, vector<16xf32>,
        %max3A_155 = arith.maximumf %max3A, %get3A_154 : vector<16xf32>
        %get3A_156 = arith.index_cast %add3A_136 : i32 to index
        %get3A_157 = arith.constant 80 : index
        %get3A_158 = tpu.vector_load %arg5[%get3A_156, %get3A_157] {strides = array<i32>} : memref<32x1000xf32, #tpu.memory_space<vmem>>, vector<16xf32>,
        %max3A_159 = arith.maximumf %max3A_143, %get3A_158 : vector<16xf32>
        %get3A_160 = arith.index_cast %add3A_136 : i32 to index
        %get3A_161 = arith.constant 96 : index
        %get3A_162 = tpu.vector_load %arg5[%get3A_160, %get3A_161] {strides = array<i32>} : memref<32x1000xf32, #tpu.memory_space<vmem>>, vector<16xf32>,
        %max3A_163 = arith.maximumf %max3A_147, %get3A_162 : vector<16xf32>
        %get3A_164 = arith.index_cast %add3A_136 : i32 to index
        %get3A_165 = arith.constant 112 : index
        %get3A_166 = tpu.vector_load %arg5[%get3A_164, %get3A_165] {strides = array<i32>} : memref<32x1000xf32, #tpu.memory_space<vmem>>, vector<16xf32>,
        %max3A_167 = arith.maximumf %max3A_151, %get3A_166 : vector<16xf32>
        %get3A_168 = arith.index_cast %add3A_136 : i32 to index
        %get3A_169 = arith.constant 128 : index
        %get3A_170 = tpu.vector_load %arg5[%get3A_168, %get3A_169] {strides = array<i32>} : memref<32x1000xf32, #tpu.memory_space<vmem>>, vector<16xf32>,
        %max3A_171 = arith.maximumf %max3A_155, %get3A_170 : vector<16xf32>
        %get3A_172 = arith.index_cast %add3A_136 : i32 to index
        %get3A_173 = arith.constant 144 : index
        %get3A_174 = tpu.vector_load %arg5[%get3A_172, %get3A_173] {strides = array<i32>} : memref<32x1000xf32, #tpu.memory_space<vmem>>, vector<16xf32>,
        %max3A_175 = arith.maximumf %max3A_159, %get3A_174 : vector<16xf32>
        %get3A_176 = arith.index_cast %add3A_136 : i32 to index
        %get3A_177 = arith.constant 160 : index
        %get3A_178 = tpu.vector_load %arg5[%get3A_176, %get3A_177] {strides = array<i32>} : memref<32x1000xf32, #tpu.memory_space<vmem>>, vector<16xf32>,
        %max3A_179 = arith.maximumf %max3A_163, %get3A_178 : vector<16xf32>
        %get3A_180 = arith.index_cast %add3A_136 : i32 to index
        %get3A_181 = arith.constant 176 : index
        %get3A_182 = tpu.vector_load %arg5[%get3A_180, %get3A_181] {strides = array<i32>} : memref<32x1000xf32, #tpu.memory_space<vmem>>, vector<16xf32>,
        %max3A_183 = arith.maximumf %max3A_167, %get3A_182 : vector<16xf32>
        %get3A_184 = arith.index_cast %add3A_136 : i32 to index
        %get3A_185 = arith.constant 192 : index
        %get3A_186 = tpu.vector_load %arg5[%get3A_184, %get3A_185] {strides = array<i32>} : memref<32x1000xf32, #tpu.memory_space<vmem>>, vector<16xf32>,
        %max3A_187 = arith.maximumf %max3A_171, %get3A_186 : vector<16xf32>
        %get3A_188 = arith.index_cast %add3A_136 : i32 to index
        %get3A_189 = arith.constant 208 : index
        %get3A_190 = tpu.vector_load %arg5[%get3A_188, %get3A_189] {strides = array<i32>} : memref<32x1000xf32, #tpu.memory_space<vmem>>, vector<16xf32>,
        %max3A_191 = arith.maximumf %max3A_175, %get3A_190 : vector<16xf32>
        %get3A_192 = arith.index_cast %add3A_136 : i32 to index
        %get3A_193 = arith.constant 224 : index
        %get3A_194 = tpu.vector_load %arg5[%get3A_192, %get3A_193] {strides = array<i32>} : memref<32x1000xf32, #tpu.memory_space<vmem>>, vector<16xf32>,
        %max3A_195 = arith.maximumf %max3A_179, %get3A_194 : vector<16xf32>
        %get3A_196 = arith.index_cast %add3A_136 : i32 to index
        %get3A_197 = arith.constant 240 : index
        %get3A_198 = tpu.vector_load %arg5[%get3A_196, %get3A_197] {strides = array<i32>} : memref<32x1000xf32, #tpu.memory_space<vmem>>, vector<16xf32>,
        %max3A_199 = arith.maximumf %max3A_183, %get3A_198 : vector<16xf32>
        %get3A_200 = arith.index_cast %add3A_136 : i32 to index
        %get3A_201 = arith.constant 256 : index
        %get3A_202 = tpu.vector_load %arg5[%get3A_200, %get3A_201] {strides = array<i32>} : memref<32x1000xf32, #tpu.memory_space<vmem>>, vector<16xf32>,
        %max3A_203 = arith.maximumf %max3A_187, %get3A_202 : vector<16xf32>
        %get3A_204 = arith.index_cast %add3A_136 : i32 to index
        %get3A_205 = arith.constant 272 : index
        %get3A_206 = tpu.vector_load %arg5[%get3A_204, %get3A_205] {strides = array<i32>} : memref<32x1000xf32, #tpu.memory_space<vmem>>, vector<16xf32>,
        %max3A_207 = arith.maximumf %max3A_191, %get3A_206 : vector<16xf32>
        %get3A_208 = arith.index_cast %add3A_136 : i32 to index
        %get3A_209 = arith.constant 288 : index
        %get3A_210 = tpu.vector_load %arg5[%get3A_208, %get3A_209] {strides = array<i32>} : memref<32x1000xf32, #tpu.memory_space<vmem>>, vector<16xf32>,
        %max3A_211 = arith.maximumf %max3A_195, %get3A_210 : vector<16xf32>
        %get3A_212 = arith.index_cast %add3A_136 : i32 to index
        %get3A_213 = arith.constant 304 : index
        %get3A_214 = tpu.vector_load %arg5[%get3A_212, %get3A_213] {strides = array<i32>} : memref<32x1000xf32, #tpu.memory_space<vmem>>, vector<16xf32>,
        %max3A_215 = arith.maximumf %max3A_199, %get3A_214 : vector<16xf32>
        %get3A_216 = arith.index_cast %add3A_136 : i32 to index
        %get3A_217 = arith.constant 320 : index
        %get3A_218 = tpu.vector_load %arg5[%get3A_216, %get3A_217] {strides = array<i32>} : memref<32x1000xf32, #tpu.memory_space<vmem>>, vector<16xf32>,
        %max3A_219 = arith.maximumf %max3A_203, %get3A_218 : vector<16xf32>
        %get3A_220 = arith.index_cast %add3A_136 : i32 to index
        %get3A_221 = arith.constant 336 : index
        %get3A_222 = tpu.vector_load %arg5[%get3A_220, %get3A_221] {strides = array<i32>} : memref<32x1000xf32, #tpu.memory_space<vmem>>, vector<16xf32>,
        %max3A_223 = arith.maximumf %max3A_207, %get3A_222 : vector<16xf32>
        %get3A_224 = arith.index_cast %add3A_136 : i32 to index
        %get3A_225 = arith.constant 352 : index
        %get3A_226 = tpu.vector_load %arg5[%get3A_224, %get3A_225] {strides = array<i32>} : memref<32x1000xf32, #tpu.memory_space<vmem>>, vector<16xf32>,
        %max3A_227 = arith.maximumf %max3A_211, %get3A_226 : vector<16xf32>
        %get3A_228 = arith.index_cast %add3A_136 : i32 to index
        %get3A_229 = arith.constant 368 : index
        %get3A_230 = tpu.vector_load %arg5[%get3A_228, %get3A_229] {strides = array<i32>} : memref<32x1000xf32, #tpu.memory_space<vmem>>, vector<16xf32>,
        %max3A_231 = arith.maximumf %max3A_215, %get3A_230 : vector<16xf32>
        %get3A_232 = arith.index_cast %add3A_136 : i32 to index
        %get3A_233 = arith.constant 384 : index
        %get3A_234 = tpu.vector_load %arg5[%get3A_232, %get3A_233] {strides = array<i32>} : memref<32x1000xf32, #tpu.memory_space<vmem>>, vector<16xf32>,
        %max3A_235 = arith.maximumf %max3A_219, %get3A_234 : vector<16xf32>
        %get3A_236 = arith.index_cast %add3A_136 : i32 to index
        %get3A_237 = arith.constant 400 : index
        %get3A_238 = tpu.vector_load %arg5[%get3A_236, %get3A_237] {strides = array<i32>} : memref<32x1000xf32, #tpu.memory_space<vmem>>, vector<16xf32>,
        %max3A_239 = arith.maximumf %max3A_223, %get3A_238 : vector<16xf32>
        %get3A_240 = arith.index_cast %add3A_136 : i32 to index
        %get3A_241 = arith.constant 416 : index
        %get3A_242 = tpu.vector_load %arg5[%get3A_240, %get3A_241] {strides = array<i32>} : memref<32x1000xf32, #tpu.memory_space<vmem>>, vector<16xf32>,
        %max3A_243 = arith.maximumf %max3A_227, %get3A_242 : vector<16xf32>
        %get3A_244 = arith.index_cast %add3A_136 : i32 to index
        %get3A_245 = arith.constant 432 : index
        %get3A_246 = tpu.vector_load %arg5[%get3A_244, %get3A_245] {strides = array<i32>} : memref<32x1000xf32, #tpu.memory_space<vmem>>, vector<16xf32>,
        %max3A_247 = arith.maximumf %max3A_231, %get3A_246 : vector<16xf32>
        %get3A_248 = arith.index_cast %add3A_136 : i32 to index
        %get3A_249 = arith.constant 448 : index
        %get3A_250 = tpu.vector_load %arg5[%get3A_248, %get3A_249] {strides = array<i32>} : memref<32x1000xf32, #tpu.memory_space<vmem>>, vector<16xf32>,
        %max3A_251 = arith.maximumf %max3A_235, %get3A_250 : vector<16xf32>
        %get3A_252 = arith.index_cast %add3A_136 : i32 to index
        %get3A_253 = arith.constant 464 : index
        %get3A_254 = tpu.vector_load %arg5[%get3A_252, %get3A_253] {strides = array<i32>} : memref<32x1000xf32, #tpu.memory_space<vmem>>, vector<16xf32>,
        %max3A_255 = arith.maximumf %max3A_239, %get3A_254 : vector<16xf32>
        %get3A_256 = arith.index_cast %add3A_136 : i32 to index
        %get3A_257 = arith.constant 480 : index
        %get3A_258 = tpu.vector_load %arg5[%get3A_256, %get3A_257] {strides = array<i32>} : memref<32x1000xf32, #tpu.memory_space<vmem>>, vector<16xf32>,
        %max3A_259 = arith.maximumf %max3A_243, %get3A_258 : vector<16xf32>
        %get3A_260 = arith.index_cast %add3A_136 : i32 to index
        %get3A_261 = arith.constant 496 : index
        %get3A_262 = tpu.vector_load %arg5[%get3A_260, %get3A_261] {strides = array<i32>} : memref<32x1000xf32, #tpu.memory_space<vmem>>, vector<16xf32>,
        %max3A_263 = arith.maximumf %max3A_247, %get3A_262 : vector<16xf32>
        %get3A_264 = arith.index_cast %add3A_136 : i32 to index
        %get3A_265 = arith.constant 512 : index
        %get3A_266 = tpu.vector_load %arg5[%get3A_264, %get3A_265] {strides = array<i32>} : memref<32x1000xf32, #tpu.memory_space<vmem>>, vector<16xf32>,
        %max3A_267 = arith.maximumf %max3A_251, %get3A_266 : vector<16xf32>
        %get3A_268 = arith.index_cast %add3A_136 : i32 to index
        %get3A_269 = arith.constant 528 : index
        %get3A_270 = tpu.vector_load %arg5[%get3A_268, %get3A_269] {strides = array<i32>} : memref<32x1000xf32, #tpu.memory_space<vmem>>, vector<16xf32>,
        %max3A_271 = arith.maximumf %max3A_255, %get3A_270 : vector<16xf32>
        %get3A_272 = arith.index_cast %add3A_136 : i32 to index
        %get3A_273 = arith.constant 544 : index
        %get3A_274 = tpu.vector_load %arg5[%get3A_272, %get3A_273] {strides = array<i32>} : memref<32x1000xf32, #tpu.memory_space<vmem>>, vector<16xf32>,
        %max3A_275 = arith.maximumf %max3A_259, %get3A_274 : vector<16xf32>
        %get3A_276 = arith.index_cast %add3A_136 : i32 to index
        %get3A_277 = arith.constant 560 : index
        %get3A_278 = tpu.vector_load %arg5[%get3A_276, %get3A_277] {strides = array<i32>} : memref<32x1000xf32, #tpu.memory_space<vmem>>, vector<16xf32>,
        %max3A_279 = arith.maximumf %max3A_263, %get3A_278 : vector<16xf32>
        %get3A_280 = arith.index_cast %add3A_136 : i32 to index
        %get3A_281 = arith.constant 576 : index
        %get3A_282 = tpu.vector_load %arg5[%get3A_280, %get3A_281] {strides = array<i32>} : memref<32x1000xf32, #tpu.memory_space<vmem>>, vector<16xf32>,
        %max3A_283 = arith.maximumf %max3A_267, %get3A_282 : vector<16xf32>
        %get3A_284 = arith.index_cast %add3A_136 : i32 to index
        %get3A_285 = arith.constant 592 : index
        %get3A_286 = tpu.vector_load %arg5[%get3A_284, %get3A_285] {strides = array<i32>} : memref<32x1000xf32, #tpu.memory_space<vmem>>, vector<16xf32>,
        %max3A_287 = arith.maximumf %max3A_271, %get3A_286 : vector<16xf32>
        %get3A_288 = arith.index_cast %add3A_136 : i32 to index
        %get3A_289 = arith.constant 608 : index
        %get3A_290 = tpu.vector_load %arg5[%get3A_288, %get3A_289] {strides = array<i32>} : memref<32x1000xf32, #tpu.memory_space<vmem>>, vector<16xf32>,
        %max3A_291 = arith.maximumf %max3A_275, %get3A_290 : vector<16xf32>
        %get3A_292 = arith.index_cast %add3A_136 : i32 to index
        %get3A_293 = arith.constant 624 : index
        %get3A_294 = tpu.vector_load %arg5[%get3A_292, %get3A_293] {strides = array<i32>} : memref<32x1000xf32, #tpu.memory_space<vmem>>, vector<16xf32>,
        %max3A_295 = arith.maximumf %max3A_279, %get3A_294 : vector<16xf32>
        %get3A_296 = arith.index_cast %add3A_136 : i32 to index
        %get3A_297 = arith.constant 640 : index
        %get3A_298 = tpu.vector_load %arg5[%get3A_296, %get3A_297] {strides = array<i32>} : memref<32x1000xf32, #tpu.memory_space<vmem>>, vector<16xf32>,
        %max3A_299 = arith.maximumf %max3A_283, %get3A_298 : vector<16xf32>
        %get3A_300 = arith.index_cast %add3A_136 : i32 to index
        %get3A_301 = arith.constant 656 : index
        %get3A_302 = tpu.vector_load %arg5[%get3A_300, %get3A_301] {strides = array<i32>} : memref<32x1000xf32, #tpu.memory_space<vmem>>, vector<16xf32>,
        %max3A_303 = arith.maximumf %max3A_287, %get3A_302 : vector<16xf32>
        %get3A_304 = arith.index_cast %add3A_136 : i32 to index
        %get3A_305 = arith.constant 672 : index
        %get3A_306 = tpu.vector_load %arg5[%get3A_304, %get3A_305] {strides = array<i32>} : memref<32x1000xf32, #tpu.memory_space<vmem>>, vector<16xf32>,
        %max3A_307 = arith.maximumf %max3A_291, %get3A_306 : vector<16xf32>
        %get3A_308 = arith.index_cast %add3A_136 : i32 to index
        %get3A_309 = arith.constant 688 : index
        %get3A_310 = tpu.vector_load %arg5[%get3A_308, %get3A_309] {strides = array<i32>} : memref<32x1000xf32, #tpu.memory_space<vmem>>, vector<16xf32>,
        %max3A_311 = arith.maximumf %max3A_295, %get3A_310 : vector<16xf32>
        %get3A_312 = arith.index_cast %add3A_136 : i32 to index
        %get3A_313 = arith.constant 704 : index
        %get3A_314 = tpu.vector_load %arg5[%get3A_312, %get3A_313] {strides = array<i32>} : memref<32x1000xf32, #tpu.memory_space<vmem>>, vector<16xf32>,
        %max3A_315 = arith.maximumf %max3A_299, %get3A_314 : vector<16xf32>
        %get3A_316 = arith.index_cast %add3A_136 : i32 to index
        %get3A_317 = arith.constant 720 : index
        %get3A_318 = tpu.vector_load %arg5[%get3A_316, %get3A_317] {strides = array<i32>} : memref<32x1000xf32, #tpu.memory_space<vmem>>, vector<16xf32>,
        %max3A_319 = arith.maximumf %max3A_303, %get3A_318 : vector<16xf32>
        %get3A_320 = arith.index_cast %add3A_136 : i32 to index
        %get3A_321 = arith.constant 736 : index
        %get3A_322 = tpu.vector_load %arg5[%get3A_320, %get3A_321] {strides = array<i32>} : memref<32x1000xf32, #tpu.memory_space<vmem>>, vector<16xf32>,
        %max3A_323 = arith.maximumf %max3A_307, %get3A_322 : vector<16xf32>
        %get3A_324 = arith.index_cast %add3A_136 : i32 to index
        %get3A_325 = arith.constant 752 : index
        %get3A_326 = tpu.vector_load %arg5[%get3A_324, %get3A_325] {strides = array<i32>} : memref<32x1000xf32, #tpu.memory_space<vmem>>, vector<16xf32>,
        %max3A_327 = arith.maximumf %max3A_311, %get3A_326 : vector<16xf32>
        %get3A_328 = arith.index_cast %add3A_136 : i32 to index
        %get3A_329 = arith.constant 768 : index
        %get3A_330 = tpu.vector_load %arg5[%get3A_328, %get3A_329] {strides = array<i32>} : memref<32x1000xf32, #tpu.memory_space<vmem>>, vector<16xf32>,
        %max3A_331 = arith.maximumf %max3A_315, %get3A_330 : vector<16xf32>
        %get3A_332 = arith.index_cast %add3A_136 : i32 to index
        %get3A_333 = arith.constant 784 : index
        %get3A_334 = tpu.vector_load %arg5[%get3A_332, %get3A_333] {strides = array<i32>} : memref<32x1000xf32, #tpu.memory_space<vmem>>, vector<16xf32>,
        %max3A_335 = arith.maximumf %max3A_319, %get3A_334 : vector<16xf32>
        %get3A_336 = arith.index_cast %add3A_136 : i32 to index
        %get3A_337 = arith.constant 800 : index
        %get3A_338 = tpu.vector_load %arg5[%get3A_336, %get3A_337] {strides = array<i32>} : memref<32x1000xf32, #tpu.memory_space<vmem>>, vector<16xf32>,
        %max3A_339 = arith.maximumf %max3A_323, %get3A_338 : vector<16xf32>
        %get3A_340 = arith.index_cast %add3A_136 : i32 to index
        %get3A_341 = arith.constant 816 : index
        %get3A_342 = tpu.vector_load %arg5[%get3A_340, %get3A_341] {strides = array<i32>} : memref<32x1000xf32, #tpu.memory_space<vmem>>, vector<16xf32>,
        %max3A_343 = arith.maximumf %max3A_327, %get3A_342 : vector<16xf32>
        %get3A_344 = arith.index_cast %add3A_136 : i32 to index
        %get3A_345 = arith.constant 832 : index
        %get3A_346 = tpu.vector_load %arg5[%get3A_344, %get3A_345] {strides = array<i32>} : memref<32x1000xf32, #tpu.memory_space<vmem>>, vector<16xf32>,
        %max3A_347 = arith.maximumf %max3A_331, %get3A_346 : vector<16xf32>
        %get3A_348 = arith.index_cast %add3A_136 : i32 to index
        %get3A_349 = arith.constant 848 : index
        %get3A_350 = tpu.vector_load %arg5[%get3A_348, %get3A_349] {strides = array<i32>} : memref<32x1000xf32, #tpu.memory_space<vmem>>, vector<16xf32>,
        %max3A_351 = arith.maximumf %max3A_335, %get3A_350 : vector<16xf32>
        %get3A_352 = arith.index_cast %add3A_136 : i32 to index
        %get3A_353 = arith.constant 864 : index
        %get3A_354 = tpu.vector_load %arg5[%get3A_352, %get3A_353] {strides = array<i32>} : memref<32x1000xf32, #tpu.memory_space<vmem>>, vector<16xf32>,
        %max3A_355 = arith.maximumf %max3A_339, %get3A_354 : vector<16xf32>
        %get3A_356 = arith.index_cast %add3A_136 : i32 to index
        %get3A_357 = arith.constant 880 : index
        %get3A_358 = tpu.vector_load %arg5[%get3A_356, %get3A_357] {strides = array<i32>} : memref<32x1000xf32, #tpu.memory_space<vmem>>, vector<16xf32>,
        %max3A_359 = arith.maximumf %max3A_343, %get3A_358 : vector<16xf32>
        %get3A_360 = arith.index_cast %add3A_136 : i32 to index
        %get3A_361 = arith.constant 896 : index
        %get3A_362 = tpu.vector_load %arg5[%get3A_360, %get3A_361] {strides = array<i32>} : memref<32x1000xf32, #tpu.memory_space<vmem>>, vector<16xf32>,
        %max3A_363 = arith.maximumf %max3A_347, %get3A_362 : vector<16xf32>
        %get3A_364 = arith.index_cast %add3A_136 : i32 to index
        %get3A_365 = arith.constant 912 : index
        %get3A_366 = tpu.vector_load %arg5[%get3A_364, %get3A_365] {strides = array<i32>} : memref<32x1000xf32, #tpu.memory_space<vmem>>, vector<16xf32>,
        %max3A_367 = arith.maximumf %max3A_351, %get3A_366 : vector<16xf32>
        %get3A_368 = arith.index_cast %add3A_136 : i32 to index
        %get3A_369 = arith.constant 928 : index
        %get3A_370 = tpu.vector_load %arg5[%get3A_368, %get3A_369] {strides = array<i32>} : memref<32x1000xf32, #tpu.memory_space<vmem>>, vector<16xf32>,
        %max3A_371 = arith.maximumf %max3A_355, %get3A_370 : vector<16xf32>
        %get3A_372 = arith.index_cast %add3A_136 : i32 to index
        %get3A_373 = arith.constant 944 : index
        %get3A_374 = tpu.vector_load %arg5[%get3A_372, %get3A_373] {strides = array<i32>} : memref<32x1000xf32, #tpu.memory_space<vmem>>, vector<16xf32>,
        %max3A_375 = arith.maximumf %max3A_359, %get3A_374 : vector<16xf32>
        %get3A_376 = arith.index_cast %add3A_136 : i32 to index
        %get3A_377 = arith.constant 960 : index
        %get3A_378 = tpu.vector_load %arg5[%get3A_376, %get3A_377] {strides = array<i32>} : memref<32x1000xf32, #tpu.memory_space<vmem>>, vector<16xf32>,
        %max3A_379 = arith.maximumf %max3A_363, %get3A_378 : vector<16xf32>
        %get3A_380 = arith.index_cast %add3A_136 : i32 to index
        %get3A_381 = arith.constant 976 : index
        %get3A_382 = tpu.vector_load %arg5[%get3A_380, %get3A_381] {strides = array<i32>} : memref<32x1000xf32, #tpu.memory_space<vmem>>, vector<16xf32>,
        %max3A_383 = arith.maximumf %max3A_367, %get3A_382 : vector<16xf32>
        %get3A_384 = arith.index_cast %add3A_136 : i32 to index
        %get3A_385 = arith.constant 984 : index
        %get3A_386 = tpu.vector_load %arg5[%get3A_384, %get3A_385] {strides = array<i32>} : memref<32x1000xf32, #tpu.memory_space<vmem>>, vector<16xf32>,
        %max3A_387 = arith.maximumf %max3A_371, %get3A_386 : vector<16xf32>
        %max3A_388 = arith.maximumf %max3A_379, %max3A_383 : vector<16xf32>
        %max3A_389 = arith.maximumf %max3A_387, %max3A_375 : vector<16xf32>
        %max3A_390 = arith.maximumf %max3A_388, %max3A_389 : vector<16xf32>
        %broadcast_in_dim3A_391 = arith.constant true
        %broadcast_in_dim3A_392 = vector.broadcast %broadcast_in_dim3A_391 : i1 to vector<16xi1>
        %masked_cummax3A = tpu.scan <max>, %max3A_390 masked %broadcast_in_dim3A_392 : vector<16xf32>, vector<16xi1> -> vector<16xf32>
        %mul3A_393 = arith.constant 4 : i32
        %mul3A_394 = arith.muli %scan3A_130, %mul3A_393 : i32
        %add3A_395 = arith.constant 0 : i32
        %add3A_396 = arith.addi %mul3A_394, %add3A_395 : i32
        %swap3A_397 = arith.index_cast %add3A_396 : i32 to index
        %swap3A_398 = arith.constant 0 : index
        %swap3A_399 = tpu.vector_load %arg9[%swap3A_397, %swap3A_398] {strides = array<i32>} : memref<16x16xf32, #tpu.memory_space<vmem>>, vector<16xf32>,
        tpu.vector_store %arg9[%swap3A_397, %swap3A_398], %masked_cummax3A {strides = array<i32>} : memref<16x16xf32, #tpu.memory_space<vmem>>, vector<16xf32>,
        %mul3A_400 = arith.constant 4 : i32
        %mul3A_401 = arith.muli %scan3A_130, %mul3A_400 : i32
        %add3A_402 = arith.constant 16 : i32
        %add3A_403 = arith.addi %add3A_402, %mul3A_401 : i32
        %add3A_404 = arith.constant 1 : i32
        %add3A_405 = arith.addi %add3A_403, %add3A_404 : i32
        %get3A_406 = arith.index_cast %add3A_405 : i32 to index
        %get3A_407 = arith.constant 0 : index
        %get3A_408 = tpu.vector_load %arg5[%get3A_406, %get3A_407] {strides = array<i32>} : memref<32x1000xf32, #tpu.memory_space<vmem>>, vector<16xf32>,
        %max3A_409 = arith.maximumf %broadcast_in_dim3A_3, %get3A_408 : vector<16xf32>
        %get3A_410 = arith.index_cast %add3A_405 : i32 to index
        %get3A_411 = arith.constant 16 : index
        %get3A_412 = tpu.vector_load %arg5[%get3A_410, %get3A_411] {strides = array<i32>} : memref<32x1000xf32, #tpu.memory_space<vmem>>, vector<16xf32>,
        %max3A_413 = arith.maximumf %broadcast_in_dim3A_3, %get3A_412 : vector<16xf32>
        %get3A_414 = arith.index_cast %add3A_405 : i32 to index
        %get3A_415 = arith.constant 32 : index
        %get3A_416 = tpu.vector_load %arg5[%get3A_414, %get3A_415] {strides = array<i32>} : memref<32x1000xf32, #tpu.memory_space<vmem>>, vector<16xf32>,
        %max3A_417 = arith.maximumf %broadcast_in_dim3A_3, %get3A_416 : vector<16xf32>
        %get3A_418 = arith.index_cast %add3A_405 : i32 to index
        %get3A_419 = arith.constant 48 : index
        %get3A_420 = tpu.vector_load %arg5[%get3A_418, %get3A_419] {strides = array<i32>} : memref<32x1000xf32, #tpu.memory_space<vmem>>, vector<16xf32>,
        %max3A_421 = arith.maximumf %broadcast_in_dim3A_3, %get3A_420 : vector<16xf32>
        %get3A_422 = arith.index_cast %add3A_405 : i32 to index
        %get3A_423 = arith.constant 64 : index
        %get3A_424 = tpu.vector_load %arg5[%get3A_422, %get3A_423] {strides = array<i32>} : memref<32x1000xf32, #tpu.memory_space<vmem>>, vector<16xf32>,
        %max3A_425 = arith.maximumf %max3A_409, %get3A_424 : vector<16xf32>
        %get3A_426 = arith.index_cast %add3A_405 : i32 to index
        %get3A_427 = arith.constant 80 : index
        %get3A_428 = tpu.vector_load %arg5[%get3A_426, %get3A_427] {strides = array<i32>} : memref<32x1000xf32, #tpu.memory_space<vmem>>, vector<16xf32>,
        %max3A_429 = arith.maximumf %max3A_413, %get3A_428 : vector<16xf32>
        %get3A_430 = arith.index_cast %add3A_405 : i32 to index
        %get3A_431 = arith.constant 96 : index
        %get3A_432 = tpu.vector_load %arg5[%get3A_430, %get3A_431] {strides = array<i32>} : memref<32x1000xf32, #tpu.memory_space<vmem>>, vector<16xf32>,
        %max3A_433 = arith.maximumf %max3A_417, %get3A_432 : vector<16xf32>
        %get3A_434 = arith.index_cast %add3A_405 : i32 to index
        %get3A_435 = arith.constant 112 : index
        %get3A_436 = tpu.vector_load %arg5[%get3A_434, %get3A_435] {strides = array<i32>} : memref<32x1000xf32, #tpu.memory_space<vmem>>, vector<16xf32>,
        %max3A_437 = arith.maximumf %max3A_421, %get3A_436 : vector<16xf32>
        %get3A_438 = arith.index_cast %add3A_405 : i32 to index
        %get3A_439 = arith.constant 128 : index
        %get3A_440 = tpu.vector_load %arg5[%get3A_438, %get3A_439] {strides = array<i32>} : memref<32x1000xf32, #tpu.memory_space<vmem>>, vector<16xf32>,
        %max3A_441 = arith.maximumf %max3A_425, %get3A_440 : vector<16xf32>
        %get3A_442 = arith.index_cast %add3A_405 : i32 to index
        %get3A_443 = arith.constant 144 : index
        %get3A_444 = tpu.vector_load %arg5[%get3A_442, %get3A_443] {strides = array<i32>} : memref<32x1000xf32, #tpu.memory_space<vmem>>, vector<16xf32>,
        %max3A_445 = arith.maximumf %max3A_429, %get3A_444 : vector<16xf32>
        %get3A_446 = arith.index_cast %add3A_405 : i32 to index
        %get3A_447 = arith.constant 160 : index
        %get3A_448 = tpu.vector_load %arg5[%get3A_446, %get3A_447] {strides = array<i32>} : memref<32x1000xf32, #tpu.memory_space<vmem>>, vector<16xf32>,
        %max3A_449 = arith.maximumf %max3A_433, %get3A_448 : vector<16xf32>
        %get3A_450 = arith.index_cast %add3A_405 : i32 to index
        %get3A_451 = arith.constant 176 : index
        %get3A_452 = tpu.vector_load %arg5[%get3A_450, %get3A_451] {strides = array<i32>} : memref<32x1000xf32, #tpu.memory_space<vmem>>, vector<16xf32>,
        %max3A_453 = arith.maximumf %max3A_437, %get3A_452 : vector<16xf32>
        %get3A_454 = arith.index_cast %add3A_405 : i32 to index
        %get3A_455 = arith.constant 192 : index
        %get3A_456 = tpu.vector_load %arg5[%get3A_454, %get3A_455] {strides = array<i32>} : memref<32x1000xf32, #tpu.memory_space<vmem>>, vector<16xf32>,
        %max3A_457 = arith.maximumf %max3A_441, %get3A_456 : vector<16xf32>
        %get3A_458 = arith.index_cast %add3A_405 : i32 to index
        %get3A_459 = arith.constant 208 : index
        %get3A_460 = tpu.vector_load %arg5[%get3A_458, %get3A_459] {strides = array<i32>} : memref<32x1000xf32, #tpu.memory_space<vmem>>, vector<16xf32>,
        %max3A_461 = arith.maximumf %max3A_445, %get3A_460 : vector<16xf32>
        %get3A_462 = arith.index_cast %add3A_405 : i32 to index
        %get3A_463 = arith.constant 224 : index
        %get3A_464 = tpu.vector_load %arg5[%get3A_462, %get3A_463] {strides = array<i32>} : memref<32x1000xf32, #tpu.memory_space<vmem>>, vector<16xf32>,
        %max3A_465 = arith.maximumf %max3A_449, %get3A_464 : vector<16xf32>
        %get3A_466 = arith.index_cast %add3A_405 : i32 to index
        %get3A_467 = arith.constant 240 : index
        %get3A_468 = tpu.vector_load %arg5[%get3A_466, %get3A_467] {strides = array<i32>} : memref<32x1000xf32, #tpu.memory_space<vmem>>, vector<16xf32>,
        %max3A_469 = arith.maximumf %max3A_453, %get3A_468 : vector<16xf32>
        %get3A_470 = arith.index_cast %add3A_405 : i32 to index
        %get3A_471 = arith.constant 256 : index
        %get3A_472 = tpu.vector_load %arg5[%get3A_470, %get3A_471] {strides = array<i32>} : memref<32x1000xf32, #tpu.memory_space<vmem>>, vector<16xf32>,
        %max3A_473 = arith.maximumf %max3A_457, %get3A_472 : vector<16xf32>
        %get3A_474 = arith.index_cast %add3A_405 : i32 to index
        %get3A_475 = arith.constant 272 : index
        %get3A_476 = tpu.vector_load %arg5[%get3A_474, %get3A_475] {strides = array<i32>} : memref<32x1000xf32, #tpu.memory_space<vmem>>, vector<16xf32>,
        %max3A_477 = arith.maximumf %max3A_461, %get3A_476 : vector<16xf32>
        %get3A_478 = arith.index_cast %add3A_405 : i32 to index
        %get3A_479 = arith.constant 288 : index
        %get3A_480 = tpu.vector_load %arg5[%get3A_478, %get3A_479] {strides = array<i32>} : memref<32x1000xf32, #tpu.memory_space<vmem>>, vector<16xf32>,
        %max3A_481 = arith.maximumf %max3A_465, %get3A_480 : vector<16xf32>
        %get3A_482 = arith.index_cast %add3A_405 : i32 to index
        %get3A_483 = arith.constant 304 : index
        %get3A_484 = tpu.vector_load %arg5[%get3A_482, %get3A_483] {strides = array<i32>} : memref<32x1000xf32, #tpu.memory_space<vmem>>, vector<16xf32>,
        %max3A_485 = arith.maximumf %max3A_469, %get3A_484 : vector<16xf32>
        %get3A_486 = arith.index_cast %add3A_405 : i32 to index
        %get3A_487 = arith.constant 320 : index
        %get3A_488 = tpu.vector_load %arg5[%get3A_486, %get3A_487] {strides = array<i32>} : memref<32x1000xf32, #tpu.memory_space<vmem>>, vector<16xf32>,
        %max3A_489 = arith.maximumf %max3A_473, %get3A_488 : vector<16xf32>
        %get3A_490 = arith.index_cast %add3A_405 : i32 to index
        %get3A_491 = arith.constant 336 : index
        %get3A_492 = tpu.vector_load %arg5[%get3A_490, %get3A_491] {strides = array<i32>} : memref<32x1000xf32, #tpu.memory_space<vmem>>, vector<16xf32>,
        %max3A_493 = arith.maximumf %max3A_477, %get3A_492 : vector<16xf32>
        %get3A_494 = arith.index_cast %add3A_405 : i32 to index
        %get3A_495 = arith.constant 352 : index
        %get3A_496 = tpu.vector_load %arg5[%get3A_494, %get3A_495] {strides = array<i32>} : memref<32x1000xf32, #tpu.memory_space<vmem>>, vector<16xf32>,
        %max3A_497 = arith.maximumf %max3A_481, %get3A_496 : vector<16xf32>
        %get3A_498 = arith.index_cast %add3A_405 : i32 to index
        %get3A_499 = arith.constant 368 : index
        %get3A_500 = tpu.vector_load %arg5[%get3A_498, %get3A_499] {strides = array<i32>} : memref<32x1000xf32, #tpu.memory_space<vmem>>, vector<16xf32>,
        %max3A_501 = arith.maximumf %max3A_485, %get3A_500 : vector<16xf32>
        %get3A_502 = arith.index_cast %add3A_405 : i32 to index
        %get3A_503 = arith.constant 384 : index
        %get3A_504 = tpu.vector_load %arg5[%get3A_502, %get3A_503] {strides = array<i32>} : memref<32x1000xf32, #tpu.memory_space<vmem>>, vector<16xf32>,
        %max3A_505 = arith.maximumf %max3A_489, %get3A_504 : vector<16xf32>
        %get3A_506 = arith.index_cast %add3A_405 : i32 to index
        %get3A_507 = arith.constant 400 : index
        %get3A_508 = tpu.vector_load %arg5[%get3A_506, %get3A_507] {strides = array<i32>} : memref<32x1000xf32, #tpu.memory_space<vmem>>, vector<16xf32>,
        %max3A_509 = arith.maximumf %max3A_493, %get3A_508 : vector<16xf32>
        %get3A_510 = arith.index_cast %add3A_405 : i32 to index
        %get3A_511 = arith.constant 416 : index
        %get3A_512 = tpu.vector_load %arg5[%get3A_510, %get3A_511] {strides = array<i32>} : memref<32x1000xf32, #tpu.memory_space<vmem>>, vector<16xf32>,
        %max3A_513 = arith.maximumf %max3A_497, %get3A_512 : vector<16xf32>
        %get3A_514 = arith.index_cast %add3A_405 : i32 to index
        %get3A_515 = arith.constant 432 : index
        %get3A_516 = tpu.vector_load %arg5[%get3A_514, %get3A_515] {strides = array<i32>} : memref<32x1000xf32, #tpu.memory_space<vmem>>, vector<16xf32>,
        %max3A_517 = arith.maximumf %max3A_501, %get3A_516 : vector<16xf32>
        %get3A_518 = arith.index_cast %add3A_405 : i32 to index
        %get3A_519 = arith.constant 448 : index
        %get3A_520 = tpu.vector_load %arg5[%get3A_518, %get3A_519] {strides = array<i32>} : memref<32x1000xf32, #tpu.memory_space<vmem>>, vector<16xf32>,
        %max3A_521 = arith.maximumf %max3A_505, %get3A_520 : vector<16xf32>
        %get3A_522 = arith.index_cast %add3A_405 : i32 to index
        %get3A_523 = arith.constant 464 : index
        %get3A_524 = tpu.vector_load %arg5[%get3A_522, %get3A_523] {strides = array<i32>} : memref<32x1000xf32, #tpu.memory_space<vmem>>, vector<16xf32>,
        %max3A_525 = arith.maximumf %max3A_509, %get3A_524 : vector<16xf32>
        %get3A_526 = arith.index_cast %add3A_405 : i32 to index
        %get3A_527 = arith.constant 480 : index
        %get3A_528 = tpu.vector_load %arg5[%get3A_526, %get3A_527] {strides = array<i32>} : memref<32x1000xf32, #tpu.memory_space<vmem>>, vector<16xf32>,
        %max3A_529 = arith.maximumf %max3A_513, %get3A_528 : vector<16xf32>
        %get3A_530 = arith.index_cast %add3A_405 : i32 to index
        %get3A_531 = arith.constant 496 : index
        %get3A_532 = tpu.vector_load %arg5[%get3A_530, %get3A_531] {strides = array<i32>} : memref<32x1000xf32, #tpu.memory_space<vmem>>, vector<16xf32>,
        %max3A_533 = arith.maximumf %max3A_517, %get3A_532 : vector<16xf32>
        %get3A_534 = arith.index_cast %add3A_405 : i32 to index
        %get3A_535 = arith.constant 512 : index
        %get3A_536 = tpu.vector_load %arg5[%get3A_534, %get3A_535] {strides = array<i32>} : memref<32x1000xf32, #tpu.memory_space<vmem>>, vector<16xf32>,
        %max3A_537 = arith.maximumf %max3A_521, %get3A_536 : vector<16xf32>
        %get3A_538 = arith.index_cast %add3A_405 : i32 to index
        %get3A_539 = arith.constant 528 : index
        %get3A_540 = tpu.vector_load %arg5[%get3A_538, %get3A_539] {strides = array<i32>} : memref<32x1000xf32, #tpu.memory_space<vmem>>, vector<16xf32>,
        %max3A_541 = arith.maximumf %max3A_525, %get3A_540 : vector<16xf32>
        %get3A_542 = arith.index_cast %add3A_405 : i32 to index
        %get3A_543 = arith.constant 544 : index
        %get3A_544 = tpu.vector_load %arg5[%get3A_542, %get3A_543] {strides = array<i32>} : memref<32x1000xf32, #tpu.memory_space<vmem>>, vector<16xf32>,
        %max3A_545 = arith.maximumf %max3A_529, %get3A_544 : vector<16xf32>
        %get3A_546 = arith.index_cast %add3A_405 : i32 to index
        %get3A_547 = arith.constant 560 : index
        %get3A_548 = tpu.vector_load %arg5[%get3A_546, %get3A_547] {strides = array<i32>} : memref<32x1000xf32, #tpu.memory_space<vmem>>, vector<16xf32>,
        %max3A_549 = arith.maximumf %max3A_533, %get3A_548 : vector<16xf32>
        %get3A_550 = arith.index_cast %add3A_405 : i32 to index
        %get3A_551 = arith.constant 576 : index
        %get3A_552 = tpu.vector_load %arg5[%get3A_550, %get3A_551] {strides = array<i32>} : memref<32x1000xf32, #tpu.memory_space<vmem>>, vector<16xf32>,
        %max3A_553 = arith.maximumf %max3A_537, %get3A_552 : vector<16xf32>
        %get3A_554 = arith.index_cast %add3A_405 : i32 to index
        %get3A_555 = arith.constant 592 : index
        %get3A_556 = tpu.vector_load %arg5[%get3A_554, %get3A_555] {strides = array<i32>} : memref<32x1000xf32, #tpu.memory_space<vmem>>, vector<16xf32>,
        %max3A_557 = arith.maximumf %max3A_541, %get3A_556 : vector<16xf32>
        %get3A_558 = arith.index_cast %add3A_405 : i32 to index
        %get3A_559 = arith.constant 608 : index
        %get3A_560 = tpu.vector_load %arg5[%get3A_558, %get3A_559] {strides = array<i32>} : memref<32x1000xf32, #tpu.memory_space<vmem>>, vector<16xf32>,
        %max3A_561 = arith.maximumf %max3A_545, %get3A_560 : vector<16xf32>
        %get3A_562 = arith.index_cast %add3A_405 : i32 to index
        %get3A_563 = arith.constant 624 : index
        %get3A_564 = tpu.vector_load %arg5[%get3A_562, %get3A_563] {strides = array<i32>} : memref<32x1000xf32, #tpu.memory_space<vmem>>, vector<16xf32>,
        %max3A_565 = arith.maximumf %max3A_549, %get3A_564 : vector<16xf32>
        %get3A_566 = arith.index_cast %add3A_405 : i32 to index
        %get3A_567 = arith.constant 640 : index
        %get3A_568 = tpu.vector_load %arg5[%get3A_566, %get3A_567] {strides = array<i32>} : memref<32x1000xf32, #tpu.memory_space<vmem>>, vector<16xf32>,
        %max3A_569 = arith.maximumf %max3A_553, %get3A_568 : vector<16xf32>
        %get3A_570 = arith.index_cast %add3A_405 : i32 to index
        %get3A_571 = arith.constant 656 : index
        %get3A_572 = tpu.vector_load %arg5[%get3A_570, %get3A_571] {strides = array<i32>} : memref<32x1000xf32, #tpu.memory_space<vmem>>, vector<16xf32>,
        %max3A_573 = arith.maximumf %max3A_557, %get3A_572 : vector<16xf32>
        %get3A_574 = arith.index_cast %add3A_405 : i32 to index
        %get3A_575 = arith.constant 672 : index
        %get3A_576 = tpu.vector_load %arg5[%get3A_574, %get3A_575] {strides = array<i32>} : memref<32x1000xf32, #tpu.memory_space<vmem>>, vector<16xf32>,
        %max3A_577 = arith.maximumf %max3A_561, %get3A_576 : vector<16xf32>
        %get3A_578 = arith.index_cast %add3A_405 : i32 to index
        %get3A_579 = arith.constant 688 : index
        %get3A_580 = tpu.vector_load %arg5[%get3A_578, %get3A_579] {strides = array<i32>} : memref<32x1000xf32, #tpu.memory_space<vmem>>, vector<16xf32>,
        %max3A_581 = arith.maximumf %max3A_565, %get3A_580 : vector<16xf32>
        %get3A_582 = arith.index_cast %add3A_405 : i32 to index
        %get3A_583 = arith.constant 704 : index
        %get3A_584 = tpu.vector_load %arg5[%get3A_582, %get3A_583] {strides = array<i32>} : memref<32x1000xf32, #tpu.memory_space<vmem>>, vector<16xf32>,
        %max3A_585 = arith.maximumf %max3A_569, %get3A_584 : vector<16xf32>
        %get3A_586 = arith.index_cast %add3A_405 : i32 to index
        %get3A_587 = arith.constant 720 : index
        %get3A_588 = tpu.vector_load %arg5[%get3A_586, %get3A_587] {strides = array<i32>} : memref<32x1000xf32, #tpu.memory_space<vmem>>, vector<16xf32>,
        %max3A_589 = arith.maximumf %max3A_573, %get3A_588 : vector<16xf32>
        %get3A_590 = arith.index_cast %add3A_405 : i32 to index
        %get3A_591 = arith.constant 736 : index
        %get3A_592 = tpu.vector_load %arg5[%get3A_590, %get3A_591] {strides = array<i32>} : memref<32x1000xf32, #tpu.memory_space<vmem>>, vector<16xf32>,
        %max3A_593 = arith.maximumf %max3A_577, %get3A_592 : vector<16xf32>
        %get3A_594 = arith.index_cast %add3A_405 : i32 to index
        %get3A_595 = arith.constant 752 : index
        %get3A_596 = tpu.vector_load %arg5[%get3A_594, %get3A_595] {strides = array<i32>} : memref<32x1000xf32, #tpu.memory_space<vmem>>, vector<16xf32>,
        %max3A_597 = arith.maximumf %max3A_581, %get3A_596 : vector<16xf32>
        %get3A_598 = arith.index_cast %add3A_405 : i32 to index
        %get3A_599 = arith.constant 768 : index
        %get3A_600 = tpu.vector_load %arg5[%get3A_598, %get3A_599] {strides = array<i32>} : memref<32x1000xf32, #tpu.memory_space<vmem>>, vector<16xf32>,
        %max3A_601 = arith.maximumf %max3A_585, %get3A_600 : vector<16xf32>
        %get3A_602 = arith.index_cast %add3A_405 : i32 to index
        %get3A_603 = arith.constant 784 : index
        %get3A_604 = tpu.vector_load %arg5[%get3A_602, %get3A_603] {strides = array<i32>} : memref<32x1000xf32, #tpu.memory_space<vmem>>, vector<16xf32>,
        %max3A_605 = arith.maximumf %max3A_589, %get3A_604 : vector<16xf32>
        %get3A_606 = arith.index_cast %add3A_405 : i32 to index
        %get3A_607 = arith.constant 800 : index
        %get3A_608 = tpu.vector_load %arg5[%get3A_606, %get3A_607] {strides = array<i32>} : memref<32x1000xf32, #tpu.memory_space<vmem>>, vector<16xf32>,
        %max3A_609 = arith.maximumf %max3A_593, %get3A_608 : vector<16xf32>
        %get3A_610 = arith.index_cast %add3A_405 : i32 to index
        %get3A_611 = arith.constant 816 : index
        %get3A_612 = tpu.vector_load %arg5[%get3A_610, %get3A_611] {strides = array<i32>} : memref<32x1000xf32, #tpu.memory_space<vmem>>, vector<16xf32>,
        %max3A_613 = arith.maximumf %max3A_597, %get3A_612 : vector<16xf32>
        %get3A_614 = arith.index_cast %add3A_405 : i32 to index
        %get3A_615 = arith.constant 832 : index
        %get3A_616 = tpu.vector_load %arg5[%get3A_614, %get3A_615] {strides = array<i32>} : memref<32x1000xf32, #tpu.memory_space<vmem>>, vector<16xf32>,
        %max3A_617 = arith.maximumf %max3A_601, %get3A_616 : vector<16xf32>
        %get3A_618 = arith.index_cast %add3A_405 : i32 to index
        %get3A_619 = arith.constant 848 : index
        %get3A_620 = tpu.vector_load %arg5[%get3A_618, %get3A_619] {strides = array<i32>} : memref<32x1000xf32, #tpu.memory_space<vmem>>, vector<16xf32>,
        %max3A_621 = arith.maximumf %max3A_605, %get3A_620 : vector<16xf32>
        %get3A_622 = arith.index_cast %add3A_405 : i32 to index
        %get3A_623 = arith.constant 864 : index
        %get3A_624 = tpu.vector_load %arg5[%get3A_622, %get3A_623] {strides = array<i32>} : memref<32x1000xf32, #tpu.memory_space<vmem>>, vector<16xf32>,
        %max3A_625 = arith.maximumf %max3A_609, %get3A_624 : vector<16xf32>
        %get3A_626 = arith.index_cast %add3A_405 : i32 to index
        %get3A_627 = arith.constant 880 : index
        %get3A_628 = tpu.vector_load %arg5[%get3A_626, %get3A_627] {strides = array<i32>} : memref<32x1000xf32, #tpu.memory_space<vmem>>, vector<16xf32>,
        %max3A_629 = arith.maximumf %max3A_613, %get3A_628 : vector<16xf32>
        %get3A_630 = arith.index_cast %add3A_405 : i32 to index
        %get3A_631 = arith.constant 896 : index
        %get3A_632 = tpu.vector_load %arg5[%get3A_630, %get3A_631] {strides = array<i32>} : memref<32x1000xf32, #tpu.memory_space<vmem>>, vector<16xf32>,
        %max3A_633 = arith.maximumf %max3A_617, %get3A_632 : vector<16xf32>
        %get3A_634 = arith.index_cast %add3A_405 : i32 to index
        %get3A_635 = arith.constant 912 : index
        %get3A_636 = tpu.vector_load %arg5[%get3A_634, %get3A_635] {strides = array<i32>} : memref<32x1000xf32, #tpu.memory_space<vmem>>, vector<16xf32>,
        %max3A_637 = arith.maximumf %max3A_621, %get3A_636 : vector<16xf32>
        %get3A_638 = arith.index_cast %add3A_405 : i32 to index
        %get3A_639 = arith.constant 928 : index
        %get3A_640 = tpu.vector_load %arg5[%get3A_638, %get3A_639] {strides = array<i32>} : memref<32x1000xf32, #tpu.memory_space<vmem>>, vector<16xf32>,
        %max3A_641 = arith.maximumf %max3A_625, %get3A_640 : vector<16xf32>
        %get3A_642 = arith.index_cast %add3A_405 : i32 to index
        %get3A_643 = arith.constant 944 : index
        %get3A_644 = tpu.vector_load %arg5[%get3A_642, %get3A_643] {strides = array<i32>} : memref<32x1000xf32, #tpu.memory_space<vmem>>, vector<16xf32>,
        %max3A_645 = arith.maximumf %max3A_629, %get3A_644 : vector<16xf32>
        %get3A_646 = arith.index_cast %add3A_405 : i32 to index
        %get3A_647 = arith.constant 960 : index
        %get3A_648 = tpu.vector_load %arg5[%get3A_646, %get3A_647] {strides = array<i32>} : memref<32x1000xf32, #tpu.memory_space<vmem>>, vector<16xf32>,
        %max3A_649 = arith.maximumf %max3A_633, %get3A_648 : vector<16xf32>
        %get3A_650 = arith.index_cast %add3A_405 : i32 to index
        %get3A_651 = arith.constant 976 : index
        %get3A_652 = tpu.vector_load %arg5[%get3A_650, %get3A_651] {strides = array<i32>} : memref<32x1000xf32, #tpu.memory_space<vmem>>, vector<16xf32>,
        %max3A_653 = arith.maximumf %max3A_637, %get3A_652 : vector<16xf32>
        %get3A_654 = arith.index_cast %add3A_405 : i32 to index
        %get3A_655 = arith.constant 984 : index
        %get3A_656 = tpu.vector_load %arg5[%get3A_654, %get3A_655] {strides = array<i32>} : memref<32x1000xf32, #tpu.memory_space<vmem>>, vector<16xf32>,
        %max3A_657 = arith.maximumf %max3A_641, %get3A_656 : vector<16xf32>
        %max3A_658 = arith.maximumf %max3A_649, %max3A_653 : vector<16xf32>
        %max3A_659 = arith.maximumf %max3A_657, %max3A_645 : vector<16xf32>
        %max3A_660 = arith.maximumf %max3A_658, %max3A_659 : vector<16xf32>
        %broadcast_in_dim3A_661 = arith.constant true
        %broadcast_in_dim3A_662 = vector.broadcast %broadcast_in_dim3A_661 : i1 to vector<16xi1>
        %masked_cummax3A_663 = tpu.scan <max>, %max3A_660 masked %broadcast_in_dim3A_662 : vector<16xf32>, vector<16xi1> -> vector<16xf32>
        %mul3A_664 = arith.constant 4 : i32
        %mul3A_665 = arith.muli %scan3A_130, %mul3A_664 : i32
        %add3A_666 = arith.constant 1 : i32
        %add3A_667 = arith.addi %mul3A_665, %add3A_666 : i32
        %swap3A_668 = arith.index_cast %add3A_667 : i32 to index
        %swap3A_669 = arith.constant 0 : index
        %swap3A_670 = tpu.vector_load %arg9[%swap3A_668, %swap3A_669] {strides = array<i32>} : memref<16x16xf32, #tpu.memory_space<vmem>>, vector<16xf32>,
        tpu.vector_store %arg9[%swap3A_668, %swap3A_669], %masked_cummax3A_663 {strides = array<i32>} : memref<16x16xf32, #tpu.memory_space<vmem>>, vector<16xf32>,
        %mul3A_671 = arith.constant 4 : i32
        %mul3A_672 = arith.muli %scan3A_130, %mul3A_671 : i32
        %add3A_673 = arith.constant 16 : i32
        %add3A_674 = arith.addi %add3A_673, %mul3A_672 : i32
        %add3A_675 = arith.constant 2 : i32
        %add3A_676 = arith.addi %add3A_674, %add3A_675 : i32
        %get3A_677 = arith.index_cast %add3A_676 : i32 to index
        %get3A_678 = arith.constant 0 : index
        %get3A_679 = tpu.vector_load %arg5[%get3A_677, %get3A_678] {strides = array<i32>} : memref<32x1000xf32, #tpu.memory_space<vmem>>, vector<16xf32>,
        %max3A_680 = arith.maximumf %broadcast_in_dim3A_3, %get3A_679 : vector<16xf32>
        %get3A_681 = arith.index_cast %add3A_676 : i32 to index
        %get3A_682 = arith.constant 16 : index
        %get3A_683 = tpu.vector_load %arg5[%get3A_681, %get3A_682] {strides = array<i32>} : memref<32x1000xf32, #tpu.memory_space<vmem>>, vector<16xf32>,
        %max3A_684 = arith.maximumf %broadcast_in_dim3A_3, %get3A_683 : vector<16xf32>
        %get3A_685 = arith.index_cast %add3A_676 : i32 to index
        %get3A_686 = arith.constant 32 : index
        %get3A_687 = tpu.vector_load %arg5[%get3A_685, %get3A_686] {strides = array<i32>} : memref<32x1000xf32, #tpu.memory_space<vmem>>, vector<16xf32>,
        %max3A_688 = arith.maximumf %broadcast_in_dim3A_3, %get3A_687 : vector<16xf32>
        %get3A_689 = arith.index_cast %add3A_676 : i32 to index
        %get3A_690 = arith.constant 48 : index
        %get3A_691 = tpu.vector_load %arg5[%get3A_689, %get3A_690] {strides = array<i32>} : memref<32x1000xf32, #tpu.memory_space<vmem>>, vector<16xf32>,
        %max3A_692 = arith.maximumf %broadcast_in_dim3A_3, %get3A_691 : vector<16xf32>
        %get3A_693 = arith.index_cast %add3A_676 : i32 to index
        %get3A_694 = arith.constant 64 : index
        %get3A_695 = tpu.vector_load %arg5[%get3A_693, %get3A_694] {strides = array<i32>} : memref<32x1000xf32, #tpu.memory_space<vmem>>, vector<16xf32>,
        %max3A_696 = arith.maximumf %max3A_680, %get3A_695 : vector<16xf32>
        %get3A_697 = arith.index_cast %add3A_676 : i32 to index
        %get3A_698 = arith.constant 80 : index
        %get3A_699 = tpu.vector_load %arg5[%get3A_697, %get3A_698] {strides = array<i32>} : memref<32x1000xf32, #tpu.memory_space<vmem>>, vector<16xf32>,
        %max3A_700 = arith.maximumf %max3A_684, %get3A_699 : vector<16xf32>
        %get3A_701 = arith.index_cast %add3A_676 : i32 to index
        %get3A_702 = arith.constant 96 : index
        %get3A_703 = tpu.vector_load %arg5[%get3A_701, %get3A_702] {strides = array<i32>} : memref<32x1000xf32, #tpu.memory_space<vmem>>, vector<16xf32>,
        %max3A_704 = arith.maximumf %max3A_688, %get3A_703 : vector<16xf32>
        %get3A_705 = arith.index_cast %add3A_676 : i32 to index
        %get3A_706 = arith.constant 112 : index
        %get3A_707 = tpu.vector_load %arg5[%get3A_705, %get3A_706] {strides = array<i32>} : memref<32x1000xf32, #tpu.memory_space<vmem>>, vector<16xf32>,
        %max3A_708 = arith.maximumf %max3A_692, %get3A_707 : vector<16xf32>
        %get3A_709 = arith.index_cast %add3A_676 : i32 to index
        %get3A_710 = arith.constant 128 : index
        %get3A_711 = tpu.vector_load %arg5[%get3A_709, %get3A_710] {strides = array<i32>} : memref<32x1000xf32, #tpu.memory_space<vmem>>, vector<16xf32>,
        %max3A_712 = arith.maximumf %max3A_696, %get3A_711 : vector<16xf32>
        %get3A_713 = arith.index_cast %add3A_676 : i32 to index
        %get3A_714 = arith.constant 144 : index
        %get3A_715 = tpu.vector_load %arg5[%get3A_713, %get3A_714] {strides = array<i32>} : memref<32x1000xf32, #tpu.memory_space<vmem>>, vector<16xf32>,
        %max3A_716 = arith.maximumf %max3A_700, %get3A_715 : vector<16xf32>
        %get3A_717 = arith.index_cast %add3A_676 : i32 to index
        %get3A_718 = arith.constant 160 : index
        %get3A_719 = tpu.vector_load %arg5[%get3A_717, %get3A_718] {strides = array<i32>} : memref<32x1000xf32, #tpu.memory_space<vmem>>, vector<16xf32>,
        %max3A_720 = arith.maximumf %max3A_704, %get3A_719 : vector<16xf32>
        %get3A_721 = arith.index_cast %add3A_676 : i32 to index
        %get3A_722 = arith.constant 176 : index
        %get3A_723 = tpu.vector_load %arg5[%get3A_721, %get3A_722] {strides = array<i32>} : memref<32x1000xf32, #tpu.memory_space<vmem>>, vector<16xf32>,
        %max3A_724 = arith.maximumf %max3A_708, %get3A_723 : vector<16xf32>
        %get3A_725 = arith.index_cast %add3A_676 : i32 to index
        %get3A_726 = arith.constant 192 : index
        %get3A_727 = tpu.vector_load %arg5[%get3A_725, %get3A_726] {strides = array<i32>} : memref<32x1000xf32, #tpu.memory_space<vmem>>, vector<16xf32>,
        %max3A_728 = arith.maximumf %max3A_712, %get3A_727 : vector<16xf32>
        %get3A_729 = arith.index_cast %add3A_676 : i32 to index
        %get3A_730 = arith.constant 208 : index
        %get3A_731 = tpu.vector_load %arg5[%get3A_729, %get3A_730] {strides = array<i32>} : memref<32x1000xf32, #tpu.memory_space<vmem>>, vector<16xf32>,
        %max3A_732 = arith.maximumf %max3A_716, %get3A_731 : vector<16xf32>
        %get3A_733 = arith.index_cast %add3A_676 : i32 to index
        %get3A_734 = arith.constant 224 : index
        %get3A_735 = tpu.vector_load %arg5[%get3A_733, %get3A_734] {strides = array<i32>} : memref<32x1000xf32, #tpu.memory_space<vmem>>, vector<16xf32>,
        %max3A_736 = arith.maximumf %max3A_720, %get3A_735 : vector<16xf32>
        %get3A_737 = arith.index_cast %add3A_676 : i32 to index
        %get3A_738 = arith.constant 240 : index
        %get3A_739 = tpu.vector_load %arg5[%get3A_737, %get3A_738] {strides = array<i32>} : memref<32x1000xf32, #tpu.memory_space<vmem>>, vector<16xf32>,
        %max3A_740 = arith.maximumf %max3A_724, %get3A_739 : vector<16xf32>
        %get3A_741 = arith.index_cast %add3A_676 : i32 to index
        %get3A_742 = arith.constant 256 : index
        %get3A_743 = tpu.vector_load %arg5[%get3A_741, %get3A_742] {strides = array<i32>} : memref<32x1000xf32, #tpu.memory_space<vmem>>, vector<16xf32>,
        %max3A_744 = arith.maximumf %max3A_728, %get3A_743 : vector<16xf32>
        %get3A_745 = arith.index_cast %add3A_676 : i32 to index
        %get3A_746 = arith.constant 272 : index
        %get3A_747 = tpu.vector_load %arg5[%get3A_745, %get3A_746] {strides = array<i32>} : memref<32x1000xf32, #tpu.memory_space<vmem>>, vector<16xf32>,
        %max3A_748 = arith.maximumf %max3A_732, %get3A_747 : vector<16xf32>
        %get3A_749 = arith.index_cast %add3A_676 : i32 to index
        %get3A_750 = arith.constant 288 : index
        %get3A_751 = tpu.vector_load %arg5[%get3A_749, %get3A_750] {strides = array<i32>} : memref<32x1000xf32, #tpu.memory_space<vmem>>, vector<16xf32>,
        %max3A_752 = arith.maximumf %max3A_736, %get3A_751 : vector<16xf32>
        %get3A_753 = arith.index_cast %add3A_676 : i32 to index
        %get3A_754 = arith.constant 304 : index
        %get3A_755 = tpu.vector_load %arg5[%get3A_753, %get3A_754] {strides = array<i32>} : memref<32x1000xf32, #tpu.memory_space<vmem>>, vector<16xf32>,
        %max3A_756 = arith.maximumf %max3A_740, %get3A_755 : vector<16xf32>
        %get3A_757 = arith.index_cast %add3A_676 : i32 to index
        %get3A_758 = arith.constant 320 : index
        %get3A_759 = tpu.vector_load %arg5[%get3A_757, %get3A_758] {strides = array<i32>} : memref<32x1000xf32, #tpu.memory_space<vmem>>, vector<16xf32>,
        %max3A_760 = arith.maximumf %max3A_744, %get3A_759 : vector<16xf32>
        %get3A_761 = arith.index_cast %add3A_676 : i32 to index
        %get3A_762 = arith.constant 336 : index
        %get3A_763 = tpu.vector_load %arg5[%get3A_761, %get3A_762] {strides = array<i32>} : memref<32x1000xf32, #tpu.memory_space<vmem>>, vector<16xf32>,
        %max3A_764 = arith.maximumf %max3A_748, %get3A_763 : vector<16xf32>
        %get3A_765 = arith.index_cast %add3A_676 : i32 to index
        %get3A_766 = arith.constant 352 : index
        %get3A_767 = tpu.vector_load %arg5[%get3A_765, %get3A_766] {strides = array<i32>} : memref<32x1000xf32, #tpu.memory_space<vmem>>, vector<16xf32>,
        %max3A_768 = arith.maximumf %max3A_752, %get3A_767 : vector<16xf32>
        %get3A_769 = arith.index_cast %add3A_676 : i32 to index
        %get3A_770 = arith.constant 368 : index
        %get3A_771 = tpu.vector_load %arg5[%get3A_769, %get3A_770] {strides = array<i32>} : memref<32x1000xf32, #tpu.memory_space<vmem>>, vector<16xf32>,
        %max3A_772 = arith.maximumf %max3A_756, %get3A_771 : vector<16xf32>
        %get3A_773 = arith.index_cast %add3A_676 : i32 to index
        %get3A_774 = arith.constant 384 : index
        %get3A_775 = tpu.vector_load %arg5[%get3A_773, %get3A_774] {strides = array<i32>} : memref<32x1000xf32, #tpu.memory_space<vmem>>, vector<16xf32>,
        %max3A_776 = arith.maximumf %max3A_760, %get3A_775 : vector<16xf32>
        %get3A_777 = arith.index_cast %add3A_676 : i32 to index
        %get3A_778 = arith.constant 400 : index
        %get3A_779 = tpu.vector_load %arg5[%get3A_777, %get3A_778] {strides = array<i32>} : memref<32x1000xf32, #tpu.memory_space<vmem>>, vector<16xf32>,
        %max3A_780 = arith.maximumf %max3A_764, %get3A_779 : vector<16xf32>
        %get3A_781 = arith.index_cast %add3A_676 : i32 to index
        %get3A_782 = arith.constant 416 : index
        %get3A_783 = tpu.vector_load %arg5[%get3A_781, %get3A_782] {strides = array<i32>} : memref<32x1000xf32, #tpu.memory_space<vmem>>, vector<16xf32>,
        %max3A_784 = arith.maximumf %max3A_768, %get3A_783 : vector<16xf32>
        %get3A_785 = arith.index_cast %add3A_676 : i32 to index
        %get3A_786 = arith.constant 432 : index
        %get3A_787 = tpu.vector_load %arg5[%get3A_785, %get3A_786] {strides = array<i32>} : memref<32x1000xf32, #tpu.memory_space<vmem>>, vector<16xf32>,
        %max3A_788 = arith.maximumf %max3A_772, %get3A_787 : vector<16xf32>
        %get3A_789 = arith.index_cast %add3A_676 : i32 to index
        %get3A_790 = arith.constant 448 : index
        %get3A_791 = tpu.vector_load %arg5[%get3A_789, %get3A_790] {strides = array<i32>} : memref<32x1000xf32, #tpu.memory_space<vmem>>, vector<16xf32>,
        %max3A_792 = arith.maximumf %max3A_776, %get3A_791 : vector<16xf32>
        %get3A_793 = arith.index_cast %add3A_676 : i32 to index
        %get3A_794 = arith.constant 464 : index
        %get3A_795 = tpu.vector_load %arg5[%get3A_793, %get3A_794] {strides = array<i32>} : memref<32x1000xf32, #tpu.memory_space<vmem>>, vector<16xf32>,
        %max3A_796 = arith.maximumf %max3A_780, %get3A_795 : vector<16xf32>
        %get3A_797 = arith.index_cast %add3A_676 : i32 to index
        %get3A_798 = arith.constant 480 : index
        %get3A_799 = tpu.vector_load %arg5[%get3A_797, %get3A_798] {strides = array<i32>} : memref<32x1000xf32, #tpu.memory_space<vmem>>, vector<16xf32>,
        %max3A_800 = arith.maximumf %max3A_784, %get3A_799 : vector<16xf32>
        %get3A_801 = arith.index_cast %add3A_676 : i32 to index
        %get3A_802 = arith.constant 496 : index
        %get3A_803 = tpu.vector_load %arg5[%get3A_801, %get3A_802] {strides = array<i32>} : memref<32x1000xf32, #tpu.memory_space<vmem>>, vector<16xf32>,
        %max3A_804 = arith.maximumf %max3A_788, %get3A_803 : vector<16xf32>
        %get3A_805 = arith.index_cast %add3A_676 : i32 to index
        %get3A_806 = arith.constant 512 : index
        %get3A_807 = tpu.vector_load %arg5[%get3A_805, %get3A_806] {strides = array<i32>} : memref<32x1000xf32, #tpu.memory_space<vmem>>, vector<16xf32>,
        %max3A_808 = arith.maximumf %max3A_792, %get3A_807 : vector<16xf32>
        %get3A_809 = arith.index_cast %add3A_676 : i32 to index
        %get3A_810 = arith.constant 528 : index
        %get3A_811 = tpu.vector_load %arg5[%get3A_809, %get3A_810] {strides = array<i32>} : memref<32x1000xf32, #tpu.memory_space<vmem>>, vector<16xf32>,
        %max3A_812 = arith.maximumf %max3A_796, %get3A_811 : vector<16xf32>
        %get3A_813 = arith.index_cast %add3A_676 : i32 to index
        %get3A_814 = arith.constant 544 : index
        %get3A_815 = tpu.vector_load %arg5[%get3A_813, %get3A_814] {strides = array<i32>} : memref<32x1000xf32, #tpu.memory_space<vmem>>, vector<16xf32>,
        %max3A_816 = arith.maximumf %max3A_800, %get3A_815 : vector<16xf32>
        %get3A_817 = arith.index_cast %add3A_676 : i32 to index
        %get3A_818 = arith.constant 560 : index
        %get3A_819 = tpu.vector_load %arg5[%get3A_817, %get3A_818] {strides = array<i32>} : memref<32x1000xf32, #tpu.memory_space<vmem>>, vector<16xf32>,
        %max3A_820 = arith.maximumf %max3A_804, %get3A_819 : vector<16xf32>
        %get3A_821 = arith.index_cast %add3A_676 : i32 to index
        %get3A_822 = arith.constant 576 : index
        %get3A_823 = tpu.vector_load %arg5[%get3A_821, %get3A_822] {strides = array<i32>} : memref<32x1000xf32, #tpu.memory_space<vmem>>, vector<16xf32>,
        %max3A_824 = arith.maximumf %max3A_808, %get3A_823 : vector<16xf32>
        %get3A_825 = arith.index_cast %add3A_676 : i32 to index
        %get3A_826 = arith.constant 592 : index
        %get3A_827 = tpu.vector_load %arg5[%get3A_825, %get3A_826] {strides = array<i32>} : memref<32x1000xf32, #tpu.memory_space<vmem>>, vector<16xf32>,
        %max3A_828 = arith.maximumf %max3A_812, %get3A_827 : vector<16xf32>
        %get3A_829 = arith.index_cast %add3A_676 : i32 to index
        %get3A_830 = arith.constant 608 : index
        %get3A_831 = tpu.vector_load %arg5[%get3A_829, %get3A_830] {strides = array<i32>} : memref<32x1000xf32, #tpu.memory_space<vmem>>, vector<16xf32>,
        %max3A_832 = arith.maximumf %max3A_816, %get3A_831 : vector<16xf32>
        %get3A_833 = arith.index_cast %add3A_676 : i32 to index
        %get3A_834 = arith.constant 624 : index
        %get3A_835 = tpu.vector_load %arg5[%get3A_833, %get3A_834] {strides = array<i32>} : memref<32x1000xf32, #tpu.memory_space<vmem>>, vector<16xf32>,
        %max3A_836 = arith.maximumf %max3A_820, %get3A_835 : vector<16xf32>
        %get3A_837 = arith.index_cast %add3A_676 : i32 to index
        %get3A_838 = arith.constant 640 : index
        %get3A_839 = tpu.vector_load %arg5[%get3A_837, %get3A_838] {strides = array<i32>} : memref<32x1000xf32, #tpu.memory_space<vmem>>, vector<16xf32>,
        %max3A_840 = arith.maximumf %max3A_824, %get3A_839 : vector<16xf32>
        %get3A_841 = arith.index_cast %add3A_676 : i32 to index
        %get3A_842 = arith.constant 656 : index
        %get3A_843 = tpu.vector_load %arg5[%get3A_841, %get3A_842] {strides = array<i32>} : memref<32x1000xf32, #tpu.memory_space<vmem>>, vector<16xf32>,
        %max3A_844 = arith.maximumf %max3A_828, %get3A_843 : vector<16xf32>
        %get3A_845 = arith.index_cast %add3A_676 : i32 to index
        %get3A_846 = arith.constant 672 : index
        %get3A_847 = tpu.vector_load %arg5[%get3A_845, %get3A_846] {strides = array<i32>} : memref<32x1000xf32, #tpu.memory_space<vmem>>, vector<16xf32>,
        %max3A_848 = arith.maximumf %max3A_832, %get3A_847 : vector<16xf32>
        %get3A_849 = arith.index_cast %add3A_676 : i32 to index
        %get3A_850 = arith.constant 688 : index
        %get3A_851 = tpu.vector_load %arg5[%get3A_849, %get3A_850] {strides = array<i32>} : memref<32x1000xf32, #tpu.memory_space<vmem>>, vector<16xf32>,
        %max3A_852 = arith.maximumf %max3A_836, %get3A_851 : vector<16xf32>
        %get3A_853 = arith.index_cast %add3A_676 : i32 to index
        %get3A_854 = arith.constant 704 : index
        %get3A_855 = tpu.vector_load %arg5[%get3A_853, %get3A_854] {strides = array<i32>} : memref<32x1000xf32, #tpu.memory_space<vmem>>, vector<16xf32>,
        %max3A_856 = arith.maximumf %max3A_840, %get3A_855 : vector<16xf32>
        %get3A_857 = arith.index_cast %add3A_676 : i32 to index
        %get3A_858 = arith.constant 720 : index
        %get3A_859 = tpu.vector_load %arg5[%get3A_857, %get3A_858] {strides = array<i32>} : memref<32x1000xf32, #tpu.memory_space<vmem>>, vector<16xf32>,
        %max3A_860 = arith.maximumf %max3A_844, %get3A_859 : vector<16xf32>
        %get3A_861 = arith.index_cast %add3A_676 : i32 to index
        %get3A_862 = arith.constant 736 : index
        %get3A_863 = tpu.vector_load %arg5[%get3A_861, %get3A_862] {strides = array<i32>} : memref<32x1000xf32, #tpu.memory_space<vmem>>, vector<16xf32>,
        %max3A_864 = arith.maximumf %max3A_848, %get3A_863 : vector<16xf32>
        %get3A_865 = arith.index_cast %add3A_676 : i32 to index
        %get3A_866 = arith.constant 752 : index
        %get3A_867 = tpu.vector_load %arg5[%get3A_865, %get3A_866] {strides = array<i32>} : memref<32x1000xf32, #tpu.memory_space<vmem>>, vector<16xf32>,
        %max3A_868 = arith.maximumf %max3A_852, %get3A_867 : vector<16xf32>
        %get3A_869 = arith.index_cast %add3A_676 : i32 to index
        %get3A_870 = arith.constant 768 : index
        %get3A_871 = tpu.vector_load %arg5[%get3A_869, %get3A_870] {strides = array<i32>} : memref<32x1000xf32, #tpu.memory_space<vmem>>, vector<16xf32>,
        %max3A_872 = arith.maximumf %max3A_856, %get3A_871 : vector<16xf32>
        %get3A_873 = arith.index_cast %add3A_676 : i32 to index
        %get3A_874 = arith.constant 784 : index
        %get3A_875 = tpu.vector_load %arg5[%get3A_873, %get3A_874] {strides = array<i32>} : memref<32x1000xf32, #tpu.memory_space<vmem>>, vector<16xf32>,
        %max3A_876 = arith.maximumf %max3A_860, %get3A_875 : vector<16xf32>
        %get3A_877 = arith.index_cast %add3A_676 : i32 to index
        %get3A_878 = arith.constant 800 : index
        %get3A_879 = tpu.vector_load %arg5[%get3A_877, %get3A_878] {strides = array<i32>} : memref<32x1000xf32, #tpu.memory_space<vmem>>, vector<16xf32>,
        %max3A_880 = arith.maximumf %max3A_864, %get3A_879 : vector<16xf32>
        %get3A_881 = arith.index_cast %add3A_676 : i32 to index
        %get3A_882 = arith.constant 816 : index
        %get3A_883 = tpu.vector_load %arg5[%get3A_881, %get3A_882] {strides = array<i32>} : memref<32x1000xf32, #tpu.memory_space<vmem>>, vector<16xf32>,
        %max3A_884 = arith.maximumf %max3A_868, %get3A_883 : vector<16xf32>
        %get3A_885 = arith.index_cast %add3A_676 : i32 to index
        %get3A_886 = arith.constant 832 : index
        %get3A_887 = tpu.vector_load %arg5[%get3A_885, %get3A_886] {strides = array<i32>} : memref<32x1000xf32, #tpu.memory_space<vmem>>, vector<16xf32>,
        %max3A_888 = arith.maximumf %max3A_872, %get3A_887 : vector<16xf32>
        %get3A_889 = arith.index_cast %add3A_676 : i32 to index
        %get3A_890 = arith.constant 848 : index
        %get3A_891 = tpu.vector_load %arg5[%get3A_889, %get3A_890] {strides = array<i32>} : memref<32x1000xf32, #tpu.memory_space<vmem>>, vector<16xf32>,
        %max3A_892 = arith.maximumf %max3A_876, %get3A_891 : vector<16xf32>
        %get3A_893 = arith.index_cast %add3A_676 : i32 to index
        %get3A_894 = arith.constant 864 : index
        %get3A_895 = tpu.vector_load %arg5[%get3A_893, %get3A_894] {strides = array<i32>} : memref<32x1000xf32, #tpu.memory_space<vmem>>, vector<16xf32>,
        %max3A_896 = arith.maximumf %max3A_880, %get3A_895 : vector<16xf32>
        %get3A_897 = arith.index_cast %add3A_676 : i32 to index
        %get3A_898 = arith.constant 880 : index
        %get3A_899 = tpu.vector_load %arg5[%get3A_897, %get3A_898] {strides = array<i32>} : memref<32x1000xf32, #tpu.memory_space<vmem>>, vector<16xf32>,
        %max3A_900 = arith.maximumf %max3A_884, %get3A_899 : vector<16xf32>
        %get3A_901 = arith.index_cast %add3A_676 : i32 to index
        %get3A_902 = arith.constant 896 : index
        %get3A_903 = tpu.vector_load %arg5[%get3A_901, %get3A_902] {strides = array<i32>} : memref<32x1000xf32, #tpu.memory_space<vmem>>, vector<16xf32>,
        %max3A_904 = arith.maximumf %max3A_888, %get3A_903 : vector<16xf32>
        %get3A_905 = arith.index_cast %add3A_676 : i32 to index
        %get3A_906 = arith.constant 912 : index
        %get3A_907 = tpu.vector_load %arg5[%get3A_905, %get3A_906] {strides = array<i32>} : memref<32x1000xf32, #tpu.memory_space<vmem>>, vector<16xf32>,
        %max3A_908 = arith.maximumf %max3A_892, %get3A_907 : vector<16xf32>
        %get3A_909 = arith.index_cast %add3A_676 : i32 to index
        %get3A_910 = arith.constant 928 : index
        %get3A_911 = tpu.vector_load %arg5[%get3A_909, %get3A_910] {strides = array<i32>} : memref<32x1000xf32, #tpu.memory_space<vmem>>, vector<16xf32>,
        %max3A_912 = arith.maximumf %max3A_896, %get3A_911 : vector<16xf32>
        %get3A_913 = arith.index_cast %add3A_676 : i32 to index
        %get3A_914 = arith.constant 944 : index
        %get3A_915 = tpu.vector_load %arg5[%get3A_913, %get3A_914] {strides = array<i32>} : memref<32x1000xf32, #tpu.memory_space<vmem>>, vector<16xf32>,
        %max3A_916 = arith.maximumf %max3A_900, %get3A_915 : vector<16xf32>
        %get3A_917 = arith.index_cast %add3A_676 : i32 to index
        %get3A_918 = arith.constant 960 : index
        %get3A_919 = tpu.vector_load %arg5[%get3A_917, %get3A_918] {strides = array<i32>} : memref<32x1000xf32, #tpu.memory_space<vmem>>, vector<16xf32>,
        %max3A_920 = arith.maximumf %max3A_904, %get3A_919 : vector<16xf32>
        %get3A_921 = arith.index_cast %add3A_676 : i32 to index
        %get3A_922 = arith.constant 976 : index
        %get3A_923 = tpu.vector_load %arg5[%get3A_921, %get3A_922] {strides = array<i32>} : memref<32x1000xf32, #tpu.memory_space<vmem>>, vector<16xf32>,
        %max3A_924 = arith.maximumf %max3A_908, %get3A_923 : vector<16xf32>
        %get3A_925 = arith.index_cast %add3A_676 : i32 to index
        %get3A_926 = arith.constant 984 : index
        %get3A_927 = tpu.vector_load %arg5[%get3A_925, %get3A_926] {strides = array<i32>} : memref<32x1000xf32, #tpu.memory_space<vmem>>, vector<16xf32>,
        %max3A_928 = arith.maximumf %max3A_912, %get3A_927 : vector<16xf32>
        %max3A_929 = arith.maximumf %max3A_920, %max3A_924 : vector<16xf32>
        %max3A_930 = arith.maximumf %max3A_928, %max3A_916 : vector<16xf32>
        %max3A_931 = arith.maximumf %max3A_929, %max3A_930 : vector<16xf32>
        %broadcast_in_dim3A_932 = arith.constant true
        %broadcast_in_dim3A_933 = vector.broadcast %broadcast_in_dim3A_932 : i1 to vector<16xi1>
        %masked_cummax3A_934 = tpu.scan <max>, %max3A_931 masked %broadcast_in_dim3A_933 : vector<16xf32>, vector<16xi1> -> vector<16xf32>
        %mul3A_935 = arith.constant 4 : i32
        %mul3A_936 = arith.muli %scan3A_130, %mul3A_935 : i32
        %add3A_937 = arith.constant 2 : i32
        %add3A_938 = arith.addi %mul3A_936, %add3A_937 : i32
        %swap3A_939 = arith.index_cast %add3A_938 : i32 to index
        %swap3A_940 = arith.constant 0 : index
        %swap3A_941 = tpu.vector_load %arg9[%swap3A_939, %swap3A_940] {strides = array<i32>} : memref<16x16xf32, #tpu.memory_space<vmem>>, vector<16xf32>,
        tpu.vector_store %arg9[%swap3A_939, %swap3A_940], %masked_cummax3A_934 {strides = array<i32>} : memref<16x16xf32, #tpu.memory_space<vmem>>, vector<16xf32>,
        %mul3A_942 = arith.constant 4 : i32
        %mul3A_943 = arith.muli %scan3A_130, %mul3A_942 : i32
        %add3A_944 = arith.constant 16 : i32
        %add3A_945 = arith.addi %add3A_944, %mul3A_943 : i32
        %add3A_946 = arith.constant 3 : i32
        %add3A_947 = arith.addi %add3A_945, %add3A_946 : i32
        %get3A_948 = arith.index_cast %add3A_947 : i32 to index
        %get3A_949 = arith.constant 0 : index
        %get3A_950 = tpu.vector_load %arg5[%get3A_948, %get3A_949] {strides = array<i32>} : memref<32x1000xf32, #tpu.memory_space<vmem>>, vector<16xf32>,
        %max3A_951 = arith.maximumf %broadcast_in_dim3A_3, %get3A_950 : vector<16xf32>
        %get3A_952 = arith.index_cast %add3A_947 : i32 to index
        %get3A_953 = arith.constant 16 : index
        %get3A_954 = tpu.vector_load %arg5[%get3A_952, %get3A_953] {strides = array<i32>} : memref<32x1000xf32, #tpu.memory_space<vmem>>, vector<16xf32>,
        %max3A_955 = arith.maximumf %broadcast_in_dim3A_3, %get3A_954 : vector<16xf32>
        %get3A_956 = arith.index_cast %add3A_947 : i32 to index
        %get3A_957 = arith.constant 32 : index
        %get3A_958 = tpu.vector_load %arg5[%get3A_956, %get3A_957] {strides = array<i32>} : memref<32x1000xf32, #tpu.memory_space<vmem>>, vector<16xf32>,
        %max3A_959 = arith.maximumf %broadcast_in_dim3A_3, %get3A_958 : vector<16xf32>
        %get3A_960 = arith.index_cast %add3A_947 : i32 to index
        %get3A_961 = arith.constant 48 : index
        %get3A_962 = tpu.vector_load %arg5[%get3A_960, %get3A_961] {strides = array<i32>} : memref<32x1000xf32, #tpu.memory_space<vmem>>, vector<16xf32>,
        %max3A_963 = arith.maximumf %broadcast_in_dim3A_3, %get3A_962 : vector<16xf32>
        %get3A_964 = arith.index_cast %add3A_947 : i32 to index
        %get3A_965 = arith.constant 64 : index
        %get3A_966 = tpu.vector_load %arg5[%get3A_964, %get3A_965] {strides = array<i32>} : memref<32x1000xf32, #tpu.memory_space<vmem>>, vector<16xf32>,
        %max3A_967 = arith.maximumf %max3A_951, %get3A_966 : vector<16xf32>
        %get3A_968 = arith.index_cast %add3A_947 : i32 to index
        %get3A_969 = arith.constant 80 : index
        %get3A_970 = tpu.vector_load %arg5[%get3A_968, %get3A_969] {strides = array<i32>} : memref<32x1000xf32, #tpu.memory_space<vmem>>, vector<16xf32>,
        %max3A_971 = arith.maximumf %max3A_955, %get3A_970 : vector<16xf32>
        %get3A_972 = arith.index_cast %add3A_947 : i32 to index
        %get3A_973 = arith.constant 96 : index
        %get3A_974 = tpu.vector_load %arg5[%get3A_972, %get3A_973] {strides = array<i32>} : memref<32x1000xf32, #tpu.memory_space<vmem>>, vector<16xf32>,
        %max3A_975 = arith.maximumf %max3A_959, %get3A_974 : vector<16xf32>
        %get3A_976 = arith.index_cast %add3A_947 : i32 to index
        %get3A_977 = arith.constant 112 : index
        %get3A_978 = tpu.vector_load %arg5[%get3A_976, %get3A_977] {strides = array<i32>} : memref<32x1000xf32, #tpu.memory_space<vmem>>, vector<16xf32>,
        %max3A_979 = arith.maximumf %max3A_963, %get3A_978 : vector<16xf32>
        %get3A_980 = arith.index_cast %add3A_947 : i32 to index
        %get3A_981 = arith.constant 128 : index
        %get3A_982 = tpu.vector_load %arg5[%get3A_980, %get3A_981] {strides = array<i32>} : memref<32x1000xf32, #tpu.memory_space<vmem>>, vector<16xf32>,
        %max3A_983 = arith.maximumf %max3A_967, %get3A_982 : vector<16xf32>
        %get3A_984 = arith.index_cast %add3A_947 : i32 to index
        %get3A_985 = arith.constant 144 : index
        %get3A_986 = tpu.vector_load %arg5[%get3A_984, %get3A_985] {strides = array<i32>} : memref<32x1000xf32, #tpu.memory_space<vmem>>, vector<16xf32>,
        %max3A_987 = arith.maximumf %max3A_971, %get3A_986 : vector<16xf32>
        %get3A_988 = arith.index_cast %add3A_947 : i32 to index
        %get3A_989 = arith.constant 160 : index
        %get3A_990 = tpu.vector_load %arg5[%get3A_988, %get3A_989] {strides = array<i32>} : memref<32x1000xf32, #tpu.memory_space<vmem>>, vector<16xf32>,
        %max3A_991 = arith.maximumf %max3A_975, %get3A_990 : vector<16xf32>
        %get3A_992 = arith.index_cast %add3A_947 : i32 to index
        %get3A_993 = arith.constant 176 : index
        %get3A_994 = tpu.vector_load %arg5[%get3A_992, %get3A_993] {strides = array<i32>} : memref<32x1000xf32, #tpu.memory_space<vmem>>, vector<16xf32>,
        %max3A_995 = arith.maximumf %max3A_979, %get3A_994 : vector<16xf32>
        %get3A_996 = arith.index_cast %add3A_947 : i32 to index
        %get3A_997 = arith.constant 192 : index
        %get3A_998 = tpu.vector_load %arg5[%get3A_996, %get3A_997] {strides = array<i32>} : memref<32x1000xf32, #tpu.memory_space<vmem>>, vector<16xf32>,
        %max3A_999 = arith.maximumf %max3A_983, %get3A_998 : vector<16xf32>
        %get3A_1000 = arith.index_cast %add3A_947 : i32 to index
        %get3A_1001 = arith.constant 208 : index
        %get3A_1002 = tpu.vector_load %arg5[%get3A_1000, %get3A_1001] {strides = array<i32>} : memref<32x1000xf32, #tpu.memory_space<vmem>>, vector<16xf32>,
        %max3A_1003 = arith.maximumf %max3A_987, %get3A_1002 : vector<16xf32>
        %get3A_1004 = arith.index_cast %add3A_947 : i32 to index
        %get3A_1005 = arith.constant 224 : index
        %get3A_1006 = tpu.vector_load %arg5[%get3A_1004, %get3A_1005] {strides = array<i32>} : memref<32x1000xf32, #tpu.memory_space<vmem>>, vector<16xf32>,
        %max3A_1007 = arith.maximumf %max3A_991, %get3A_1006 : vector<16xf32>
        %get3A_1008 = arith.index_cast %add3A_947 : i32 to index
        %get3A_1009 = arith.constant 240 : index
        %get3A_1010 = tpu.vector_load %arg5[%get3A_1008, %get3A_1009] {strides = array<i32>} : memref<32x1000xf32, #tpu.memory_space<vmem>>, vector<16xf32>,
        %max3A_1011 = arith.maximumf %max3A_995, %get3A_1010 : vector<16xf32>
        %get3A_1012 = arith.index_cast %add3A_947 : i32 to index
        %get3A_1013 = arith.constant 256 : index
        %get3A_1014 = tpu.vector_load %arg5[%get3A_1012, %get3A_1013] {strides = array<i32>} : memref<32x1000xf32, #tpu.memory_space<vmem>>, vector<16xf32>,
        %max3A_1015 = arith.maximumf %max3A_999, %get3A_1014 : vector<16xf32>
        %get3A_1016 = arith.index_cast %add3A_947 : i32 to index
        %get3A_1017 = arith.constant 272 : index
        %get3A_1018 = tpu.vector_load %arg5[%get3A_1016, %get3A_1017] {strides = array<i32>} : memref<32x1000xf32, #tpu.memory_space<vmem>>, vector<16xf32>,
        %max3A_1019 = arith.maximumf %max3A_1003, %get3A_1018 : vector<16xf32>
        %get3A_1020 = arith.index_cast %add3A_947 : i32 to index
        %get3A_1021 = arith.constant 288 : index
        %get3A_1022 = tpu.vector_load %arg5[%get3A_1020, %get3A_1021] {strides = array<i32>} : memref<32x1000xf32, #tpu.memory_space<vmem>>, vector<16xf32>,
        %max3A_1023 = arith.maximumf %max3A_1007, %get3A_1022 : vector<16xf32>
        %get3A_1024 = arith.index_cast %add3A_947 : i32 to index
        %get3A_1025 = arith.constant 304 : index
        %get3A_1026 = tpu.vector_load %arg5[%get3A_1024, %get3A_1025] {strides = array<i32>} : memref<32x1000xf32, #tpu.memory_space<vmem>>, vector<16xf32>,
        %max3A_1027 = arith.maximumf %max3A_1011, %get3A_1026 : vector<16xf32>
        %get3A_1028 = arith.index_cast %add3A_947 : i32 to index
        %get3A_1029 = arith.constant 320 : index
        %get3A_1030 = tpu.vector_load %arg5[%get3A_1028, %get3A_1029] {strides = array<i32>} : memref<32x1000xf32, #tpu.memory_space<vmem>>, vector<16xf32>,
        %max3A_1031 = arith.maximumf %max3A_1015, %get3A_1030 : vector<16xf32>
        %get3A_1032 = arith.index_cast %add3A_947 : i32 to index
        %get3A_1033 = arith.constant 336 : index
        %get3A_1034 = tpu.vector_load %arg5[%get3A_1032, %get3A_1033] {strides = array<i32>} : memref<32x1000xf32, #tpu.memory_space<vmem>>, vector<16xf32>,
        %max3A_1035 = arith.maximumf %max3A_1019, %get3A_1034 : vector<16xf32>
        %get3A_1036 = arith.index_cast %add3A_947 : i32 to index
        %get3A_1037 = arith.constant 352 : index
        %get3A_1038 = tpu.vector_load %arg5[%get3A_1036, %get3A_1037] {strides = array<i32>} : memref<32x1000xf32, #tpu.memory_space<vmem>>, vector<16xf32>,
        %max3A_1039 = arith.maximumf %max3A_1023, %get3A_1038 : vector<16xf32>
        %get3A_1040 = arith.index_cast %add3A_947 : i32 to index
        %get3A_1041 = arith.constant 368 : index
        %get3A_1042 = tpu.vector_load %arg5[%get3A_1040, %get3A_1041] {strides = array<i32>} : memref<32x1000xf32, #tpu.memory_space<vmem>>, vector<16xf32>,
        %max3A_1043 = arith.maximumf %max3A_1027, %get3A_1042 : vector<16xf32>
        %get3A_1044 = arith.index_cast %add3A_947 : i32 to index
        %get3A_1045 = arith.constant 384 : index
        %get3A_1046 = tpu.vector_load %arg5[%get3A_1044, %get3A_1045] {strides = array<i32>} : memref<32x1000xf32, #tpu.memory_space<vmem>>, vector<16xf32>,
        %max3A_1047 = arith.maximumf %max3A_1031, %get3A_1046 : vector<16xf32>
        %get3A_1048 = arith.index_cast %add3A_947 : i32 to index
        %get3A_1049 = arith.constant 400 : index
        %get3A_1050 = tpu.vector_load %arg5[%get3A_1048, %get3A_1049] {strides = array<i32>} : memref<32x1000xf32, #tpu.memory_space<vmem>>, vector<16xf32>,
        %max3A_1051 = arith.maximumf %max3A_1035, %get3A_1050 : vector<16xf32>
        %get3A_1052 = arith.index_cast %add3A_947 : i32 to index
        %get3A_1053 = arith.constant 416 : index
        %get3A_1054 = tpu.vector_load %arg5[%get3A_1052, %get3A_1053] {strides = array<i32>} : memref<32x1000xf32, #tpu.memory_space<vmem>>, vector<16xf32>,
        %max3A_1055 = arith.maximumf %max3A_1039, %get3A_1054 : vector<16xf32>
        %get3A_1056 = arith.index_cast %add3A_947 : i32 to index
        %get3A_1057 = arith.constant 432 : index
        %get3A_1058 = tpu.vector_load %arg5[%get3A_1056, %get3A_1057] {strides = array<i32>} : memref<32x1000xf32, #tpu.memory_space<vmem>>, vector<16xf32>,
        %max3A_1059 = arith.maximumf %max3A_1043, %get3A_1058 : vector<16xf32>
        %get3A_1060 = arith.index_cast %add3A_947 : i32 to index
        %get3A_1061 = arith.constant 448 : index
        %get3A_1062 = tpu.vector_load %arg5[%get3A_1060, %get3A_1061] {strides = array<i32>} : memref<32x1000xf32, #tpu.memory_space<vmem>>, vector<16xf32>,
        %max3A_1063 = arith.maximumf %max3A_1047, %get3A_1062 : vector<16xf32>
        %get3A_1064 = arith.index_cast %add3A_947 : i32 to index
        %get3A_1065 = arith.constant 464 : index
        %get3A_1066 = tpu.vector_load %arg5[%get3A_1064, %get3A_1065] {strides = array<i32>} : memref<32x1000xf32, #tpu.memory_space<vmem>>, vector<16xf32>,
        %max3A_1067 = arith.maximumf %max3A_1051, %get3A_1066 : vector<16xf32>
        %get3A_1068 = arith.index_cast %add3A_947 : i32 to index
        %get3A_1069 = arith.constant 480 : index
        %get3A_1070 = tpu.vector_load %arg5[%get3A_1068, %get3A_1069] {strides = array<i32>} : memref<32x1000xf32, #tpu.memory_space<vmem>>, vector<16xf32>,
        %max3A_1071 = arith.maximumf %max3A_1055, %get3A_1070 : vector<16xf32>
        %get3A_1072 = arith.index_cast %add3A_947 : i32 to index
        %get3A_1073 = arith.constant 496 : index
        %get3A_1074 = tpu.vector_load %arg5[%get3A_1072, %get3A_1073] {strides = array<i32>} : memref<32x1000xf32, #tpu.memory_space<vmem>>, vector<16xf32>,
        %max3A_1075 = arith.maximumf %max3A_1059, %get3A_1074 : vector<16xf32>
        %get3A_1076 = arith.index_cast %add3A_947 : i32 to index
        %get3A_1077 = arith.constant 512 : index
        %get3A_1078 = tpu.vector_load %arg5[%get3A_1076, %get3A_1077] {strides = array<i32>} : memref<32x1000xf32, #tpu.memory_space<vmem>>, vector<16xf32>,
        %max3A_1079 = arith.maximumf %max3A_1063, %get3A_1078 : vector<16xf32>
        %get3A_1080 = arith.index_cast %add3A_947 : i32 to index
        %get3A_1081 = arith.constant 528 : index
        %get3A_1082 = tpu.vector_load %arg5[%get3A_1080, %get3A_1081] {strides = array<i32>} : memref<32x1000xf32, #tpu.memory_space<vmem>>, vector<16xf32>,
        %max3A_1083 = arith.maximumf %max3A_1067, %get3A_1082 : vector<16xf32>
        %get3A_1084 = arith.index_cast %add3A_947 : i32 to index
        %get3A_1085 = arith.constant 544 : index
        %get3A_1086 = tpu.vector_load %arg5[%get3A_1084, %get3A_1085] {strides = array<i32>} : memref<32x1000xf32, #tpu.memory_space<vmem>>, vector<16xf32>,
        %max3A_1087 = arith.maximumf %max3A_1071, %get3A_1086 : vector<16xf32>
        %get3A_1088 = arith.index_cast %add3A_947 : i32 to index
        %get3A_1089 = arith.constant 560 : index
        %get3A_1090 = tpu.vector_load %arg5[%get3A_1088, %get3A_1089] {strides = array<i32>} : memref<32x1000xf32, #tpu.memory_space<vmem>>, vector<16xf32>,
        %max3A_1091 = arith.maximumf %max3A_1075, %get3A_1090 : vector<16xf32>
        %get3A_1092 = arith.index_cast %add3A_947 : i32 to index
        %get3A_1093 = arith.constant 576 : index
        %get3A_1094 = tpu.vector_load %arg5[%get3A_1092, %get3A_1093] {strides = array<i32>} : memref<32x1000xf32, #tpu.memory_space<vmem>>, vector<16xf32>,
        %max3A_1095 = arith.maximumf %max3A_1079, %get3A_1094 : vector<16xf32>
        %get3A_1096 = arith.index_cast %add3A_947 : i32 to index
        %get3A_1097 = arith.constant 592 : index
        %get3A_1098 = tpu.vector_load %arg5[%get3A_1096, %get3A_1097] {strides = array<i32>} : memref<32x1000xf32, #tpu.memory_space<vmem>>, vector<16xf32>,
        %max3A_1099 = arith.maximumf %max3A_1083, %get3A_1098 : vector<16xf32>
        %get3A_1100 = arith.index_cast %add3A_947 : i32 to index
        %get3A_1101 = arith.constant 608 : index
        %get3A_1102 = tpu.vector_load %arg5[%get3A_1100, %get3A_1101] {strides = array<i32>} : memref<32x1000xf32, #tpu.memory_space<vmem>>, vector<16xf32>,
        %max3A_1103 = arith.maximumf %max3A_1087, %get3A_1102 : vector<16xf32>
        %get3A_1104 = arith.index_cast %add3A_947 : i32 to index
        %get3A_1105 = arith.constant 624 : index
        %get3A_1106 = tpu.vector_load %arg5[%get3A_1104, %get3A_1105] {strides = array<i32>} : memref<32x1000xf32, #tpu.memory_space<vmem>>, vector<16xf32>,
        %max3A_1107 = arith.maximumf %max3A_1091, %get3A_1106 : vector<16xf32>
        %get3A_1108 = arith.index_cast %add3A_947 : i32 to index
        %get3A_1109 = arith.constant 640 : index
        %get3A_1110 = tpu.vector_load %arg5[%get3A_1108, %get3A_1109] {strides = array<i32>} : memref<32x1000xf32, #tpu.memory_space<vmem>>, vector<16xf32>,
        %max3A_1111 = arith.maximumf %max3A_1095, %get3A_1110 : vector<16xf32>
        %get3A_1112 = arith.index_cast %add3A_947 : i32 to index
        %get3A_1113 = arith.constant 656 : index
        %get3A_1114 = tpu.vector_load %arg5[%get3A_1112, %get3A_1113] {strides = array<i32>} : memref<32x1000xf32, #tpu.memory_space<vmem>>, vector<16xf32>,
        %max3A_1115 = arith.maximumf %max3A_1099, %get3A_1114 : vector<16xf32>
        %get3A_1116 = arith.index_cast %add3A_947 : i32 to index
        %get3A_1117 = arith.constant 672 : index
        %get3A_1118 = tpu.vector_load %arg5[%get3A_1116, %get3A_1117] {strides = array<i32>} : memref<32x1000xf32, #tpu.memory_space<vmem>>, vector<16xf32>,
        %max3A_1119 = arith.maximumf %max3A_1103, %get3A_1118 : vector<16xf32>
        %get3A_1120 = arith.index_cast %add3A_947 : i32 to index
        %get3A_1121 = arith.constant 688 : index
        %get3A_1122 = tpu.vector_load %arg5[%get3A_1120, %get3A_1121] {strides = array<i32>} : memref<32x1000xf32, #tpu.memory_space<vmem>>, vector<16xf32>,
        %max3A_1123 = arith.maximumf %max3A_1107, %get3A_1122 : vector<16xf32>
        %get3A_1124 = arith.index_cast %add3A_947 : i32 to index
        %get3A_1125 = arith.constant 704 : index
        %get3A_1126 = tpu.vector_load %arg5[%get3A_1124, %get3A_1125] {strides = array<i32>} : memref<32x1000xf32, #tpu.memory_space<vmem>>, vector<16xf32>,
        %max3A_1127 = arith.maximumf %max3A_1111, %get3A_1126 : vector<16xf32>
        %get3A_1128 = arith.index_cast %add3A_947 : i32 to index
        %get3A_1129 = arith.constant 720 : index
        %get3A_1130 = tpu.vector_load %arg5[%get3A_1128, %get3A_1129] {strides = array<i32>} : memref<32x1000xf32, #tpu.memory_space<vmem>>, vector<16xf32>,
        %max3A_1131 = arith.maximumf %max3A_1115, %get3A_1130 : vector<16xf32>
        %get3A_1132 = arith.index_cast %add3A_947 : i32 to index
        %get3A_1133 = arith.constant 736 : index
        %get3A_1134 = tpu.vector_load %arg5[%get3A_1132, %get3A_1133] {strides = array<i32>} : memref<32x1000xf32, #tpu.memory_space<vmem>>, vector<16xf32>,
        %max3A_1135 = arith.maximumf %max3A_1119, %get3A_1134 : vector<16xf32>
        %get3A_1136 = arith.index_cast %add3A_947 : i32 to index
        %get3A_1137 = arith.constant 752 : index
        %get3A_1138 = tpu.vector_load %arg5[%get3A_1136, %get3A_1137] {strides = array<i32>} : memref<32x1000xf32, #tpu.memory_space<vmem>>, vector<16xf32>,
        %max3A_1139 = arith.maximumf %max3A_1123, %get3A_1138 : vector<16xf32>
        %get3A_1140 = arith.index_cast %add3A_947 : i32 to index
        %get3A_1141 = arith.constant 768 : index
        %get3A_1142 = tpu.vector_load %arg5[%get3A_1140, %get3A_1141] {strides = array<i32>} : memref<32x1000xf32, #tpu.memory_space<vmem>>, vector<16xf32>,
        %max3A_1143 = arith.maximumf %max3A_1127, %get3A_1142 : vector<16xf32>
        %get3A_1144 = arith.index_cast %add3A_947 : i32 to index
        %get3A_1145 = arith.constant 784 : index
        %get3A_1146 = tpu.vector_load %arg5[%get3A_1144, %get3A_1145] {strides = array<i32>} : memref<32x1000xf32, #tpu.memory_space<vmem>>, vector<16xf32>,
        %max3A_1147 = arith.maximumf %max3A_1131, %get3A_1146 : vector<16xf32>
        %get3A_1148 = arith.index_cast %add3A_947 : i32 to index
        %get3A_1149 = arith.constant 800 : index
        %get3A_1150 = tpu.vector_load %arg5[%get3A_1148, %get3A_1149] {strides = array<i32>} : memref<32x1000xf32, #tpu.memory_space<vmem>>, vector<16xf32>,
        %max3A_1151 = arith.maximumf %max3A_1135, %get3A_1150 : vector<16xf32>
        %get3A_1152 = arith.index_cast %add3A_947 : i32 to index
        %get3A_1153 = arith.constant 816 : index
        %get3A_1154 = tpu.vector_load %arg5[%get3A_1152, %get3A_1153] {strides = array<i32>} : memref<32x1000xf32, #tpu.memory_space<vmem>>, vector<16xf32>,
        %max3A_1155 = arith.maximumf %max3A_1139, %get3A_1154 : vector<16xf32>
        %get3A_1156 = arith.index_cast %add3A_947 : i32 to index
        %get3A_1157 = arith.constant 832 : index
        %get3A_1158 = tpu.vector_load %arg5[%get3A_1156, %get3A_1157] {strides = array<i32>} : memref<32x1000xf32, #tpu.memory_space<vmem>>, vector<16xf32>,
        %max3A_1159 = arith.maximumf %max3A_1143, %get3A_1158 : vector<16xf32>
        %get3A_1160 = arith.index_cast %add3A_947 : i32 to index
        %get3A_1161 = arith.constant 848 : index
        %get3A_1162 = tpu.vector_load %arg5[%get3A_1160, %get3A_1161] {strides = array<i32>} : memref<32x1000xf32, #tpu.memory_space<vmem>>, vector<16xf32>,
        %max3A_1163 = arith.maximumf %max3A_1147, %get3A_1162 : vector<16xf32>
        %get3A_1164 = arith.index_cast %add3A_947 : i32 to index
        %get3A_1165 = arith.constant 864 : index
        %get3A_1166 = tpu.vector_load %arg5[%get3A_1164, %get3A_1165] {strides = array<i32>} : memref<32x1000xf32, #tpu.memory_space<vmem>>, vector<16xf32>,
        %max3A_1167 = arith.maximumf %max3A_1151, %get3A_1166 : vector<16xf32>
        %get3A_1168 = arith.index_cast %add3A_947 : i32 to index
        %get3A_1169 = arith.constant 880 : index
        %get3A_1170 = tpu.vector_load %arg5[%get3A_1168, %get3A_1169] {strides = array<i32>} : memref<32x1000xf32, #tpu.memory_space<vmem>>, vector<16xf32>,
        %max3A_1171 = arith.maximumf %max3A_1155, %get3A_1170 : vector<16xf32>
        %get3A_1172 = arith.index_cast %add3A_947 : i32 to index
        %get3A_1173 = arith.constant 896 : index
        %get3A_1174 = tpu.vector_load %arg5[%get3A_1172, %get3A_1173] {strides = array<i32>} : memref<32x1000xf32, #tpu.memory_space<vmem>>, vector<16xf32>,
        %max3A_1175 = arith.maximumf %max3A_1159, %get3A_1174 : vector<16xf32>
        %get3A_1176 = arith.index_cast %add3A_947 : i32 to index
        %get3A_1177 = arith.constant 912 : index
        %get3A_1178 = tpu.vector_load %arg5[%get3A_1176, %get3A_1177] {strides = array<i32>} : memref<32x1000xf32, #tpu.memory_space<vmem>>, vector<16xf32>,
        %max3A_1179 = arith.maximumf %max3A_1163, %get3A_1178 : vector<16xf32>
        %get3A_1180 = arith.index_cast %add3A_947 : i32 to index
        %get3A_1181 = arith.constant 928 : index
        %get3A_1182 = tpu.vector_load %arg5[%get3A_1180, %get3A_1181] {strides = array<i32>} : memref<32x1000xf32, #tpu.memory_space<vmem>>, vector<16xf32>,
        %max3A_1183 = arith.maximumf %max3A_1167, %get3A_1182 : vector<16xf32>
        %get3A_1184 = arith.index_cast %add3A_947 : i32 to index
        %get3A_1185 = arith.constant 944 : index
        %get3A_1186 = tpu.vector_load %arg5[%get3A_1184, %get3A_1185] {strides = array<i32>} : memref<32x1000xf32, #tpu.memory_space<vmem>>, vector<16xf32>,
        %max3A_1187 = arith.maximumf %max3A_1171, %get3A_1186 : vector<16xf32>
        %get3A_1188 = arith.index_cast %add3A_947 : i32 to index
        %get3A_1189 = arith.constant 960 : index
        %get3A_1190 = tpu.vector_load %arg5[%get3A_1188, %get3A_1189] {strides = array<i32>} : memref<32x1000xf32, #tpu.memory_space<vmem>>, vector<16xf32>,
        %max3A_1191 = arith.maximumf %max3A_1175, %get3A_1190 : vector<16xf32>
        %get3A_1192 = arith.index_cast %add3A_947 : i32 to index
        %get3A_1193 = arith.constant 976 : index
        %get3A_1194 = tpu.vector_load %arg5[%get3A_1192, %get3A_1193] {strides = array<i32>} : memref<32x1000xf32, #tpu.memory_space<vmem>>, vector<16xf32>,
        %max3A_1195 = arith.maximumf %max3A_1179, %get3A_1194 : vector<16xf32>
        %get3A_1196 = arith.index_cast %add3A_947 : i32 to index
        %get3A_1197 = arith.constant 984 : index
        %get3A_1198 = tpu.vector_load %arg5[%get3A_1196, %get3A_1197] {strides = array<i32>} : memref<32x1000xf32, #tpu.memory_space<vmem>>, vector<16xf32>,
        %max3A_1199 = arith.maximumf %max3A_1183, %get3A_1198 : vector<16xf32>
        %max3A_1200 = arith.maximumf %max3A_1191, %max3A_1195 : vector<16xf32>
        %max3A_1201 = arith.maximumf %max3A_1199, %max3A_1187 : vector<16xf32>
        %max3A_1202 = arith.maximumf %max3A_1200, %max3A_1201 : vector<16xf32>
        %broadcast_in_dim3A_1203 = arith.constant true
        %broadcast_in_dim3A_1204 = vector.broadcast %broadcast_in_dim3A_1203 : i1 to vector<16xi1>
        %masked_cummax3A_1205 = tpu.scan <max>, %max3A_1202 masked %broadcast_in_dim3A_1204 : vector<16xf32>, vector<16xi1> -> vector<16xf32>
        %mul3A_1206 = arith.constant 4 : i32
        %mul3A_1207 = arith.muli %scan3A_130, %mul3A_1206 : i32
        %add3A_1208 = arith.constant 3 : i32
        %add3A_1209 = arith.addi %mul3A_1207, %add3A_1208 : i32
        %swap3A_1210 = arith.index_cast %add3A_1209 : i32 to index
        %swap3A_1211 = arith.constant 0 : index
        %swap3A_1212 = tpu.vector_load %arg9[%swap3A_1210, %swap3A_1211] {strides = array<i32>} : memref<16x16xf32, #tpu.memory_space<vmem>>, vector<16xf32>,
        tpu.vector_store %arg9[%swap3A_1210, %swap3A_1211], %masked_cummax3A_1205 {strides = array<i32>} : memref<16x16xf32, #tpu.memory_space<vmem>>, vector<16xf32>,
      }
      %scan3A_61 = arith.constant 4 : i32
      %gather3A_62 = tpu.vector_load_idx %arg9[%iota3A, %broadcast_in_dim3A_5] : memref<16x16xf32, #tpu.memory_space<vmem>>[vector<16xi32>, vector<16xi32>], vector<16xf32>,
      %sub3A_63 = arith.subf %gather3A_62, %gather3A_55 : vector<16xf32>
      %multiple_of3A_64 = tpu.assume_multiple %add3A_48, 16 : i32
      %swap3A_65 = arith.index_cast %multiple_of3A_64 : i32 to index
      %swap3A_66 = tpu.vector_load %arg8[%swap3A_65] {strides = array<i32>} : memref<512xf32, #tpu.memory_space<vmem>>, vector<16xf32>,
      tpu.vector_store %arg8[%swap3A_65], %sub3A_63 {strides = array<i32>} : memref<512xf32, #tpu.memory_space<vmem>>, vector<16xf32>,
      %add3A_67 = arith.constant 2 : i32
      %add3A_68 = arith.addi %add3A_24, %add3A_67 : i32
      %lt3A = arith.constant 16 : i32
      %lt3A_69 = arith.cmpi slt, %add3A_68, %lt3A : i32
      %convert_element_type3A = arith.extui %lt3A_69 : i1 to i32
      %cond3A = arith.constant 0 : i32
      %cond3A_70 = arith.cmpi ne, %convert_element_type3A, %cond3A : i32
      scf.if %cond3A_70 {
        %add3A_130 = arith.constant 2 : i32
        %add3A_131 = arith.addi %add3A_24, %add3A_130 : i32
        %mul3A_132 = arith.constant 32 : i32
        %mul3A_133 = arith.muli %add3A_131, %mul3A_132 : i32
        %multiple_of3A_134 = tpu.assume_multiple %mul3A_133, 32 : i32
        %add3A_135 = arith.addi %mul3A_2, %multiple_of3A_134 : i32
        %dma_start3A_136 = arith.constant 0 : i32
        %dma_start3A_137 = tpu.memref_slice %arg2[%add3A_135, %dma_start3A_136] : memref<16384x1000xf32, #tpu.memory_space<hbm>> -> memref<32x1000xf32, #tpu.memory_space<hbm>>
        %dma_start3A_138 = arith.constant 0 : i32
        %dma_start3A_139 = tpu.memref_slice %arg2[%add3A_135, %dma_start3A_138] : memref<16384x1000xf32, #tpu.memory_space<hbm>> -> memref<32x1000xf32, #tpu.memory_space<hbm>>
        tpu.enqueue_dma source(%dma_start3A_139 : memref<32x1000xf32, #tpu.memory_space<hbm>>) target(%arg5 : memref<32x1000xf32, #tpu.memory_space<vmem>>) target_semaphore(%arg10 : memref<!tpu.dma_semaphore, #tpu.memory_space<semaphore_mem>>)
      } else {
      }
      %mul3A_71 = arith.constant 2 : i32
      %mul3A_72 = arith.muli %scan3A_20, %mul3A_71 : i32
      %add3A_73 = arith.constant 1 : i32
      %add3A_74 = arith.addi %mul3A_72, %add3A_73 : i32
      %dma_wait3A_75 = arith.constant 0 : i32
      %dma_wait3A_76 = tpu.memref_slice %arg2[%mul3A_2, %dma_wait3A_75] : memref<16384x1000xf32, #tpu.memory_space<hbm>> -> memref<32x1000xf32, #tpu.memory_space<hbm>>
      %dma_wait3A_77 = arith.constant 0 : i32
      %dma_wait3A_78 = tpu.memref_slice %arg2[%mul3A_2, %dma_wait3A_77] : memref<16384x1000xf32, #tpu.memory_space<hbm>> -> memref<32x1000xf32, #tpu.memory_space<hbm>>
      tpu.wait_dma2 semaphore(%arg11 : memref<!tpu.dma_semaphore, #tpu.memory_space<semaphore_mem>>) src(%dma_wait3A_78 : memref<32x1000xf32, #tpu.memory_space<hbm>>) dst(%arg6 : memref<32x1000xf32, #tpu.memory_space<vmem>>)
      %mul3A_79 = arith.constant 32 : i32
      %mul3A_80 = arith.muli %add3A_74, %mul3A_79 : i32
      %add3A_81 = arith.constant 0 : i32
      %add3A_82 = arith.addi %mul3A_80, %add3A_81 : i32
      %multiple_of3A_83 = tpu.assume_multiple %add3A_82, 16 : i32
      %get3A_84 = arith.index_cast %multiple_of3A_83 : i32 to index
      %get3A_85 = tpu.vector_load %arg7[%get3A_84] {strides = array<i32>} : memref<512xi32, #tpu.memory_space<vmem>>, vector<16xi32>,
      %add3A_86 = arith.constant 0 : i32
      %add3A_87 = vector.broadcast %add3A_86 : i32 to vector<16xi32>
      %add3A_88 = arith.addi %add3A_87, %iota3A : vector<16xi32>
      %gather3A_89 = tpu.vector_load_idx %arg6[%add3A_88, %get3A_85] : memref<32x1000xf32, #tpu.memory_space<vmem>>[vector<16xi32>, vector<16xi32>], vector<16xf32>,
      tpu.vector_store_idx %arg6[%add3A_88, %get3A_85], %broadcast_in_dim3A_3 : memref<32x1000xf32, #tpu.memory_space<vmem>>[vector<16xi32>, vector<16xi32>], vector<16xf32>,
      %scan3A_90 = arith.constant 0 : i32
      %scan3A_91 = arith.constant 0 : i32
      %scan3A_92 = arith.constant 4 : i32
      %scan3A_93 = arith.addi %scan3A_91, %scan3A_92 : i32
      %scan3A_94 = arith.constant 1 : i32
      scf.for %scan3A_130 = %scan3A_91 to %scan3A_93 step %scan3A_94  : i32 {
        %mul3A_131 = arith.constant 4 : i32
        %mul3A_132 = arith.muli %scan3A_130, %mul3A_131 : i32
        %add3A_133 = arith.constant 0 : i32
        %add3A_134 = arith.addi %add3A_133, %mul3A_132 : i32
        %add3A_135 = arith.constant 0 : i32
        %add3A_136 = arith.addi %add3A_134, %add3A_135 : i32
        %get3A_137 = arith.index_cast %add3A_136 : i32 to index
        %get3A_138 = arith.constant 0 : index
        %get3A_139 = tpu.vector_load %arg6[%get3A_137, %get3A_138] {strides = array<i32>} : memref<32x1000xf32, #tpu.memory_space<vmem>>, vector<16xf32>,
        %max3A = arith.maximumf %broadcast_in_dim3A_3, %get3A_139 : vector<16xf32>
        %get3A_140 = arith.index_cast %add3A_136 : i32 to index
        %get3A_141 = arith.constant 16 : index
        %get3A_142 = tpu.vector_load %arg6[%get3A_140, %get3A_141] {strides = array<i32>} : memref<32x1000xf32, #tpu.memory_space<vmem>>, vector<16xf32>,
        %max3A_143 = arith.maximumf %broadcast_in_dim3A_3, %get3A_142 : vector<16xf32>
        %get3A_144 = arith.index_cast %add3A_136 : i32 to index
        %get3A_145 = arith.constant 32 : index
        %get3A_146 = tpu.vector_load %arg6[%get3A_144, %get3A_145] {strides = array<i32>} : memref<32x1000xf32, #tpu.memory_space<vmem>>, vector<16xf32>,
        %max3A_147 = arith.maximumf %broadcast_in_dim3A_3, %get3A_146 : vector<16xf32>
        %get3A_148 = arith.index_cast %add3A_136 : i32 to index
        %get3A_149 = arith.constant 48 : index
        %get3A_150 = tpu.vector_load %arg6[%get3A_148, %get3A_149] {strides = array<i32>} : memref<32x1000xf32, #tpu.memory_space<vmem>>, vector<16xf32>,
        %max3A_151 = arith.maximumf %broadcast_in_dim3A_3, %get3A_150 : vector<16xf32>
        %get3A_152 = arith.index_cast %add3A_136 : i32 to index
        %get3A_153 = arith.constant 64 : index
        %get3A_154 = tpu.vector_load %arg6[%get3A_152, %get3A_153] {strides = array<i32>} : memref<32x1000xf32, #tpu.memory_space<vmem>>, vector<16xf32>,
        %max3A_155 = arith.maximumf %max3A, %get3A_154 : vector<16xf32>
        %get3A_156 = arith.index_cast %add3A_136 : i32 to index
        %get3A_157 = arith.constant 80 : index
        %get3A_158 = tpu.vector_load %arg6[%get3A_156, %get3A_157] {strides = array<i32>} : memref<32x1000xf32, #tpu.memory_space<vmem>>, vector<16xf32>,
        %max3A_159 = arith.maximumf %max3A_143, %get3A_158 : vector<16xf32>
        %get3A_160 = arith.index_cast %add3A_136 : i32 to index
        %get3A_161 = arith.constant 96 : index
        %get3A_162 = tpu.vector_load %arg6[%get3A_160, %get3A_161] {strides = array<i32>} : memref<32x1000xf32, #tpu.memory_space<vmem>>, vector<16xf32>,
        %max3A_163 = arith.maximumf %max3A_147, %get3A_162 : vector<16xf32>
        %get3A_164 = arith.index_cast %add3A_136 : i32 to index
        %get3A_165 = arith.constant 112 : index
        %get3A_166 = tpu.vector_load %arg6[%get3A_164, %get3A_165] {strides = array<i32>} : memref<32x1000xf32, #tpu.memory_space<vmem>>, vector<16xf32>,
        %max3A_167 = arith.maximumf %max3A_151, %get3A_166 : vector<16xf32>
        %get3A_168 = arith.index_cast %add3A_136 : i32 to index
        %get3A_169 = arith.constant 128 : index
        %get3A_170 = tpu.vector_load %arg6[%get3A_168, %get3A_169] {strides = array<i32>} : memref<32x1000xf32, #tpu.memory_space<vmem>>, vector<16xf32>,
        %max3A_171 = arith.maximumf %max3A_155, %get3A_170 : vector<16xf32>
        %get3A_172 = arith.index_cast %add3A_136 : i32 to index
        %get3A_173 = arith.constant 144 : index
        %get3A_174 = tpu.vector_load %arg6[%get3A_172, %get3A_173] {strides = array<i32>} : memref<32x1000xf32, #tpu.memory_space<vmem>>, vector<16xf32>,
        %max3A_175 = arith.maximumf %max3A_159, %get3A_174 : vector<16xf32>
        %get3A_176 = arith.index_cast %add3A_136 : i32 to index
        %get3A_177 = arith.constant 160 : index
        %get3A_178 = tpu.vector_load %arg6[%get3A_176, %get3A_177] {strides = array<i32>} : memref<32x1000xf32, #tpu.memory_space<vmem>>, vector<16xf32>,
        %max3A_179 = arith.maximumf %max3A_163, %get3A_178 : vector<16xf32>
        %get3A_180 = arith.index_cast %add3A_136 : i32 to index
        %get3A_181 = arith.constant 176 : index
        %get3A_182 = tpu.vector_load %arg6[%get3A_180, %get3A_181] {strides = array<i32>} : memref<32x1000xf32, #tpu.memory_space<vmem>>, vector<16xf32>,
        %max3A_183 = arith.maximumf %max3A_167, %get3A_182 : vector<16xf32>
        %get3A_184 = arith.index_cast %add3A_136 : i32 to index
        %get3A_185 = arith.constant 192 : index
        %get3A_186 = tpu.vector_load %arg6[%get3A_184, %get3A_185] {strides = array<i32>} : memref<32x1000xf32, #tpu.memory_space<vmem>>, vector<16xf32>,
        %max3A_187 = arith.maximumf %max3A_171, %get3A_186 : vector<16xf32>
        %get3A_188 = arith.index_cast %add3A_136 : i32 to index
        %get3A_189 = arith.constant 208 : index
        %get3A_190 = tpu.vector_load %arg6[%get3A_188, %get3A_189] {strides = array<i32>} : memref<32x1000xf32, #tpu.memory_space<vmem>>, vector<16xf32>,
        %max3A_191 = arith.maximumf %max3A_175, %get3A_190 : vector<16xf32>
        %get3A_192 = arith.index_cast %add3A_136 : i32 to index
        %get3A_193 = arith.constant 224 : index
        %get3A_194 = tpu.vector_load %arg6[%get3A_192, %get3A_193] {strides = array<i32>} : memref<32x1000xf32, #tpu.memory_space<vmem>>, vector<16xf32>,
        %max3A_195 = arith.maximumf %max3A_179, %get3A_194 : vector<16xf32>
        %get3A_196 = arith.index_cast %add3A_136 : i32 to index
        %get3A_197 = arith.constant 240 : index
        %get3A_198 = tpu.vector_load %arg6[%get3A_196, %get3A_197] {strides = array<i32>} : memref<32x1000xf32, #tpu.memory_space<vmem>>, vector<16xf32>,
        %max3A_199 = arith.maximumf %max3A_183, %get3A_198 : vector<16xf32>
        %get3A_200 = arith.index_cast %add3A_136 : i32 to index
        %get3A_201 = arith.constant 256 : index
        %get3A_202 = tpu.vector_load %arg6[%get3A_200, %get3A_201] {strides = array<i32>} : memref<32x1000xf32, #tpu.memory_space<vmem>>, vector<16xf32>,
        %max3A_203 = arith.maximumf %max3A_187, %get3A_202 : vector<16xf32>
        %get3A_204 = arith.index_cast %add3A_136 : i32 to index
        %get3A_205 = arith.constant 272 : index
        %get3A_206 = tpu.vector_load %arg6[%get3A_204, %get3A_205] {strides = array<i32>} : memref<32x1000xf32, #tpu.memory_space<vmem>>, vector<16xf32>,
        %max3A_207 = arith.maximumf %max3A_191, %get3A_206 : vector<16xf32>
        %get3A_208 = arith.index_cast %add3A_136 : i32 to index
        %get3A_209 = arith.constant 288 : index
        %get3A_210 = tpu.vector_load %arg6[%get3A_208, %get3A_209] {strides = array<i32>} : memref<32x1000xf32, #tpu.memory_space<vmem>>, vector<16xf32>,
        %max3A_211 = arith.maximumf %max3A_195, %get3A_210 : vector<16xf32>
        %get3A_212 = arith.index_cast %add3A_136 : i32 to index
        %get3A_213 = arith.constant 304 : index
        %get3A_214 = tpu.vector_load %arg6[%get3A_212, %get3A_213] {strides = array<i32>} : memref<32x1000xf32, #tpu.memory_space<vmem>>, vector<16xf32>,
        %max3A_215 = arith.maximumf %max3A_199, %get3A_214 : vector<16xf32>
        %get3A_216 = arith.index_cast %add3A_136 : i32 to index
        %get3A_217 = arith.constant 320 : index
        %get3A_218 = tpu.vector_load %arg6[%get3A_216, %get3A_217] {strides = array<i32>} : memref<32x1000xf32, #tpu.memory_space<vmem>>, vector<16xf32>,
        %max3A_219 = arith.maximumf %max3A_203, %get3A_218 : vector<16xf32>
        %get3A_220 = arith.index_cast %add3A_136 : i32 to index
        %get3A_221 = arith.constant 336 : index
        %get3A_222 = tpu.vector_load %arg6[%get3A_220, %get3A_221] {strides = array<i32>} : memref<32x1000xf32, #tpu.memory_space<vmem>>, vector<16xf32>,
        %max3A_223 = arith.maximumf %max3A_207, %get3A_222 : vector<16xf32>
        %get3A_224 = arith.index_cast %add3A_136 : i32 to index
        %get3A_225 = arith.constant 352 : index
        %get3A_226 = tpu.vector_load %arg6[%get3A_224, %get3A_225] {strides = array<i32>} : memref<32x1000xf32, #tpu.memory_space<vmem>>, vector<16xf32>,
        %max3A_227 = arith.maximumf %max3A_211, %get3A_226 : vector<16xf32>
        %get3A_228 = arith.index_cast %add3A_136 : i32 to index
        %get3A_229 = arith.constant 368 : index
        %get3A_230 = tpu.vector_load %arg6[%get3A_228, %get3A_229] {strides = array<i32>} : memref<32x1000xf32, #tpu.memory_space<vmem>>, vector<16xf32>,
        %max3A_231 = arith.maximumf %max3A_215, %get3A_230 : vector<16xf32>
        %get3A_232 = arith.index_cast %add3A_136 : i32 to index
        %get3A_233 = arith.constant 384 : index
        %get3A_234 = tpu.vector_load %arg6[%get3A_232, %get3A_233] {strides = array<i32>} : memref<32x1000xf32, #tpu.memory_space<vmem>>, vector<16xf32>,
        %max3A_235 = arith.maximumf %max3A_219, %get3A_234 : vector<16xf32>
        %get3A_236 = arith.index_cast %add3A_136 : i32 to index
        %get3A_237 = arith.constant 400 : index
        %get3A_238 = tpu.vector_load %arg6[%get3A_236, %get3A_237] {strides = array<i32>} : memref<32x1000xf32, #tpu.memory_space<vmem>>, vector<16xf32>,
        %max3A_239 = arith.maximumf %max3A_223, %get3A_238 : vector<16xf32>
        %get3A_240 = arith.index_cast %add3A_136 : i32 to index
        %get3A_241 = arith.constant 416 : index
        %get3A_242 = tpu.vector_load %arg6[%get3A_240, %get3A_241] {strides = array<i32>} : memref<32x1000xf32, #tpu.memory_space<vmem>>, vector<16xf32>,
        %max3A_243 = arith.maximumf %max3A_227, %get3A_242 : vector<16xf32>
        %get3A_244 = arith.index_cast %add3A_136 : i32 to index
        %get3A_245 = arith.constant 432 : index
        %get3A_246 = tpu.vector_load %arg6[%get3A_244, %get3A_245] {strides = array<i32>} : memref<32x1000xf32, #tpu.memory_space<vmem>>, vector<16xf32>,
        %max3A_247 = arith.maximumf %max3A_231, %get3A_246 : vector<16xf32>
        %get3A_248 = arith.index_cast %add3A_136 : i32 to index
        %get3A_249 = arith.constant 448 : index
        %get3A_250 = tpu.vector_load %arg6[%get3A_248, %get3A_249] {strides = array<i32>} : memref<32x1000xf32, #tpu.memory_space<vmem>>, vector<16xf32>,
        %max3A_251 = arith.maximumf %max3A_235, %get3A_250 : vector<16xf32>
        %get3A_252 = arith.index_cast %add3A_136 : i32 to index
        %get3A_253 = arith.constant 464 : index
        %get3A_254 = tpu.vector_load %arg6[%get3A_252, %get3A_253] {strides = array<i32>} : memref<32x1000xf32, #tpu.memory_space<vmem>>, vector<16xf32>,
        %max3A_255 = arith.maximumf %max3A_239, %get3A_254 : vector<16xf32>
        %get3A_256 = arith.index_cast %add3A_136 : i32 to index
        %get3A_257 = arith.constant 480 : index
        %get3A_258 = tpu.vector_load %arg6[%get3A_256, %get3A_257] {strides = array<i32>} : memref<32x1000xf32, #tpu.memory_space<vmem>>, vector<16xf32>,
        %max3A_259 = arith.maximumf %max3A_243, %get3A_258 : vector<16xf32>
        %get3A_260 = arith.index_cast %add3A_136 : i32 to index
        %get3A_261 = arith.constant 496 : index
        %get3A_262 = tpu.vector_load %arg6[%get3A_260, %get3A_261] {strides = array<i32>} : memref<32x1000xf32, #tpu.memory_space<vmem>>, vector<16xf32>,
        %max3A_263 = arith.maximumf %max3A_247, %get3A_262 : vector<16xf32>
        %get3A_264 = arith.index_cast %add3A_136 : i32 to index
        %get3A_265 = arith.constant 512 : index
        %get3A_266 = tpu.vector_load %arg6[%get3A_264, %get3A_265] {strides = array<i32>} : memref<32x1000xf32, #tpu.memory_space<vmem>>, vector<16xf32>,
        %max3A_267 = arith.maximumf %max3A_251, %get3A_266 : vector<16xf32>
        %get3A_268 = arith.index_cast %add3A_136 : i32 to index
        %get3A_269 = arith.constant 528 : index
        %get3A_270 = tpu.vector_load %arg6[%get3A_268, %get3A_269] {strides = array<i32>} : memref<32x1000xf32, #tpu.memory_space<vmem>>, vector<16xf32>,
        %max3A_271 = arith.maximumf %max3A_255, %get3A_270 : vector<16xf32>
        %get3A_272 = arith.index_cast %add3A_136 : i32 to index
        %get3A_273 = arith.constant 544 : index
        %get3A_274 = tpu.vector_load %arg6[%get3A_272, %get3A_273] {strides = array<i32>} : memref<32x1000xf32, #tpu.memory_space<vmem>>, vector<16xf32>,
        %max3A_275 = arith.maximumf %max3A_259, %get3A_274 : vector<16xf32>
        %get3A_276 = arith.index_cast %add3A_136 : i32 to index
        %get3A_277 = arith.constant 560 : index
        %get3A_278 = tpu.vector_load %arg6[%get3A_276, %get3A_277] {strides = array<i32>} : memref<32x1000xf32, #tpu.memory_space<vmem>>, vector<16xf32>,
        %max3A_279 = arith.maximumf %max3A_263, %get3A_278 : vector<16xf32>
        %get3A_280 = arith.index_cast %add3A_136 : i32 to index
        %get3A_281 = arith.constant 576 : index
        %get3A_282 = tpu.vector_load %arg6[%get3A_280, %get3A_281] {strides = array<i32>} : memref<32x1000xf32, #tpu.memory_space<vmem>>, vector<16xf32>,
        %max3A_283 = arith.maximumf %max3A_267, %get3A_282 : vector<16xf32>
        %get3A_284 = arith.index_cast %add3A_136 : i32 to index
        %get3A_285 = arith.constant 592 : index
        %get3A_286 = tpu.vector_load %arg6[%get3A_284, %get3A_285] {strides = array<i32>} : memref<32x1000xf32, #tpu.memory_space<vmem>>, vector<16xf32>,
        %max3A_287 = arith.maximumf %max3A_271, %get3A_286 : vector<16xf32>
        %get3A_288 = arith.index_cast %add3A_136 : i32 to index
        %get3A_289 = arith.constant 608 : index
        %get3A_290 = tpu.vector_load %arg6[%get3A_288, %get3A_289] {strides = array<i32>} : memref<32x1000xf32, #tpu.memory_space<vmem>>, vector<16xf32>,
        %max3A_291 = arith.maximumf %max3A_275, %get3A_290 : vector<16xf32>
        %get3A_292 = arith.index_cast %add3A_136 : i32 to index
        %get3A_293 = arith.constant 624 : index
        %get3A_294 = tpu.vector_load %arg6[%get3A_292, %get3A_293] {strides = array<i32>} : memref<32x1000xf32, #tpu.memory_space<vmem>>, vector<16xf32>,
        %max3A_295 = arith.maximumf %max3A_279, %get3A_294 : vector<16xf32>
        %get3A_296 = arith.index_cast %add3A_136 : i32 to index
        %get3A_297 = arith.constant 640 : index
        %get3A_298 = tpu.vector_load %arg6[%get3A_296, %get3A_297] {strides = array<i32>} : memref<32x1000xf32, #tpu.memory_space<vmem>>, vector<16xf32>,
        %max3A_299 = arith.maximumf %max3A_283, %get3A_298 : vector<16xf32>
        %get3A_300 = arith.index_cast %add3A_136 : i32 to index
        %get3A_301 = arith.constant 656 : index
        %get3A_302 = tpu.vector_load %arg6[%get3A_300, %get3A_301] {strides = array<i32>} : memref<32x1000xf32, #tpu.memory_space<vmem>>, vector<16xf32>,
        %max3A_303 = arith.maximumf %max3A_287, %get3A_302 : vector<16xf32>
        %get3A_304 = arith.index_cast %add3A_136 : i32 to index
        %get3A_305 = arith.constant 672 : index
        %get3A_306 = tpu.vector_load %arg6[%get3A_304, %get3A_305] {strides = array<i32>} : memref<32x1000xf32, #tpu.memory_space<vmem>>, vector<16xf32>,
        %max3A_307 = arith.maximumf %max3A_291, %get3A_306 : vector<16xf32>
        %get3A_308 = arith.index_cast %add3A_136 : i32 to index
        %get3A_309 = arith.constant 688 : index
        %get3A_310 = tpu.vector_load %arg6[%get3A_308, %get3A_309] {strides = array<i32>} : memref<32x1000xf32, #tpu.memory_space<vmem>>, vector<16xf32>,
        %max3A_311 = arith.maximumf %max3A_295, %get3A_310 : vector<16xf32>
        %get3A_312 = arith.index_cast %add3A_136 : i32 to index
        %get3A_313 = arith.constant 704 : index
        %get3A_314 = tpu.vector_load %arg6[%get3A_312, %get3A_313] {strides = array<i32>} : memref<32x1000xf32, #tpu.memory_space<vmem>>, vector<16xf32>,
        %max3A_315 = arith.maximumf %max3A_299, %get3A_314 : vector<16xf32>
        %get3A_316 = arith.index_cast %add3A_136 : i32 to index
        %get3A_317 = arith.constant 720 : index
        %get3A_318 = tpu.vector_load %arg6[%get3A_316, %get3A_317] {strides = array<i32>} : memref<32x1000xf32, #tpu.memory_space<vmem>>, vector<16xf32>,
        %max3A_319 = arith.maximumf %max3A_303, %get3A_318 : vector<16xf32>
        %get3A_320 = arith.index_cast %add3A_136 : i32 to index
        %get3A_321 = arith.constant 736 : index
        %get3A_322 = tpu.vector_load %arg6[%get3A_320, %get3A_321] {strides = array<i32>} : memref<32x1000xf32, #tpu.memory_space<vmem>>, vector<16xf32>,
        %max3A_323 = arith.maximumf %max3A_307, %get3A_322 : vector<16xf32>
        %get3A_324 = arith.index_cast %add3A_136 : i32 to index
        %get3A_325 = arith.constant 752 : index
        %get3A_326 = tpu.vector_load %arg6[%get3A_324, %get3A_325] {strides = array<i32>} : memref<32x1000xf32, #tpu.memory_space<vmem>>, vector<16xf32>,
        %max3A_327 = arith.maximumf %max3A_311, %get3A_326 : vector<16xf32>
        %get3A_328 = arith.index_cast %add3A_136 : i32 to index
        %get3A_329 = arith.constant 768 : index
        %get3A_330 = tpu.vector_load %arg6[%get3A_328, %get3A_329] {strides = array<i32>} : memref<32x1000xf32, #tpu.memory_space<vmem>>, vector<16xf32>,
        %max3A_331 = arith.maximumf %max3A_315, %get3A_330 : vector<16xf32>
        %get3A_332 = arith.index_cast %add3A_136 : i32 to index
        %get3A_333 = arith.constant 784 : index
        %get3A_334 = tpu.vector_load %arg6[%get3A_332, %get3A_333] {strides = array<i32>} : memref<32x1000xf32, #tpu.memory_space<vmem>>, vector<16xf32>,
        %max3A_335 = arith.maximumf %max3A_319, %get3A_334 : vector<16xf32>
        %get3A_336 = arith.index_cast %add3A_136 : i32 to index
        %get3A_337 = arith.constant 800 : index
        %get3A_338 = tpu.vector_load %arg6[%get3A_336, %get3A_337] {strides = array<i32>} : memref<32x1000xf32, #tpu.memory_space<vmem>>, vector<16xf32>,
        %max3A_339 = arith.maximumf %max3A_323, %get3A_338 : vector<16xf32>
        %get3A_340 = arith.index_cast %add3A_136 : i32 to index
        %get3A_341 = arith.constant 816 : index
        %get3A_342 = tpu.vector_load %arg6[%get3A_340, %get3A_341] {strides = array<i32>} : memref<32x1000xf32, #tpu.memory_space<vmem>>, vector<16xf32>,
        %max3A_343 = arith.maximumf %max3A_327, %get3A_342 : vector<16xf32>
        %get3A_344 = arith.index_cast %add3A_136 : i32 to index
        %get3A_345 = arith.constant 832 : index
        %get3A_346 = tpu.vector_load %arg6[%get3A_344, %get3A_345] {strides = array<i32>} : memref<32x1000xf32, #tpu.memory_space<vmem>>, vector<16xf32>,
        %max3A_347 = arith.maximumf %max3A_331, %get3A_346 : vector<16xf32>
        %get3A_348 = arith.index_cast %add3A_136 : i32 to index
        %get3A_349 = arith.constant 848 : index
        %get3A_350 = tpu.vector_load %arg6[%get3A_348, %get3A_349] {strides = array<i32>} : memref<32x1000xf32, #tpu.memory_space<vmem>>, vector<16xf32>,
        %max3A_351 = arith.maximumf %max3A_335, %get3A_350 : vector<16xf32>
        %get3A_352 = arith.index_cast %add3A_136 : i32 to index
        %get3A_353 = arith.constant 864 : index
        %get3A_354 = tpu.vector_load %arg6[%get3A_352, %get3A_353] {strides = array<i32>} : memref<32x1000xf32, #tpu.memory_space<vmem>>, vector<16xf32>,
        %max3A_355 = arith.maximumf %max3A_339, %get3A_354 : vector<16xf32>
        %get3A_356 = arith.index_cast %add3A_136 : i32 to index
        %get3A_357 = arith.constant 880 : index
        %get3A_358 = tpu.vector_load %arg6[%get3A_356, %get3A_357] {strides = array<i32>} : memref<32x1000xf32, #tpu.memory_space<vmem>>, vector<16xf32>,
        %max3A_359 = arith.maximumf %max3A_343, %get3A_358 : vector<16xf32>
        %get3A_360 = arith.index_cast %add3A_136 : i32 to index
        %get3A_361 = arith.constant 896 : index
        %get3A_362 = tpu.vector_load %arg6[%get3A_360, %get3A_361] {strides = array<i32>} : memref<32x1000xf32, #tpu.memory_space<vmem>>, vector<16xf32>,
        %max3A_363 = arith.maximumf %max3A_347, %get3A_362 : vector<16xf32>
        %get3A_364 = arith.index_cast %add3A_136 : i32 to index
        %get3A_365 = arith.constant 912 : index
        %get3A_366 = tpu.vector_load %arg6[%get3A_364, %get3A_365] {strides = array<i32>} : memref<32x1000xf32, #tpu.memory_space<vmem>>, vector<16xf32>,
        %max3A_367 = arith.maximumf %max3A_351, %get3A_366 : vector<16xf32>
        %get3A_368 = arith.index_cast %add3A_136 : i32 to index
        %get3A_369 = arith.constant 928 : index
        %get3A_370 = tpu.vector_load %arg6[%get3A_368, %get3A_369] {strides = array<i32>} : memref<32x1000xf32, #tpu.memory_space<vmem>>, vector<16xf32>,
        %max3A_371 = arith.maximumf %max3A_355, %get3A_370 : vector<16xf32>
        %get3A_372 = arith.index_cast %add3A_136 : i32 to index
        %get3A_373 = arith.constant 944 : index
        %get3A_374 = tpu.vector_load %arg6[%get3A_372, %get3A_373] {strides = array<i32>} : memref<32x1000xf32, #tpu.memory_space<vmem>>, vector<16xf32>,
        %max3A_375 = arith.maximumf %max3A_359, %get3A_374 : vector<16xf32>
        %get3A_376 = arith.index_cast %add3A_136 : i32 to index
        %get3A_377 = arith.constant 960 : index
        %get3A_378 = tpu.vector_load %arg6[%get3A_376, %get3A_377] {strides = array<i32>} : memref<32x1000xf32, #tpu.memory_space<vmem>>, vector<16xf32>,
        %max3A_379 = arith.maximumf %max3A_363, %get3A_378 : vector<16xf32>
        %get3A_380 = arith.index_cast %add3A_136 : i32 to index
        %get3A_381 = arith.constant 976 : index
        %get3A_382 = tpu.vector_load %arg6[%get3A_380, %get3A_381] {strides = array<i32>} : memref<32x1000xf32, #tpu.memory_space<vmem>>, vector<16xf32>,
        %max3A_383 = arith.maximumf %max3A_367, %get3A_382 : vector<16xf32>
        %get3A_384 = arith.index_cast %add3A_136 : i32 to index
        %get3A_385 = arith.constant 984 : index
        %get3A_386 = tpu.vector_load %arg6[%get3A_384, %get3A_385] {strides = array<i32>} : memref<32x1000xf32, #tpu.memory_space<vmem>>, vector<16xf32>,
        %max3A_387 = arith.maximumf %max3A_371, %get3A_386 : vector<16xf32>
        %max3A_388 = arith.maximumf %max3A_379, %max3A_383 : vector<16xf32>
        %max3A_389 = arith.maximumf %max3A_387, %max3A_375 : vector<16xf32>
        %max3A_390 = arith.maximumf %max3A_388, %max3A_389 : vector<16xf32>
        %broadcast_in_dim3A_391 = arith.constant true
        %broadcast_in_dim3A_392 = vector.broadcast %broadcast_in_dim3A_391 : i1 to vector<16xi1>
        %masked_cummax3A = tpu.scan <max>, %max3A_390 masked %broadcast_in_dim3A_392 : vector<16xf32>, vector<16xi1> -> vector<16xf32>
        %mul3A_393 = arith.constant 4 : i32
        %mul3A_394 = arith.muli %scan3A_130, %mul3A_393 : i32
        %add3A_395 = arith.constant 0 : i32
        %add3A_396 = arith.addi %mul3A_394, %add3A_395 : i32
        %swap3A_397 = arith.index_cast %add3A_396 : i32 to index
        %swap3A_398 = arith.constant 0 : index
        %swap3A_399 = tpu.vector_load %arg9[%swap3A_397, %swap3A_398] {strides = array<i32>} : memref<16x16xf32, #tpu.memory_space<vmem>>, vector<16xf32>,
        tpu.vector_store %arg9[%swap3A_397, %swap3A_398], %masked_cummax3A {strides = array<i32>} : memref<16x16xf32, #tpu.memory_space<vmem>>, vector<16xf32>,
        %mul3A_400 = arith.constant 4 : i32
        %mul3A_401 = arith.muli %scan3A_130, %mul3A_400 : i32
        %add3A_402 = arith.constant 0 : i32
        %add3A_403 = arith.addi %add3A_402, %mul3A_401 : i32
        %add3A_404 = arith.constant 1 : i32
        %add3A_405 = arith.addi %add3A_403, %add3A_404 : i32
        %get3A_406 = arith.index_cast %add3A_405 : i32 to index
        %get3A_407 = arith.constant 0 : index
        %get3A_408 = tpu.vector_load %arg6[%get3A_406, %get3A_407] {strides = array<i32>} : memref<32x1000xf32, #tpu.memory_space<vmem>>, vector<16xf32>,
        %max3A_409 = arith.maximumf %broadcast_in_dim3A_3, %get3A_408 : vector<16xf32>
        %get3A_410 = arith.index_cast %add3A_405 : i32 to index
        %get3A_411 = arith.constant 16 : index
        %get3A_412 = tpu.vector_load %arg6[%get3A_410, %get3A_411] {strides = array<i32>} : memref<32x1000xf32, #tpu.memory_space<vmem>>, vector<16xf32>,
        %max3A_413 = arith.maximumf %broadcast_in_dim3A_3, %get3A_412 : vector<16xf32>
        %get3A_414 = arith.index_cast %add3A_405 : i32 to index
        %get3A_415 = arith.constant 32 : index
        %get3A_416 = tpu.vector_load %arg6[%get3A_414, %get3A_415] {strides = array<i32>} : memref<32x1000xf32, #tpu.memory_space<vmem>>, vector<16xf32>,
        %max3A_417 = arith.maximumf %broadcast_in_dim3A_3, %get3A_416 : vector<16xf32>
        %get3A_418 = arith.index_cast %add3A_405 : i32 to index
        %get3A_419 = arith.constant 48 : index
        %get3A_420 = tpu.vector_load %arg6[%get3A_418, %get3A_419] {strides = array<i32>} : memref<32x1000xf32, #tpu.memory_space<vmem>>, vector<16xf32>,
        %max3A_421 = arith.maximumf %broadcast_in_dim3A_3, %get3A_420 : vector<16xf32>
        %get3A_422 = arith.index_cast %add3A_405 : i32 to index
        %get3A_423 = arith.constant 64 : index
        %get3A_424 = tpu.vector_load %arg6[%get3A_422, %get3A_423] {strides = array<i32>} : memref<32x1000xf32, #tpu.memory_space<vmem>>, vector<16xf32>,
        %max3A_425 = arith.maximumf %max3A_409, %get3A_424 : vector<16xf32>
        %get3A_426 = arith.index_cast %add3A_405 : i32 to index
        %get3A_427 = arith.constant 80 : index
        %get3A_428 = tpu.vector_load %arg6[%get3A_426, %get3A_427] {strides = array<i32>} : memref<32x1000xf32, #tpu.memory_space<vmem>>, vector<16xf32>,
        %max3A_429 = arith.maximumf %max3A_413, %get3A_428 : vector<16xf32>
        %get3A_430 = arith.index_cast %add3A_405 : i32 to index
        %get3A_431 = arith.constant 96 : index
        %get3A_432 = tpu.vector_load %arg6[%get3A_430, %get3A_431] {strides = array<i32>} : memref<32x1000xf32, #tpu.memory_space<vmem>>, vector<16xf32>,
        %max3A_433 = arith.maximumf %max3A_417, %get3A_432 : vector<16xf32>
        %get3A_434 = arith.index_cast %add3A_405 : i32 to index
        %get3A_435 = arith.constant 112 : index
        %get3A_436 = tpu.vector_load %arg6[%get3A_434, %get3A_435] {strides = array<i32>} : memref<32x1000xf32, #tpu.memory_space<vmem>>, vector<16xf32>,
        %max3A_437 = arith.maximumf %max3A_421, %get3A_436 : vector<16xf32>
        %get3A_438 = arith.index_cast %add3A_405 : i32 to index
        %get3A_439 = arith.constant 128 : index
        %get3A_440 = tpu.vector_load %arg6[%get3A_438, %get3A_439] {strides = array<i32>} : memref<32x1000xf32, #tpu.memory_space<vmem>>, vector<16xf32>,
        %max3A_441 = arith.maximumf %max3A_425, %get3A_440 : vector<16xf32>
        %get3A_442 = arith.index_cast %add3A_405 : i32 to index
        %get3A_443 = arith.constant 144 : index
        %get3A_444 = tpu.vector_load %arg6[%get3A_442, %get3A_443] {strides = array<i32>} : memref<32x1000xf32, #tpu.memory_space<vmem>>, vector<16xf32>,
        %max3A_445 = arith.maximumf %max3A_429, %get3A_444 : vector<16xf32>
        %get3A_446 = arith.index_cast %add3A_405 : i32 to index
        %get3A_447 = arith.constant 160 : index
        %get3A_448 = tpu.vector_load %arg6[%get3A_446, %get3A_447] {strides = array<i32>} : memref<32x1000xf32, #tpu.memory_space<vmem>>, vector<16xf32>,
        %max3A_449 = arith.maximumf %max3A_433, %get3A_448 : vector<16xf32>
        %get3A_450 = arith.index_cast %add3A_405 : i32 to index
        %get3A_451 = arith.constant 176 : index
        %get3A_452 = tpu.vector_load %arg6[%get3A_450, %get3A_451] {strides = array<i32>} : memref<32x1000xf32, #tpu.memory_space<vmem>>, vector<16xf32>,
        %max3A_453 = arith.maximumf %max3A_437, %get3A_452 : vector<16xf32>
        %get3A_454 = arith.index_cast %add3A_405 : i32 to index
        %get3A_455 = arith.constant 192 : index
        %get3A_456 = tpu.vector_load %arg6[%get3A_454, %get3A_455] {strides = array<i32>} : memref<32x1000xf32, #tpu.memory_space<vmem>>, vector<16xf32>,
        %max3A_457 = arith.maximumf %max3A_441, %get3A_456 : vector<16xf32>
        %get3A_458 = arith.index_cast %add3A_405 : i32 to index
        %get3A_459 = arith.constant 208 : index
        %get3A_460 = tpu.vector_load %arg6[%get3A_458, %get3A_459] {strides = array<i32>} : memref<32x1000xf32, #tpu.memory_space<vmem>>, vector<16xf32>,
        %max3A_461 = arith.maximumf %max3A_445, %get3A_460 : vector<16xf32>
        %get3A_462 = arith.index_cast %add3A_405 : i32 to index
        %get3A_463 = arith.constant 224 : index
        %get3A_464 = tpu.vector_load %arg6[%get3A_462, %get3A_463] {strides = array<i32>} : memref<32x1000xf32, #tpu.memory_space<vmem>>, vector<16xf32>,
        %max3A_465 = arith.maximumf %max3A_449, %get3A_464 : vector<16xf32>
        %get3A_466 = arith.index_cast %add3A_405 : i32 to index
        %get3A_467 = arith.constant 240 : index
        %get3A_468 = tpu.vector_load %arg6[%get3A_466, %get3A_467] {strides = array<i32>} : memref<32x1000xf32, #tpu.memory_space<vmem>>, vector<16xf32>,
        %max3A_469 = arith.maximumf %max3A_453, %get3A_468 : vector<16xf32>
        %get3A_470 = arith.index_cast %add3A_405 : i32 to index
        %get3A_471 = arith.constant 256 : index
        %get3A_472 = tpu.vector_load %arg6[%get3A_470, %get3A_471] {strides = array<i32>} : memref<32x1000xf32, #tpu.memory_space<vmem>>, vector<16xf32>,
        %max3A_473 = arith.maximumf %max3A_457, %get3A_472 : vector<16xf32>
        %get3A_474 = arith.index_cast %add3A_405 : i32 to index
        %get3A_475 = arith.constant 272 : index
        %get3A_476 = tpu.vector_load %arg6[%get3A_474, %get3A_475] {strides = array<i32>} : memref<32x1000xf32, #tpu.memory_space<vmem>>, vector<16xf32>,
        %max3A_477 = arith.maximumf %max3A_461, %get3A_476 : vector<16xf32>
        %get3A_478 = arith.index_cast %add3A_405 : i32 to index
        %get3A_479 = arith.constant 288 : index
        %get3A_480 = tpu.vector_load %arg6[%get3A_478, %get3A_479] {strides = array<i32>} : memref<32x1000xf32, #tpu.memory_space<vmem>>, vector<16xf32>,
        %max3A_481 = arith.maximumf %max3A_465, %get3A_480 : vector<16xf32>
        %get3A_482 = arith.index_cast %add3A_405 : i32 to index
        %get3A_483 = arith.constant 304 : index
        %get3A_484 = tpu.vector_load %arg6[%get3A_482, %get3A_483] {strides = array<i32>} : memref<32x1000xf32, #tpu.memory_space<vmem>>, vector<16xf32>,
        %max3A_485 = arith.maximumf %max3A_469, %get3A_484 : vector<16xf32>
        %get3A_486 = arith.index_cast %add3A_405 : i32 to index
        %get3A_487 = arith.constant 320 : index
        %get3A_488 = tpu.vector_load %arg6[%get3A_486, %get3A_487] {strides = array<i32>} : memref<32x1000xf32, #tpu.memory_space<vmem>>, vector<16xf32>,
        %max3A_489 = arith.maximumf %max3A_473, %get3A_488 : vector<16xf32>
        %get3A_490 = arith.index_cast %add3A_405 : i32 to index
        %get3A_491 = arith.constant 336 : index
        %get3A_492 = tpu.vector_load %arg6[%get3A_490, %get3A_491] {strides = array<i32>} : memref<32x1000xf32, #tpu.memory_space<vmem>>, vector<16xf32>,
        %max3A_493 = arith.maximumf %max3A_477, %get3A_492 : vector<16xf32>
        %get3A_494 = arith.index_cast %add3A_405 : i32 to index
        %get3A_495 = arith.constant 352 : index
        %get3A_496 = tpu.vector_load %arg6[%get3A_494, %get3A_495] {strides = array<i32>} : memref<32x1000xf32, #tpu.memory_space<vmem>>, vector<16xf32>,
        %max3A_497 = arith.maximumf %max3A_481, %get3A_496 : vector<16xf32>
        %get3A_498 = arith.index_cast %add3A_405 : i32 to index
        %get3A_499 = arith.constant 368 : index
        %get3A_500 = tpu.vector_load %arg6[%get3A_498, %get3A_499] {strides = array<i32>} : memref<32x1000xf32, #tpu.memory_space<vmem>>, vector<16xf32>,
        %max3A_501 = arith.maximumf %max3A_485, %get3A_500 : vector<16xf32>
        %get3A_502 = arith.index_cast %add3A_405 : i32 to index
        %get3A_503 = arith.constant 384 : index
        %get3A_504 = tpu.vector_load %arg6[%get3A_502, %get3A_503] {strides = array<i32>} : memref<32x1000xf32, #tpu.memory_space<vmem>>, vector<16xf32>,
        %max3A_505 = arith.maximumf %max3A_489, %get3A_504 : vector<16xf32>
        %get3A_506 = arith.index_cast %add3A_405 : i32 to index
        %get3A_507 = arith.constant 400 : index
        %get3A_508 = tpu.vector_load %arg6[%get3A_506, %get3A_507] {strides = array<i32>} : memref<32x1000xf32, #tpu.memory_space<vmem>>, vector<16xf32>,
        %max3A_509 = arith.maximumf %max3A_493, %get3A_508 : vector<16xf32>
        %get3A_510 = arith.index_cast %add3A_405 : i32 to index
        %get3A_511 = arith.constant 416 : index
        %get3A_512 = tpu.vector_load %arg6[%get3A_510, %get3A_511] {strides = array<i32>} : memref<32x1000xf32, #tpu.memory_space<vmem>>, vector<16xf32>,
        %max3A_513 = arith.maximumf %max3A_497, %get3A_512 : vector<16xf32>
        %get3A_514 = arith.index_cast %add3A_405 : i32 to index
        %get3A_515 = arith.constant 432 : index
        %get3A_516 = tpu.vector_load %arg6[%get3A_514, %get3A_515] {strides = array<i32>} : memref<32x1000xf32, #tpu.memory_space<vmem>>, vector<16xf32>,
        %max3A_517 = arith.maximumf %max3A_501, %get3A_516 : vector<16xf32>
        %get3A_518 = arith.index_cast %add3A_405 : i32 to index
        %get3A_519 = arith.constant 448 : index
        %get3A_520 = tpu.vector_load %arg6[%get3A_518, %get3A_519] {strides = array<i32>} : memref<32x1000xf32, #tpu.memory_space<vmem>>, vector<16xf32>,
        %max3A_521 = arith.maximumf %max3A_505, %get3A_520 : vector<16xf32>
        %get3A_522 = arith.index_cast %add3A_405 : i32 to index
        %get3A_523 = arith.constant 464 : index
        %get3A_524 = tpu.vector_load %arg6[%get3A_522, %get3A_523] {strides = array<i32>} : memref<32x1000xf32, #tpu.memory_space<vmem>>, vector<16xf32>,
        %max3A_525 = arith.maximumf %max3A_509, %get3A_524 : vector<16xf32>
        %get3A_526 = arith.index_cast %add3A_405 : i32 to index
        %get3A_527 = arith.constant 480 : index
        %get3A_528 = tpu.vector_load %arg6[%get3A_526, %get3A_527] {strides = array<i32>} : memref<32x1000xf32, #tpu.memory_space<vmem>>, vector<16xf32>,
        %max3A_529 = arith.maximumf %max3A_513, %get3A_528 : vector<16xf32>
        %get3A_530 = arith.index_cast %add3A_405 : i32 to index
        %get3A_531 = arith.constant 496 : index
        %get3A_532 = tpu.vector_load %arg6[%get3A_530, %get3A_531] {strides = array<i32>} : memref<32x1000xf32, #tpu.memory_space<vmem>>, vector<16xf32>,
        %max3A_533 = arith.maximumf %max3A_517, %get3A_532 : vector<16xf32>
        %get3A_534 = arith.index_cast %add3A_405 : i32 to index
        %get3A_535 = arith.constant 512 : index
        %get3A_536 = tpu.vector_load %arg6[%get3A_534, %get3A_535] {strides = array<i32>} : memref<32x1000xf32, #tpu.memory_space<vmem>>, vector<16xf32>,
        %max3A_537 = arith.maximumf %max3A_521, %get3A_536 : vector<16xf32>
        %get3A_538 = arith.index_cast %add3A_405 : i32 to index
        %get3A_539 = arith.constant 528 : index
        %get3A_540 = tpu.vector_load %arg6[%get3A_538, %get3A_539] {strides = array<i32>} : memref<32x1000xf32, #tpu.memory_space<vmem>>, vector<16xf32>,
        %max3A_541 = arith.maximumf %max3A_525, %get3A_540 : vector<16xf32>
        %get3A_542 = arith.index_cast %add3A_405 : i32 to index
        %get3A_543 = arith.constant 544 : index
        %get3A_544 = tpu.vector_load %arg6[%get3A_542, %get3A_543] {strides = array<i32>} : memref<32x1000xf32, #tpu.memory_space<vmem>>, vector<16xf32>,
        %max3A_545 = arith.maximumf %max3A_529, %get3A_544 : vector<16xf32>
        %get3A_546 = arith.index_cast %add3A_405 : i32 to index
        %get3A_547 = arith.constant 560 : index
        %get3A_548 = tpu.vector_load %arg6[%get3A_546, %get3A_547] {strides = array<i32>} : memref<32x1000xf32, #tpu.memory_space<vmem>>, vector<16xf32>,
        %max3A_549 = arith.maximumf %max3A_533, %get3A_548 : vector<16xf32>
        %get3A_550 = arith.index_cast %add3A_405 : i32 to index
        %get3A_551 = arith.constant 576 : index
        %get3A_552 = tpu.vector_load %arg6[%get3A_550, %get3A_551] {strides = array<i32>} : memref<32x1000xf32, #tpu.memory_space<vmem>>, vector<16xf32>,
        %max3A_553 = arith.maximumf %max3A_537, %get3A_552 : vector<16xf32>
        %get3A_554 = arith.index_cast %add3A_405 : i32 to index
        %get3A_555 = arith.constant 592 : index
        %get3A_556 = tpu.vector_load %arg6[%get3A_554, %get3A_555] {strides = array<i32>} : memref<32x1000xf32, #tpu.memory_space<vmem>>, vector<16xf32>,
        %max3A_557 = arith.maximumf %max3A_541, %get3A_556 : vector<16xf32>
        %get3A_558 = arith.index_cast %add3A_405 : i32 to index
        %get3A_559 = arith.constant 608 : index
        %get3A_560 = tpu.vector_load %arg6[%get3A_558, %get3A_559] {strides = array<i32>} : memref<32x1000xf32, #tpu.memory_space<vmem>>, vector<16xf32>,
        %max3A_561 = arith.maximumf %max3A_545, %get3A_560 : vector<16xf32>
        %get3A_562 = arith.index_cast %add3A_405 : i32 to index
        %get3A_563 = arith.constant 624 : index
        %get3A_564 = tpu.vector_load %arg6[%get3A_562, %get3A_563] {strides = array<i32>} : memref<32x1000xf32, #tpu.memory_space<vmem>>, vector<16xf32>,
        %max3A_565 = arith.maximumf %max3A_549, %get3A_564 : vector<16xf32>
        %get3A_566 = arith.index_cast %add3A_405 : i32 to index
        %get3A_567 = arith.constant 640 : index
        %get3A_568 = tpu.vector_load %arg6[%get3A_566, %get3A_567] {strides = array<i32>} : memref<32x1000xf32, #tpu.memory_space<vmem>>, vector<16xf32>,
        %max3A_569 = arith.maximumf %max3A_553, %get3A_568 : vector<16xf32>
        %get3A_570 = arith.index_cast %add3A_405 : i32 to index
        %get3A_571 = arith.constant 656 : index
        %get3A_572 = tpu.vector_load %arg6[%get3A_570, %get3A_571] {strides = array<i32>} : memref<32x1000xf32, #tpu.memory_space<vmem>>, vector<16xf32>,
        %max3A_573 = arith.maximumf %max3A_557, %get3A_572 : vector<16xf32>
        %get3A_574 = arith.index_cast %add3A_405 : i32 to index
        %get3A_575 = arith.constant 672 : index
        %get3A_576 = tpu.vector_load %arg6[%get3A_574, %get3A_575] {strides = array<i32>} : memref<32x1000xf32, #tpu.memory_space<vmem>>, vector<16xf32>,
        %max3A_577 = arith.maximumf %max3A_561, %get3A_576 : vector<16xf32>
        %get3A_578 = arith.index_cast %add3A_405 : i32 to index
        %get3A_579 = arith.constant 688 : index
        %get3A_580 = tpu.vector_load %arg6[%get3A_578, %get3A_579] {strides = array<i32>} : memref<32x1000xf32, #tpu.memory_space<vmem>>, vector<16xf32>,
        %max3A_581 = arith.maximumf %max3A_565, %get3A_580 : vector<16xf32>
        %get3A_582 = arith.index_cast %add3A_405 : i32 to index
        %get3A_583 = arith.constant 704 : index
        %get3A_584 = tpu.vector_load %arg6[%get3A_582, %get3A_583] {strides = array<i32>} : memref<32x1000xf32, #tpu.memory_space<vmem>>, vector<16xf32>,
        %max3A_585 = arith.maximumf %max3A_569, %get3A_584 : vector<16xf32>
        %get3A_586 = arith.index_cast %add3A_405 : i32 to index
        %get3A_587 = arith.constant 720 : index
        %get3A_588 = tpu.vector_load %arg6[%get3A_586, %get3A_587] {strides = array<i32>} : memref<32x1000xf32, #tpu.memory_space<vmem>>, vector<16xf32>,
        %max3A_589 = arith.maximumf %max3A_573, %get3A_588 : vector<16xf32>
        %get3A_590 = arith.index_cast %add3A_405 : i32 to index
        %get3A_591 = arith.constant 736 : index
        %get3A_592 = tpu.vector_load %arg6[%get3A_590, %get3A_591] {strides = array<i32>} : memref<32x1000xf32, #tpu.memory_space<vmem>>, vector<16xf32>,
        %max3A_593 = arith.maximumf %max3A_577, %get3A_592 : vector<16xf32>
        %get3A_594 = arith.index_cast %add3A_405 : i32 to index
        %get3A_595 = arith.constant 752 : index
        %get3A_596 = tpu.vector_load %arg6[%get3A_594, %get3A_595] {strides = array<i32>} : memref<32x1000xf32, #tpu.memory_space<vmem>>, vector<16xf32>,
        %max3A_597 = arith.maximumf %max3A_581, %get3A_596 : vector<16xf32>
        %get3A_598 = arith.index_cast %add3A_405 : i32 to index
        %get3A_599 = arith.constant 768 : index
        %get3A_600 = tpu.vector_load %arg6[%get3A_598, %get3A_599] {strides = array<i32>} : memref<32x1000xf32, #tpu.memory_space<vmem>>, vector<16xf32>,
        %max3A_601 = arith.maximumf %max3A_585, %get3A_600 : vector<16xf32>
        %get3A_602 = arith.index_cast %add3A_405 : i32 to index
        %get3A_603 = arith.constant 784 : index
        %get3A_604 = tpu.vector_load %arg6[%get3A_602, %get3A_603] {strides = array<i32>} : memref<32x1000xf32, #tpu.memory_space<vmem>>, vector<16xf32>,
        %max3A_605 = arith.maximumf %max3A_589, %get3A_604 : vector<16xf32>
        %get3A_606 = arith.index_cast %add3A_405 : i32 to index
        %get3A_607 = arith.constant 800 : index
        %get3A_608 = tpu.vector_load %arg6[%get3A_606, %get3A_607] {strides = array<i32>} : memref<32x1000xf32, #tpu.memory_space<vmem>>, vector<16xf32>,
        %max3A_609 = arith.maximumf %max3A_593, %get3A_608 : vector<16xf32>
        %get3A_610 = arith.index_cast %add3A_405 : i32 to index
        %get3A_611 = arith.constant 816 : index
        %get3A_612 = tpu.vector_load %arg6[%get3A_610, %get3A_611] {strides = array<i32>} : memref<32x1000xf32, #tpu.memory_space<vmem>>, vector<16xf32>,
        %max3A_613 = arith.maximumf %max3A_597, %get3A_612 : vector<16xf32>
        %get3A_614 = arith.index_cast %add3A_405 : i32 to index
        %get3A_615 = arith.constant 832 : index
        %get3A_616 = tpu.vector_load %arg6[%get3A_614, %get3A_615] {strides = array<i32>} : memref<32x1000xf32, #tpu.memory_space<vmem>>, vector<16xf32>,
        %max3A_617 = arith.maximumf %max3A_601, %get3A_616 : vector<16xf32>
        %get3A_618 = arith.index_cast %add3A_405 : i32 to index
        %get3A_619 = arith.constant 848 : index
        %get3A_620 = tpu.vector_load %arg6[%get3A_618, %get3A_619] {strides = array<i32>} : memref<32x1000xf32, #tpu.memory_space<vmem>>, vector<16xf32>,
        %max3A_621 = arith.maximumf %max3A_605, %get3A_620 : vector<16xf32>
        %get3A_622 = arith.index_cast %add3A_405 : i32 to index
        %get3A_623 = arith.constant 864 : index
        %get3A_624 = tpu.vector_load %arg6[%get3A_622, %get3A_623] {strides = array<i32>} : memref<32x1000xf32, #tpu.memory_space<vmem>>, vector<16xf32>,
        %max3A_625 = arith.maximumf %max3A_609, %get3A_624 : vector<16xf32>
        %get3A_626 = arith.index_cast %add3A_405 : i32 to index
        %get3A_627 = arith.constant 880 : index
        %get3A_628 = tpu.vector_load %arg6[%get3A_626, %get3A_627] {strides = array<i32>} : memref<32x1000xf32, #tpu.memory_space<vmem>>, vector<16xf32>,
        %max3A_629 = arith.maximumf %max3A_613, %get3A_628 : vector<16xf32>
        %get3A_630 = arith.index_cast %add3A_405 : i32 to index
        %get3A_631 = arith.constant 896 : index
        %get3A_632 = tpu.vector_load %arg6[%get3A_630, %get3A_631] {strides = array<i32>} : memref<32x1000xf32, #tpu.memory_space<vmem>>, vector<16xf32>,
        %max3A_633 = arith.maximumf %max3A_617, %get3A_632 : vector<16xf32>
        %get3A_634 = arith.index_cast %add3A_405 : i32 to index
        %get3A_635 = arith.constant 912 : index
        %get3A_636 = tpu.vector_load %arg6[%get3A_634, %get3A_635] {strides = array<i32>} : memref<32x1000xf32, #tpu.memory_space<vmem>>, vector<16xf32>,
        %max3A_637 = arith.maximumf %max3A_621, %get3A_636 : vector<16xf32>
        %get3A_638 = arith.index_cast %add3A_405 : i32 to index
        %get3A_639 = arith.constant 928 : index
        %get3A_640 = tpu.vector_load %arg6[%get3A_638, %get3A_639] {strides = array<i32>} : memref<32x1000xf32, #tpu.memory_space<vmem>>, vector<16xf32>,
        %max3A_641 = arith.maximumf %max3A_625, %get3A_640 : vector<16xf32>
        %get3A_642 = arith.index_cast %add3A_405 : i32 to index
        %get3A_643 = arith.constant 944 : index
        %get3A_644 = tpu.vector_load %arg6[%get3A_642, %get3A_643] {strides = array<i32>} : memref<32x1000xf32, #tpu.memory_space<vmem>>, vector<16xf32>,
        %max3A_645 = arith.maximumf %max3A_629, %get3A_644 : vector<16xf32>
        %get3A_646 = arith.index_cast %add3A_405 : i32 to index
        %get3A_647 = arith.constant 960 : index
        %get3A_648 = tpu.vector_load %arg6[%get3A_646, %get3A_647] {strides = array<i32>} : memref<32x1000xf32, #tpu.memory_space<vmem>>, vector<16xf32>,
        %max3A_649 = arith.maximumf %max3A_633, %get3A_648 : vector<16xf32>
        %get3A_650 = arith.index_cast %add3A_405 : i32 to index
        %get3A_651 = arith.constant 976 : index
        %get3A_652 = tpu.vector_load %arg6[%get3A_650, %get3A_651] {strides = array<i32>} : memref<32x1000xf32, #tpu.memory_space<vmem>>, vector<16xf32>,
        %max3A_653 = arith.maximumf %max3A_637, %get3A_652 : vector<16xf32>
        %get3A_654 = arith.index_cast %add3A_405 : i32 to index
        %get3A_655 = arith.constant 984 : index
        %get3A_656 = tpu.vector_load %arg6[%get3A_654, %get3A_655] {strides = array<i32>} : memref<32x1000xf32, #tpu.memory_space<vmem>>, vector<16xf32>,
        %max3A_657 = arith.maximumf %max3A_641, %get3A_656 : vector<16xf32>
        %max3A_658 = arith.maximumf %max3A_649, %max3A_653 : vector<16xf32>
        %max3A_659 = arith.maximumf %max3A_657, %max3A_645 : vector<16xf32>
        %max3A_660 = arith.maximumf %max3A_658, %max3A_659 : vector<16xf32>
        %broadcast_in_dim3A_661 = arith.constant true
        %broadcast_in_dim3A_662 = vector.broadcast %broadcast_in_dim3A_661 : i1 to vector<16xi1>
        %masked_cummax3A_663 = tpu.scan <max>, %max3A_660 masked %broadcast_in_dim3A_662 : vector<16xf32>, vector<16xi1> -> vector<16xf32>
        %mul3A_664 = arith.constant 4 : i32
        %mul3A_665 = arith.muli %scan3A_130, %mul3A_664 : i32
        %add3A_666 = arith.constant 1 : i32
        %add3A_667 = arith.addi %mul3A_665, %add3A_666 : i32
        %swap3A_668 = arith.index_cast %add3A_667 : i32 to index
        %swap3A_669 = arith.constant 0 : index
        %swap3A_670 = tpu.vector_load %arg9[%swap3A_668, %swap3A_669] {strides = array<i32>} : memref<16x16xf32, #tpu.memory_space<vmem>>, vector<16xf32>,
        tpu.vector_store %arg9[%swap3A_668, %swap3A_669], %masked_cummax3A_663 {strides = array<i32>} : memref<16x16xf32, #tpu.memory_space<vmem>>, vector<16xf32>,
        %mul3A_671 = arith.constant 4 : i32
        %mul3A_672 = arith.muli %scan3A_130, %mul3A_671 : i32
        %add3A_673 = arith.constant 0 : i32
        %add3A_674 = arith.addi %add3A_673, %mul3A_672 : i32
        %add3A_675 = arith.constant 2 : i32
        %add3A_676 = arith.addi %add3A_674, %add3A_675 : i32
        %get3A_677 = arith.index_cast %add3A_676 : i32 to index
        %get3A_678 = arith.constant 0 : index
        %get3A_679 = tpu.vector_load %arg6[%get3A_677, %get3A_678] {strides = array<i32>} : memref<32x1000xf32, #tpu.memory_space<vmem>>, vector<16xf32>,
        %max3A_680 = arith.maximumf %broadcast_in_dim3A_3, %get3A_679 : vector<16xf32>
        %get3A_681 = arith.index_cast %add3A_676 : i32 to index
        %get3A_682 = arith.constant 16 : index
        %get3A_683 = tpu.vector_load %arg6[%get3A_681, %get3A_682] {strides = array<i32>} : memref<32x1000xf32, #tpu.memory_space<vmem>>, vector<16xf32>,
        %max3A_684 = arith.maximumf %broadcast_in_dim3A_3, %get3A_683 : vector<16xf32>
        %get3A_685 = arith.index_cast %add3A_676 : i32 to index
        %get3A_686 = arith.constant 32 : index
        %get3A_687 = tpu.vector_load %arg6[%get3A_685, %get3A_686] {strides = array<i32>} : memref<32x1000xf32, #tpu.memory_space<vmem>>, vector<16xf32>,
        %max3A_688 = arith.maximumf %broadcast_in_dim3A_3, %get3A_687 : vector<16xf32>
        %get3A_689 = arith.index_cast %add3A_676 : i32 to index
        %get3A_690 = arith.constant 48 : index
        %get3A_691 = tpu.vector_load %arg6[%get3A_689, %get3A_690] {strides = array<i32>} : memref<32x1000xf32, #tpu.memory_space<vmem>>, vector<16xf32>,
        %max3A_692 = arith.maximumf %broadcast_in_dim3A_3, %get3A_691 : vector<16xf32>
        %get3A_693 = arith.index_cast %add3A_676 : i32 to index
        %get3A_694 = arith.constant 64 : index
        %get3A_695 = tpu.vector_load %arg6[%get3A_693, %get3A_694] {strides = array<i32>} : memref<32x1000xf32, #tpu.memory_space<vmem>>, vector<16xf32>,
        %max3A_696 = arith.maximumf %max3A_680, %get3A_695 : vector<16xf32>
        %get3A_697 = arith.index_cast %add3A_676 : i32 to index
        %get3A_698 = arith.constant 80 : index
        %get3A_699 = tpu.vector_load %arg6[%get3A_697, %get3A_698] {strides = array<i32>} : memref<32x1000xf32, #tpu.memory_space<vmem>>, vector<16xf32>,
        %max3A_700 = arith.maximumf %max3A_684, %get3A_699 : vector<16xf32>
        %get3A_701 = arith.index_cast %add3A_676 : i32 to index
        %get3A_702 = arith.constant 96 : index
        %get3A_703 = tpu.vector_load %arg6[%get3A_701, %get3A_702] {strides = array<i32>} : memref<32x1000xf32, #tpu.memory_space<vmem>>, vector<16xf32>,
        %max3A_704 = arith.maximumf %max3A_688, %get3A_703 : vector<16xf32>
        %get3A_705 = arith.index_cast %add3A_676 : i32 to index
        %get3A_706 = arith.constant 112 : index
        %get3A_707 = tpu.vector_load %arg6[%get3A_705, %get3A_706] {strides = array<i32>} : memref<32x1000xf32, #tpu.memory_space<vmem>>, vector<16xf32>,
        %max3A_708 = arith.maximumf %max3A_692, %get3A_707 : vector<16xf32>
        %get3A_709 = arith.index_cast %add3A_676 : i32 to index
        %get3A_710 = arith.constant 128 : index
        %get3A_711 = tpu.vector_load %arg6[%get3A_709, %get3A_710] {strides = array<i32>} : memref<32x1000xf32, #tpu.memory_space<vmem>>, vector<16xf32>,
        %max3A_712 = arith.maximumf %max3A_696, %get3A_711 : vector<16xf32>
        %get3A_713 = arith.index_cast %add3A_676 : i32 to index
        %get3A_714 = arith.constant 144 : index
        %get3A_715 = tpu.vector_load %arg6[%get3A_713, %get3A_714] {strides = array<i32>} : memref<32x1000xf32, #tpu.memory_space<vmem>>, vector<16xf32>,
        %max3A_716 = arith.maximumf %max3A_700, %get3A_715 : vector<16xf32>
        %get3A_717 = arith.index_cast %add3A_676 : i32 to index
        %get3A_718 = arith.constant 160 : index
        %get3A_719 = tpu.vector_load %arg6[%get3A_717, %get3A_718] {strides = array<i32>} : memref<32x1000xf32, #tpu.memory_space<vmem>>, vector<16xf32>,
        %max3A_720 = arith.maximumf %max3A_704, %get3A_719 : vector<16xf32>
        %get3A_721 = arith.index_cast %add3A_676 : i32 to index
        %get3A_722 = arith.constant 176 : index
        %get3A_723 = tpu.vector_load %arg6[%get3A_721, %get3A_722] {strides = array<i32>} : memref<32x1000xf32, #tpu.memory_space<vmem>>, vector<16xf32>,
        %max3A_724 = arith.maximumf %max3A_708, %get3A_723 : vector<16xf32>
        %get3A_725 = arith.index_cast %add3A_676 : i32 to index
        %get3A_726 = arith.constant 192 : index
        %get3A_727 = tpu.vector_load %arg6[%get3A_725, %get3A_726] {strides = array<i32>} : memref<32x1000xf32, #tpu.memory_space<vmem>>, vector<16xf32>,
        %max3A_728 = arith.maximumf %max3A_712, %get3A_727 : vector<16xf32>
        %get3A_729 = arith.index_cast %add3A_676 : i32 to index
        %get3A_730 = arith.constant 208 : index
        %get3A_731 = tpu.vector_load %arg6[%get3A_729, %get3A_730] {strides = array<i32>} : memref<32x1000xf32, #tpu.memory_space<vmem>>, vector<16xf32>,
        %max3A_732 = arith.maximumf %max3A_716, %get3A_731 : vector<16xf32>
        %get3A_733 = arith.index_cast %add3A_676 : i32 to index
        %get3A_734 = arith.constant 224 : index
        %get3A_735 = tpu.vector_load %arg6[%get3A_733, %get3A_734] {strides = array<i32>} : memref<32x1000xf32, #tpu.memory_space<vmem>>, vector<16xf32>,
        %max3A_736 = arith.maximumf %max3A_720, %get3A_735 : vector<16xf32>
        %get3A_737 = arith.index_cast %add3A_676 : i32 to index
        %get3A_738 = arith.constant 240 : index
        %get3A_739 = tpu.vector_load %arg6[%get3A_737, %get3A_738] {strides = array<i32>} : memref<32x1000xf32, #tpu.memory_space<vmem>>, vector<16xf32>,
        %max3A_740 = arith.maximumf %max3A_724, %get3A_739 : vector<16xf32>
        %get3A_741 = arith.index_cast %add3A_676 : i32 to index
        %get3A_742 = arith.constant 256 : index
        %get3A_743 = tpu.vector_load %arg6[%get3A_741, %get3A_742] {strides = array<i32>} : memref<32x1000xf32, #tpu.memory_space<vmem>>, vector<16xf32>,
        %max3A_744 = arith.maximumf %max3A_728, %get3A_743 : vector<16xf32>
        %get3A_745 = arith.index_cast %add3A_676 : i32 to index
        %get3A_746 = arith.constant 272 : index
        %get3A_747 = tpu.vector_load %arg6[%get3A_745, %get3A_746] {strides = array<i32>} : memref<32x1000xf32, #tpu.memory_space<vmem>>, vector<16xf32>,
        %max3A_748 = arith.maximumf %max3A_732, %get3A_747 : vector<16xf32>
        %get3A_749 = arith.index_cast %add3A_676 : i32 to index
        %get3A_750 = arith.constant 288 : index
        %get3A_751 = tpu.vector_load %arg6[%get3A_749, %get3A_750] {strides = array<i32>} : memref<32x1000xf32, #tpu.memory_space<vmem>>, vector<16xf32>,
        %max3A_752 = arith.maximumf %max3A_736, %get3A_751 : vector<16xf32>
        %get3A_753 = arith.index_cast %add3A_676 : i32 to index
        %get3A_754 = arith.constant 304 : index
        %get3A_755 = tpu.vector_load %arg6[%get3A_753, %get3A_754] {strides = array<i32>} : memref<32x1000xf32, #tpu.memory_space<vmem>>, vector<16xf32>,
        %max3A_756 = arith.maximumf %max3A_740, %get3A_755 : vector<16xf32>
        %get3A_757 = arith.index_cast %add3A_676 : i32 to index
        %get3A_758 = arith.constant 320 : index
        %get3A_759 = tpu.vector_load %arg6[%get3A_757, %get3A_758] {strides = array<i32>} : memref<32x1000xf32, #tpu.memory_space<vmem>>, vector<16xf32>,
        %max3A_760 = arith.maximumf %max3A_744, %get3A_759 : vector<16xf32>
        %get3A_761 = arith.index_cast %add3A_676 : i32 to index
        %get3A_762 = arith.constant 336 : index
        %get3A_763 = tpu.vector_load %arg6[%get3A_761, %get3A_762] {strides = array<i32>} : memref<32x1000xf32, #tpu.memory_space<vmem>>, vector<16xf32>,
        %max3A_764 = arith.maximumf %max3A_748, %get3A_763 : vector<16xf32>
        %get3A_765 = arith.index_cast %add3A_676 : i32 to index
        %get3A_766 = arith.constant 352 : index
        %get3A_767 = tpu.vector_load %arg6[%get3A_765, %get3A_766] {strides = array<i32>} : memref<32x1000xf32, #tpu.memory_space<vmem>>, vector<16xf32>,
        %max3A_768 = arith.maximumf %max3A_752, %get3A_767 : vector<16xf32>
        %get3A_769 = arith.index_cast %add3A_676 : i32 to index
        %get3A_770 = arith.constant 368 : index
        %get3A_771 = tpu.vector_load %arg6[%get3A_769, %get3A_770] {strides = array<i32>} : memref<32x1000xf32, #tpu.memory_space<vmem>>, vector<16xf32>,
        %max3A_772 = arith.maximumf %max3A_756, %get3A_771 : vector<16xf32>
        %get3A_773 = arith.index_cast %add3A_676 : i32 to index
        %get3A_774 = arith.constant 384 : index
        %get3A_775 = tpu.vector_load %arg6[%get3A_773, %get3A_774] {strides = array<i32>} : memref<32x1000xf32, #tpu.memory_space<vmem>>, vector<16xf32>,
        %max3A_776 = arith.maximumf %max3A_760, %get3A_775 : vector<16xf32>
        %get3A_777 = arith.index_cast %add3A_676 : i32 to index
        %get3A_778 = arith.constant 400 : index
        %get3A_779 = tpu.vector_load %arg6[%get3A_777, %get3A_778] {strides = array<i32>} : memref<32x1000xf32, #tpu.memory_space<vmem>>, vector<16xf32>,
        %max3A_780 = arith.maximumf %max3A_764, %get3A_779 : vector<16xf32>
        %get3A_781 = arith.index_cast %add3A_676 : i32 to index
        %get3A_782 = arith.constant 416 : index
        %get3A_783 = tpu.vector_load %arg6[%get3A_781, %get3A_782] {strides = array<i32>} : memref<32x1000xf32, #tpu.memory_space<vmem>>, vector<16xf32>,
        %max3A_784 = arith.maximumf %max3A_768, %get3A_783 : vector<16xf32>
        %get3A_785 = arith.index_cast %add3A_676 : i32 to index
        %get3A_786 = arith.constant 432 : index
        %get3A_787 = tpu.vector_load %arg6[%get3A_785, %get3A_786] {strides = array<i32>} : memref<32x1000xf32, #tpu.memory_space<vmem>>, vector<16xf32>,
        %max3A_788 = arith.maximumf %max3A_772, %get3A_787 : vector<16xf32>
        %get3A_789 = arith.index_cast %add3A_676 : i32 to index
        %get3A_790 = arith.constant 448 : index
        %get3A_791 = tpu.vector_load %arg6[%get3A_789, %get3A_790] {strides = array<i32>} : memref<32x1000xf32, #tpu.memory_space<vmem>>, vector<16xf32>,
        %max3A_792 = arith.maximumf %max3A_776, %get3A_791 : vector<16xf32>
        %get3A_793 = arith.index_cast %add3A_676 : i32 to index
        %get3A_794 = arith.constant 464 : index
        %get3A_795 = tpu.vector_load %arg6[%get3A_793, %get3A_794] {strides = array<i32>} : memref<32x1000xf32, #tpu.memory_space<vmem>>, vector<16xf32>,
        %max3A_796 = arith.maximumf %max3A_780, %get3A_795 : vector<16xf32>
        %get3A_797 = arith.index_cast %add3A_676 : i32 to index
        %get3A_798 = arith.constant 480 : index
        %get3A_799 = tpu.vector_load %arg6[%get3A_797, %get3A_798] {strides = array<i32>} : memref<32x1000xf32, #tpu.memory_space<vmem>>, vector<16xf32>,
        %max3A_800 = arith.maximumf %max3A_784, %get3A_799 : vector<16xf32>
        %get3A_801 = arith.index_cast %add3A_676 : i32 to index
        %get3A_802 = arith.constant 496 : index
        %get3A_803 = tpu.vector_load %arg6[%get3A_801, %get3A_802] {strides = array<i32>} : memref<32x1000xf32, #tpu.memory_space<vmem>>, vector<16xf32>,
        %max3A_804 = arith.maximumf %max3A_788, %get3A_803 : vector<16xf32>
        %get3A_805 = arith.index_cast %add3A_676 : i32 to index
        %get3A_806 = arith.constant 512 : index
        %get3A_807 = tpu.vector_load %arg6[%get3A_805, %get3A_806] {strides = array<i32>} : memref<32x1000xf32, #tpu.memory_space<vmem>>, vector<16xf32>,
        %max3A_808 = arith.maximumf %max3A_792, %get3A_807 : vector<16xf32>
        %get3A_809 = arith.index_cast %add3A_676 : i32 to index
        %get3A_810 = arith.constant 528 : index
        %get3A_811 = tpu.vector_load %arg6[%get3A_809, %get3A_810] {strides = array<i32>} : memref<32x1000xf32, #tpu.memory_space<vmem>>, vector<16xf32>,
        %max3A_812 = arith.maximumf %max3A_796, %get3A_811 : vector<16xf32>
        %get3A_813 = arith.index_cast %add3A_676 : i32 to index
        %get3A_814 = arith.constant 544 : index
        %get3A_815 = tpu.vector_load %arg6[%get3A_813, %get3A_814] {strides = array<i32>} : memref<32x1000xf32, #tpu.memory_space<vmem>>, vector<16xf32>,
        %max3A_816 = arith.maximumf %max3A_800, %get3A_815 : vector<16xf32>
        %get3A_817 = arith.index_cast %add3A_676 : i32 to index
        %get3A_818 = arith.constant 560 : index
        %get3A_819 = tpu.vector_load %arg6[%get3A_817, %get3A_818] {strides = array<i32>} : memref<32x1000xf32, #tpu.memory_space<vmem>>, vector<16xf32>,
        %max3A_820 = arith.maximumf %max3A_804, %get3A_819 : vector<16xf32>
        %get3A_821 = arith.index_cast %add3A_676 : i32 to index
        %get3A_822 = arith.constant 576 : index
        %get3A_823 = tpu.vector_load %arg6[%get3A_821, %get3A_822] {strides = array<i32>} : memref<32x1000xf32, #tpu.memory_space<vmem>>, vector<16xf32>,
        %max3A_824 = arith.maximumf %max3A_808, %get3A_823 : vector<16xf32>
        %get3A_825 = arith.index_cast %add3A_676 : i32 to index
        %get3A_826 = arith.constant 592 : index
        %get3A_827 = tpu.vector_load %arg6[%get3A_825, %get3A_826] {strides = array<i32>} : memref<32x1000xf32, #tpu.memory_space<vmem>>, vector<16xf32>,
        %max3A_828 = arith.maximumf %max3A_812, %get3A_827 : vector<16xf32>
        %get3A_829 = arith.index_cast %add3A_676 : i32 to index
        %get3A_830 = arith.constant 608 : index
        %get3A_831 = tpu.vector_load %arg6[%get3A_829, %get3A_830] {strides = array<i32>} : memref<32x1000xf32, #tpu.memory_space<vmem>>, vector<16xf32>,
        %max3A_832 = arith.maximumf %max3A_816, %get3A_831 : vector<16xf32>
        %get3A_833 = arith.index_cast %add3A_676 : i32 to index
        %get3A_834 = arith.constant 624 : index
        %get3A_835 = tpu.vector_load %arg6[%get3A_833, %get3A_834] {strides = array<i32>} : memref<32x1000xf32, #tpu.memory_space<vmem>>, vector<16xf32>,
        %max3A_836 = arith.maximumf %max3A_820, %get3A_835 : vector<16xf32>
        %get3A_837 = arith.index_cast %add3A_676 : i32 to index
        %get3A_838 = arith.constant 640 : index
        %get3A_839 = tpu.vector_load %arg6[%get3A_837, %get3A_838] {strides = array<i32>} : memref<32x1000xf32, #tpu.memory_space<vmem>>, vector<16xf32>,
        %max3A_840 = arith.maximumf %max3A_824, %get3A_839 : vector<16xf32>
        %get3A_841 = arith.index_cast %add3A_676 : i32 to index
        %get3A_842 = arith.constant 656 : index
        %get3A_843 = tpu.vector_load %arg6[%get3A_841, %get3A_842] {strides = array<i32>} : memref<32x1000xf32, #tpu.memory_space<vmem>>, vector<16xf32>,
        %max3A_844 = arith.maximumf %max3A_828, %get3A_843 : vector<16xf32>
        %get3A_845 = arith.index_cast %add3A_676 : i32 to index
        %get3A_846 = arith.constant 672 : index
        %get3A_847 = tpu.vector_load %arg6[%get3A_845, %get3A_846] {strides = array<i32>} : memref<32x1000xf32, #tpu.memory_space<vmem>>, vector<16xf32>,
        %max3A_848 = arith.maximumf %max3A_832, %get3A_847 : vector<16xf32>
        %get3A_849 = arith.index_cast %add3A_676 : i32 to index
        %get3A_850 = arith.constant 688 : index
        %get3A_851 = tpu.vector_load %arg6[%get3A_849, %get3A_850] {strides = array<i32>} : memref<32x1000xf32, #tpu.memory_space<vmem>>, vector<16xf32>,
        %max3A_852 = arith.maximumf %max3A_836, %get3A_851 : vector<16xf32>
        %get3A_853 = arith.index_cast %add3A_676 : i32 to index
        %get3A_854 = arith.constant 704 : index
        %get3A_855 = tpu.vector_load %arg6[%get3A_853, %get3A_854] {strides = array<i32>} : memref<32x1000xf32, #tpu.memory_space<vmem>>, vector<16xf32>,
        %max3A_856 = arith.maximumf %max3A_840, %get3A_855 : vector<16xf32>
        %get3A_857 = arith.index_cast %add3A_676 : i32 to index
        %get3A_858 = arith.constant 720 : index
        %get3A_859 = tpu.vector_load %arg6[%get3A_857, %get3A_858] {strides = array<i32>} : memref<32x1000xf32, #tpu.memory_space<vmem>>, vector<16xf32>,
        %max3A_860 = arith.maximumf %max3A_844, %get3A_859 : vector<16xf32>
        %get3A_861 = arith.index_cast %add3A_676 : i32 to index
        %get3A_862 = arith.constant 736 : index
        %get3A_863 = tpu.vector_load %arg6[%get3A_861, %get3A_862] {strides = array<i32>} : memref<32x1000xf32, #tpu.memory_space<vmem>>, vector<16xf32>,
        %max3A_864 = arith.maximumf %max3A_848, %get3A_863 : vector<16xf32>
        %get3A_865 = arith.index_cast %add3A_676 : i32 to index
        %get3A_866 = arith.constant 752 : index
        %get3A_867 = tpu.vector_load %arg6[%get3A_865, %get3A_866] {strides = array<i32>} : memref<32x1000xf32, #tpu.memory_space<vmem>>, vector<16xf32>,
        %max3A_868 = arith.maximumf %max3A_852, %get3A_867 : vector<16xf32>
        %get3A_869 = arith.index_cast %add3A_676 : i32 to index
        %get3A_870 = arith.constant 768 : index
        %get3A_871 = tpu.vector_load %arg6[%get3A_869, %get3A_870] {strides = array<i32>} : memref<32x1000xf32, #tpu.memory_space<vmem>>, vector<16xf32>,
        %max3A_872 = arith.maximumf %max3A_856, %get3A_871 : vector<16xf32>
        %get3A_873 = arith.index_cast %add3A_676 : i32 to index
        %get3A_874 = arith.constant 784 : index
        %get3A_875 = tpu.vector_load %arg6[%get3A_873, %get3A_874] {strides = array<i32>} : memref<32x1000xf32, #tpu.memory_space<vmem>>, vector<16xf32>,
        %max3A_876 = arith.maximumf %max3A_860, %get3A_875 : vector<16xf32>
        %get3A_877 = arith.index_cast %add3A_676 : i32 to index
        %get3A_878 = arith.constant 800 : index
        %get3A_879 = tpu.vector_load %arg6[%get3A_877, %get3A_878] {strides = array<i32>} : memref<32x1000xf32, #tpu.memory_space<vmem>>, vector<16xf32>,
        %max3A_880 = arith.maximumf %max3A_864, %get3A_879 : vector<16xf32>
        %get3A_881 = arith.index_cast %add3A_676 : i32 to index
        %get3A_882 = arith.constant 816 : index
        %get3A_883 = tpu.vector_load %arg6[%get3A_881, %get3A_882] {strides = array<i32>} : memref<32x1000xf32, #tpu.memory_space<vmem>>, vector<16xf32>,
        %max3A_884 = arith.maximumf %max3A_868, %get3A_883 : vector<16xf32>
        %get3A_885 = arith.index_cast %add3A_676 : i32 to index
        %get3A_886 = arith.constant 832 : index
        %get3A_887 = tpu.vector_load %arg6[%get3A_885, %get3A_886] {strides = array<i32>} : memref<32x1000xf32, #tpu.memory_space<vmem>>, vector<16xf32>,
        %max3A_888 = arith.maximumf %max3A_872, %get3A_887 : vector<16xf32>
        %get3A_889 = arith.index_cast %add3A_676 : i32 to index
        %get3A_890 = arith.constant 848 : index
        %get3A_891 = tpu.vector_load %arg6[%get3A_889, %get3A_890] {strides = array<i32>} : memref<32x1000xf32, #tpu.memory_space<vmem>>, vector<16xf32>,
        %max3A_892 = arith.maximumf %max3A_876, %get3A_891 : vector<16xf32>
        %get3A_893 = arith.index_cast %add3A_676 : i32 to index
        %get3A_894 = arith.constant 864 : index
        %get3A_895 = tpu.vector_load %arg6[%get3A_893, %get3A_894] {strides = array<i32>} : memref<32x1000xf32, #tpu.memory_space<vmem>>, vector<16xf32>,
        %max3A_896 = arith.maximumf %max3A_880, %get3A_895 : vector<16xf32>
        %get3A_897 = arith.index_cast %add3A_676 : i32 to index
        %get3A_898 = arith.constant 880 : index
        %get3A_899 = tpu.vector_load %arg6[%get3A_897, %get3A_898] {strides = array<i32>} : memref<32x1000xf32, #tpu.memory_space<vmem>>, vector<16xf32>,
        %max3A_900 = arith.maximumf %max3A_884, %get3A_899 : vector<16xf32>
        %get3A_901 = arith.index_cast %add3A_676 : i32 to index
        %get3A_902 = arith.constant 896 : index
        %get3A_903 = tpu.vector_load %arg6[%get3A_901, %get3A_902] {strides = array<i32>} : memref<32x1000xf32, #tpu.memory_space<vmem>>, vector<16xf32>,
        %max3A_904 = arith.maximumf %max3A_888, %get3A_903 : vector<16xf32>
        %get3A_905 = arith.index_cast %add3A_676 : i32 to index
        %get3A_906 = arith.constant 912 : index
        %get3A_907 = tpu.vector_load %arg6[%get3A_905, %get3A_906] {strides = array<i32>} : memref<32x1000xf32, #tpu.memory_space<vmem>>, vector<16xf32>,
        %max3A_908 = arith.maximumf %max3A_892, %get3A_907 : vector<16xf32>
        %get3A_909 = arith.index_cast %add3A_676 : i32 to index
        %get3A_910 = arith.constant 928 : index
        %get3A_911 = tpu.vector_load %arg6[%get3A_909, %get3A_910] {strides = array<i32>} : memref<32x1000xf32, #tpu.memory_space<vmem>>, vector<16xf32>,
        %max3A_912 = arith.maximumf %max3A_896, %get3A_911 : vector<16xf32>
        %get3A_913 = arith.index_cast %add3A_676 : i32 to index
        %get3A_914 = arith.constant 944 : index
        %get3A_915 = tpu.vector_load %arg6[%get3A_913, %get3A_914] {strides = array<i32>} : memref<32x1000xf32, #tpu.memory_space<vmem>>, vector<16xf32>,
        %max3A_916 = arith.maximumf %max3A_900, %get3A_915 : vector<16xf32>
        %get3A_917 = arith.index_cast %add3A_676 : i32 to index
        %get3A_918 = arith.constant 960 : index
        %get3A_919 = tpu.vector_load %arg6[%get3A_917, %get3A_918] {strides = array<i32>} : memref<32x1000xf32, #tpu.memory_space<vmem>>, vector<16xf32>,
        %max3A_920 = arith.maximumf %max3A_904, %get3A_919 : vector<16xf32>
        %get3A_921 = arith.index_cast %add3A_676 : i32 to index
        %get3A_922 = arith.constant 976 : index
        %get3A_923 = tpu.vector_load %arg6[%get3A_921, %get3A_922] {strides = array<i32>} : memref<32x1000xf32, #tpu.memory_space<vmem>>, vector<16xf32>,
        %max3A_924 = arith.maximumf %max3A_908, %get3A_923 : vector<16xf32>
        %get3A_925 = arith.index_cast %add3A_676 : i32 to index
        %get3A_926 = arith.constant 984 : index
        %get3A_927 = tpu.vector_load %arg6[%get3A_925, %get3A_926] {strides = array<i32>} : memref<32x1000xf32, #tpu.memory_space<vmem>>, vector<16xf32>,
        %max3A_928 = arith.maximumf %max3A_912, %get3A_927 : vector<16xf32>
        %max3A_929 = arith.maximumf %max3A_920, %max3A_924 : vector<16xf32>
        %max3A_930 = arith.maximumf %max3A_928, %max3A_916 : vector<16xf32>
        %max3A_931 = arith.maximumf %max3A_929, %max3A_930 : vector<16xf32>
        %broadcast_in_dim3A_932 = arith.constant true
        %broadcast_in_dim3A_933 = vector.broadcast %broadcast_in_dim3A_932 : i1 to vector<16xi1>
        %masked_cummax3A_934 = tpu.scan <max>, %max3A_931 masked %broadcast_in_dim3A_933 : vector<16xf32>, vector<16xi1> -> vector<16xf32>
        %mul3A_935 = arith.constant 4 : i32
        %mul3A_936 = arith.muli %scan3A_130, %mul3A_935 : i32
        %add3A_937 = arith.constant 2 : i32
        %add3A_938 = arith.addi %mul3A_936, %add3A_937 : i32
        %swap3A_939 = arith.index_cast %add3A_938 : i32 to index
        %swap3A_940 = arith.constant 0 : index
        %swap3A_941 = tpu.vector_load %arg9[%swap3A_939, %swap3A_940] {strides = array<i32>} : memref<16x16xf32, #tpu.memory_space<vmem>>, vector<16xf32>,
        tpu.vector_store %arg9[%swap3A_939, %swap3A_940], %masked_cummax3A_934 {strides = array<i32>} : memref<16x16xf32, #tpu.memory_space<vmem>>, vector<16xf32>,
        %mul3A_942 = arith.constant 4 : i32
        %mul3A_943 = arith.muli %scan3A_130, %mul3A_942 : i32
        %add3A_944 = arith.constant 0 : i32
        %add3A_945 = arith.addi %add3A_944, %mul3A_943 : i32
        %add3A_946 = arith.constant 3 : i32
        %add3A_947 = arith.addi %add3A_945, %add3A_946 : i32
        %get3A_948 = arith.index_cast %add3A_947 : i32 to index
        %get3A_949 = arith.constant 0 : index
        %get3A_950 = tpu.vector_load %arg6[%get3A_948, %get3A_949] {strides = array<i32>} : memref<32x1000xf32, #tpu.memory_space<vmem>>, vector<16xf32>,
        %max3A_951 = arith.maximumf %broadcast_in_dim3A_3, %get3A_950 : vector<16xf32>
        %get3A_952 = arith.index_cast %add3A_947 : i32 to index
        %get3A_953 = arith.constant 16 : index
        %get3A_954 = tpu.vector_load %arg6[%get3A_952, %get3A_953] {strides = array<i32>} : memref<32x1000xf32, #tpu.memory_space<vmem>>, vector<16xf32>,
        %max3A_955 = arith.maximumf %broadcast_in_dim3A_3, %get3A_954 : vector<16xf32>
        %get3A_956 = arith.index_cast %add3A_947 : i32 to index
        %get3A_957 = arith.constant 32 : index
        %get3A_958 = tpu.vector_load %arg6[%get3A_956, %get3A_957] {strides = array<i32>} : memref<32x1000xf32, #tpu.memory_space<vmem>>, vector<16xf32>,
        %max3A_959 = arith.maximumf %broadcast_in_dim3A_3, %get3A_958 : vector<16xf32>
        %get3A_960 = arith.index_cast %add3A_947 : i32 to index
        %get3A_961 = arith.constant 48 : index
        %get3A_962 = tpu.vector_load %arg6[%get3A_960, %get3A_961] {strides = array<i32>} : memref<32x1000xf32, #tpu.memory_space<vmem>>, vector<16xf32>,
        %max3A_963 = arith.maximumf %broadcast_in_dim3A_3, %get3A_962 : vector<16xf32>
        %get3A_964 = arith.index_cast %add3A_947 : i32 to index
        %get3A_965 = arith.constant 64 : index
        %get3A_966 = tpu.vector_load %arg6[%get3A_964, %get3A_965] {strides = array<i32>} : memref<32x1000xf32, #tpu.memory_space<vmem>>, vector<16xf32>,
        %max3A_967 = arith.maximumf %max3A_951, %get3A_966 : vector<16xf32>
        %get3A_968 = arith.index_cast %add3A_947 : i32 to index
        %get3A_969 = arith.constant 80 : index
        %get3A_970 = tpu.vector_load %arg6[%get3A_968, %get3A_969] {strides = array<i32>} : memref<32x1000xf32, #tpu.memory_space<vmem>>, vector<16xf32>,
        %max3A_971 = arith.maximumf %max3A_955, %get3A_970 : vector<16xf32>
        %get3A_972 = arith.index_cast %add3A_947 : i32 to index
        %get3A_973 = arith.constant 96 : index
        %get3A_974 = tpu.vector_load %arg6[%get3A_972, %get3A_973] {strides = array<i32>} : memref<32x1000xf32, #tpu.memory_space<vmem>>, vector<16xf32>,
        %max3A_975 = arith.maximumf %max3A_959, %get3A_974 : vector<16xf32>
        %get3A_976 = arith.index_cast %add3A_947 : i32 to index
        %get3A_977 = arith.constant 112 : index
        %get3A_978 = tpu.vector_load %arg6[%get3A_976, %get3A_977] {strides = array<i32>} : memref<32x1000xf32, #tpu.memory_space<vmem>>, vector<16xf32>,
        %max3A_979 = arith.maximumf %max3A_963, %get3A_978 : vector<16xf32>
        %get3A_980 = arith.index_cast %add3A_947 : i32 to index
        %get3A_981 = arith.constant 128 : index
        %get3A_982 = tpu.vector_load %arg6[%get3A_980, %get3A_981] {strides = array<i32>} : memref<32x1000xf32, #tpu.memory_space<vmem>>, vector<16xf32>,
        %max3A_983 = arith.maximumf %max3A_967, %get3A_982 : vector<16xf32>
        %get3A_984 = arith.index_cast %add3A_947 : i32 to index
        %get3A_985 = arith.constant 144 : index
        %get3A_986 = tpu.vector_load %arg6[%get3A_984, %get3A_985] {strides = array<i32>} : memref<32x1000xf32, #tpu.memory_space<vmem>>, vector<16xf32>,
        %max3A_987 = arith.maximumf %max3A_971, %get3A_986 : vector<16xf32>
        %get3A_988 = arith.index_cast %add3A_947 : i32 to index
        %get3A_989 = arith.constant 160 : index
        %get3A_990 = tpu.vector_load %arg6[%get3A_988, %get3A_989] {strides = array<i32>} : memref<32x1000xf32, #tpu.memory_space<vmem>>, vector<16xf32>,
        %max3A_991 = arith.maximumf %max3A_975, %get3A_990 : vector<16xf32>
        %get3A_992 = arith.index_cast %add3A_947 : i32 to index
        %get3A_993 = arith.constant 176 : index
        %get3A_994 = tpu.vector_load %arg6[%get3A_992, %get3A_993] {strides = array<i32>} : memref<32x1000xf32, #tpu.memory_space<vmem>>, vector<16xf32>,
        %max3A_995 = arith.maximumf %max3A_979, %get3A_994 : vector<16xf32>
        %get3A_996 = arith.index_cast %add3A_947 : i32 to index
        %get3A_997 = arith.constant 192 : index
        %get3A_998 = tpu.vector_load %arg6[%get3A_996, %get3A_997] {strides = array<i32>} : memref<32x1000xf32, #tpu.memory_space<vmem>>, vector<16xf32>,
        %max3A_999 = arith.maximumf %max3A_983, %get3A_998 : vector<16xf32>
        %get3A_1000 = arith.index_cast %add3A_947 : i32 to index
        %get3A_1001 = arith.constant 208 : index
        %get3A_1002 = tpu.vector_load %arg6[%get3A_1000, %get3A_1001] {strides = array<i32>} : memref<32x1000xf32, #tpu.memory_space<vmem>>, vector<16xf32>,
        %max3A_1003 = arith.maximumf %max3A_987, %get3A_1002 : vector<16xf32>
        %get3A_1004 = arith.index_cast %add3A_947 : i32 to index
        %get3A_1005 = arith.constant 224 : index
        %get3A_1006 = tpu.vector_load %arg6[%get3A_1004, %get3A_1005] {strides = array<i32>} : memref<32x1000xf32, #tpu.memory_space<vmem>>, vector<16xf32>,
        %max3A_1007 = arith.maximumf %max3A_991, %get3A_1006 : vector<16xf32>
        %get3A_1008 = arith.index_cast %add3A_947 : i32 to index
        %get3A_1009 = arith.constant 240 : index
        %get3A_1010 = tpu.vector_load %arg6[%get3A_1008, %get3A_1009] {strides = array<i32>} : memref<32x1000xf32, #tpu.memory_space<vmem>>, vector<16xf32>,
        %max3A_1011 = arith.maximumf %max3A_995, %get3A_1010 : vector<16xf32>
        %get3A_1012 = arith.index_cast %add3A_947 : i32 to index
        %get3A_1013 = arith.constant 256 : index
        %get3A_1014 = tpu.vector_load %arg6[%get3A_1012, %get3A_1013] {strides = array<i32>} : memref<32x1000xf32, #tpu.memory_space<vmem>>, vector<16xf32>,
        %max3A_1015 = arith.maximumf %max3A_999, %get3A_1014 : vector<16xf32>
        %get3A_1016 = arith.index_cast %add3A_947 : i32 to index
        %get3A_1017 = arith.constant 272 : index
        %get3A_1018 = tpu.vector_load %arg6[%get3A_1016, %get3A_1017] {strides = array<i32>} : memref<32x1000xf32, #tpu.memory_space<vmem>>, vector<16xf32>,
        %max3A_1019 = arith.maximumf %max3A_1003, %get3A_1018 : vector<16xf32>
        %get3A_1020 = arith.index_cast %add3A_947 : i32 to index
        %get3A_1021 = arith.constant 288 : index
        %get3A_1022 = tpu.vector_load %arg6[%get3A_1020, %get3A_1021] {strides = array<i32>} : memref<32x1000xf32, #tpu.memory_space<vmem>>, vector<16xf32>,
        %max3A_1023 = arith.maximumf %max3A_1007, %get3A_1022 : vector<16xf32>
        %get3A_1024 = arith.index_cast %add3A_947 : i32 to index
        %get3A_1025 = arith.constant 304 : index
        %get3A_1026 = tpu.vector_load %arg6[%get3A_1024, %get3A_1025] {strides = array<i32>} : memref<32x1000xf32, #tpu.memory_space<vmem>>, vector<16xf32>,
        %max3A_1027 = arith.maximumf %max3A_1011, %get3A_1026 : vector<16xf32>
        %get3A_1028 = arith.index_cast %add3A_947 : i32 to index
        %get3A_1029 = arith.constant 320 : index
        %get3A_1030 = tpu.vector_load %arg6[%get3A_1028, %get3A_1029] {strides = array<i32>} : memref<32x1000xf32, #tpu.memory_space<vmem>>, vector<16xf32>,
        %max3A_1031 = arith.maximumf %max3A_1015, %get3A_1030 : vector<16xf32>
        %get3A_1032 = arith.index_cast %add3A_947 : i32 to index
        %get3A_1033 = arith.constant 336 : index
        %get3A_1034 = tpu.vector_load %arg6[%get3A_1032, %get3A_1033] {strides = array<i32>} : memref<32x1000xf32, #tpu.memory_space<vmem>>, vector<16xf32>,
        %max3A_1035 = arith.maximumf %max3A_1019, %get3A_1034 : vector<16xf32>
        %get3A_1036 = arith.index_cast %add3A_947 : i32 to index
        %get3A_1037 = arith.constant 352 : index
        %get3A_1038 = tpu.vector_load %arg6[%get3A_1036, %get3A_1037] {strides = array<i32>} : memref<32x1000xf32, #tpu.memory_space<vmem>>, vector<16xf32>,
        %max3A_1039 = arith.maximumf %max3A_1023, %get3A_1038 : vector<16xf32>
        %get3A_1040 = arith.index_cast %add3A_947 : i32 to index
        %get3A_1041 = arith.constant 368 : index
        %get3A_1042 = tpu.vector_load %arg6[%get3A_1040, %get3A_1041] {strides = array<i32>} : memref<32x1000xf32, #tpu.memory_space<vmem>>, vector<16xf32>,
        %max3A_1043 = arith.maximumf %max3A_1027, %get3A_1042 : vector<16xf32>
        %get3A_1044 = arith.index_cast %add3A_947 : i32 to index
        %get3A_1045 = arith.constant 384 : index
        %get3A_1046 = tpu.vector_load %arg6[%get3A_1044, %get3A_1045] {strides = array<i32>} : memref<32x1000xf32, #tpu.memory_space<vmem>>, vector<16xf32>,
        %max3A_1047 = arith.maximumf %max3A_1031, %get3A_1046 : vector<16xf32>
        %get3A_1048 = arith.index_cast %add3A_947 : i32 to index
        %get3A_1049 = arith.constant 400 : index
        %get3A_1050 = tpu.vector_load %arg6[%get3A_1048, %get3A_1049] {strides = array<i32>} : memref<32x1000xf32, #tpu.memory_space<vmem>>, vector<16xf32>,
        %max3A_1051 = arith.maximumf %max3A_1035, %get3A_1050 : vector<16xf32>
        %get3A_1052 = arith.index_cast %add3A_947 : i32 to index
        %get3A_1053 = arith.constant 416 : index
        %get3A_1054 = tpu.vector_load %arg6[%get3A_1052, %get3A_1053] {strides = array<i32>} : memref<32x1000xf32, #tpu.memory_space<vmem>>, vector<16xf32>,
        %max3A_1055 = arith.maximumf %max3A_1039, %get3A_1054 : vector<16xf32>
        %get3A_1056 = arith.index_cast %add3A_947 : i32 to index
        %get3A_1057 = arith.constant 432 : index
        %get3A_1058 = tpu.vector_load %arg6[%get3A_1056, %get3A_1057] {strides = array<i32>} : memref<32x1000xf32, #tpu.memory_space<vmem>>, vector<16xf32>,
        %max3A_1059 = arith.maximumf %max3A_1043, %get3A_1058 : vector<16xf32>
        %get3A_1060 = arith.index_cast %add3A_947 : i32 to index
        %get3A_1061 = arith.constant 448 : index
        %get3A_1062 = tpu.vector_load %arg6[%get3A_1060, %get3A_1061] {strides = array<i32>} : memref<32x1000xf32, #tpu.memory_space<vmem>>, vector<16xf32>,
        %max3A_1063 = arith.maximumf %max3A_1047, %get3A_1062 : vector<16xf32>
        %get3A_1064 = arith.index_cast %add3A_947 : i32 to index
        %get3A_1065 = arith.constant 464 : index
        %get3A_1066 = tpu.vector_load %arg6[%get3A_1064, %get3A_1065] {strides = array<i32>} : memref<32x1000xf32, #tpu.memory_space<vmem>>, vector<16xf32>,
        %max3A_1067 = arith.maximumf %max3A_1051, %get3A_1066 : vector<16xf32>
        %get3A_1068 = arith.index_cast %add3A_947 : i32 to index
        %get3A_1069 = arith.constant 480 : index
        %get3A_1070 = tpu.vector_load %arg6[%get3A_1068, %get3A_1069] {strides = array<i32>} : memref<32x1000xf32, #tpu.memory_space<vmem>>, vector<16xf32>,
        %max3A_1071 = arith.maximumf %max3A_1055, %get3A_1070 : vector<16xf32>
        %get3A_1072 = arith.index_cast %add3A_947 : i32 to index
        %get3A_1073 = arith.constant 496 : index
        %get3A_1074 = tpu.vector_load %arg6[%get3A_1072, %get3A_1073] {strides = array<i32>} : memref<32x1000xf32, #tpu.memory_space<vmem>>, vector<16xf32>,
        %max3A_1075 = arith.maximumf %max3A_1059, %get3A_1074 : vector<16xf32>
        %get3A_1076 = arith.index_cast %add3A_947 : i32 to index
        %get3A_1077 = arith.constant 512 : index
        %get3A_1078 = tpu.vector_load %arg6[%get3A_1076, %get3A_1077] {strides = array<i32>} : memref<32x1000xf32, #tpu.memory_space<vmem>>, vector<16xf32>,
        %max3A_1079 = arith.maximumf %max3A_1063, %get3A_1078 : vector<16xf32>
        %get3A_1080 = arith.index_cast %add3A_947 : i32 to index
        %get3A_1081 = arith.constant 528 : index
        %get3A_1082 = tpu.vector_load %arg6[%get3A_1080, %get3A_1081] {strides = array<i32>} : memref<32x1000xf32, #tpu.memory_space<vmem>>, vector<16xf32>,
        %max3A_1083 = arith.maximumf %max3A_1067, %get3A_1082 : vector<16xf32>
        %get3A_1084 = arith.index_cast %add3A_947 : i32 to index
        %get3A_1085 = arith.constant 544 : index
        %get3A_1086 = tpu.vector_load %arg6[%get3A_1084, %get3A_1085] {strides = array<i32>} : memref<32x1000xf32, #tpu.memory_space<vmem>>, vector<16xf32>,
        %max3A_1087 = arith.maximumf %max3A_1071, %get3A_1086 : vector<16xf32>
        %get3A_1088 = arith.index_cast %add3A_947 : i32 to index
        %get3A_1089 = arith.constant 560 : index
        %get3A_1090 = tpu.vector_load %arg6[%get3A_1088, %get3A_1089] {strides = array<i32>} : memref<32x1000xf32, #tpu.memory_space<vmem>>, vector<16xf32>,
        %max3A_1091 = arith.maximumf %max3A_1075, %get3A_1090 : vector<16xf32>
        %get3A_1092 = arith.index_cast %add3A_947 : i32 to index
        %get3A_1093 = arith.constant 576 : index
        %get3A_1094 = tpu.vector_load %arg6[%get3A_1092, %get3A_1093] {strides = array<i32>} : memref<32x1000xf32, #tpu.memory_space<vmem>>, vector<16xf32>,
        %max3A_1095 = arith.maximumf %max3A_1079, %get3A_1094 : vector<16xf32>
        %get3A_1096 = arith.index_cast %add3A_947 : i32 to index
        %get3A_1097 = arith.constant 592 : index
        %get3A_1098 = tpu.vector_load %arg6[%get3A_1096, %get3A_1097] {strides = array<i32>} : memref<32x1000xf32, #tpu.memory_space<vmem>>, vector<16xf32>,
        %max3A_1099 = arith.maximumf %max3A_1083, %get3A_1098 : vector<16xf32>
        %get3A_1100 = arith.index_cast %add3A_947 : i32 to index
        %get3A_1101 = arith.constant 608 : index
        %get3A_1102 = tpu.vector_load %arg6[%get3A_1100, %get3A_1101] {strides = array<i32>} : memref<32x1000xf32, #tpu.memory_space<vmem>>, vector<16xf32>,
        %max3A_1103 = arith.maximumf %max3A_1087, %get3A_1102 : vector<16xf32>
        %get3A_1104 = arith.index_cast %add3A_947 : i32 to index
        %get3A_1105 = arith.constant 624 : index
        %get3A_1106 = tpu.vector_load %arg6[%get3A_1104, %get3A_1105] {strides = array<i32>} : memref<32x1000xf32, #tpu.memory_space<vmem>>, vector<16xf32>,
        %max3A_1107 = arith.maximumf %max3A_1091, %get3A_1106 : vector<16xf32>
        %get3A_1108 = arith.index_cast %add3A_947 : i32 to index
        %get3A_1109 = arith.constant 640 : index
        %get3A_1110 = tpu.vector_load %arg6[%get3A_1108, %get3A_1109] {strides = array<i32>} : memref<32x1000xf32, #tpu.memory_space<vmem>>, vector<16xf32>,
        %max3A_1111 = arith.maximumf %max3A_1095, %get3A_1110 : vector<16xf32>
        %get3A_1112 = arith.index_cast %add3A_947 : i32 to index
        %get3A_1113 = arith.constant 656 : index
        %get3A_1114 = tpu.vector_load %arg6[%get3A_1112, %get3A_1113] {strides = array<i32>} : memref<32x1000xf32, #tpu.memory_space<vmem>>, vector<16xf32>,
        %max3A_1115 = arith.maximumf %max3A_1099, %get3A_1114 : vector<16xf32>
        %get3A_1116 = arith.index_cast %add3A_947 : i32 to index
        %get3A_1117 = arith.constant 672 : index
        %get3A_1118 = tpu.vector_load %arg6[%get3A_1116, %get3A_1117] {strides = array<i32>} : memref<32x1000xf32, #tpu.memory_space<vmem>>, vector<16xf32>,
        %max3A_1119 = arith.maximumf %max3A_1103, %get3A_1118 : vector<16xf32>
        %get3A_1120 = arith.index_cast %add3A_947 : i32 to index
        %get3A_1121 = arith.constant 688 : index
        %get3A_1122 = tpu.vector_load %arg6[%get3A_1120, %get3A_1121] {strides = array<i32>} : memref<32x1000xf32, #tpu.memory_space<vmem>>, vector<16xf32>,
        %max3A_1123 = arith.maximumf %max3A_1107, %get3A_1122 : vector<16xf32>
        %get3A_1124 = arith.index_cast %add3A_947 : i32 to index
        %get3A_1125 = arith.constant 704 : index
        %get3A_1126 = tpu.vector_load %arg6[%get3A_1124, %get3A_1125] {strides = array<i32>} : memref<32x1000xf32, #tpu.memory_space<vmem>>, vector<16xf32>,
        %max3A_1127 = arith.maximumf %max3A_1111, %get3A_1126 : vector<16xf32>
        %get3A_1128 = arith.index_cast %add3A_947 : i32 to index
        %get3A_1129 = arith.constant 720 : index
        %get3A_1130 = tpu.vector_load %arg6[%get3A_1128, %get3A_1129] {strides = array<i32>} : memref<32x1000xf32, #tpu.memory_space<vmem>>, vector<16xf32>,
        %max3A_1131 = arith.maximumf %max3A_1115, %get3A_1130 : vector<16xf32>
        %get3A_1132 = arith.index_cast %add3A_947 : i32 to index
        %get3A_1133 = arith.constant 736 : index
        %get3A_1134 = tpu.vector_load %arg6[%get3A_1132, %get3A_1133] {strides = array<i32>} : memref<32x1000xf32, #tpu.memory_space<vmem>>, vector<16xf32>,
        %max3A_1135 = arith.maximumf %max3A_1119, %get3A_1134 : vector<16xf32>
        %get3A_1136 = arith.index_cast %add3A_947 : i32 to index
        %get3A_1137 = arith.constant 752 : index
        %get3A_1138 = tpu.vector_load %arg6[%get3A_1136, %get3A_1137] {strides = array<i32>} : memref<32x1000xf32, #tpu.memory_space<vmem>>, vector<16xf32>,
        %max3A_1139 = arith.maximumf %max3A_1123, %get3A_1138 : vector<16xf32>
        %get3A_1140 = arith.index_cast %add3A_947 : i32 to index
        %get3A_1141 = arith.constant 768 : index
        %get3A_1142 = tpu.vector_load %arg6[%get3A_1140, %get3A_1141] {strides = array<i32>} : memref<32x1000xf32, #tpu.memory_space<vmem>>, vector<16xf32>,
        %max3A_1143 = arith.maximumf %max3A_1127, %get3A_1142 : vector<16xf32>
        %get3A_1144 = arith.index_cast %add3A_947 : i32 to index
        %get3A_1145 = arith.constant 784 : index
        %get3A_1146 = tpu.vector_load %arg6[%get3A_1144, %get3A_1145] {strides = array<i32>} : memref<32x1000xf32, #tpu.memory_space<vmem>>, vector<16xf32>,
        %max3A_1147 = arith.maximumf %max3A_1131, %get3A_1146 : vector<16xf32>
        %get3A_1148 = arith.index_cast %add3A_947 : i32 to index
        %get3A_1149 = arith.constant 800 : index
        %get3A_1150 = tpu.vector_load %arg6[%get3A_1148, %get3A_1149] {strides = array<i32>} : memref<32x1000xf32, #tpu.memory_space<vmem>>, vector<16xf32>,
        %max3A_1151 = arith.maximumf %max3A_1135, %get3A_1150 : vector<16xf32>
        %get3A_1152 = arith.index_cast %add3A_947 : i32 to index
        %get3A_1153 = arith.constant 816 : index
        %get3A_1154 = tpu.vector_load %arg6[%get3A_1152, %get3A_1153] {strides = array<i32>} : memref<32x1000xf32, #tpu.memory_space<vmem>>, vector<16xf32>,
        %max3A_1155 = arith.maximumf %max3A_1139, %get3A_1154 : vector<16xf32>
        %get3A_1156 = arith.index_cast %add3A_947 : i32 to index
        %get3A_1157 = arith.constant 832 : index
        %get3A_1158 = tpu.vector_load %arg6[%get3A_1156, %get3A_1157] {strides = array<i32>} : memref<32x1000xf32, #tpu.memory_space<vmem>>, vector<16xf32>,
        %max3A_1159 = arith.maximumf %max3A_1143, %get3A_1158 : vector<16xf32>
        %get3A_1160 = arith.index_cast %add3A_947 : i32 to index
        %get3A_1161 = arith.constant 848 : index
        %get3A_1162 = tpu.vector_load %arg6[%get3A_1160, %get3A_1161] {strides = array<i32>} : memref<32x1000xf32, #tpu.memory_space<vmem>>, vector<16xf32>,
        %max3A_1163 = arith.maximumf %max3A_1147, %get3A_1162 : vector<16xf32>
        %get3A_1164 = arith.index_cast %add3A_947 : i32 to index
        %get3A_1165 = arith.constant 864 : index
        %get3A_1166 = tpu.vector_load %arg6[%get3A_1164, %get3A_1165] {strides = array<i32>} : memref<32x1000xf32, #tpu.memory_space<vmem>>, vector<16xf32>,
        %max3A_1167 = arith.maximumf %max3A_1151, %get3A_1166 : vector<16xf32>
        %get3A_1168 = arith.index_cast %add3A_947 : i32 to index
        %get3A_1169 = arith.constant 880 : index
        %get3A_1170 = tpu.vector_load %arg6[%get3A_1168, %get3A_1169] {strides = array<i32>} : memref<32x1000xf32, #tpu.memory_space<vmem>>, vector<16xf32>,
        %max3A_1171 = arith.maximumf %max3A_1155, %get3A_1170 : vector<16xf32>
        %get3A_1172 = arith.index_cast %add3A_947 : i32 to index
        %get3A_1173 = arith.constant 896 : index
        %get3A_1174 = tpu.vector_load %arg6[%get3A_1172, %get3A_1173] {strides = array<i32>} : memref<32x1000xf32, #tpu.memory_space<vmem>>, vector<16xf32>,
        %max3A_1175 = arith.maximumf %max3A_1159, %get3A_1174 : vector<16xf32>
        %get3A_1176 = arith.index_cast %add3A_947 : i32 to index
        %get3A_1177 = arith.constant 912 : index
        %get3A_1178 = tpu.vector_load %arg6[%get3A_1176, %get3A_1177] {strides = array<i32>} : memref<32x1000xf32, #tpu.memory_space<vmem>>, vector<16xf32>,
        %max3A_1179 = arith.maximumf %max3A_1163, %get3A_1178 : vector<16xf32>
        %get3A_1180 = arith.index_cast %add3A_947 : i32 to index
        %get3A_1181 = arith.constant 928 : index
        %get3A_1182 = tpu.vector_load %arg6[%get3A_1180, %get3A_1181] {strides = array<i32>} : memref<32x1000xf32, #tpu.memory_space<vmem>>, vector<16xf32>,
        %max3A_1183 = arith.maximumf %max3A_1167, %get3A_1182 : vector<16xf32>
        %get3A_1184 = arith.index_cast %add3A_947 : i32 to index
        %get3A_1185 = arith.constant 944 : index
        %get3A_1186 = tpu.vector_load %arg6[%get3A_1184, %get3A_1185] {strides = array<i32>} : memref<32x1000xf32, #tpu.memory_space<vmem>>, vector<16xf32>,
        %max3A_1187 = arith.maximumf %max3A_1171, %get3A_1186 : vector<16xf32>
        %get3A_1188 = arith.index_cast %add3A_947 : i32 to index
        %get3A_1189 = arith.constant 960 : index
        %get3A_1190 = tpu.vector_load %arg6[%get3A_1188, %get3A_1189] {strides = array<i32>} : memref<32x1000xf32, #tpu.memory_space<vmem>>, vector<16xf32>,
        %max3A_1191 = arith.maximumf %max3A_1175, %get3A_1190 : vector<16xf32>
        %get3A_1192 = arith.index_cast %add3A_947 : i32 to index
        %get3A_1193 = arith.constant 976 : index
        %get3A_1194 = tpu.vector_load %arg6[%get3A_1192, %get3A_1193] {strides = array<i32>} : memref<32x1000xf32, #tpu.memory_space<vmem>>, vector<16xf32>,
        %max3A_1195 = arith.maximumf %max3A_1179, %get3A_1194 : vector<16xf32>
        %get3A_1196 = arith.index_cast %add3A_947 : i32 to index
        %get3A_1197 = arith.constant 984 : index
        %get3A_1198 = tpu.vector_load %arg6[%get3A_1196, %get3A_1197] {strides = array<i32>} : memref<32x1000xf32, #tpu.memory_space<vmem>>, vector<16xf32>,
        %max3A_1199 = arith.maximumf %max3A_1183, %get3A_1198 : vector<16xf32>
        %max3A_1200 = arith.maximumf %max3A_1191, %max3A_1195 : vector<16xf32>
        %max3A_1201 = arith.maximumf %max3A_1199, %max3A_1187 : vector<16xf32>
        %max3A_1202 = arith.maximumf %max3A_1200, %max3A_1201 : vector<16xf32>
        %broadcast_in_dim3A_1203 = arith.constant true
        %broadcast_in_dim3A_1204 = vector.broadcast %broadcast_in_dim3A_1203 : i1 to vector<16xi1>
        %masked_cummax3A_1205 = tpu.scan <max>, %max3A_1202 masked %broadcast_in_dim3A_1204 : vector<16xf32>, vector<16xi1> -> vector<16xf32>
        %mul3A_1206 = arith.constant 4 : i32
        %mul3A_1207 = arith.muli %scan3A_130, %mul3A_1206 : i32
        %add3A_1208 = arith.constant 3 : i32
        %add3A_1209 = arith.addi %mul3A_1207, %add3A_1208 : i32
        %swap3A_1210 = arith.index_cast %add3A_1209 : i32 to index
        %swap3A_1211 = arith.constant 0 : index
        %swap3A_1212 = tpu.vector_load %arg9[%swap3A_1210, %swap3A_1211] {strides = array<i32>} : memref<16x16xf32, #tpu.memory_space<vmem>>, vector<16xf32>,
        tpu.vector_store %arg9[%swap3A_1210, %swap3A_1211], %masked_cummax3A_1205 {strides = array<i32>} : memref<16x16xf32, #tpu.memory_space<vmem>>, vector<16xf32>,
      }
      %scan3A_95 = arith.constant 4 : i32
      %gather3A_96 = tpu.vector_load_idx %arg9[%iota3A, %broadcast_in_dim3A_5] : memref<16x16xf32, #tpu.memory_space<vmem>>[vector<16xi32>, vector<16xi32>], vector<16xf32>,
      %sub3A_97 = arith.subf %gather3A_96, %gather3A_89 : vector<16xf32>
      %multiple_of3A_98 = tpu.assume_multiple %add3A_82, 16 : i32
      %swap3A_99 = arith.index_cast %multiple_of3A_98 : i32 to index
      %swap3A_100 = tpu.vector_load %arg8[%swap3A_99] {strides = array<i32>} : memref<512xf32, #tpu.memory_space<vmem>>, vector<16xf32>,
      tpu.vector_store %arg8[%swap3A_99], %sub3A_97 {strides = array<i32>} : memref<512xf32, #tpu.memory_space<vmem>>, vector<16xf32>,
      %mul3A_101 = arith.constant 32 : i32
      %mul3A_102 = arith.muli %add3A_74, %mul3A_101 : i32
      %add3A_103 = arith.constant 16 : i32
      %add3A_104 = arith.addi %mul3A_102, %add3A_103 : i32
      %multiple_of3A_105 = tpu.assume_multiple %add3A_104, 16 : i32
      %get3A_106 = arith.index_cast %multiple_of3A_105 : i32 to index
      %get3A_107 = tpu.vector_load %arg7[%get3A_106] {strides = array<i32>} : memref<512xi32, #tpu.memory_space<vmem>>, vector<16xi32>,
      %add3A_108 = arith.constant 16 : i32
      %add3A_109 = vector.broadcast %add3A_108 : i32 to vector<16xi32>
      %add3A_110 = arith.addi %add3A_109, %iota3A : vector<16xi32>
      %gather3A_111 = tpu.vector_load_idx %arg6[%add3A_110, %get3A_107] : memref<32x1000xf32, #tpu.memory_space<vmem>>[vector<16xi32>, vector<16xi32>], vector<16xf32>,
      tpu.vector_store_idx %arg6[%add3A_110, %get3A_107], %broadcast_in_dim3A_3 : memref<32x1000xf32, #tpu.memory_space<vmem>>[vector<16xi32>, vector<16xi32>], vector<16xf32>,
      %scan3A_112 = arith.constant 0 : i32
      %scan3A_113 = arith.constant 0 : i32
      %scan3A_114 = arith.constant 4 : i32
      %scan3A_115 = arith.addi %scan3A_113, %scan3A_114 : i32
      %scan3A_116 = arith.constant 1 : i32
      scf.for %scan3A_130 = %scan3A_113 to %scan3A_115 step %scan3A_116  : i32 {
        %mul3A_131 = arith.constant 4 : i32
        %mul3A_132 = arith.muli %scan3A_130, %mul3A_131 : i32
        %add3A_133 = arith.constant 16 : i32
        %add3A_134 = arith.addi %add3A_133, %mul3A_132 : i32
        %add3A_135 = arith.constant 0 : i32
        %add3A_136 = arith.addi %add3A_134, %add3A_135 : i32
        %get3A_137 = arith.index_cast %add3A_136 : i32 to index
        %get3A_138 = arith.constant 0 : index
        %get3A_139 = tpu.vector_load %arg6[%get3A_137, %get3A_138] {strides = array<i32>} : memref<32x1000xf32, #tpu.memory_space<vmem>>, vector<16xf32>,
        %max3A = arith.maximumf %broadcast_in_dim3A_3, %get3A_139 : vector<16xf32>
        %get3A_140 = arith.index_cast %add3A_136 : i32 to index
        %get3A_141 = arith.constant 16 : index
        %get3A_142 = tpu.vector_load %arg6[%get3A_140, %get3A_141] {strides = array<i32>} : memref<32x1000xf32, #tpu.memory_space<vmem>>, vector<16xf32>,
        %max3A_143 = arith.maximumf %broadcast_in_dim3A_3, %get3A_142 : vector<16xf32>
        %get3A_144 = arith.index_cast %add3A_136 : i32 to index
        %get3A_145 = arith.constant 32 : index
        %get3A_146 = tpu.vector_load %arg6[%get3A_144, %get3A_145] {strides = array<i32>} : memref<32x1000xf32, #tpu.memory_space<vmem>>, vector<16xf32>,
        %max3A_147 = arith.maximumf %broadcast_in_dim3A_3, %get3A_146 : vector<16xf32>
        %get3A_148 = arith.index_cast %add3A_136 : i32 to index
        %get3A_149 = arith.constant 48 : index
        %get3A_150 = tpu.vector_load %arg6[%get3A_148, %get3A_149] {strides = array<i32>} : memref<32x1000xf32, #tpu.memory_space<vmem>>, vector<16xf32>,
        %max3A_151 = arith.maximumf %broadcast_in_dim3A_3, %get3A_150 : vector<16xf32>
        %get3A_152 = arith.index_cast %add3A_136 : i32 to index
        %get3A_153 = arith.constant 64 : index
        %get3A_154 = tpu.vector_load %arg6[%get3A_152, %get3A_153] {strides = array<i32>} : memref<32x1000xf32, #tpu.memory_space<vmem>>, vector<16xf32>,
        %max3A_155 = arith.maximumf %max3A, %get3A_154 : vector<16xf32>
        %get3A_156 = arith.index_cast %add3A_136 : i32 to index
        %get3A_157 = arith.constant 80 : index
        %get3A_158 = tpu.vector_load %arg6[%get3A_156, %get3A_157] {strides = array<i32>} : memref<32x1000xf32, #tpu.memory_space<vmem>>, vector<16xf32>,
        %max3A_159 = arith.maximumf %max3A_143, %get3A_158 : vector<16xf32>
        %get3A_160 = arith.index_cast %add3A_136 : i32 to index
        %get3A_161 = arith.constant 96 : index
        %get3A_162 = tpu.vector_load %arg6[%get3A_160, %get3A_161] {strides = array<i32>} : memref<32x1000xf32, #tpu.memory_space<vmem>>, vector<16xf32>,
        %max3A_163 = arith.maximumf %max3A_147, %get3A_162 : vector<16xf32>
        %get3A_164 = arith.index_cast %add3A_136 : i32 to index
        %get3A_165 = arith.constant 112 : index
        %get3A_166 = tpu.vector_load %arg6[%get3A_164, %get3A_165] {strides = array<i32>} : memref<32x1000xf32, #tpu.memory_space<vmem>>, vector<16xf32>,
        %max3A_167 = arith.maximumf %max3A_151, %get3A_166 : vector<16xf32>
        %get3A_168 = arith.index_cast %add3A_136 : i32 to index
        %get3A_169 = arith.constant 128 : index
        %get3A_170 = tpu.vector_load %arg6[%get3A_168, %get3A_169] {strides = array<i32>} : memref<32x1000xf32, #tpu.memory_space<vmem>>, vector<16xf32>,
        %max3A_171 = arith.maximumf %max3A_155, %get3A_170 : vector<16xf32>
        %get3A_172 = arith.index_cast %add3A_136 : i32 to index
        %get3A_173 = arith.constant 144 : index
        %get3A_174 = tpu.vector_load %arg6[%get3A_172, %get3A_173] {strides = array<i32>} : memref<32x1000xf32, #tpu.memory_space<vmem>>, vector<16xf32>,
        %max3A_175 = arith.maximumf %max3A_159, %get3A_174 : vector<16xf32>
        %get3A_176 = arith.index_cast %add3A_136 : i32 to index
        %get3A_177 = arith.constant 160 : index
        %get3A_178 = tpu.vector_load %arg6[%get3A_176, %get3A_177] {strides = array<i32>} : memref<32x1000xf32, #tpu.memory_space<vmem>>, vector<16xf32>,
        %max3A_179 = arith.maximumf %max3A_163, %get3A_178 : vector<16xf32>
        %get3A_180 = arith.index_cast %add3A_136 : i32 to index
        %get3A_181 = arith.constant 176 : index
        %get3A_182 = tpu.vector_load %arg6[%get3A_180, %get3A_181] {strides = array<i32>} : memref<32x1000xf32, #tpu.memory_space<vmem>>, vector<16xf32>,
        %max3A_183 = arith.maximumf %max3A_167, %get3A_182 : vector<16xf32>
        %get3A_184 = arith.index_cast %add3A_136 : i32 to index
        %get3A_185 = arith.constant 192 : index
        %get3A_186 = tpu.vector_load %arg6[%get3A_184, %get3A_185] {strides = array<i32>} : memref<32x1000xf32, #tpu.memory_space<vmem>>, vector<16xf32>,
        %max3A_187 = arith.maximumf %max3A_171, %get3A_186 : vector<16xf32>
        %get3A_188 = arith.index_cast %add3A_136 : i32 to index
        %get3A_189 = arith.constant 208 : index
        %get3A_190 = tpu.vector_load %arg6[%get3A_188, %get3A_189] {strides = array<i32>} : memref<32x1000xf32, #tpu.memory_space<vmem>>, vector<16xf32>,
        %max3A_191 = arith.maximumf %max3A_175, %get3A_190 : vector<16xf32>
        %get3A_192 = arith.index_cast %add3A_136 : i32 to index
        %get3A_193 = arith.constant 224 : index
        %get3A_194 = tpu.vector_load %arg6[%get3A_192, %get3A_193] {strides = array<i32>} : memref<32x1000xf32, #tpu.memory_space<vmem>>, vector<16xf32>,
        %max3A_195 = arith.maximumf %max3A_179, %get3A_194 : vector<16xf32>
        %get3A_196 = arith.index_cast %add3A_136 : i32 to index
        %get3A_197 = arith.constant 240 : index
        %get3A_198 = tpu.vector_load %arg6[%get3A_196, %get3A_197] {strides = array<i32>} : memref<32x1000xf32, #tpu.memory_space<vmem>>, vector<16xf32>,
        %max3A_199 = arith.maximumf %max3A_183, %get3A_198 : vector<16xf32>
        %get3A_200 = arith.index_cast %add3A_136 : i32 to index
        %get3A_201 = arith.constant 256 : index
        %get3A_202 = tpu.vector_load %arg6[%get3A_200, %get3A_201] {strides = array<i32>} : memref<32x1000xf32, #tpu.memory_space<vmem>>, vector<16xf32>,
        %max3A_203 = arith.maximumf %max3A_187, %get3A_202 : vector<16xf32>
        %get3A_204 = arith.index_cast %add3A_136 : i32 to index
        %get3A_205 = arith.constant 272 : index
        %get3A_206 = tpu.vector_load %arg6[%get3A_204, %get3A_205] {strides = array<i32>} : memref<32x1000xf32, #tpu.memory_space<vmem>>, vector<16xf32>,
        %max3A_207 = arith.maximumf %max3A_191, %get3A_206 : vector<16xf32>
        %get3A_208 = arith.index_cast %add3A_136 : i32 to index
        %get3A_209 = arith.constant 288 : index
        %get3A_210 = tpu.vector_load %arg6[%get3A_208, %get3A_209] {strides = array<i32>} : memref<32x1000xf32, #tpu.memory_space<vmem>>, vector<16xf32>,
        %max3A_211 = arith.maximumf %max3A_195, %get3A_210 : vector<16xf32>
        %get3A_212 = arith.index_cast %add3A_136 : i32 to index
        %get3A_213 = arith.constant 304 : index
        %get3A_214 = tpu.vector_load %arg6[%get3A_212, %get3A_213] {strides = array<i32>} : memref<32x1000xf32, #tpu.memory_space<vmem>>, vector<16xf32>,
        %max3A_215 = arith.maximumf %max3A_199, %get3A_214 : vector<16xf32>
        %get3A_216 = arith.index_cast %add3A_136 : i32 to index
        %get3A_217 = arith.constant 320 : index
        %get3A_218 = tpu.vector_load %arg6[%get3A_216, %get3A_217] {strides = array<i32>} : memref<32x1000xf32, #tpu.memory_space<vmem>>, vector<16xf32>,
        %max3A_219 = arith.maximumf %max3A_203, %get3A_218 : vector<16xf32>
        %get3A_220 = arith.index_cast %add3A_136 : i32 to index
        %get3A_221 = arith.constant 336 : index
        %get3A_222 = tpu.vector_load %arg6[%get3A_220, %get3A_221] {strides = array<i32>} : memref<32x1000xf32, #tpu.memory_space<vmem>>, vector<16xf32>,
        %max3A_223 = arith.maximumf %max3A_207, %get3A_222 : vector<16xf32>
        %get3A_224 = arith.index_cast %add3A_136 : i32 to index
        %get3A_225 = arith.constant 352 : index
        %get3A_226 = tpu.vector_load %arg6[%get3A_224, %get3A_225] {strides = array<i32>} : memref<32x1000xf32, #tpu.memory_space<vmem>>, vector<16xf32>,
        %max3A_227 = arith.maximumf %max3A_211, %get3A_226 : vector<16xf32>
        %get3A_228 = arith.index_cast %add3A_136 : i32 to index
        %get3A_229 = arith.constant 368 : index
        %get3A_230 = tpu.vector_load %arg6[%get3A_228, %get3A_229] {strides = array<i32>} : memref<32x1000xf32, #tpu.memory_space<vmem>>, vector<16xf32>,
        %max3A_231 = arith.maximumf %max3A_215, %get3A_230 : vector<16xf32>
        %get3A_232 = arith.index_cast %add3A_136 : i32 to index
        %get3A_233 = arith.constant 384 : index
        %get3A_234 = tpu.vector_load %arg6[%get3A_232, %get3A_233] {strides = array<i32>} : memref<32x1000xf32, #tpu.memory_space<vmem>>, vector<16xf32>,
        %max3A_235 = arith.maximumf %max3A_219, %get3A_234 : vector<16xf32>
        %get3A_236 = arith.index_cast %add3A_136 : i32 to index
        %get3A_237 = arith.constant 400 : index
        %get3A_238 = tpu.vector_load %arg6[%get3A_236, %get3A_237] {strides = array<i32>} : memref<32x1000xf32, #tpu.memory_space<vmem>>, vector<16xf32>,
        %max3A_239 = arith.maximumf %max3A_223, %get3A_238 : vector<16xf32>
        %get3A_240 = arith.index_cast %add3A_136 : i32 to index
        %get3A_241 = arith.constant 416 : index
        %get3A_242 = tpu.vector_load %arg6[%get3A_240, %get3A_241] {strides = array<i32>} : memref<32x1000xf32, #tpu.memory_space<vmem>>, vector<16xf32>,
        %max3A_243 = arith.maximumf %max3A_227, %get3A_242 : vector<16xf32>
        %get3A_244 = arith.index_cast %add3A_136 : i32 to index
        %get3A_245 = arith.constant 432 : index
        %get3A_246 = tpu.vector_load %arg6[%get3A_244, %get3A_245] {strides = array<i32>} : memref<32x1000xf32, #tpu.memory_space<vmem>>, vector<16xf32>,
        %max3A_247 = arith.maximumf %max3A_231, %get3A_246 : vector<16xf32>
        %get3A_248 = arith.index_cast %add3A_136 : i32 to index
        %get3A_249 = arith.constant 448 : index
        %get3A_250 = tpu.vector_load %arg6[%get3A_248, %get3A_249] {strides = array<i32>} : memref<32x1000xf32, #tpu.memory_space<vmem>>, vector<16xf32>,
        %max3A_251 = arith.maximumf %max3A_235, %get3A_250 : vector<16xf32>
        %get3A_252 = arith.index_cast %add3A_136 : i32 to index
        %get3A_253 = arith.constant 464 : index
        %get3A_254 = tpu.vector_load %arg6[%get3A_252, %get3A_253] {strides = array<i32>} : memref<32x1000xf32, #tpu.memory_space<vmem>>, vector<16xf32>,
        %max3A_255 = arith.maximumf %max3A_239, %get3A_254 : vector<16xf32>
        %get3A_256 = arith.index_cast %add3A_136 : i32 to index
        %get3A_257 = arith.constant 480 : index
        %get3A_258 = tpu.vector_load %arg6[%get3A_256, %get3A_257] {strides = array<i32>} : memref<32x1000xf32, #tpu.memory_space<vmem>>, vector<16xf32>,
        %max3A_259 = arith.maximumf %max3A_243, %get3A_258 : vector<16xf32>
        %get3A_260 = arith.index_cast %add3A_136 : i32 to index
        %get3A_261 = arith.constant 496 : index
        %get3A_262 = tpu.vector_load %arg6[%get3A_260, %get3A_261] {strides = array<i32>} : memref<32x1000xf32, #tpu.memory_space<vmem>>, vector<16xf32>,
        %max3A_263 = arith.maximumf %max3A_247, %get3A_262 : vector<16xf32>
        %get3A_264 = arith.index_cast %add3A_136 : i32 to index
        %get3A_265 = arith.constant 512 : index
        %get3A_266 = tpu.vector_load %arg6[%get3A_264, %get3A_265] {strides = array<i32>} : memref<32x1000xf32, #tpu.memory_space<vmem>>, vector<16xf32>,
        %max3A_267 = arith.maximumf %max3A_251, %get3A_266 : vector<16xf32>
        %get3A_268 = arith.index_cast %add3A_136 : i32 to index
        %get3A_269 = arith.constant 528 : index
        %get3A_270 = tpu.vector_load %arg6[%get3A_268, %get3A_269] {strides = array<i32>} : memref<32x1000xf32, #tpu.memory_space<vmem>>, vector<16xf32>,
        %max3A_271 = arith.maximumf %max3A_255, %get3A_270 : vector<16xf32>
        %get3A_272 = arith.index_cast %add3A_136 : i32 to index
        %get3A_273 = arith.constant 544 : index
        %get3A_274 = tpu.vector_load %arg6[%get3A_272, %get3A_273] {strides = array<i32>} : memref<32x1000xf32, #tpu.memory_space<vmem>>, vector<16xf32>,
        %max3A_275 = arith.maximumf %max3A_259, %get3A_274 : vector<16xf32>
        %get3A_276 = arith.index_cast %add3A_136 : i32 to index
        %get3A_277 = arith.constant 560 : index
        %get3A_278 = tpu.vector_load %arg6[%get3A_276, %get3A_277] {strides = array<i32>} : memref<32x1000xf32, #tpu.memory_space<vmem>>, vector<16xf32>,
        %max3A_279 = arith.maximumf %max3A_263, %get3A_278 : vector<16xf32>
        %get3A_280 = arith.index_cast %add3A_136 : i32 to index
        %get3A_281 = arith.constant 576 : index
        %get3A_282 = tpu.vector_load %arg6[%get3A_280, %get3A_281] {strides = array<i32>} : memref<32x1000xf32, #tpu.memory_space<vmem>>, vector<16xf32>,
        %max3A_283 = arith.maximumf %max3A_267, %get3A_282 : vector<16xf32>
        %get3A_284 = arith.index_cast %add3A_136 : i32 to index
        %get3A_285 = arith.constant 592 : index
        %get3A_286 = tpu.vector_load %arg6[%get3A_284, %get3A_285] {strides = array<i32>} : memref<32x1000xf32, #tpu.memory_space<vmem>>, vector<16xf32>,
        %max3A_287 = arith.maximumf %max3A_271, %get3A_286 : vector<16xf32>
        %get3A_288 = arith.index_cast %add3A_136 : i32 to index
        %get3A_289 = arith.constant 608 : index
        %get3A_290 = tpu.vector_load %arg6[%get3A_288, %get3A_289] {strides = array<i32>} : memref<32x1000xf32, #tpu.memory_space<vmem>>, vector<16xf32>,
        %max3A_291 = arith.maximumf %max3A_275, %get3A_290 : vector<16xf32>
        %get3A_292 = arith.index_cast %add3A_136 : i32 to index
        %get3A_293 = arith.constant 624 : index
        %get3A_294 = tpu.vector_load %arg6[%get3A_292, %get3A_293] {strides = array<i32>} : memref<32x1000xf32, #tpu.memory_space<vmem>>, vector<16xf32>,
        %max3A_295 = arith.maximumf %max3A_279, %get3A_294 : vector<16xf32>
        %get3A_296 = arith.index_cast %add3A_136 : i32 to index
        %get3A_297 = arith.constant 640 : index
        %get3A_298 = tpu.vector_load %arg6[%get3A_296, %get3A_297] {strides = array<i32>} : memref<32x1000xf32, #tpu.memory_space<vmem>>, vector<16xf32>,
        %max3A_299 = arith.maximumf %max3A_283, %get3A_298 : vector<16xf32>
        %get3A_300 = arith.index_cast %add3A_136 : i32 to index
        %get3A_301 = arith.constant 656 : index
        %get3A_302 = tpu.vector_load %arg6[%get3A_300, %get3A_301] {strides = array<i32>} : memref<32x1000xf32, #tpu.memory_space<vmem>>, vector<16xf32>,
        %max3A_303 = arith.maximumf %max3A_287, %get3A_302 : vector<16xf32>
        %get3A_304 = arith.index_cast %add3A_136 : i32 to index
        %get3A_305 = arith.constant 672 : index
        %get3A_306 = tpu.vector_load %arg6[%get3A_304, %get3A_305] {strides = array<i32>} : memref<32x1000xf32, #tpu.memory_space<vmem>>, vector<16xf32>,
        %max3A_307 = arith.maximumf %max3A_291, %get3A_306 : vector<16xf32>
        %get3A_308 = arith.index_cast %add3A_136 : i32 to index
        %get3A_309 = arith.constant 688 : index
        %get3A_310 = tpu.vector_load %arg6[%get3A_308, %get3A_309] {strides = array<i32>} : memref<32x1000xf32, #tpu.memory_space<vmem>>, vector<16xf32>,
        %max3A_311 = arith.maximumf %max3A_295, %get3A_310 : vector<16xf32>
        %get3A_312 = arith.index_cast %add3A_136 : i32 to index
        %get3A_313 = arith.constant 704 : index
        %get3A_314 = tpu.vector_load %arg6[%get3A_312, %get3A_313] {strides = array<i32>} : memref<32x1000xf32, #tpu.memory_space<vmem>>, vector<16xf32>,
        %max3A_315 = arith.maximumf %max3A_299, %get3A_314 : vector<16xf32>
        %get3A_316 = arith.index_cast %add3A_136 : i32 to index
        %get3A_317 = arith.constant 720 : index
        %get3A_318 = tpu.vector_load %arg6[%get3A_316, %get3A_317] {strides = array<i32>} : memref<32x1000xf32, #tpu.memory_space<vmem>>, vector<16xf32>,
        %max3A_319 = arith.maximumf %max3A_303, %get3A_318 : vector<16xf32>
        %get3A_320 = arith.index_cast %add3A_136 : i32 to index
        %get3A_321 = arith.constant 736 : index
        %get3A_322 = tpu.vector_load %arg6[%get3A_320, %get3A_321] {strides = array<i32>} : memref<32x1000xf32, #tpu.memory_space<vmem>>, vector<16xf32>,
        %max3A_323 = arith.maximumf %max3A_307, %get3A_322 : vector<16xf32>
        %get3A_324 = arith.index_cast %add3A_136 : i32 to index
        %get3A_325 = arith.constant 752 : index
        %get3A_326 = tpu.vector_load %arg6[%get3A_324, %get3A_325] {strides = array<i32>} : memref<32x1000xf32, #tpu.memory_space<vmem>>, vector<16xf32>,
        %max3A_327 = arith.maximumf %max3A_311, %get3A_326 : vector<16xf32>
        %get3A_328 = arith.index_cast %add3A_136 : i32 to index
        %get3A_329 = arith.constant 768 : index
        %get3A_330 = tpu.vector_load %arg6[%get3A_328, %get3A_329] {strides = array<i32>} : memref<32x1000xf32, #tpu.memory_space<vmem>>, vector<16xf32>,
        %max3A_331 = arith.maximumf %max3A_315, %get3A_330 : vector<16xf32>
        %get3A_332 = arith.index_cast %add3A_136 : i32 to index
        %get3A_333 = arith.constant 784 : index
        %get3A_334 = tpu.vector_load %arg6[%get3A_332, %get3A_333] {strides = array<i32>} : memref<32x1000xf32, #tpu.memory_space<vmem>>, vector<16xf32>,
        %max3A_335 = arith.maximumf %max3A_319, %get3A_334 : vector<16xf32>
        %get3A_336 = arith.index_cast %add3A_136 : i32 to index
        %get3A_337 = arith.constant 800 : index
        %get3A_338 = tpu.vector_load %arg6[%get3A_336, %get3A_337] {strides = array<i32>} : memref<32x1000xf32, #tpu.memory_space<vmem>>, vector<16xf32>,
        %max3A_339 = arith.maximumf %max3A_323, %get3A_338 : vector<16xf32>
        %get3A_340 = arith.index_cast %add3A_136 : i32 to index
        %get3A_341 = arith.constant 816 : index
        %get3A_342 = tpu.vector_load %arg6[%get3A_340, %get3A_341] {strides = array<i32>} : memref<32x1000xf32, #tpu.memory_space<vmem>>, vector<16xf32>,
        %max3A_343 = arith.maximumf %max3A_327, %get3A_342 : vector<16xf32>
        %get3A_344 = arith.index_cast %add3A_136 : i32 to index
        %get3A_345 = arith.constant 832 : index
        %get3A_346 = tpu.vector_load %arg6[%get3A_344, %get3A_345] {strides = array<i32>} : memref<32x1000xf32, #tpu.memory_space<vmem>>, vector<16xf32>,
        %max3A_347 = arith.maximumf %max3A_331, %get3A_346 : vector<16xf32>
        %get3A_348 = arith.index_cast %add3A_136 : i32 to index
        %get3A_349 = arith.constant 848 : index
        %get3A_350 = tpu.vector_load %arg6[%get3A_348, %get3A_349] {strides = array<i32>} : memref<32x1000xf32, #tpu.memory_space<vmem>>, vector<16xf32>,
        %max3A_351 = arith.maximumf %max3A_335, %get3A_350 : vector<16xf32>
        %get3A_352 = arith.index_cast %add3A_136 : i32 to index
        %get3A_353 = arith.constant 864 : index
        %get3A_354 = tpu.vector_load %arg6[%get3A_352, %get3A_353] {strides = array<i32>} : memref<32x1000xf32, #tpu.memory_space<vmem>>, vector<16xf32>,
        %max3A_355 = arith.maximumf %max3A_339, %get3A_354 : vector<16xf32>
        %get3A_356 = arith.index_cast %add3A_136 : i32 to index
        %get3A_357 = arith.constant 880 : index
        %get3A_358 = tpu.vector_load %arg6[%get3A_356, %get3A_357] {strides = array<i32>} : memref<32x1000xf32, #tpu.memory_space<vmem>>, vector<16xf32>,
        %max3A_359 = arith.maximumf %max3A_343, %get3A_358 : vector<16xf32>
        %get3A_360 = arith.index_cast %add3A_136 : i32 to index
        %get3A_361 = arith.constant 896 : index
        %get3A_362 = tpu.vector_load %arg6[%get3A_360, %get3A_361] {strides = array<i32>} : memref<32x1000xf32, #tpu.memory_space<vmem>>, vector<16xf32>,
        %max3A_363 = arith.maximumf %max3A_347, %get3A_362 : vector<16xf32>
        %get3A_364 = arith.index_cast %add3A_136 : i32 to index
        %get3A_365 = arith.constant 912 : index
        %get3A_366 = tpu.vector_load %arg6[%get3A_364, %get3A_365] {strides = array<i32>} : memref<32x1000xf32, #tpu.memory_space<vmem>>, vector<16xf32>,
        %max3A_367 = arith.maximumf %max3A_351, %get3A_366 : vector<16xf32>
        %get3A_368 = arith.index_cast %add3A_136 : i32 to index
        %get3A_369 = arith.constant 928 : index
        %get3A_370 = tpu.vector_load %arg6[%get3A_368, %get3A_369] {strides = array<i32>} : memref<32x1000xf32, #tpu.memory_space<vmem>>, vector<16xf32>,
        %max3A_371 = arith.maximumf %max3A_355, %get3A_370 : vector<16xf32>
        %get3A_372 = arith.index_cast %add3A_136 : i32 to index
        %get3A_373 = arith.constant 944 : index
        %get3A_374 = tpu.vector_load %arg6[%get3A_372, %get3A_373] {strides = array<i32>} : memref<32x1000xf32, #tpu.memory_space<vmem>>, vector<16xf32>,
        %max3A_375 = arith.maximumf %max3A_359, %get3A_374 : vector<16xf32>
        %get3A_376 = arith.index_cast %add3A_136 : i32 to index
        %get3A_377 = arith.constant 960 : index
        %get3A_378 = tpu.vector_load %arg6[%get3A_376, %get3A_377] {strides = array<i32>} : memref<32x1000xf32, #tpu.memory_space<vmem>>, vector<16xf32>,
        %max3A_379 = arith.maximumf %max3A_363, %get3A_378 : vector<16xf32>
        %get3A_380 = arith.index_cast %add3A_136 : i32 to index
        %get3A_381 = arith.constant 976 : index
        %get3A_382 = tpu.vector_load %arg6[%get3A_380, %get3A_381] {strides = array<i32>} : memref<32x1000xf32, #tpu.memory_space<vmem>>, vector<16xf32>,
        %max3A_383 = arith.maximumf %max3A_367, %get3A_382 : vector<16xf32>
        %get3A_384 = arith.index_cast %add3A_136 : i32 to index
        %get3A_385 = arith.constant 984 : index
        %get3A_386 = tpu.vector_load %arg6[%get3A_384, %get3A_385] {strides = array<i32>} : memref<32x1000xf32, #tpu.memory_space<vmem>>, vector<16xf32>,
        %max3A_387 = arith.maximumf %max3A_371, %get3A_386 : vector<16xf32>
        %max3A_388 = arith.maximumf %max3A_379, %max3A_383 : vector<16xf32>
        %max3A_389 = arith.maximumf %max3A_387, %max3A_375 : vector<16xf32>
        %max3A_390 = arith.maximumf %max3A_388, %max3A_389 : vector<16xf32>
        %broadcast_in_dim3A_391 = arith.constant true
        %broadcast_in_dim3A_392 = vector.broadcast %broadcast_in_dim3A_391 : i1 to vector<16xi1>
        %masked_cummax3A = tpu.scan <max>, %max3A_390 masked %broadcast_in_dim3A_392 : vector<16xf32>, vector<16xi1> -> vector<16xf32>
        %mul3A_393 = arith.constant 4 : i32
        %mul3A_394 = arith.muli %scan3A_130, %mul3A_393 : i32
        %add3A_395 = arith.constant 0 : i32
        %add3A_396 = arith.addi %mul3A_394, %add3A_395 : i32
        %swap3A_397 = arith.index_cast %add3A_396 : i32 to index
        %swap3A_398 = arith.constant 0 : index
        %swap3A_399 = tpu.vector_load %arg9[%swap3A_397, %swap3A_398] {strides = array<i32>} : memref<16x16xf32, #tpu.memory_space<vmem>>, vector<16xf32>,
        tpu.vector_store %arg9[%swap3A_397, %swap3A_398], %masked_cummax3A {strides = array<i32>} : memref<16x16xf32, #tpu.memory_space<vmem>>, vector<16xf32>,
        %mul3A_400 = arith.constant 4 : i32
        %mul3A_401 = arith.muli %scan3A_130, %mul3A_400 : i32
        %add3A_402 = arith.constant 16 : i32
        %add3A_403 = arith.addi %add3A_402, %mul3A_401 : i32
        %add3A_404 = arith.constant 1 : i32
        %add3A_405 = arith.addi %add3A_403, %add3A_404 : i32
        %get3A_406 = arith.index_cast %add3A_405 : i32 to index
        %get3A_407 = arith.constant 0 : index
        %get3A_408 = tpu.vector_load %arg6[%get3A_406, %get3A_407] {strides = array<i32>} : memref<32x1000xf32, #tpu.memory_space<vmem>>, vector<16xf32>,
        %max3A_409 = arith.maximumf %broadcast_in_dim3A_3, %get3A_408 : vector<16xf32>
        %get3A_410 = arith.index_cast %add3A_405 : i32 to index
        %get3A_411 = arith.constant 16 : index
        %get3A_412 = tpu.vector_load %arg6[%get3A_410, %get3A_411] {strides = array<i32>} : memref<32x1000xf32, #tpu.memory_space<vmem>>, vector<16xf32>,
        %max3A_413 = arith.maximumf %broadcast_in_dim3A_3, %get3A_412 : vector<16xf32>
        %get3A_414 = arith.index_cast %add3A_405 : i32 to index
        %get3A_415 = arith.constant 32 : index
        %get3A_416 = tpu.vector_load %arg6[%get3A_414, %get3A_415] {strides = array<i32>} : memref<32x1000xf32, #tpu.memory_space<vmem>>, vector<16xf32>,
        %max3A_417 = arith.maximumf %broadcast_in_dim3A_3, %get3A_416 : vector<16xf32>
        %get3A_418 = arith.index_cast %add3A_405 : i32 to index
        %get3A_419 = arith.constant 48 : index
        %get3A_420 = tpu.vector_load %arg6[%get3A_418, %get3A_419] {strides = array<i32>} : memref<32x1000xf32, #tpu.memory_space<vmem>>, vector<16xf32>,
        %max3A_421 = arith.maximumf %broadcast_in_dim3A_3, %get3A_420 : vector<16xf32>
        %get3A_422 = arith.index_cast %add3A_405 : i32 to index
        %get3A_423 = arith.constant 64 : index
        %get3A_424 = tpu.vector_load %arg6[%get3A_422, %get3A_423] {strides = array<i32>} : memref<32x1000xf32, #tpu.memory_space<vmem>>, vector<16xf32>,
        %max3A_425 = arith.maximumf %max3A_409, %get3A_424 : vector<16xf32>
        %get3A_426 = arith.index_cast %add3A_405 : i32 to index
        %get3A_427 = arith.constant 80 : index
        %get3A_428 = tpu.vector_load %arg6[%get3A_426, %get3A_427] {strides = array<i32>} : memref<32x1000xf32, #tpu.memory_space<vmem>>, vector<16xf32>,
        %max3A_429 = arith.maximumf %max3A_413, %get3A_428 : vector<16xf32>
        %get3A_430 = arith.index_cast %add3A_405 : i32 to index
        %get3A_431 = arith.constant 96 : index
        %get3A_432 = tpu.vector_load %arg6[%get3A_430, %get3A_431] {strides = array<i32>} : memref<32x1000xf32, #tpu.memory_space<vmem>>, vector<16xf32>,
        %max3A_433 = arith.maximumf %max3A_417, %get3A_432 : vector<16xf32>
        %get3A_434 = arith.index_cast %add3A_405 : i32 to index
        %get3A_435 = arith.constant 112 : index
        %get3A_436 = tpu.vector_load %arg6[%get3A_434, %get3A_435] {strides = array<i32>} : memref<32x1000xf32, #tpu.memory_space<vmem>>, vector<16xf32>,
        %max3A_437 = arith.maximumf %max3A_421, %get3A_436 : vector<16xf32>
        %get3A_438 = arith.index_cast %add3A_405 : i32 to index
        %get3A_439 = arith.constant 128 : index
        %get3A_440 = tpu.vector_load %arg6[%get3A_438, %get3A_439] {strides = array<i32>} : memref<32x1000xf32, #tpu.memory_space<vmem>>, vector<16xf32>,
        %max3A_441 = arith.maximumf %max3A_425, %get3A_440 : vector<16xf32>
        %get3A_442 = arith.index_cast %add3A_405 : i32 to index
        %get3A_443 = arith.constant 144 : index
        %get3A_444 = tpu.vector_load %arg6[%get3A_442, %get3A_443] {strides = array<i32>} : memref<32x1000xf32, #tpu.memory_space<vmem>>, vector<16xf32>,
        %max3A_445 = arith.maximumf %max3A_429, %get3A_444 : vector<16xf32>
        %get3A_446 = arith.index_cast %add3A_405 : i32 to index
        %get3A_447 = arith.constant 160 : index
        %get3A_448 = tpu.vector_load %arg6[%get3A_446, %get3A_447] {strides = array<i32>} : memref<32x1000xf32, #tpu.memory_space<vmem>>, vector<16xf32>,
        %max3A_449 = arith.maximumf %max3A_433, %get3A_448 : vector<16xf32>
        %get3A_450 = arith.index_cast %add3A_405 : i32 to index
        %get3A_451 = arith.constant 176 : index
        %get3A_452 = tpu.vector_load %arg6[%get3A_450, %get3A_451] {strides = array<i32>} : memref<32x1000xf32, #tpu.memory_space<vmem>>, vector<16xf32>,
        %max3A_453 = arith.maximumf %max3A_437, %get3A_452 : vector<16xf32>
        %get3A_454 = arith.index_cast %add3A_405 : i32 to index
        %get3A_455 = arith.constant 192 : index
        %get3A_456 = tpu.vector_load %arg6[%get3A_454, %get3A_455] {strides = array<i32>} : memref<32x1000xf32, #tpu.memory_space<vmem>>, vector<16xf32>,
        %max3A_457 = arith.maximumf %max3A_441, %get3A_456 : vector<16xf32>
        %get3A_458 = arith.index_cast %add3A_405 : i32 to index
        %get3A_459 = arith.constant 208 : index
        %get3A_460 = tpu.vector_load %arg6[%get3A_458, %get3A_459] {strides = array<i32>} : memref<32x1000xf32, #tpu.memory_space<vmem>>, vector<16xf32>,
        %max3A_461 = arith.maximumf %max3A_445, %get3A_460 : vector<16xf32>
        %get3A_462 = arith.index_cast %add3A_405 : i32 to index
        %get3A_463 = arith.constant 224 : index
        %get3A_464 = tpu.vector_load %arg6[%get3A_462, %get3A_463] {strides = array<i32>} : memref<32x1000xf32, #tpu.memory_space<vmem>>, vector<16xf32>,
        %max3A_465 = arith.maximumf %max3A_449, %get3A_464 : vector<16xf32>
        %get3A_466 = arith.index_cast %add3A_405 : i32 to index
        %get3A_467 = arith.constant 240 : index
        %get3A_468 = tpu.vector_load %arg6[%get3A_466, %get3A_467] {strides = array<i32>} : memref<32x1000xf32, #tpu.memory_space<vmem>>, vector<16xf32>,
        %max3A_469 = arith.maximumf %max3A_453, %get3A_468 : vector<16xf32>
        %get3A_470 = arith.index_cast %add3A_405 : i32 to index
        %get3A_471 = arith.constant 256 : index
        %get3A_472 = tpu.vector_load %arg6[%get3A_470, %get3A_471] {strides = array<i32>} : memref<32x1000xf32, #tpu.memory_space<vmem>>, vector<16xf32>,
        %max3A_473 = arith.maximumf %max3A_457, %get3A_472 : vector<16xf32>
        %get3A_474 = arith.index_cast %add3A_405 : i32 to index
        %get3A_475 = arith.constant 272 : index
        %get3A_476 = tpu.vector_load %arg6[%get3A_474, %get3A_475] {strides = array<i32>} : memref<32x1000xf32, #tpu.memory_space<vmem>>, vector<16xf32>,
        %max3A_477 = arith.maximumf %max3A_461, %get3A_476 : vector<16xf32>
        %get3A_478 = arith.index_cast %add3A_405 : i32 to index
        %get3A_479 = arith.constant 288 : index
        %get3A_480 = tpu.vector_load %arg6[%get3A_478, %get3A_479] {strides = array<i32>} : memref<32x1000xf32, #tpu.memory_space<vmem>>, vector<16xf32>,
        %max3A_481 = arith.maximumf %max3A_465, %get3A_480 : vector<16xf32>
        %get3A_482 = arith.index_cast %add3A_405 : i32 to index
        %get3A_483 = arith.constant 304 : index
        %get3A_484 = tpu.vector_load %arg6[%get3A_482, %get3A_483] {strides = array<i32>} : memref<32x1000xf32, #tpu.memory_space<vmem>>, vector<16xf32>,
        %max3A_485 = arith.maximumf %max3A_469, %get3A_484 : vector<16xf32>
        %get3A_486 = arith.index_cast %add3A_405 : i32 to index
        %get3A_487 = arith.constant 320 : index
        %get3A_488 = tpu.vector_load %arg6[%get3A_486, %get3A_487] {strides = array<i32>} : memref<32x1000xf32, #tpu.memory_space<vmem>>, vector<16xf32>,
        %max3A_489 = arith.maximumf %max3A_473, %get3A_488 : vector<16xf32>
        %get3A_490 = arith.index_cast %add3A_405 : i32 to index
        %get3A_491 = arith.constant 336 : index
        %get3A_492 = tpu.vector_load %arg6[%get3A_490, %get3A_491] {strides = array<i32>} : memref<32x1000xf32, #tpu.memory_space<vmem>>, vector<16xf32>,
        %max3A_493 = arith.maximumf %max3A_477, %get3A_492 : vector<16xf32>
        %get3A_494 = arith.index_cast %add3A_405 : i32 to index
        %get3A_495 = arith.constant 352 : index
        %get3A_496 = tpu.vector_load %arg6[%get3A_494, %get3A_495] {strides = array<i32>} : memref<32x1000xf32, #tpu.memory_space<vmem>>, vector<16xf32>,
        %max3A_497 = arith.maximumf %max3A_481, %get3A_496 : vector<16xf32>
        %get3A_498 = arith.index_cast %add3A_405 : i32 to index
        %get3A_499 = arith.constant 368 : index
        %get3A_500 = tpu.vector_load %arg6[%get3A_498, %get3A_499] {strides = array<i32>} : memref<32x1000xf32, #tpu.memory_space<vmem>>, vector<16xf32>,
        %max3A_501 = arith.maximumf %max3A_485, %get3A_500 : vector<16xf32>
        %get3A_502 = arith.index_cast %add3A_405 : i32 to index
        %get3A_503 = arith.constant 384 : index
        %get3A_504 = tpu.vector_load %arg6[%get3A_502, %get3A_503] {strides = array<i32>} : memref<32x1000xf32, #tpu.memory_space<vmem>>, vector<16xf32>,
        %max3A_505 = arith.maximumf %max3A_489, %get3A_504 : vector<16xf32>
        %get3A_506 = arith.index_cast %add3A_405 : i32 to index
        %get3A_507 = arith.constant 400 : index
        %get3A_508 = tpu.vector_load %arg6[%get3A_506, %get3A_507] {strides = array<i32>} : memref<32x1000xf32, #tpu.memory_space<vmem>>, vector<16xf32>,
        %max3A_509 = arith.maximumf %max3A_493, %get3A_508 : vector<16xf32>
        %get3A_510 = arith.index_cast %add3A_405 : i32 to index
        %get3A_511 = arith.constant 416 : index
        %get3A_512 = tpu.vector_load %arg6[%get3A_510, %get3A_511] {strides = array<i32>} : memref<32x1000xf32, #tpu.memory_space<vmem>>, vector<16xf32>,
        %max3A_513 = arith.maximumf %max3A_497, %get3A_512 : vector<16xf32>
        %get3A_514 = arith.index_cast %add3A_405 : i32 to index
        %get3A_515 = arith.constant 432 : index
        %get3A_516 = tpu.vector_load %arg6[%get3A_514, %get3A_515] {strides = array<i32>} : memref<32x1000xf32, #tpu.memory_space<vmem>>, vector<16xf32>,
        %max3A_517 = arith.maximumf %max3A_501, %get3A_516 : vector<16xf32>
        %get3A_518 = arith.index_cast %add3A_405 : i32 to index
        %get3A_519 = arith.constant 448 : index
        %get3A_520 = tpu.vector_load %arg6[%get3A_518, %get3A_519] {strides = array<i32>} : memref<32x1000xf32, #tpu.memory_space<vmem>>, vector<16xf32>,
        %max3A_521 = arith.maximumf %max3A_505, %get3A_520 : vector<16xf32>
        %get3A_522 = arith.index_cast %add3A_405 : i32 to index
        %get3A_523 = arith.constant 464 : index
        %get3A_524 = tpu.vector_load %arg6[%get3A_522, %get3A_523] {strides = array<i32>} : memref<32x1000xf32, #tpu.memory_space<vmem>>, vector<16xf32>,
        %max3A_525 = arith.maximumf %max3A_509, %get3A_524 : vector<16xf32>
        %get3A_526 = arith.index_cast %add3A_405 : i32 to index
        %get3A_527 = arith.constant 480 : index
        %get3A_528 = tpu.vector_load %arg6[%get3A_526, %get3A_527] {strides = array<i32>} : memref<32x1000xf32, #tpu.memory_space<vmem>>, vector<16xf32>,
        %max3A_529 = arith.maximumf %max3A_513, %get3A_528 : vector<16xf32>
        %get3A_530 = arith.index_cast %add3A_405 : i32 to index
        %get3A_531 = arith.constant 496 : index
        %get3A_532 = tpu.vector_load %arg6[%get3A_530, %get3A_531] {strides = array<i32>} : memref<32x1000xf32, #tpu.memory_space<vmem>>, vector<16xf32>,
        %max3A_533 = arith.maximumf %max3A_517, %get3A_532 : vector<16xf32>
        %get3A_534 = arith.index_cast %add3A_405 : i32 to index
        %get3A_535 = arith.constant 512 : index
        %get3A_536 = tpu.vector_load %arg6[%get3A_534, %get3A_535] {strides = array<i32>} : memref<32x1000xf32, #tpu.memory_space<vmem>>, vector<16xf32>,
        %max3A_537 = arith.maximumf %max3A_521, %get3A_536 : vector<16xf32>
        %get3A_538 = arith.index_cast %add3A_405 : i32 to index
        %get3A_539 = arith.constant 528 : index
        %get3A_540 = tpu.vector_load %arg6[%get3A_538, %get3A_539] {strides = array<i32>} : memref<32x1000xf32, #tpu.memory_space<vmem>>, vector<16xf32>,
        %max3A_541 = arith.maximumf %max3A_525, %get3A_540 : vector<16xf32>
        %get3A_542 = arith.index_cast %add3A_405 : i32 to index
        %get3A_543 = arith.constant 544 : index
        %get3A_544 = tpu.vector_load %arg6[%get3A_542, %get3A_543] {strides = array<i32>} : memref<32x1000xf32, #tpu.memory_space<vmem>>, vector<16xf32>,
        %max3A_545 = arith.maximumf %max3A_529, %get3A_544 : vector<16xf32>
        %get3A_546 = arith.index_cast %add3A_405 : i32 to index
        %get3A_547 = arith.constant 560 : index
        %get3A_548 = tpu.vector_load %arg6[%get3A_546, %get3A_547] {strides = array<i32>} : memref<32x1000xf32, #tpu.memory_space<vmem>>, vector<16xf32>,
        %max3A_549 = arith.maximumf %max3A_533, %get3A_548 : vector<16xf32>
        %get3A_550 = arith.index_cast %add3A_405 : i32 to index
        %get3A_551 = arith.constant 576 : index
        %get3A_552 = tpu.vector_load %arg6[%get3A_550, %get3A_551] {strides = array<i32>} : memref<32x1000xf32, #tpu.memory_space<vmem>>, vector<16xf32>,
        %max3A_553 = arith.maximumf %max3A_537, %get3A_552 : vector<16xf32>
        %get3A_554 = arith.index_cast %add3A_405 : i32 to index
        %get3A_555 = arith.constant 592 : index
        %get3A_556 = tpu.vector_load %arg6[%get3A_554, %get3A_555] {strides = array<i32>} : memref<32x1000xf32, #tpu.memory_space<vmem>>, vector<16xf32>,
        %max3A_557 = arith.maximumf %max3A_541, %get3A_556 : vector<16xf32>
        %get3A_558 = arith.index_cast %add3A_405 : i32 to index
        %get3A_559 = arith.constant 608 : index
        %get3A_560 = tpu.vector_load %arg6[%get3A_558, %get3A_559] {strides = array<i32>} : memref<32x1000xf32, #tpu.memory_space<vmem>>, vector<16xf32>,
        %max3A_561 = arith.maximumf %max3A_545, %get3A_560 : vector<16xf32>
        %get3A_562 = arith.index_cast %add3A_405 : i32 to index
        %get3A_563 = arith.constant 624 : index
        %get3A_564 = tpu.vector_load %arg6[%get3A_562, %get3A_563] {strides = array<i32>} : memref<32x1000xf32, #tpu.memory_space<vmem>>, vector<16xf32>,
        %max3A_565 = arith.maximumf %max3A_549, %get3A_564 : vector<16xf32>
        %get3A_566 = arith.index_cast %add3A_405 : i32 to index
        %get3A_567 = arith.constant 640 : index
        %get3A_568 = tpu.vector_load %arg6[%get3A_566, %get3A_567] {strides = array<i32>} : memref<32x1000xf32, #tpu.memory_space<vmem>>, vector<16xf32>,
        %max3A_569 = arith.maximumf %max3A_553, %get3A_568 : vector<16xf32>
        %get3A_570 = arith.index_cast %add3A_405 : i32 to index
        %get3A_571 = arith.constant 656 : index
        %get3A_572 = tpu.vector_load %arg6[%get3A_570, %get3A_571] {strides = array<i32>} : memref<32x1000xf32, #tpu.memory_space<vmem>>, vector<16xf32>,
        %max3A_573 = arith.maximumf %max3A_557, %get3A_572 : vector<16xf32>
        %get3A_574 = arith.index_cast %add3A_405 : i32 to index
        %get3A_575 = arith.constant 672 : index
        %get3A_576 = tpu.vector_load %arg6[%get3A_574, %get3A_575] {strides = array<i32>} : memref<32x1000xf32, #tpu.memory_space<vmem>>, vector<16xf32>,
        %max3A_577 = arith.maximumf %max3A_561, %get3A_576 : vector<16xf32>
        %get3A_578 = arith.index_cast %add3A_405 : i32 to index
        %get3A_579 = arith.constant 688 : index
        %get3A_580 = tpu.vector_load %arg6[%get3A_578, %get3A_579] {strides = array<i32>} : memref<32x1000xf32, #tpu.memory_space<vmem>>, vector<16xf32>,
        %max3A_581 = arith.maximumf %max3A_565, %get3A_580 : vector<16xf32>
        %get3A_582 = arith.index_cast %add3A_405 : i32 to index
        %get3A_583 = arith.constant 704 : index
        %get3A_584 = tpu.vector_load %arg6[%get3A_582, %get3A_583] {strides = array<i32>} : memref<32x1000xf32, #tpu.memory_space<vmem>>, vector<16xf32>,
        %max3A_585 = arith.maximumf %max3A_569, %get3A_584 : vector<16xf32>
        %get3A_586 = arith.index_cast %add3A_405 : i32 to index
        %get3A_587 = arith.constant 720 : index
        %get3A_588 = tpu.vector_load %arg6[%get3A_586, %get3A_587] {strides = array<i32>} : memref<32x1000xf32, #tpu.memory_space<vmem>>, vector<16xf32>,
        %max3A_589 = arith.maximumf %max3A_573, %get3A_588 : vector<16xf32>
        %get3A_590 = arith.index_cast %add3A_405 : i32 to index
        %get3A_591 = arith.constant 736 : index
        %get3A_592 = tpu.vector_load %arg6[%get3A_590, %get3A_591] {strides = array<i32>} : memref<32x1000xf32, #tpu.memory_space<vmem>>, vector<16xf32>,
        %max3A_593 = arith.maximumf %max3A_577, %get3A_592 : vector<16xf32>
        %get3A_594 = arith.index_cast %add3A_405 : i32 to index
        %get3A_595 = arith.constant 752 : index
        %get3A_596 = tpu.vector_load %arg6[%get3A_594, %get3A_595] {strides = array<i32>} : memref<32x1000xf32, #tpu.memory_space<vmem>>, vector<16xf32>,
        %max3A_597 = arith.maximumf %max3A_581, %get3A_596 : vector<16xf32>
        %get3A_598 = arith.index_cast %add3A_405 : i32 to index
        %get3A_599 = arith.constant 768 : index
        %get3A_600 = tpu.vector_load %arg6[%get3A_598, %get3A_599] {strides = array<i32>} : memref<32x1000xf32, #tpu.memory_space<vmem>>, vector<16xf32>,
        %max3A_601 = arith.maximumf %max3A_585, %get3A_600 : vector<16xf32>
        %get3A_602 = arith.index_cast %add3A_405 : i32 to index
        %get3A_603 = arith.constant 784 : index
        %get3A_604 = tpu.vector_load %arg6[%get3A_602, %get3A_603] {strides = array<i32>} : memref<32x1000xf32, #tpu.memory_space<vmem>>, vector<16xf32>,
        %max3A_605 = arith.maximumf %max3A_589, %get3A_604 : vector<16xf32>
        %get3A_606 = arith.index_cast %add3A_405 : i32 to index
        %get3A_607 = arith.constant 800 : index
        %get3A_608 = tpu.vector_load %arg6[%get3A_606, %get3A_607] {strides = array<i32>} : memref<32x1000xf32, #tpu.memory_space<vmem>>, vector<16xf32>,
        %max3A_609 = arith.maximumf %max3A_593, %get3A_608 : vector<16xf32>
        %get3A_610 = arith.index_cast %add3A_405 : i32 to index
        %get3A_611 = arith.constant 816 : index
        %get3A_612 = tpu.vector_load %arg6[%get3A_610, %get3A_611] {strides = array<i32>} : memref<32x1000xf32, #tpu.memory_space<vmem>>, vector<16xf32>,
        %max3A_613 = arith.maximumf %max3A_597, %get3A_612 : vector<16xf32>
        %get3A_614 = arith.index_cast %add3A_405 : i32 to index
        %get3A_615 = arith.constant 832 : index
        %get3A_616 = tpu.vector_load %arg6[%get3A_614, %get3A_615] {strides = array<i32>} : memref<32x1000xf32, #tpu.memory_space<vmem>>, vector<16xf32>,
        %max3A_617 = arith.maximumf %max3A_601, %get3A_616 : vector<16xf32>
        %get3A_618 = arith.index_cast %add3A_405 : i32 to index
        %get3A_619 = arith.constant 848 : index
        %get3A_620 = tpu.vector_load %arg6[%get3A_618, %get3A_619] {strides = array<i32>} : memref<32x1000xf32, #tpu.memory_space<vmem>>, vector<16xf32>,
        %max3A_621 = arith.maximumf %max3A_605, %get3A_620 : vector<16xf32>
        %get3A_622 = arith.index_cast %add3A_405 : i32 to index
        %get3A_623 = arith.constant 864 : index
        %get3A_624 = tpu.vector_load %arg6[%get3A_622, %get3A_623] {strides = array<i32>} : memref<32x1000xf32, #tpu.memory_space<vmem>>, vector<16xf32>,
        %max3A_625 = arith.maximumf %max3A_609, %get3A_624 : vector<16xf32>
        %get3A_626 = arith.index_cast %add3A_405 : i32 to index
        %get3A_627 = arith.constant 880 : index
        %get3A_628 = tpu.vector_load %arg6[%get3A_626, %get3A_627] {strides = array<i32>} : memref<32x1000xf32, #tpu.memory_space<vmem>>, vector<16xf32>,
        %max3A_629 = arith.maximumf %max3A_613, %get3A_628 : vector<16xf32>
        %get3A_630 = arith.index_cast %add3A_405 : i32 to index
        %get3A_631 = arith.constant 896 : index
        %get3A_632 = tpu.vector_load %arg6[%get3A_630, %get3A_631] {strides = array<i32>} : memref<32x1000xf32, #tpu.memory_space<vmem>>, vector<16xf32>,
        %max3A_633 = arith.maximumf %max3A_617, %get3A_632 : vector<16xf32>
        %get3A_634 = arith.index_cast %add3A_405 : i32 to index
        %get3A_635 = arith.constant 912 : index
        %get3A_636 = tpu.vector_load %arg6[%get3A_634, %get3A_635] {strides = array<i32>} : memref<32x1000xf32, #tpu.memory_space<vmem>>, vector<16xf32>,
        %max3A_637 = arith.maximumf %max3A_621, %get3A_636 : vector<16xf32>
        %get3A_638 = arith.index_cast %add3A_405 : i32 to index
        %get3A_639 = arith.constant 928 : index
        %get3A_640 = tpu.vector_load %arg6[%get3A_638, %get3A_639] {strides = array<i32>} : memref<32x1000xf32, #tpu.memory_space<vmem>>, vector<16xf32>,
        %max3A_641 = arith.maximumf %max3A_625, %get3A_640 : vector<16xf32>
        %get3A_642 = arith.index_cast %add3A_405 : i32 to index
        %get3A_643 = arith.constant 944 : index
        %get3A_644 = tpu.vector_load %arg6[%get3A_642, %get3A_643] {strides = array<i32>} : memref<32x1000xf32, #tpu.memory_space<vmem>>, vector<16xf32>,
        %max3A_645 = arith.maximumf %max3A_629, %get3A_644 : vector<16xf32>
        %get3A_646 = arith.index_cast %add3A_405 : i32 to index
        %get3A_647 = arith.constant 960 : index
        %get3A_648 = tpu.vector_load %arg6[%get3A_646, %get3A_647] {strides = array<i32>} : memref<32x1000xf32, #tpu.memory_space<vmem>>, vector<16xf32>,
        %max3A_649 = arith.maximumf %max3A_633, %get3A_648 : vector<16xf32>
        %get3A_650 = arith.index_cast %add3A_405 : i32 to index
        %get3A_651 = arith.constant 976 : index
        %get3A_652 = tpu.vector_load %arg6[%get3A_650, %get3A_651] {strides = array<i32>} : memref<32x1000xf32, #tpu.memory_space<vmem>>, vector<16xf32>,
        %max3A_653 = arith.maximumf %max3A_637, %get3A_652 : vector<16xf32>
        %get3A_654 = arith.index_cast %add3A_405 : i32 to index
        %get3A_655 = arith.constant 984 : index
        %get3A_656 = tpu.vector_load %arg6[%get3A_654, %get3A_655] {strides = array<i32>} : memref<32x1000xf32, #tpu.memory_space<vmem>>, vector<16xf32>,
        %max3A_657 = arith.maximumf %max3A_641, %get3A_656 : vector<16xf32>
        %max3A_658 = arith.maximumf %max3A_649, %max3A_653 : vector<16xf32>
        %max3A_659 = arith.maximumf %max3A_657, %max3A_645 : vector<16xf32>
        %max3A_660 = arith.maximumf %max3A_658, %max3A_659 : vector<16xf32>
        %broadcast_in_dim3A_661 = arith.constant true
        %broadcast_in_dim3A_662 = vector.broadcast %broadcast_in_dim3A_661 : i1 to vector<16xi1>
        %masked_cummax3A_663 = tpu.scan <max>, %max3A_660 masked %broadcast_in_dim3A_662 : vector<16xf32>, vector<16xi1> -> vector<16xf32>
        %mul3A_664 = arith.constant 4 : i32
        %mul3A_665 = arith.muli %scan3A_130, %mul3A_664 : i32
        %add3A_666 = arith.constant 1 : i32
        %add3A_667 = arith.addi %mul3A_665, %add3A_666 : i32
        %swap3A_668 = arith.index_cast %add3A_667 : i32 to index
        %swap3A_669 = arith.constant 0 : index
        %swap3A_670 = tpu.vector_load %arg9[%swap3A_668, %swap3A_669] {strides = array<i32>} : memref<16x16xf32, #tpu.memory_space<vmem>>, vector<16xf32>,
        tpu.vector_store %arg9[%swap3A_668, %swap3A_669], %masked_cummax3A_663 {strides = array<i32>} : memref<16x16xf32, #tpu.memory_space<vmem>>, vector<16xf32>,
        %mul3A_671 = arith.constant 4 : i32
        %mul3A_672 = arith.muli %scan3A_130, %mul3A_671 : i32
        %add3A_673 = arith.constant 16 : i32
        %add3A_674 = arith.addi %add3A_673, %mul3A_672 : i32
        %add3A_675 = arith.constant 2 : i32
        %add3A_676 = arith.addi %add3A_674, %add3A_675 : i32
        %get3A_677 = arith.index_cast %add3A_676 : i32 to index
        %get3A_678 = arith.constant 0 : index
        %get3A_679 = tpu.vector_load %arg6[%get3A_677, %get3A_678] {strides = array<i32>} : memref<32x1000xf32, #tpu.memory_space<vmem>>, vector<16xf32>,
        %max3A_680 = arith.maximumf %broadcast_in_dim3A_3, %get3A_679 : vector<16xf32>
        %get3A_681 = arith.index_cast %add3A_676 : i32 to index
        %get3A_682 = arith.constant 16 : index
        %get3A_683 = tpu.vector_load %arg6[%get3A_681, %get3A_682] {strides = array<i32>} : memref<32x1000xf32, #tpu.memory_space<vmem>>, vector<16xf32>,
        %max3A_684 = arith.maximumf %broadcast_in_dim3A_3, %get3A_683 : vector<16xf32>
        %get3A_685 = arith.index_cast %add3A_676 : i32 to index
        %get3A_686 = arith.constant 32 : index
        %get3A_687 = tpu.vector_load %arg6[%get3A_685, %get3A_686] {strides = array<i32>} : memref<32x1000xf32, #tpu.memory_space<vmem>>, vector<16xf32>,
        %max3A_688 = arith.maximumf %broadcast_in_dim3A_3, %get3A_687 : vector<16xf32>
        %get3A_689 = arith.index_cast %add3A_676 : i32 to index
        %get3A_690 = arith.constant 48 : index
        %get3A_691 = tpu.vector_load %arg6[%get3A_689, %get3A_690] {strides = array<i32>} : memref<32x1000xf32, #tpu.memory_space<vmem>>, vector<16xf32>,
        %max3A_692 = arith.maximumf %broadcast_in_dim3A_3, %get3A_691 : vector<16xf32>
        %get3A_693 = arith.index_cast %add3A_676 : i32 to index
        %get3A_694 = arith.constant 64 : index
        %get3A_695 = tpu.vector_load %arg6[%get3A_693, %get3A_694] {strides = array<i32>} : memref<32x1000xf32, #tpu.memory_space<vmem>>, vector<16xf32>,
        %max3A_696 = arith.maximumf %max3A_680, %get3A_695 : vector<16xf32>
        %get3A_697 = arith.index_cast %add3A_676 : i32 to index
        %get3A_698 = arith.constant 80 : index
        %get3A_699 = tpu.vector_load %arg6[%get3A_697, %get3A_698] {strides = array<i32>} : memref<32x1000xf32, #tpu.memory_space<vmem>>, vector<16xf32>,
        %max3A_700 = arith.maximumf %max3A_684, %get3A_699 : vector<16xf32>
        %get3A_701 = arith.index_cast %add3A_676 : i32 to index
        %get3A_702 = arith.constant 96 : index
        %get3A_703 = tpu.vector_load %arg6[%get3A_701, %get3A_702] {strides = array<i32>} : memref<32x1000xf32, #tpu.memory_space<vmem>>, vector<16xf32>,
        %max3A_704 = arith.maximumf %max3A_688, %get3A_703 : vector<16xf32>
        %get3A_705 = arith.index_cast %add3A_676 : i32 to index
        %get3A_706 = arith.constant 112 : index
        %get3A_707 = tpu.vector_load %arg6[%get3A_705, %get3A_706] {strides = array<i32>} : memref<32x1000xf32, #tpu.memory_space<vmem>>, vector<16xf32>,
        %max3A_708 = arith.maximumf %max3A_692, %get3A_707 : vector<16xf32>
        %get3A_709 = arith.index_cast %add3A_676 : i32 to index
        %get3A_710 = arith.constant 128 : index
        %get3A_711 = tpu.vector_load %arg6[%get3A_709, %get3A_710] {strides = array<i32>} : memref<32x1000xf32, #tpu.memory_space<vmem>>, vector<16xf32>,
        %max3A_712 = arith.maximumf %max3A_696, %get3A_711 : vector<16xf32>
        %get3A_713 = arith.index_cast %add3A_676 : i32 to index
        %get3A_714 = arith.constant 144 : index
        %get3A_715 = tpu.vector_load %arg6[%get3A_713, %get3A_714] {strides = array<i32>} : memref<32x1000xf32, #tpu.memory_space<vmem>>, vector<16xf32>,
        %max3A_716 = arith.maximumf %max3A_700, %get3A_715 : vector<16xf32>
        %get3A_717 = arith.index_cast %add3A_676 : i32 to index
        %get3A_718 = arith.constant 160 : index
        %get3A_719 = tpu.vector_load %arg6[%get3A_717, %get3A_718] {strides = array<i32>} : memref<32x1000xf32, #tpu.memory_space<vmem>>, vector<16xf32>,
        %max3A_720 = arith.maximumf %max3A_704, %get3A_719 : vector<16xf32>
        %get3A_721 = arith.index_cast %add3A_676 : i32 to index
        %get3A_722 = arith.constant 176 : index
        %get3A_723 = tpu.vector_load %arg6[%get3A_721, %get3A_722] {strides = array<i32>} : memref<32x1000xf32, #tpu.memory_space<vmem>>, vector<16xf32>,
        %max3A_724 = arith.maximumf %max3A_708, %get3A_723 : vector<16xf32>
        %get3A_725 = arith.index_cast %add3A_676 : i32 to index
        %get3A_726 = arith.constant 192 : index
        %get3A_727 = tpu.vector_load %arg6[%get3A_725, %get3A_726] {strides = array<i32>} : memref<32x1000xf32, #tpu.memory_space<vmem>>, vector<16xf32>,
        %max3A_728 = arith.maximumf %max3A_712, %get3A_727 : vector<16xf32>
        %get3A_729 = arith.index_cast %add3A_676 : i32 to index
        %get3A_730 = arith.constant 208 : index
        %get3A_731 = tpu.vector_load %arg6[%get3A_729, %get3A_730] {strides = array<i32>} : memref<32x1000xf32, #tpu.memory_space<vmem>>, vector<16xf32>,
        %max3A_732 = arith.maximumf %max3A_716, %get3A_731 : vector<16xf32>
        %get3A_733 = arith.index_cast %add3A_676 : i32 to index
        %get3A_734 = arith.constant 224 : index
        %get3A_735 = tpu.vector_load %arg6[%get3A_733, %get3A_734] {strides = array<i32>} : memref<32x1000xf32, #tpu.memory_space<vmem>>, vector<16xf32>,
        %max3A_736 = arith.maximumf %max3A_720, %get3A_735 : vector<16xf32>
        %get3A_737 = arith.index_cast %add3A_676 : i32 to index
        %get3A_738 = arith.constant 240 : index
        %get3A_739 = tpu.vector_load %arg6[%get3A_737, %get3A_738] {strides = array<i32>} : memref<32x1000xf32, #tpu.memory_space<vmem>>, vector<16xf32>,
        %max3A_740 = arith.maximumf %max3A_724, %get3A_739 : vector<16xf32>
        %get3A_741 = arith.index_cast %add3A_676 : i32 to index
        %get3A_742 = arith.constant 256 : index
        %get3A_743 = tpu.vector_load %arg6[%get3A_741, %get3A_742] {strides = array<i32>} : memref<32x1000xf32, #tpu.memory_space<vmem>>, vector<16xf32>,
        %max3A_744 = arith.maximumf %max3A_728, %get3A_743 : vector<16xf32>
        %get3A_745 = arith.index_cast %add3A_676 : i32 to index
        %get3A_746 = arith.constant 272 : index
        %get3A_747 = tpu.vector_load %arg6[%get3A_745, %get3A_746] {strides = array<i32>} : memref<32x1000xf32, #tpu.memory_space<vmem>>, vector<16xf32>,
        %max3A_748 = arith.maximumf %max3A_732, %get3A_747 : vector<16xf32>
        %get3A_749 = arith.index_cast %add3A_676 : i32 to index
        %get3A_750 = arith.constant 288 : index
        %get3A_751 = tpu.vector_load %arg6[%get3A_749, %get3A_750] {strides = array<i32>} : memref<32x1000xf32, #tpu.memory_space<vmem>>, vector<16xf32>,
        %max3A_752 = arith.maximumf %max3A_736, %get3A_751 : vector<16xf32>
        %get3A_753 = arith.index_cast %add3A_676 : i32 to index
        %get3A_754 = arith.constant 304 : index
        %get3A_755 = tpu.vector_load %arg6[%get3A_753, %get3A_754] {strides = array<i32>} : memref<32x1000xf32, #tpu.memory_space<vmem>>, vector<16xf32>,
        %max3A_756 = arith.maximumf %max3A_740, %get3A_755 : vector<16xf32>
        %get3A_757 = arith.index_cast %add3A_676 : i32 to index
        %get3A_758 = arith.constant 320 : index
        %get3A_759 = tpu.vector_load %arg6[%get3A_757, %get3A_758] {strides = array<i32>} : memref<32x1000xf32, #tpu.memory_space<vmem>>, vector<16xf32>,
        %max3A_760 = arith.maximumf %max3A_744, %get3A_759 : vector<16xf32>
        %get3A_761 = arith.index_cast %add3A_676 : i32 to index
        %get3A_762 = arith.constant 336 : index
        %get3A_763 = tpu.vector_load %arg6[%get3A_761, %get3A_762] {strides = array<i32>} : memref<32x1000xf32, #tpu.memory_space<vmem>>, vector<16xf32>,
        %max3A_764 = arith.maximumf %max3A_748, %get3A_763 : vector<16xf32>
        %get3A_765 = arith.index_cast %add3A_676 : i32 to index
        %get3A_766 = arith.constant 352 : index
        %get3A_767 = tpu.vector_load %arg6[%get3A_765, %get3A_766] {strides = array<i32>} : memref<32x1000xf32, #tpu.memory_space<vmem>>, vector<16xf32>,
        %max3A_768 = arith.maximumf %max3A_752, %get3A_767 : vector<16xf32>
        %get3A_769 = arith.index_cast %add3A_676 : i32 to index
        %get3A_770 = arith.constant 368 : index
        %get3A_771 = tpu.vector_load %arg6[%get3A_769, %get3A_770] {strides = array<i32>} : memref<32x1000xf32, #tpu.memory_space<vmem>>, vector<16xf32>,
        %max3A_772 = arith.maximumf %max3A_756, %get3A_771 : vector<16xf32>
        %get3A_773 = arith.index_cast %add3A_676 : i32 to index
        %get3A_774 = arith.constant 384 : index
        %get3A_775 = tpu.vector_load %arg6[%get3A_773, %get3A_774] {strides = array<i32>} : memref<32x1000xf32, #tpu.memory_space<vmem>>, vector<16xf32>,
        %max3A_776 = arith.maximumf %max3A_760, %get3A_775 : vector<16xf32>
        %get3A_777 = arith.index_cast %add3A_676 : i32 to index
        %get3A_778 = arith.constant 400 : index
        %get3A_779 = tpu.vector_load %arg6[%get3A_777, %get3A_778] {strides = array<i32>} : memref<32x1000xf32, #tpu.memory_space<vmem>>, vector<16xf32>,
        %max3A_780 = arith.maximumf %max3A_764, %get3A_779 : vector<16xf32>
        %get3A_781 = arith.index_cast %add3A_676 : i32 to index
        %get3A_782 = arith.constant 416 : index
        %get3A_783 = tpu.vector_load %arg6[%get3A_781, %get3A_782] {strides = array<i32>} : memref<32x1000xf32, #tpu.memory_space<vmem>>, vector<16xf32>,
        %max3A_784 = arith.maximumf %max3A_768, %get3A_783 : vector<16xf32>
        %get3A_785 = arith.index_cast %add3A_676 : i32 to index
        %get3A_786 = arith.constant 432 : index
        %get3A_787 = tpu.vector_load %arg6[%get3A_785, %get3A_786] {strides = array<i32>} : memref<32x1000xf32, #tpu.memory_space<vmem>>, vector<16xf32>,
        %max3A_788 = arith.maximumf %max3A_772, %get3A_787 : vector<16xf32>
        %get3A_789 = arith.index_cast %add3A_676 : i32 to index
        %get3A_790 = arith.constant 448 : index
        %get3A_791 = tpu.vector_load %arg6[%get3A_789, %get3A_790] {strides = array<i32>} : memref<32x1000xf32, #tpu.memory_space<vmem>>, vector<16xf32>,
        %max3A_792 = arith.maximumf %max3A_776, %get3A_791 : vector<16xf32>
        %get3A_793 = arith.index_cast %add3A_676 : i32 to index
        %get3A_794 = arith.constant 464 : index
        %get3A_795 = tpu.vector_load %arg6[%get3A_793, %get3A_794] {strides = array<i32>} : memref<32x1000xf32, #tpu.memory_space<vmem>>, vector<16xf32>,
        %max3A_796 = arith.maximumf %max3A_780, %get3A_795 : vector<16xf32>
        %get3A_797 = arith.index_cast %add3A_676 : i32 to index
        %get3A_798 = arith.constant 480 : index
        %get3A_799 = tpu.vector_load %arg6[%get3A_797, %get3A_798] {strides = array<i32>} : memref<32x1000xf32, #tpu.memory_space<vmem>>, vector<16xf32>,
        %max3A_800 = arith.maximumf %max3A_784, %get3A_799 : vector<16xf32>
        %get3A_801 = arith.index_cast %add3A_676 : i32 to index
        %get3A_802 = arith.constant 496 : index
        %get3A_803 = tpu.vector_load %arg6[%get3A_801, %get3A_802] {strides = array<i32>} : memref<32x1000xf32, #tpu.memory_space<vmem>>, vector<16xf32>,
        %max3A_804 = arith.maximumf %max3A_788, %get3A_803 : vector<16xf32>
        %get3A_805 = arith.index_cast %add3A_676 : i32 to index
        %get3A_806 = arith.constant 512 : index
        %get3A_807 = tpu.vector_load %arg6[%get3A_805, %get3A_806] {strides = array<i32>} : memref<32x1000xf32, #tpu.memory_space<vmem>>, vector<16xf32>,
        %max3A_808 = arith.maximumf %max3A_792, %get3A_807 : vector<16xf32>
        %get3A_809 = arith.index_cast %add3A_676 : i32 to index
        %get3A_810 = arith.constant 528 : index
        %get3A_811 = tpu.vector_load %arg6[%get3A_809, %get3A_810] {strides = array<i32>} : memref<32x1000xf32, #tpu.memory_space<vmem>>, vector<16xf32>,
        %max3A_812 = arith.maximumf %max3A_796, %get3A_811 : vector<16xf32>
        %get3A_813 = arith.index_cast %add3A_676 : i32 to index
        %get3A_814 = arith.constant 544 : index
        %get3A_815 = tpu.vector_load %arg6[%get3A_813, %get3A_814] {strides = array<i32>} : memref<32x1000xf32, #tpu.memory_space<vmem>>, vector<16xf32>,
        %max3A_816 = arith.maximumf %max3A_800, %get3A_815 : vector<16xf32>
        %get3A_817 = arith.index_cast %add3A_676 : i32 to index
        %get3A_818 = arith.constant 560 : index
        %get3A_819 = tpu.vector_load %arg6[%get3A_817, %get3A_818] {strides = array<i32>} : memref<32x1000xf32, #tpu.memory_space<vmem>>, vector<16xf32>,
        %max3A_820 = arith.maximumf %max3A_804, %get3A_819 : vector<16xf32>
        %get3A_821 = arith.index_cast %add3A_676 : i32 to index
        %get3A_822 = arith.constant 576 : index
        %get3A_823 = tpu.vector_load %arg6[%get3A_821, %get3A_822] {strides = array<i32>} : memref<32x1000xf32, #tpu.memory_space<vmem>>, vector<16xf32>,
        %max3A_824 = arith.maximumf %max3A_808, %get3A_823 : vector<16xf32>
        %get3A_825 = arith.index_cast %add3A_676 : i32 to index
        %get3A_826 = arith.constant 592 : index
        %get3A_827 = tpu.vector_load %arg6[%get3A_825, %get3A_826] {strides = array<i32>} : memref<32x1000xf32, #tpu.memory_space<vmem>>, vector<16xf32>,
        %max3A_828 = arith.maximumf %max3A_812, %get3A_827 : vector<16xf32>
        %get3A_829 = arith.index_cast %add3A_676 : i32 to index
        %get3A_830 = arith.constant 608 : index
        %get3A_831 = tpu.vector_load %arg6[%get3A_829, %get3A_830] {strides = array<i32>} : memref<32x1000xf32, #tpu.memory_space<vmem>>, vector<16xf32>,
        %max3A_832 = arith.maximumf %max3A_816, %get3A_831 : vector<16xf32>
        %get3A_833 = arith.index_cast %add3A_676 : i32 to index
        %get3A_834 = arith.constant 624 : index
        %get3A_835 = tpu.vector_load %arg6[%get3A_833, %get3A_834] {strides = array<i32>} : memref<32x1000xf32, #tpu.memory_space<vmem>>, vector<16xf32>,
        %max3A_836 = arith.maximumf %max3A_820, %get3A_835 : vector<16xf32>
        %get3A_837 = arith.index_cast %add3A_676 : i32 to index
        %get3A_838 = arith.constant 640 : index
        %get3A_839 = tpu.vector_load %arg6[%get3A_837, %get3A_838] {strides = array<i32>} : memref<32x1000xf32, #tpu.memory_space<vmem>>, vector<16xf32>,
        %max3A_840 = arith.maximumf %max3A_824, %get3A_839 : vector<16xf32>
        %get3A_841 = arith.index_cast %add3A_676 : i32 to index
        %get3A_842 = arith.constant 656 : index
        %get3A_843 = tpu.vector_load %arg6[%get3A_841, %get3A_842] {strides = array<i32>} : memref<32x1000xf32, #tpu.memory_space<vmem>>, vector<16xf32>,
        %max3A_844 = arith.maximumf %max3A_828, %get3A_843 : vector<16xf32>
        %get3A_845 = arith.index_cast %add3A_676 : i32 to index
        %get3A_846 = arith.constant 672 : index
        %get3A_847 = tpu.vector_load %arg6[%get3A_845, %get3A_846] {strides = array<i32>} : memref<32x1000xf32, #tpu.memory_space<vmem>>, vector<16xf32>,
        %max3A_848 = arith.maximumf %max3A_832, %get3A_847 : vector<16xf32>
        %get3A_849 = arith.index_cast %add3A_676 : i32 to index
        %get3A_850 = arith.constant 688 : index
        %get3A_851 = tpu.vector_load %arg6[%get3A_849, %get3A_850] {strides = array<i32>} : memref<32x1000xf32, #tpu.memory_space<vmem>>, vector<16xf32>,
        %max3A_852 = arith.maximumf %max3A_836, %get3A_851 : vector<16xf32>
        %get3A_853 = arith.index_cast %add3A_676 : i32 to index
        %get3A_854 = arith.constant 704 : index
        %get3A_855 = tpu.vector_load %arg6[%get3A_853, %get3A_854] {strides = array<i32>} : memref<32x1000xf32, #tpu.memory_space<vmem>>, vector<16xf32>,
        %max3A_856 = arith.maximumf %max3A_840, %get3A_855 : vector<16xf32>
        %get3A_857 = arith.index_cast %add3A_676 : i32 to index
        %get3A_858 = arith.constant 720 : index
        %get3A_859 = tpu.vector_load %arg6[%get3A_857, %get3A_858] {strides = array<i32>} : memref<32x1000xf32, #tpu.memory_space<vmem>>, vector<16xf32>,
        %max3A_860 = arith.maximumf %max3A_844, %get3A_859 : vector<16xf32>
        %get3A_861 = arith.index_cast %add3A_676 : i32 to index
        %get3A_862 = arith.constant 736 : index
        %get3A_863 = tpu.vector_load %arg6[%get3A_861, %get3A_862] {strides = array<i32>} : memref<32x1000xf32, #tpu.memory_space<vmem>>, vector<16xf32>,
        %max3A_864 = arith.maximumf %max3A_848, %get3A_863 : vector<16xf32>
        %get3A_865 = arith.index_cast %add3A_676 : i32 to index
        %get3A_866 = arith.constant 752 : index
        %get3A_867 = tpu.vector_load %arg6[%get3A_865, %get3A_866] {strides = array<i32>} : memref<32x1000xf32, #tpu.memory_space<vmem>>, vector<16xf32>,
        %max3A_868 = arith.maximumf %max3A_852, %get3A_867 : vector<16xf32>
        %get3A_869 = arith.index_cast %add3A_676 : i32 to index
        %get3A_870 = arith.constant 768 : index
        %get3A_871 = tpu.vector_load %arg6[%get3A_869, %get3A_870] {strides = array<i32>} : memref<32x1000xf32, #tpu.memory_space<vmem>>, vector<16xf32>,
        %max3A_872 = arith.maximumf %max3A_856, %get3A_871 : vector<16xf32>
        %get3A_873 = arith.index_cast %add3A_676 : i32 to index
        %get3A_874 = arith.constant 784 : index
        %get3A_875 = tpu.vector_load %arg6[%get3A_873, %get3A_874] {strides = array<i32>} : memref<32x1000xf32, #tpu.memory_space<vmem>>, vector<16xf32>,
        %max3A_876 = arith.maximumf %max3A_860, %get3A_875 : vector<16xf32>
        %get3A_877 = arith.index_cast %add3A_676 : i32 to index
        %get3A_878 = arith.constant 800 : index
        %get3A_879 = tpu.vector_load %arg6[%get3A_877, %get3A_878] {strides = array<i32>} : memref<32x1000xf32, #tpu.memory_space<vmem>>, vector<16xf32>,
        %max3A_880 = arith.maximumf %max3A_864, %get3A_879 : vector<16xf32>
        %get3A_881 = arith.index_cast %add3A_676 : i32 to index
        %get3A_882 = arith.constant 816 : index
        %get3A_883 = tpu.vector_load %arg6[%get3A_881, %get3A_882] {strides = array<i32>} : memref<32x1000xf32, #tpu.memory_space<vmem>>, vector<16xf32>,
        %max3A_884 = arith.maximumf %max3A_868, %get3A_883 : vector<16xf32>
        %get3A_885 = arith.index_cast %add3A_676 : i32 to index
        %get3A_886 = arith.constant 832 : index
        %get3A_887 = tpu.vector_load %arg6[%get3A_885, %get3A_886] {strides = array<i32>} : memref<32x1000xf32, #tpu.memory_space<vmem>>, vector<16xf32>,
        %max3A_888 = arith.maximumf %max3A_872, %get3A_887 : vector<16xf32>
        %get3A_889 = arith.index_cast %add3A_676 : i32 to index
        %get3A_890 = arith.constant 848 : index
        %get3A_891 = tpu.vector_load %arg6[%get3A_889, %get3A_890] {strides = array<i32>} : memref<32x1000xf32, #tpu.memory_space<vmem>>, vector<16xf32>,
        %max3A_892 = arith.maximumf %max3A_876, %get3A_891 : vector<16xf32>
        %get3A_893 = arith.index_cast %add3A_676 : i32 to index
        %get3A_894 = arith.constant 864 : index
        %get3A_895 = tpu.vector_load %arg6[%get3A_893, %get3A_894] {strides = array<i32>} : memref<32x1000xf32, #tpu.memory_space<vmem>>, vector<16xf32>,
        %max3A_896 = arith.maximumf %max3A_880, %get3A_895 : vector<16xf32>
        %get3A_897 = arith.index_cast %add3A_676 : i32 to index
        %get3A_898 = arith.constant 880 : index
        %get3A_899 = tpu.vector_load %arg6[%get3A_897, %get3A_898] {strides = array<i32>} : memref<32x1000xf32, #tpu.memory_space<vmem>>, vector<16xf32>,
        %max3A_900 = arith.maximumf %max3A_884, %get3A_899 : vector<16xf32>
        %get3A_901 = arith.index_cast %add3A_676 : i32 to index
        %get3A_902 = arith.constant 896 : index
        %get3A_903 = tpu.vector_load %arg6[%get3A_901, %get3A_902] {strides = array<i32>} : memref<32x1000xf32, #tpu.memory_space<vmem>>, vector<16xf32>,
        %max3A_904 = arith.maximumf %max3A_888, %get3A_903 : vector<16xf32>
        %get3A_905 = arith.index_cast %add3A_676 : i32 to index
        %get3A_906 = arith.constant 912 : index
        %get3A_907 = tpu.vector_load %arg6[%get3A_905, %get3A_906] {strides = array<i32>} : memref<32x1000xf32, #tpu.memory_space<vmem>>, vector<16xf32>,
        %max3A_908 = arith.maximumf %max3A_892, %get3A_907 : vector<16xf32>
        %get3A_909 = arith.index_cast %add3A_676 : i32 to index
        %get3A_910 = arith.constant 928 : index
        %get3A_911 = tpu.vector_load %arg6[%get3A_909, %get3A_910] {strides = array<i32>} : memref<32x1000xf32, #tpu.memory_space<vmem>>, vector<16xf32>,
        %max3A_912 = arith.maximumf %max3A_896, %get3A_911 : vector<16xf32>
        %get3A_913 = arith.index_cast %add3A_676 : i32 to index
        %get3A_914 = arith.constant 944 : index
        %get3A_915 = tpu.vector_load %arg6[%get3A_913, %get3A_914] {strides = array<i32>} : memref<32x1000xf32, #tpu.memory_space<vmem>>, vector<16xf32>,
        %max3A_916 = arith.maximumf %max3A_900, %get3A_915 : vector<16xf32>
        %get3A_917 = arith.index_cast %add3A_676 : i32 to index
        %get3A_918 = arith.constant 960 : index
        %get3A_919 = tpu.vector_load %arg6[%get3A_917, %get3A_918] {strides = array<i32>} : memref<32x1000xf32, #tpu.memory_space<vmem>>, vector<16xf32>,
        %max3A_920 = arith.maximumf %max3A_904, %get3A_919 : vector<16xf32>
        %get3A_921 = arith.index_cast %add3A_676 : i32 to index
        %get3A_922 = arith.constant 976 : index
        %get3A_923 = tpu.vector_load %arg6[%get3A_921, %get3A_922] {strides = array<i32>} : memref<32x1000xf32, #tpu.memory_space<vmem>>, vector<16xf32>,
        %max3A_924 = arith.maximumf %max3A_908, %get3A_923 : vector<16xf32>
        %get3A_925 = arith.index_cast %add3A_676 : i32 to index
        %get3A_926 = arith.constant 984 : index
        %get3A_927 = tpu.vector_load %arg6[%get3A_925, %get3A_926] {strides = array<i32>} : memref<32x1000xf32, #tpu.memory_space<vmem>>, vector<16xf32>,
        %max3A_928 = arith.maximumf %max3A_912, %get3A_927 : vector<16xf32>
        %max3A_929 = arith.maximumf %max3A_920, %max3A_924 : vector<16xf32>
        %max3A_930 = arith.maximumf %max3A_928, %max3A_916 : vector<16xf32>
        %max3A_931 = arith.maximumf %max3A_929, %max3A_930 : vector<16xf32>
        %broadcast_in_dim3A_932 = arith.constant true
        %broadcast_in_dim3A_933 = vector.broadcast %broadcast_in_dim3A_932 : i1 to vector<16xi1>
        %masked_cummax3A_934 = tpu.scan <max>, %max3A_931 masked %broadcast_in_dim3A_933 : vector<16xf32>, vector<16xi1> -> vector<16xf32>
        %mul3A_935 = arith.constant 4 : i32
        %mul3A_936 = arith.muli %scan3A_130, %mul3A_935 : i32
        %add3A_937 = arith.constant 2 : i32
        %add3A_938 = arith.addi %mul3A_936, %add3A_937 : i32
        %swap3A_939 = arith.index_cast %add3A_938 : i32 to index
        %swap3A_940 = arith.constant 0 : index
        %swap3A_941 = tpu.vector_load %arg9[%swap3A_939, %swap3A_940] {strides = array<i32>} : memref<16x16xf32, #tpu.memory_space<vmem>>, vector<16xf32>,
        tpu.vector_store %arg9[%swap3A_939, %swap3A_940], %masked_cummax3A_934 {strides = array<i32>} : memref<16x16xf32, #tpu.memory_space<vmem>>, vector<16xf32>,
        %mul3A_942 = arith.constant 4 : i32
        %mul3A_943 = arith.muli %scan3A_130, %mul3A_942 : i32
        %add3A_944 = arith.constant 16 : i32
        %add3A_945 = arith.addi %add3A_944, %mul3A_943 : i32
        %add3A_946 = arith.constant 3 : i32
        %add3A_947 = arith.addi %add3A_945, %add3A_946 : i32
        %get3A_948 = arith.index_cast %add3A_947 : i32 to index
        %get3A_949 = arith.constant 0 : index
        %get3A_950 = tpu.vector_load %arg6[%get3A_948, %get3A_949] {strides = array<i32>} : memref<32x1000xf32, #tpu.memory_space<vmem>>, vector<16xf32>,
        %max3A_951 = arith.maximumf %broadcast_in_dim3A_3, %get3A_950 : vector<16xf32>
        %get3A_952 = arith.index_cast %add3A_947 : i32 to index
        %get3A_953 = arith.constant 16 : index
        %get3A_954 = tpu.vector_load %arg6[%get3A_952, %get3A_953] {strides = array<i32>} : memref<32x1000xf32, #tpu.memory_space<vmem>>, vector<16xf32>,
        %max3A_955 = arith.maximumf %broadcast_in_dim3A_3, %get3A_954 : vector<16xf32>
        %get3A_956 = arith.index_cast %add3A_947 : i32 to index
        %get3A_957 = arith.constant 32 : index
        %get3A_958 = tpu.vector_load %arg6[%get3A_956, %get3A_957] {strides = array<i32>} : memref<32x1000xf32, #tpu.memory_space<vmem>>, vector<16xf32>,
        %max3A_959 = arith.maximumf %broadcast_in_dim3A_3, %get3A_958 : vector<16xf32>
        %get3A_960 = arith.index_cast %add3A_947 : i32 to index
        %get3A_961 = arith.constant 48 : index
        %get3A_962 = tpu.vector_load %arg6[%get3A_960, %get3A_961] {strides = array<i32>} : memref<32x1000xf32, #tpu.memory_space<vmem>>, vector<16xf32>,
        %max3A_963 = arith.maximumf %broadcast_in_dim3A_3, %get3A_962 : vector<16xf32>
        %get3A_964 = arith.index_cast %add3A_947 : i32 to index
        %get3A_965 = arith.constant 64 : index
        %get3A_966 = tpu.vector_load %arg6[%get3A_964, %get3A_965] {strides = array<i32>} : memref<32x1000xf32, #tpu.memory_space<vmem>>, vector<16xf32>,
        %max3A_967 = arith.maximumf %max3A_951, %get3A_966 : vector<16xf32>
        %get3A_968 = arith.index_cast %add3A_947 : i32 to index
        %get3A_969 = arith.constant 80 : index
        %get3A_970 = tpu.vector_load %arg6[%get3A_968, %get3A_969] {strides = array<i32>} : memref<32x1000xf32, #tpu.memory_space<vmem>>, vector<16xf32>,
        %max3A_971 = arith.maximumf %max3A_955, %get3A_970 : vector<16xf32>
        %get3A_972 = arith.index_cast %add3A_947 : i32 to index
        %get3A_973 = arith.constant 96 : index
        %get3A_974 = tpu.vector_load %arg6[%get3A_972, %get3A_973] {strides = array<i32>} : memref<32x1000xf32, #tpu.memory_space<vmem>>, vector<16xf32>,
        %max3A_975 = arith.maximumf %max3A_959, %get3A_974 : vector<16xf32>
        %get3A_976 = arith.index_cast %add3A_947 : i32 to index
        %get3A_977 = arith.constant 112 : index
        %get3A_978 = tpu.vector_load %arg6[%get3A_976, %get3A_977] {strides = array<i32>} : memref<32x1000xf32, #tpu.memory_space<vmem>>, vector<16xf32>,
        %max3A_979 = arith.maximumf %max3A_963, %get3A_978 : vector<16xf32>
        %get3A_980 = arith.index_cast %add3A_947 : i32 to index
        %get3A_981 = arith.constant 128 : index
        %get3A_982 = tpu.vector_load %arg6[%get3A_980, %get3A_981] {strides = array<i32>} : memref<32x1000xf32, #tpu.memory_space<vmem>>, vector<16xf32>,
        %max3A_983 = arith.maximumf %max3A_967, %get3A_982 : vector<16xf32>
        %get3A_984 = arith.index_cast %add3A_947 : i32 to index
        %get3A_985 = arith.constant 144 : index
        %get3A_986 = tpu.vector_load %arg6[%get3A_984, %get3A_985] {strides = array<i32>} : memref<32x1000xf32, #tpu.memory_space<vmem>>, vector<16xf32>,
        %max3A_987 = arith.maximumf %max3A_971, %get3A_986 : vector<16xf32>
        %get3A_988 = arith.index_cast %add3A_947 : i32 to index
        %get3A_989 = arith.constant 160 : index
        %get3A_990 = tpu.vector_load %arg6[%get3A_988, %get3A_989] {strides = array<i32>} : memref<32x1000xf32, #tpu.memory_space<vmem>>, vector<16xf32>,
        %max3A_991 = arith.maximumf %max3A_975, %get3A_990 : vector<16xf32>
        %get3A_992 = arith.index_cast %add3A_947 : i32 to index
        %get3A_993 = arith.constant 176 : index
        %get3A_994 = tpu.vector_load %arg6[%get3A_992, %get3A_993] {strides = array<i32>} : memref<32x1000xf32, #tpu.memory_space<vmem>>, vector<16xf32>,
        %max3A_995 = arith.maximumf %max3A_979, %get3A_994 : vector<16xf32>
        %get3A_996 = arith.index_cast %add3A_947 : i32 to index
        %get3A_997 = arith.constant 192 : index
        %get3A_998 = tpu.vector_load %arg6[%get3A_996, %get3A_997] {strides = array<i32>} : memref<32x1000xf32, #tpu.memory_space<vmem>>, vector<16xf32>,
        %max3A_999 = arith.maximumf %max3A_983, %get3A_998 : vector<16xf32>
        %get3A_1000 = arith.index_cast %add3A_947 : i32 to index
        %get3A_1001 = arith.constant 208 : index
        %get3A_1002 = tpu.vector_load %arg6[%get3A_1000, %get3A_1001] {strides = array<i32>} : memref<32x1000xf32, #tpu.memory_space<vmem>>, vector<16xf32>,
        %max3A_1003 = arith.maximumf %max3A_987, %get3A_1002 : vector<16xf32>
        %get3A_1004 = arith.index_cast %add3A_947 : i32 to index
        %get3A_1005 = arith.constant 224 : index
        %get3A_1006 = tpu.vector_load %arg6[%get3A_1004, %get3A_1005] {strides = array<i32>} : memref<32x1000xf32, #tpu.memory_space<vmem>>, vector<16xf32>,
        %max3A_1007 = arith.maximumf %max3A_991, %get3A_1006 : vector<16xf32>
        %get3A_1008 = arith.index_cast %add3A_947 : i32 to index
        %get3A_1009 = arith.constant 240 : index
        %get3A_1010 = tpu.vector_load %arg6[%get3A_1008, %get3A_1009] {strides = array<i32>} : memref<32x1000xf32, #tpu.memory_space<vmem>>, vector<16xf32>,
        %max3A_1011 = arith.maximumf %max3A_995, %get3A_1010 : vector<16xf32>
        %get3A_1012 = arith.index_cast %add3A_947 : i32 to index
        %get3A_1013 = arith.constant 256 : index
        %get3A_1014 = tpu.vector_load %arg6[%get3A_1012, %get3A_1013] {strides = array<i32>} : memref<32x1000xf32, #tpu.memory_space<vmem>>, vector<16xf32>,
        %max3A_1015 = arith.maximumf %max3A_999, %get3A_1014 : vector<16xf32>
        %get3A_1016 = arith.index_cast %add3A_947 : i32 to index
        %get3A_1017 = arith.constant 272 : index
        %get3A_1018 = tpu.vector_load %arg6[%get3A_1016, %get3A_1017] {strides = array<i32>} : memref<32x1000xf32, #tpu.memory_space<vmem>>, vector<16xf32>,
        %max3A_1019 = arith.maximumf %max3A_1003, %get3A_1018 : vector<16xf32>
        %get3A_1020 = arith.index_cast %add3A_947 : i32 to index
        %get3A_1021 = arith.constant 288 : index
        %get3A_1022 = tpu.vector_load %arg6[%get3A_1020, %get3A_1021] {strides = array<i32>} : memref<32x1000xf32, #tpu.memory_space<vmem>>, vector<16xf32>,
        %max3A_1023 = arith.maximumf %max3A_1007, %get3A_1022 : vector<16xf32>
        %get3A_1024 = arith.index_cast %add3A_947 : i32 to index
        %get3A_1025 = arith.constant 304 : index
        %get3A_1026 = tpu.vector_load %arg6[%get3A_1024, %get3A_1025] {strides = array<i32>} : memref<32x1000xf32, #tpu.memory_space<vmem>>, vector<16xf32>,
        %max3A_1027 = arith.maximumf %max3A_1011, %get3A_1026 : vector<16xf32>
        %get3A_1028 = arith.index_cast %add3A_947 : i32 to index
        %get3A_1029 = arith.constant 320 : index
        %get3A_1030 = tpu.vector_load %arg6[%get3A_1028, %get3A_1029] {strides = array<i32>} : memref<32x1000xf32, #tpu.memory_space<vmem>>, vector<16xf32>,
        %max3A_1031 = arith.maximumf %max3A_1015, %get3A_1030 : vector<16xf32>
        %get3A_1032 = arith.index_cast %add3A_947 : i32 to index
        %get3A_1033 = arith.constant 336 : index
        %get3A_1034 = tpu.vector_load %arg6[%get3A_1032, %get3A_1033] {strides = array<i32>} : memref<32x1000xf32, #tpu.memory_space<vmem>>, vector<16xf32>,
        %max3A_1035 = arith.maximumf %max3A_1019, %get3A_1034 : vector<16xf32>
        %get3A_1036 = arith.index_cast %add3A_947 : i32 to index
        %get3A_1037 = arith.constant 352 : index
        %get3A_1038 = tpu.vector_load %arg6[%get3A_1036, %get3A_1037] {strides = array<i32>} : memref<32x1000xf32, #tpu.memory_space<vmem>>, vector<16xf32>,
        %max3A_1039 = arith.maximumf %max3A_1023, %get3A_1038 : vector<16xf32>
        %get3A_1040 = arith.index_cast %add3A_947 : i32 to index
        %get3A_1041 = arith.constant 368 : index
        %get3A_1042 = tpu.vector_load %arg6[%get3A_1040, %get3A_1041] {strides = array<i32>} : memref<32x1000xf32, #tpu.memory_space<vmem>>, vector<16xf32>,
        %max3A_1043 = arith.maximumf %max3A_1027, %get3A_1042 : vector<16xf32>
        %get3A_1044 = arith.index_cast %add3A_947 : i32 to index
        %get3A_1045 = arith.constant 384 : index
        %get3A_1046 = tpu.vector_load %arg6[%get3A_1044, %get3A_1045] {strides = array<i32>} : memref<32x1000xf32, #tpu.memory_space<vmem>>, vector<16xf32>,
        %max3A_1047 = arith.maximumf %max3A_1031, %get3A_1046 : vector<16xf32>
        %get3A_1048 = arith.index_cast %add3A_947 : i32 to index
        %get3A_1049 = arith.constant 400 : index
        %get3A_1050 = tpu.vector_load %arg6[%get3A_1048, %get3A_1049] {strides = array<i32>} : memref<32x1000xf32, #tpu.memory_space<vmem>>, vector<16xf32>,
        %max3A_1051 = arith.maximumf %max3A_1035, %get3A_1050 : vector<16xf32>
        %get3A_1052 = arith.index_cast %add3A_947 : i32 to index
        %get3A_1053 = arith.constant 416 : index
        %get3A_1054 = tpu.vector_load %arg6[%get3A_1052, %get3A_1053] {strides = array<i32>} : memref<32x1000xf32, #tpu.memory_space<vmem>>, vector<16xf32>,
        %max3A_1055 = arith.maximumf %max3A_1039, %get3A_1054 : vector<16xf32>
        %get3A_1056 = arith.index_cast %add3A_947 : i32 to index
        %get3A_1057 = arith.constant 432 : index
        %get3A_1058 = tpu.vector_load %arg6[%get3A_1056, %get3A_1057] {strides = array<i32>} : memref<32x1000xf32, #tpu.memory_space<vmem>>, vector<16xf32>,
        %max3A_1059 = arith.maximumf %max3A_1043, %get3A_1058 : vector<16xf32>
        %get3A_1060 = arith.index_cast %add3A_947 : i32 to index
        %get3A_1061 = arith.constant 448 : index
        %get3A_1062 = tpu.vector_load %arg6[%get3A_1060, %get3A_1061] {strides = array<i32>} : memref<32x1000xf32, #tpu.memory_space<vmem>>, vector<16xf32>,
        %max3A_1063 = arith.maximumf %max3A_1047, %get3A_1062 : vector<16xf32>
        %get3A_1064 = arith.index_cast %add3A_947 : i32 to index
        %get3A_1065 = arith.constant 464 : index
        %get3A_1066 = tpu.vector_load %arg6[%get3A_1064, %get3A_1065] {strides = array<i32>} : memref<32x1000xf32, #tpu.memory_space<vmem>>, vector<16xf32>,
        %max3A_1067 = arith.maximumf %max3A_1051, %get3A_1066 : vector<16xf32>
        %get3A_1068 = arith.index_cast %add3A_947 : i32 to index
        %get3A_1069 = arith.constant 480 : index
        %get3A_1070 = tpu.vector_load %arg6[%get3A_1068, %get3A_1069] {strides = array<i32>} : memref<32x1000xf32, #tpu.memory_space<vmem>>, vector<16xf32>,
        %max3A_1071 = arith.maximumf %max3A_1055, %get3A_1070 : vector<16xf32>
        %get3A_1072 = arith.index_cast %add3A_947 : i32 to index
        %get3A_1073 = arith.constant 496 : index
        %get3A_1074 = tpu.vector_load %arg6[%get3A_1072, %get3A_1073] {strides = array<i32>} : memref<32x1000xf32, #tpu.memory_space<vmem>>, vector<16xf32>,
        %max3A_1075 = arith.maximumf %max3A_1059, %get3A_1074 : vector<16xf32>
        %get3A_1076 = arith.index_cast %add3A_947 : i32 to index
        %get3A_1077 = arith.constant 512 : index
        %get3A_1078 = tpu.vector_load %arg6[%get3A_1076, %get3A_1077] {strides = array<i32>} : memref<32x1000xf32, #tpu.memory_space<vmem>>, vector<16xf32>,
        %max3A_1079 = arith.maximumf %max3A_1063, %get3A_1078 : vector<16xf32>
        %get3A_1080 = arith.index_cast %add3A_947 : i32 to index
        %get3A_1081 = arith.constant 528 : index
        %get3A_1082 = tpu.vector_load %arg6[%get3A_1080, %get3A_1081] {strides = array<i32>} : memref<32x1000xf32, #tpu.memory_space<vmem>>, vector<16xf32>,
        %max3A_1083 = arith.maximumf %max3A_1067, %get3A_1082 : vector<16xf32>
        %get3A_1084 = arith.index_cast %add3A_947 : i32 to index
        %get3A_1085 = arith.constant 544 : index
        %get3A_1086 = tpu.vector_load %arg6[%get3A_1084, %get3A_1085] {strides = array<i32>} : memref<32x1000xf32, #tpu.memory_space<vmem>>, vector<16xf32>,
        %max3A_1087 = arith.maximumf %max3A_1071, %get3A_1086 : vector<16xf32>
        %get3A_1088 = arith.index_cast %add3A_947 : i32 to index
        %get3A_1089 = arith.constant 560 : index
        %get3A_1090 = tpu.vector_load %arg6[%get3A_1088, %get3A_1089] {strides = array<i32>} : memref<32x1000xf32, #tpu.memory_space<vmem>>, vector<16xf32>,
        %max3A_1091 = arith.maximumf %max3A_1075, %get3A_1090 : vector<16xf32>
        %get3A_1092 = arith.index_cast %add3A_947 : i32 to index
        %get3A_1093 = arith.constant 576 : index
        %get3A_1094 = tpu.vector_load %arg6[%get3A_1092, %get3A_1093] {strides = array<i32>} : memref<32x1000xf32, #tpu.memory_space<vmem>>, vector<16xf32>,
        %max3A_1095 = arith.maximumf %max3A_1079, %get3A_1094 : vector<16xf32>
        %get3A_1096 = arith.index_cast %add3A_947 : i32 to index
        %get3A_1097 = arith.constant 592 : index
        %get3A_1098 = tpu.vector_load %arg6[%get3A_1096, %get3A_1097] {strides = array<i32>} : memref<32x1000xf32, #tpu.memory_space<vmem>>, vector<16xf32>,
        %max3A_1099 = arith.maximumf %max3A_1083, %get3A_1098 : vector<16xf32>
        %get3A_1100 = arith.index_cast %add3A_947 : i32 to index
        %get3A_1101 = arith.constant 608 : index
        %get3A_1102 = tpu.vector_load %arg6[%get3A_1100, %get3A_1101] {strides = array<i32>} : memref<32x1000xf32, #tpu.memory_space<vmem>>, vector<16xf32>,
        %max3A_1103 = arith.maximumf %max3A_1087, %get3A_1102 : vector<16xf32>
        %get3A_1104 = arith.index_cast %add3A_947 : i32 to index
        %get3A_1105 = arith.constant 624 : index
        %get3A_1106 = tpu.vector_load %arg6[%get3A_1104, %get3A_1105] {strides = array<i32>} : memref<32x1000xf32, #tpu.memory_space<vmem>>, vector<16xf32>,
        %max3A_1107 = arith.maximumf %max3A_1091, %get3A_1106 : vector<16xf32>
        %get3A_1108 = arith.index_cast %add3A_947 : i32 to index
        %get3A_1109 = arith.constant 640 : index
        %get3A_1110 = tpu.vector_load %arg6[%get3A_1108, %get3A_1109] {strides = array<i32>} : memref<32x1000xf32, #tpu.memory_space<vmem>>, vector<16xf32>,
        %max3A_1111 = arith.maximumf %max3A_1095, %get3A_1110 : vector<16xf32>
        %get3A_1112 = arith.index_cast %add3A_947 : i32 to index
        %get3A_1113 = arith.constant 656 : index
        %get3A_1114 = tpu.vector_load %arg6[%get3A_1112, %get3A_1113] {strides = array<i32>} : memref<32x1000xf32, #tpu.memory_space<vmem>>, vector<16xf32>,
        %max3A_1115 = arith.maximumf %max3A_1099, %get3A_1114 : vector<16xf32>
        %get3A_1116 = arith.index_cast %add3A_947 : i32 to index
        %get3A_1117 = arith.constant 672 : index
        %get3A_1118 = tpu.vector_load %arg6[%get3A_1116, %get3A_1117] {strides = array<i32>} : memref<32x1000xf32, #tpu.memory_space<vmem>>, vector<16xf32>,
        %max3A_1119 = arith.maximumf %max3A_1103, %get3A_1118 : vector<16xf32>
        %get3A_1120 = arith.index_cast %add3A_947 : i32 to index
        %get3A_1121 = arith.constant 688 : index
        %get3A_1122 = tpu.vector_load %arg6[%get3A_1120, %get3A_1121] {strides = array<i32>} : memref<32x1000xf32, #tpu.memory_space<vmem>>, vector<16xf32>,
        %max3A_1123 = arith.maximumf %max3A_1107, %get3A_1122 : vector<16xf32>
        %get3A_1124 = arith.index_cast %add3A_947 : i32 to index
        %get3A_1125 = arith.constant 704 : index
        %get3A_1126 = tpu.vector_load %arg6[%get3A_1124, %get3A_1125] {strides = array<i32>} : memref<32x1000xf32, #tpu.memory_space<vmem>>, vector<16xf32>,
        %max3A_1127 = arith.maximumf %max3A_1111, %get3A_1126 : vector<16xf32>
        %get3A_1128 = arith.index_cast %add3A_947 : i32 to index
        %get3A_1129 = arith.constant 720 : index
        %get3A_1130 = tpu.vector_load %arg6[%get3A_1128, %get3A_1129] {strides = array<i32>} : memref<32x1000xf32, #tpu.memory_space<vmem>>, vector<16xf32>,
        %max3A_1131 = arith.maximumf %max3A_1115, %get3A_1130 : vector<16xf32>
        %get3A_1132 = arith.index_cast %add3A_947 : i32 to index
        %get3A_1133 = arith.constant 736 : index
        %get3A_1134 = tpu.vector_load %arg6[%get3A_1132, %get3A_1133] {strides = array<i32>} : memref<32x1000xf32, #tpu.memory_space<vmem>>, vector<16xf32>,
        %max3A_1135 = arith.maximumf %max3A_1119, %get3A_1134 : vector<16xf32>
        %get3A_1136 = arith.index_cast %add3A_947 : i32 to index
        %get3A_1137 = arith.constant 752 : index
        %get3A_1138 = tpu.vector_load %arg6[%get3A_1136, %get3A_1137] {strides = array<i32>} : memref<32x1000xf32, #tpu.memory_space<vmem>>, vector<16xf32>,
        %max3A_1139 = arith.maximumf %max3A_1123, %get3A_1138 : vector<16xf32>
        %get3A_1140 = arith.index_cast %add3A_947 : i32 to index
        %get3A_1141 = arith.constant 768 : index
        %get3A_1142 = tpu.vector_load %arg6[%get3A_1140, %get3A_1141] {strides = array<i32>} : memref<32x1000xf32, #tpu.memory_space<vmem>>, vector<16xf32>,
        %max3A_1143 = arith.maximumf %max3A_1127, %get3A_1142 : vector<16xf32>
        %get3A_1144 = arith.index_cast %add3A_947 : i32 to index
        %get3A_1145 = arith.constant 784 : index
        %get3A_1146 = tpu.vector_load %arg6[%get3A_1144, %get3A_1145] {strides = array<i32>} : memref<32x1000xf32, #tpu.memory_space<vmem>>, vector<16xf32>,
        %max3A_1147 = arith.maximumf %max3A_1131, %get3A_1146 : vector<16xf32>
        %get3A_1148 = arith.index_cast %add3A_947 : i32 to index
        %get3A_1149 = arith.constant 800 : index
        %get3A_1150 = tpu.vector_load %arg6[%get3A_1148, %get3A_1149] {strides = array<i32>} : memref<32x1000xf32, #tpu.memory_space<vmem>>, vector<16xf32>,
        %max3A_1151 = arith.maximumf %max3A_1135, %get3A_1150 : vector<16xf32>
        %get3A_1152 = arith.index_cast %add3A_947 : i32 to index
        %get3A_1153 = arith.constant 816 : index
        %get3A_1154 = tpu.vector_load %arg6[%get3A_1152, %get3A_1153] {strides = array<i32>} : memref<32x1000xf32, #tpu.memory_space<vmem>>, vector<16xf32>,
        %max3A_1155 = arith.maximumf %max3A_1139, %get3A_1154 : vector<16xf32>
        %get3A_1156 = arith.index_cast %add3A_947 : i32 to index
        %get3A_1157 = arith.constant 832 : index
        %get3A_1158 = tpu.vector_load %arg6[%get3A_1156, %get3A_1157] {strides = array<i32>} : memref<32x1000xf32, #tpu.memory_space<vmem>>, vector<16xf32>,
        %max3A_1159 = arith.maximumf %max3A_1143, %get3A_1158 : vector<16xf32>
        %get3A_1160 = arith.index_cast %add3A_947 : i32 to index
        %get3A_1161 = arith.constant 848 : index
        %get3A_1162 = tpu.vector_load %arg6[%get3A_1160, %get3A_1161] {strides = array<i32>} : memref<32x1000xf32, #tpu.memory_space<vmem>>, vector<16xf32>,
        %max3A_1163 = arith.maximumf %max3A_1147, %get3A_1162 : vector<16xf32>
        %get3A_1164 = arith.index_cast %add3A_947 : i32 to index
        %get3A_1165 = arith.constant 864 : index
        %get3A_1166 = tpu.vector_load %arg6[%get3A_1164, %get3A_1165] {strides = array<i32>} : memref<32x1000xf32, #tpu.memory_space<vmem>>, vector<16xf32>,
        %max3A_1167 = arith.maximumf %max3A_1151, %get3A_1166 : vector<16xf32>
        %get3A_1168 = arith.index_cast %add3A_947 : i32 to index
        %get3A_1169 = arith.constant 880 : index
        %get3A_1170 = tpu.vector_load %arg6[%get3A_1168, %get3A_1169] {strides = array<i32>} : memref<32x1000xf32, #tpu.memory_space<vmem>>, vector<16xf32>,
        %max3A_1171 = arith.maximumf %max3A_1155, %get3A_1170 : vector<16xf32>
        %get3A_1172 = arith.index_cast %add3A_947 : i32 to index
        %get3A_1173 = arith.constant 896 : index
        %get3A_1174 = tpu.vector_load %arg6[%get3A_1172, %get3A_1173] {strides = array<i32>} : memref<32x1000xf32, #tpu.memory_space<vmem>>, vector<16xf32>,
        %max3A_1175 = arith.maximumf %max3A_1159, %get3A_1174 : vector<16xf32>
        %get3A_1176 = arith.index_cast %add3A_947 : i32 to index
        %get3A_1177 = arith.constant 912 : index
        %get3A_1178 = tpu.vector_load %arg6[%get3A_1176, %get3A_1177] {strides = array<i32>} : memref<32x1000xf32, #tpu.memory_space<vmem>>, vector<16xf32>,
        %max3A_1179 = arith.maximumf %max3A_1163, %get3A_1178 : vector<16xf32>
        %get3A_1180 = arith.index_cast %add3A_947 : i32 to index
        %get3A_1181 = arith.constant 928 : index
        %get3A_1182 = tpu.vector_load %arg6[%get3A_1180, %get3A_1181] {strides = array<i32>} : memref<32x1000xf32, #tpu.memory_space<vmem>>, vector<16xf32>,
        %max3A_1183 = arith.maximumf %max3A_1167, %get3A_1182 : vector<16xf32>
        %get3A_1184 = arith.index_cast %add3A_947 : i32 to index
        %get3A_1185 = arith.constant 944 : index
        %get3A_1186 = tpu.vector_load %arg6[%get3A_1184, %get3A_1185] {strides = array<i32>} : memref<32x1000xf32, #tpu.memory_space<vmem>>, vector<16xf32>,
        %max3A_1187 = arith.maximumf %max3A_1171, %get3A_1186 : vector<16xf32>
        %get3A_1188 = arith.index_cast %add3A_947 : i32 to index
        %get3A_1189 = arith.constant 960 : index
        %get3A_1190 = tpu.vector_load %arg6[%get3A_1188, %get3A_1189] {strides = array<i32>} : memref<32x1000xf32, #tpu.memory_space<vmem>>, vector<16xf32>,
        %max3A_1191 = arith.maximumf %max3A_1175, %get3A_1190 : vector<16xf32>
        %get3A_1192 = arith.index_cast %add3A_947 : i32 to index
        %get3A_1193 = arith.constant 976 : index
        %get3A_1194 = tpu.vector_load %arg6[%get3A_1192, %get3A_1193] {strides = array<i32>} : memref<32x1000xf32, #tpu.memory_space<vmem>>, vector<16xf32>,
        %max3A_1195 = arith.maximumf %max3A_1179, %get3A_1194 : vector<16xf32>
        %get3A_1196 = arith.index_cast %add3A_947 : i32 to index
        %get3A_1197 = arith.constant 984 : index
        %get3A_1198 = tpu.vector_load %arg6[%get3A_1196, %get3A_1197] {strides = array<i32>} : memref<32x1000xf32, #tpu.memory_space<vmem>>, vector<16xf32>,
        %max3A_1199 = arith.maximumf %max3A_1183, %get3A_1198 : vector<16xf32>
        %max3A_1200 = arith.maximumf %max3A_1191, %max3A_1195 : vector<16xf32>
        %max3A_1201 = arith.maximumf %max3A_1199, %max3A_1187 : vector<16xf32>
        %max3A_1202 = arith.maximumf %max3A_1200, %max3A_1201 : vector<16xf32>
        %broadcast_in_dim3A_1203 = arith.constant true
        %broadcast_in_dim3A_1204 = vector.broadcast %broadcast_in_dim3A_1203 : i1 to vector<16xi1>
        %masked_cummax3A_1205 = tpu.scan <max>, %max3A_1202 masked %broadcast_in_dim3A_1204 : vector<16xf32>, vector<16xi1> -> vector<16xf32>
        %mul3A_1206 = arith.constant 4 : i32
        %mul3A_1207 = arith.muli %scan3A_130, %mul3A_1206 : i32
        %add3A_1208 = arith.constant 3 : i32
        %add3A_1209 = arith.addi %mul3A_1207, %add3A_1208 : i32
        %swap3A_1210 = arith.index_cast %add3A_1209 : i32 to index
        %swap3A_1211 = arith.constant 0 : index
        %swap3A_1212 = tpu.vector_load %arg9[%swap3A_1210, %swap3A_1211] {strides = array<i32>} : memref<16x16xf32, #tpu.memory_space<vmem>>, vector<16xf32>,
        tpu.vector_store %arg9[%swap3A_1210, %swap3A_1211], %masked_cummax3A_1205 {strides = array<i32>} : memref<16x16xf32, #tpu.memory_space<vmem>>, vector<16xf32>,
      }
      %scan3A_117 = arith.constant 4 : i32
      %gather3A_118 = tpu.vector_load_idx %arg9[%iota3A, %broadcast_in_dim3A_5] : memref<16x16xf32, #tpu.memory_space<vmem>>[vector<16xi32>, vector<16xi32>], vector<16xf32>,
      %sub3A_119 = arith.subf %gather3A_118, %gather3A_111 : vector<16xf32>
      %multiple_of3A_120 = tpu.assume_multiple %add3A_104, 16 : i32
      %swap3A_121 = arith.index_cast %multiple_of3A_120 : i32 to index
      %swap3A_122 = tpu.vector_load %arg8[%swap3A_121] {strides = array<i32>} : memref<512xf32, #tpu.memory_space<vmem>>, vector<16xf32>,
      tpu.vector_store %arg8[%swap3A_121], %sub3A_119 {strides = array<i32>} : memref<512xf32, #tpu.memory_space<vmem>>, vector<16xf32>,
      %add3A_123 = arith.constant 2 : i32
      %add3A_124 = arith.addi %add3A_74, %add3A_123 : i32
      %lt3A_125 = arith.constant 16 : i32
      %lt3A_126 = arith.cmpi slt, %add3A_124, %lt3A_125 : i32
      %convert_element_type3A_127 = arith.extui %lt3A_126 : i1 to i32
      %cond3A_128 = arith.constant 0 : i32
      %cond3A_129 = arith.cmpi ne, %convert_element_type3A_127, %cond3A_128 : i32
      scf.if %cond3A_129 {
        %add3A_130 = arith.constant 2 : i32
        %add3A_131 = arith.addi %add3A_74, %add3A_130 : i32
        %mul3A_132 = arith.constant 32 : i32
        %mul3A_133 = arith.muli %add3A_131, %mul3A_132 : i32
        %multiple_of3A_134 = tpu.assume_multiple %mul3A_133, 32 : i32
        %add3A_135 = arith.addi %mul3A_2, %multiple_of3A_134 : i32
        %dma_start3A_136 = arith.constant 0 : i32
        %dma_start3A_137 = tpu.memref_slice %arg2[%add3A_135, %dma_start3A_136] : memref<16384x1000xf32, #tpu.memory_space<hbm>> -> memref<32x1000xf32, #tpu.memory_space<hbm>>
        %dma_start3A_138 = arith.constant 0 : i32
        %dma_start3A_139 = tpu.memref_slice %arg2[%add3A_135, %dma_start3A_138] : memref<16384x1000xf32, #tpu.memory_space<hbm>> -> memref<32x1000xf32, #tpu.memory_space<hbm>>
        tpu.enqueue_dma source(%dma_start3A_139 : memref<32x1000xf32, #tpu.memory_space<hbm>>) target(%arg6 : memref<32x1000xf32, #tpu.memory_space<vmem>>) target_semaphore(%arg11 : memref<!tpu.dma_semaphore, #tpu.memory_space<semaphore_mem>>)
      } else {
      }
    }
    %scan3A_19 = arith.constant 8 : i32
    "tpu.region"() ({
      %run_scoped3A = tpu.sem_alloc : memref<!tpu.dma_semaphore, #tpu.memory_space<semaphore_mem>>
      %dma_start3A_20 = tpu.memref_slice %arg4[%mul3A_2] : memref<16384xf32, #tpu.memory_space<hbm>> -> memref<512xf32, #tpu.memory_space<hbm>>
      %dma_start3A_21 = tpu.memref_slice %arg4[%mul3A_2] : memref<16384xf32, #tpu.memory_space<hbm>> -> memref<512xf32, #tpu.memory_space<hbm>>
      tpu.enqueue_dma source(%arg8 : memref<512xf32, #tpu.memory_space<vmem>>) target(%dma_start3A_21 : memref<512xf32, #tpu.memory_space<hbm>>) target_semaphore(%run_scoped3A : memref<!tpu.dma_semaphore, #tpu.memory_space<semaphore_mem>>)
      %dma_wait3A = tpu.memref_slice %arg4[%mul3A_2] : memref<16384xf32, #tpu.memory_space<hbm>> -> memref<512xf32, #tpu.memory_space<hbm>>
      %dma_wait3A_22 = tpu.memref_slice %arg4[%mul3A_2] : memref<16384xf32, #tpu.memory_space<hbm>> -> memref<512xf32, #tpu.memory_space<hbm>>
      tpu.wait_dma2 semaphore(%run_scoped3A : memref<!tpu.dma_semaphore, #tpu.memory_space<semaphore_mem>>) src(%arg8 : memref<512xf32, #tpu.memory_space<vmem>>) dst(%dma_wait3A_22 : memref<512xf32, #tpu.memory_space<hbm>>)
      tpu.yield
    }) : () -> ()
    return
  }
}

</mosaic_0001>

<sc_bundles>
// kernel: kernel.3.cloned.1.call-start
scs
__scs_entry_jumppad:
0x0: {  	(pc) =	sbr.rel $0x88, $3  }
0x1: {  	(tag) =	ssettag $0x0;
	lr =	simm.s32 $0x1  }
0x2: {  	[smem:$0x3F9F] =	sst lr;
	_ =	strace $0xD0000000  }
0x3: {  	_ = 	snop  }
0x4: {  	_ = 	snop  }
0x5: {  	_ = 	snop  }
0x6: {  	_ = 	snop  }
0x7: {  	_ = 	snop  }
__scs_overlays_trampoline_lowered:
0x8: {  	[smem:$0x3FAE] =	sst s0  }
0x9: {  	[smem:$0x3FAF] =	sst s1  }
0xa: {  	[smem:$0x3FB0] =	sst s2  }
0xb: {  	[smem:$0x3FB1] =	sst s3  }
0xc: {  	[smem:$0x3FB2] =	sst s4  }
0xd: {  	[smem:$0x3FB3] =	sst s5  }
0xe: {  	[smem:$0x3FB4] =	sst s6  }
0xf: {  	[smem:$0x3FB5] =	sst s7  }
0x10: {  	[smem:$0x3FB6] =	sst s8  }
0x11: {  	[smem:$0x3FB7] =	sst s9;
	s0 =	simm.s32 @!p0 $0x0  }
0x12: {  	s1 =	sld [smem:$0x3F9D];
	s0 =	simm.s32 @p0 $0x1  }
0x13: {  	[smem:$0x3FB8] =	sst s0;
	s0 =	simm.s32 @!p1 $0x0  }
0x14: {  	s2 =	sld [smem:$0x3F9C];
	s0 =	simm.s32 @p1 $0x1  }
0x15: {  	[smem:$0x3FB9] =	sst s0;
	s0 =	simm.s32 @!p2 $0x0  }
0x16: {  	s3 =	sld [smem:$0x3FDB];
	s0 =	simm.s32 @p2 $0x1  }
0x17: {  	s4 =	simm.s32 $0x1BF5;
	[smem:$0x3FBB] =	sst s0  }
0x18: {  	s0 =	sld [smem:$0x3F9E];
	_ =	swait.ge [sflag:s4], $0x0  }
0x19: {  	s7 =	sld [smem:$0x3F9F]  }
0x1a: {  	s8 =	sadd.s32 $0xFFFFE003, lr  }
0x1b: {  	s9 =	sadd.s32 $0xFFFFFEF7, lr;
	s5 =	simm.s32 $0xFFFFFFFF;
	p2 =	slt.u32 s8, $0xFFFFF086  }
0x1c: {  	p1 =	slt.u32 s9, $0xF7A;
	s5 =	simm.s32 @!p2 $0x0  }
0x1d: {  	s5 =	simm.s32 @p1 $0x1;
	p0 =	seq.s32 s7, s2  }
0x1e: {  	s7 =	smul.u32 @!p0 $0xF7A, s2;
	p2 =	seq.s32 @!p0 s5, $0x0  }
0x1f: {  	s9 =	smul.u32 $0xF7A, s1;
	s8 =	simm.s32 @!p0 $0x1BF5;
	p2 =	por !p2, p0  }
0x20: {  	[sflag:s8] =	ssyncset.s32 @!p0 $0xFFFFF086;
	s6 =	sadd.s32 @!p0 s3, s7;
	s7 =	simm.s32 @!p0 $0x108  }
0x21: {  	s3 =	sadd.s32 s3, s9;
	s6 =	sadd.s32 @!p0 $0x88, s6;
	s7 =	simm.s32 @p2 $0x1082  }
0x22: {  	[simem:s7], [sflag:s8] =	dma.local @!p0 [hbm:s6], $0xF7A  }
0x23: {  	s9 =	sor.u32 $0xD0000000, s2;
	s6 =	simm.s32 $0x108;
	_ =	swait.ge @!p0 [sflag:s8], $0x0  }
0x24: {  	s3 =	sadd.s32 $0x88, s3;
	s6 =	simm.s32 @!p1 $0x1082;
	[sflag:s4] =	ssyncset.s32 $0xFFFFF086  }
0x25: {  	[simem:s6], [sflag:s4] =	dma.local [hbm:s3], $0xF7A  }
0x26: {  	[smem:$0x3F9F] =	sst s1;
	(tag) =	ssettag s2;
	_ =	strace s9  }
0x27: {  	s1 =	sld [smem:$0x3FAF]  }
0x28: {  	s2 =	sld [smem:$0x3FB0]  }
0x29: {  	s4 =	sld [smem:$0x3FB2]  }
0x2a: {  	p0 =	seq.s32 s5, $0x0;
	s5 =	sld [smem:$0x3FB3]  }
0x2b: {  	s6 =	sld [smem:$0x3FB4]  }
0x2c: {  	s7 =	sld [smem:$0x3FB5]  }
0x2d: {  	s3 =	simm.s32 $0x108;
	s8 =	sld [smem:$0x3FB6]  }
0x2e: {  	s3 =	simm.s32 @!p0 $0x1082;
	s9 =	sld [smem:$0x3FB7]  }
0x2f: {  	lr =	sadd.s32 s0, s3;
	s0 =	sld [smem:$0x3FAE]  }
0x30: {  	s3 =	sld [smem:$0x3FB1]  }
0x31: {  	[smem:$0x3FBA] =	sst s10  }
0x32: {  	s10 =	sld [smem:$0x3FB8];
	_ =	sdelay $0x3  }
0x33: {  	p0 =	seq.s32 s10, $0x1;
	s10 =	sld [smem:$0x3FBA];
	_ =	sdelay $0x3  }
0x34: {  	[smem:$0x3FBA] =	sst s10  }
0x35: {  	s10 =	sld [smem:$0x3FB9];
	_ =	sdelay $0x3  }
0x36: {  	p1 =	seq.s32 s10, $0x1;
	s10 =	sld [smem:$0x3FBA];
	_ =	sdelay $0x3  }
0x37: {  	[smem:$0x3FBA] =	sst s10  }
0x38: {  	s10 =	sld [smem:$0x3FBB]  }
0x39: {  	_ = 	snop;
	(pc) =	sbr.ind lr, $3  }
0x3a: {  	_ = 	snop  }
0x3b: {  	_ = 	snop  }
0x3c: {  	p2 =	seq.s32 s10, $0x1;
	s10 =	sld [smem:$0x3FBA]  }
0x3d: {  	_ =	shalt  }
0x3e: {  	_ =	shalt  }
0x3f: {  	_ =	shalt  }
0x40: {  	_ =	shalt  }
0x41: {  	_ =	shalt  }
0x42: {  	_ =	shalt  }
0x43: {  	_ =	shalt  }
0x44: {  	_ =	shalt  }
0x45: {  	_ =	shalt  }
0x46: {  	_ =	shalt  }
0x47: {  	_ =	shalt  }
0x48: {  	_ =	shalt  }
0x49: {  	_ =	shalt  }
0x4a: {  	_ =	shalt  }
0x4b: {  	_ =	shalt  }
0x4c: {  	_ =	shalt  }
0x4d: {  	_ =	shalt  }
0x4e: {  	_ =	shalt  }
0x4f: {  	_ =	shalt  }
0x50: {  	_ =	shalt  }
0x51: {  	_ =	shalt  }
0x52: {  	_ =	shalt  }
0x53: {  	_ =	shalt  }
0x54: {  	_ =	shalt  }
0x55: {  	_ =	shalt  }
0x56: {  	_ =	shalt  }
0x57: {  	_ =	shalt  }
0x58: {  	_ =	shalt  }
0x59: {  	_ =	shalt  }
0x5a: {  	_ =	shalt  }
0x5b: {  	_ =	shalt  }
0x5c: {  	_ =	shalt  }
0x5d: {  	_ =	shalt  }
0x5e: {  	_ =	shalt  }
0x5f: {  	_ =	shalt  }
0x60: {  	_ =	shalt  }
0x61: {  	_ =	shalt  }
0x62: {  	_ =	shalt  }
0x63: {  	_ =	shalt  }
0x64: {  	_ =	shalt  }
0x65: {  	_ =	shalt  }
0x66: {  	_ =	shalt  }
0x67: {  	_ =	shalt  }
0x68: {  	_ =	shalt  }
0x69: {  	_ =	shalt  }
0x6a: {  	_ =	shalt  }
0x6b: {  	_ =	shalt  }
0x6c: {  	_ =	shalt  }
0x6d: {  	_ =	shalt  }
0x6e: {  	_ =	shalt  }
0x6f: {  	_ =	shalt  }
0x70: {  	_ =	shalt  }
0x71: {  	_ =	shalt  }
0x72: {  	_ =	shalt  }
0x73: {  	_ =	shalt  }
0x74: {  	_ =	shalt  }
0x75: {  	_ =	shalt  }
0x76: {  	_ =	shalt  }
0x77: {  	_ =	shalt  }
0x78: {  	_ =	shalt  }
0x79: {  	_ =	shalt  }
0x7a: {  	_ =	shalt  }
0x7b: {  	_ =	shalt  }
0x7c: {  	_ =	shalt  }
0x7d: {  	_ =	shalt  }
0x7e: {  	_ =	shalt  }
0x7f: {  	_ =	shalt  }
0x80: {  	_ =	shalt  }
0x81: {  	_ =	shalt  }
0x82: {  	_ =	shalt  }
0x83: {  	_ =	shalt  }
0x84: {  	_ =	shalt  }
0x85: {  	_ =	shalt  }
0x86: {  	_ =	shalt  }
0x87: {  	_ =	shalt  }
.Lfunc_end0:
.L_simem_size_0:
called_computation_lowered:
.L_overlay_start_0:
0x88: {  	s2 =	sld [smem:$0x3FD9]  }
0x89: {  	s3 =	sld [smem:$0x3FFE];
	_ =	sdelay $0x1  }
0x8a: {  	s1 =	srdreg.scid  }
0x8b: {  	s0 =	sand.u32 $0x1, s1  }
0x8c: {  	s17 =	sshll.u32 s0, $0xA;
	s2 =	sadd.s32 s3, s2  }
0x8d: {  	s2 =	sadd.s32 s2, s17  }
0x8e: {  	[smem:$0x3FC6] =	sst s2  }
0x8f: {  	_ = 	snop  }
0x90: {  	s2 =	sld [smem:$0x3FC8]  }
0x91: {  	s18 =	sld [smem:$0x3FD0];
	(tm) =	ssettm $0x1  }
0x92: {  	s4 =	sld [smem:$0x3FFB];
	_ =	sdelay $0x3  }
0x93: {  	_ =	strace s4  }
0x94: {  	s4 =	sld [smem:$0x3FFC];
	_ =	sdelay $0x3  }
0x95: {  	_ =	strace s4  }
0x96: {  	s4 =	sld [smem:$0x3FFD];
	_ =	sdelay $0x3  }
0x97: {  	_ =	strace s4  }
0x98: {  	_ =	strace $0x8FFFFFFF  }
0x99: {  	s19 =	sld [smem:$0x3FDB];
	_ =	sdelay $0x1  }
0x9a: {  	s5 =	simm.s32 $_scs_section_size  }
0x9b: {  	s6 =	simm.s32 $_size__tile_overlayer_lowered;
	s7 =	simm.s32 $_tile_overlayer_lowered  }
0x9c: {  	s22 =	simm.s32 $0x1BFF;
	s21 =	sshll.u32 s7, $0x1;
	s4 =	sadd.s32 s5, s19  }
0x9d: {  	s8 =	simm.s32 $0x0;
	s20 =	sshll.u32 s6, $0x1;
	s6 =	sadd.s32 s21, s4  }
0x9e: {  	[timem:s8], [sflag:s22] =	dma.local [hbm:s6], s20  }
0x9f: {  	_ =	swait.ge [sflag:s22], s20  }
0xa0: {  	s5 =	ssub.s32 $0x0, s20;
	[sflag:s22] =	ssyncset.done $0x0  }
0xa1: {  	[sflag:s22] =	ssyncadd.s32 s5;
	_ =	sdelay $0x1  }
0xa2: {  	s23 =	simm.s32 $0x1B8B  }
0xa3: {  	_ =	swait.ge [sflag:s23], $0x1  }
0xa4: {  	[sflag:s23] =	ssyncset.done $0x0  }
0xa5: {  	s25 =	simm.s32 $0x1B8E;
	s24 =	sld [smem:$0x3FFE];
	[sflag:s23] =	ssyncadd.s32 $0xFFFFFFFF  }
0xa6: {  	s26 =	simm.s32 $execute0_lowered;
	[smem:$0x3FD2] =	sst s25  }
0xa7: {  	s6 =	sshll.u32 s26, $0x1;
	_ =	strace $0x80000046;
	[dreg:$0x1] =	wrdreg $0xFFFFFFFF  }
0xa8: {  	s28 =	simm.s32 $_size_execute0_lowered;
	s4 =	sadd.s32 s4, s6;
	[dreg:$0x0] =	wrdreg $0x0  }
0xa9: {  	s6 =	sshll.u32 s28, $0x1;
	[dreg:$0x2] =	wrdreg s4  }
0xaa: {  	[dreg:$0x3] =	wrdreg s6  }
0xab: {  	[dreg:$0x4] =	wrdreg $0xC0  }
0xac: {  	_ =	task [dreg:s8], $0x5FFFF  }
0xad: {  	[dreg:$0x1] =	wrdreg $0xFFFFFFFF  }
0xae: {  	[dreg:$0x0] =	wrdreg $0x60  }
0xaf: {  	[dreg:$0x2] =	wrdreg s24  }
0xb0: {  	[dreg:$0x3] =	wrdreg s2  }
0xb1: {  	[dreg:$0x4] =	wrdreg s18  }
0xb2: {  	[dreg:$0x5] =	wrdreg $0x9  }
0xb3: {  	_ =	task.clear_ibuf [dreg:s8], $0x6FFFF;
	_ =	strace $0x90000046  }
0xb4: {  	s29 =	simm.s32 $0x9;
	_ =	strace $0x80000048  }
0xb5: {  	_ =	swait.ge [sflag:s29], $0x1  }
0xb6: {  	[sflag:s29] =	ssyncadd.s32 $0xFFFFFFFF  }
0xb7: {  	_ =	strace $0x90000048  }
0xb8: {  	_ =	sfence  }
0xb9: {  	s30 =	sld [smem:$0x0];
	_ =	sdelay $0x2  }
0xba: {  	s31 =	sshll.u32 s1, $0xD;
	s1 =	sshrl.u32 s1, $0x2  }
0xbb: {  	s3 =	sand.u32 $0x4000, s31;
	s1 =	sadd.s32 s1, s30  }
0xbc: {  	s0 =	sor.u32 s3, s0;
	s1 =	sshll.u32 s1, $0x11  }
0xbd: {  	s0 =	sor.u32 s1, s0  }
0xbe: {  	s0 =	sadd.s32 $0x8F2B, s0  }
0xbf: {  	[sflag:s0] =	ssyncadd.remote.s32 $0x1  }
0xc0: {  	_ =	sfence.sel $0xFFFF  }
0xc1: {  	[dreg:$0x0] =	wrdreg $0xFFFFFFFF;
	(pc) =	sbr.abs _section_cstart, $3  }
0xc2: {  	[dreg:$0x1] =	wrdreg $0xFFFFFFFF  }
0xc3: {  	_ =	task.clear_ibuf [dreg:s8], $0x2FFFF;
	_ =	strace $0x9FFFFFFF  }
0xc4: {  	(tm) =	ssettm $0x7FFFFFFF  }
0xc5: {  	_ =	shalt  }
tec
execute0_lowered:
.L_overlay_start_1:
0x0: {  	(tag) =	ssettag $0x1  }
0x1: {  	v0 =	vimm.s32 $0x2380;
	vm0 =	vcmask $0x300;
	vm1 =	vcmask $0x704  }
0x2: {  	vm2 =	vcmask $0xB08;
	v1 =	vimm.s32 $0x6380;
	vm3 =	vcmask $0xF0C  }
0x3: {  	vm15 =	vcmask $0x1310;
	v0 =	vsel vm0, $0x0, v0;
	v1 =	vsel vm0, $0x4000, v1  }
0x4: {  	vm6 =	vcmask $0x1714;
	v0 =	vsel vm1, $0x80, v0;
	v1 =	vsel vm1, $0x4080, v1  }
0x5: {  	s3 =	rddreg [dreg:$0x0];
	vm7 =	vcmask $0x1B18;
	v0 =	vsel vm2, $0x100, v0;
	v1 =	vsel vm2, $0x4100, v1  }
0x6: {  	s4 =	rddreg [dreg:$0x1];
	vm8 =	vcmask $0x1F1C;
	v0 =	vsel vm3, $0x180, v0;
	v1 =	vsel vm3, $0x4180, v1  }
0x7: {  	s8 =	rddreg [dreg:$0x2];
	s2 =	srdreg.scid;
	vm9 =	vcmask $0x2320;
	v0 =	vsel vm15, $0x200, v0;
	v1 =	vsel vm15, $0x4200, v1  }
0x8: {  	s1 =	stileid.u32;
	vm10 =	vcmask $0x2724;
	s11 =	simm.s32 $0x3;
	s12 =	simm.s32 $0x8000;
	v0 =	vsel vm6, $0x280, v0;
	v1 =	vsel vm6, $0x4280, v1  }
0x9: {  	vm11 =	vcmask $0x2B28;
	s13 =	simm.s32 $0x1;
	s14 =	simm.s32 $0x10400;
	s15 =	simm.s32 $0x2;
	v0 =	vsel vm7, $0x300, v0;
	v1 =	vsel vm7, $0x4300, v1  }
0xa: {  	vm12 =	vcmask $0x2F2C;
	s16 =	simm.s32 $0x10200;
	s17 =	simm.s32 $0x0;
	s5 =	sand.u32 $0x1, s2;
	v0 =	vsel vm8, $0x380, v0;
	v1 =	vsel vm8, $0x4380, v1  }
0xb: {  	vm13 =	vcmask $0x3330;
	s2 =	simm.s32 $0x0;
	s6 =	sshll.u32 s1, $0xA;
	s7 =	sshll.u32 s5, $0x9;
	v0 =	vsel vm9, $0x2000, v0;
	v1 =	vsel vm9, $0x6000, v1  }
0xc: {  	v2 =	vlaneseq.u32;
	[smem:$0x7FF] =	sst s2;
	s5 =	ssub.s32 $0x2, s5;
	s6 =	sor.u32 s7, s6;
	v0 =	vsel vm10, $0x2080, v0;
	v1 =	vsel vm10, $0x6080, v1  }
.Ltmp0:
0xd: {  	v2 =	vmul.u32 $0x80, v2;
	_ =	strace $0x80000047;
	s9 =	sshrl.u32 s5, $0x1;
	v0 =	vsel vm11, $0x2100, v0;
	v1 =	vsel vm11, $0x6100, v1;
	(pc) =	sbr.rel .LBB2_1-.Ltmp0, $4  }
0xe: {  	vm14 =	vcmask $0x3734;
	s7 =	sshll.u32 s6, $0x7;
	s9 =	ssub.s32 s5, s9;
	s10 =	sshrl.u32 s6, $0x3;
	v0 =	vsel vm12, $0x2180, v0;
	v1 =	vsel vm12, $0x6180, v1  }
0xf: {  	v2 =	vor.u32 $0xF, v2;
	s7 =	sadd.s32 s7, s3;
	s3 =	sadd.s32 s4, s10;
	s8 =	sadd.s32 s8, s10;
	v0 =	vsel vm13, $0x2200, v0;
	v1 =	vsel vm13, $0x6200, v1  }
0x10: {  	s9 =	smax.u32 s9, $0x1;
	s10 =	simm.s32 $0x10000;
	vm15 =	vcmask $0x3B38;
	s4 =	sadd.s32 $0x400, s7;
	v0 =	vsel vm14, $0x2280, v0;
	v3 =	vsel vm14, $0x6280, v1  }
0x11: {  	s5 =	sadd.s32 $0x1400, s7;
	s6 =	sadd.s32 $0x2400, s7;
	s7 =	sadd.s32 $0x3400, s7;
	v1 =	vimm.f32 $-Inf;
	v0 =	vsel vm15, $0x2300, v0;
	v3 =	vsel vm15, $0x6300, v3  }
.LBB2_12:
0x12: {  	s17 =	sadd.s32 $0x1, s17  }
0x13: {  	p0 =	sne.s32 s17, s9  }
.Ltmp1:
0x14: {  	_ = 	snop;
	(pc) =	sbr.rel @!p0 .LBB2_13-.Ltmp1, $4  }
0x15: {  	[hbm4b:s8+s2] =	stream.linear.scatter [tilespmem:s16], [sflag:$0x3], $0x200, $0x38;
	[tilespmem:$0x10C00] =	vst v63  }
0x16: {  	_ =	swait.ge [sflag:s11], $0x200  }
0x17: {  	[sflag:s11] =	ssyncset.done $0x0  }
0x18: {  	[sflag:s11] =	ssyncadd.s32 $0xFFFFFE00  }
.LBB2_1:
0x19: {  	[tilespmem:s10], [sflag:$0x3] =	stream.linear.gather [hbm4b:s3+s2], $0x200, $0x38;
	[tilespmem:$0x10C00] =	vst v63  }
0x1a: {  	_ =	swait.ge [sflag:s11], $0x200  }
0x1b: {  	[sflag:s11] =	ssyncset.done $0x0  }
0x1c: {  	[sflag:s11] =	ssyncadd.s32 $0xFFFFFE00  }
0x1d: {  	[tilespmem:s2], [sflag:$0x1] =	stream.linear.gather [hbm4b:s4+s2], $0x8000, $0x38;
	[tilespmem:$0x10C00] =	vst v63  }
0x1e: {  	s18 =	simm.s32 $0x0  }
0x1f: {  	[tilespmem:s12], [sflag:$0x2] =	stream.linear.gather [hbm4b:s5+s2], $0x8000, $0x38;
	[tilespmem:$0x10C00] =	vst v63  }
.LBB2_2:
0x20: {  	_ =	swait.ge [sflag:s13], $0x8000  }
0x21: {  	[sflag:s13] =	ssyncset.done $0x0  }
0x22: {  	s19 =	sshll.u32 s18, $0x6;
	[sflag:s13] =	ssyncadd.s32 $0xFFFF8000  }
0x23: {  	v4 =	vld [tilespmem:s19+$0x10000];
	_ =	sdelay $0x4  }
0x24: {  	v5 =	vshll.u32 v4, $0x3  }
0x25: {  	v4 =	vand.u32 $0x7F, v4;
	v5 =	vand.u32 $0xFFFFFC00, v5  }
0x26: {  	v4 =	vor.u32 v4, v5  }
0x27: {  	v5 =	vadd.s32 v0, v4;
	_ =	sdelay $0x3  }
0x28: {  	s20 =	simm.s32 $0x0;
	p0 =	por $0x0, $0x0;
	s21 =	simm.s32 $0x10500  }
0x29: {  	s22 =	simm.s32 $0x0;
	s23 =	simm.s32 $0x0;
	s24 =	simm.s32 $0x0;
	v4 =	vld.idx.msk [tilespmem:v5+s20+$0x0], $0xffff;
	[tilespmem:v5+s20+$0x0] =	vst.idx.msk $0xffff, v1  }
.LBB2_3:
0x2a: {  	s25 =	sand.u32 $0x2000, s24;
	s26 =	sand.u32 $0x200, s23  }
0x2b: {  	s28 =	sor.u32 s26, s25  }
0x2c: {  	v5 =	vld [tilespmem:s28+$0x0]  }
0x2d: {  	v6 =	vld [tilespmem:s28+$0x10]  }
0x2e: {  	v7 =	vld [tilespmem:s28+$0x20]  }
0x2f: {  	v8 =	vld [tilespmem:s28+$0x30]  }
0x30: {  	v9 =	vld [tilespmem:s28+$0x40]  }
0x31: {  	v10 =	vld [tilespmem:s28+$0x50]  }
0x32: {  	v11 =	vld [tilespmem:s28+$0x60]  }
0x33: {  	v12 =	vld [tilespmem:s28+$0x70]  }
0x34: {  	v13 =	vld [tilespmem:s28+$0x400]  }
0x35: {  	v14 =	vld [tilespmem:s28+$0x410]  }
0x36: {  	v15 =	vld [tilespmem:s28+$0x420]  }
0x37: {  	v16 =	vld [tilespmem:s28+$0x430]  }
0x38: {  	v17 =	vld [tilespmem:s28+$0x440]  }
0x39: {  	v18 =	vld [tilespmem:s28+$0x450]  }
0x3a: {  	v19 =	vld [tilespmem:s28+$0x460]  }
0x3b: {  	v20 =	vld [tilespmem:s28+$0x470]  }
0x3c: {  	v21 =	vld [tilespmem:s28+$0x800]  }
0x3d: {  	v22 =	vld [tilespmem:s28+$0x810]  }
0x3e: {  	v23 =	vld [tilespmem:s28+$0x820]  }
0x3f: {  	v24 =	vld [tilespmem:s28+$0x830]  }
0x40: {  	v25 =	vld [tilespmem:s28+$0x840]  }
0x41: {  	v26 =	vld [tilespmem:s28+$0x850]  }
0x42: {  	v27 =	vld [tilespmem:s28+$0x860]  }
0x43: {  	v28 =	vld [tilespmem:s28+$0x870]  }
0x44: {  	v29 =	vld [tilespmem:s28+$0xC00]  }
0x45: {  	v30 =	vld [tilespmem:s28+$0xC10]  }
0x46: {  	v31 =	vld [tilespmem:s28+$0xC20]  }
0x47: {  	s26 =	simm.s32 $0x1;
	v32 =	vld [tilespmem:s28+$0xC30]  }
0x48: {  	s26 =	simm.s32 @!p0 $0x0;
	v33 =	vld [tilespmem:s28+$0xC40]  }
0x49: {  	v34 =	vld [tilespmem:s28+$0xC50];
	s26 =	sshll.u32 s26, $0x9  }
0x4a: {  	v35 =	vld [tilespmem:s28+$0xC60];
	s26 =	sadd.s32 s26, s24  }
0x4b: {  	v36 =	vld [tilespmem:s28+$0xC70];
	s30 =	sor.u32 $0x1000, s26  }
0x4c: {  	s31 =	sor.u32 $0x1010, s26;
	v37 =	vld [tilespmem:s30+$0x0]  }
0x4d: {  	s0 =	sor.u32 $0x1020, s26;
	v38 =	vld [tilespmem:s31+$0x0]  }
0x4e: {  	s29 =	sor.u32 $0x1030, s26;
	v39 =	vld [tilespmem:s0+$0x0]  }
0x4f: {  	v40 =	vld [tilespmem:s29+$0x0];
	s30 =	sor.u32 $0x1040, s26  }
0x50: {  	s31 =	sor.u32 $0x1050, s26;
	v41 =	vld [tilespmem:s30+$0x0]  }
0x51: {  	s0 =	sor.u32 $0x1060, s26;
	v42 =	vld [tilespmem:s31+$0x0]  }
0x52: {  	s29 =	sor.u32 $0x1070, s26;
	v43 =	vld [tilespmem:s0+$0x0]  }
0x53: {  	v44 =	vld [tilespmem:s29+$0x0];
	s30 =	sor.u32 $0x1400, s26  }
0x54: {  	s31 =	sor.u32 $0x1410, s26;
	v45 =	vld [tilespmem:s30+$0x0]  }
0x55: {  	s0 =	sor.u32 $0x1420, s26;
	v46 =	vld [tilespmem:s31+$0x0]  }
0x56: {  	s29 =	sor.u32 $0x1430, s26;
	v47 =	vld [tilespmem:s0+$0x0]  }
0x57: {  	v48 =	vld [tilespmem:s29+$0x0];
	s30 =	sor.u32 $0x1440, s26  }
0x58: {  	s31 =	sor.u32 $0x1450, s26;
	v49 =	vld [tilespmem:s30+$0x0]  }
0x59: {  	s0 =	sor.u32 $0x1460, s26;
	v50 =	vld [tilespmem:s31+$0x0]  }
0x5a: {  	s29 =	sor.u32 $0x1470, s26;
	v51 =	vld [tilespmem:s0+$0x0]  }
0x5b: {  	v52 =	vld [tilespmem:s29+$0x0];
	s30 =	sor.u32 $0x1800, s26  }
0x5c: {  	v5 =	vmax.f32 v5, v9;
	v6 =	vmax.f32 v6, v10;
	s31 =	sor.u32 $0x1810, s26;
	v59 =	vld [tilespmem:s30+$0x0]  }
0x5d: {  	v7 =	vmax.f32 v7, v11;
	v8 =	vmax.f32 v8, v12;
	v5 =	vmax.f32 v5, v13;
	s0 =	sor.u32 $0x1820, s26;
	v60 =	vld [tilespmem:s31+$0x0]  }
0x5e: {  	v6 =	vmax.f32 v6, v14;
	v7 =	vmax.f32 v7, v15;
	v8 =	vmax.f32 v8, v16;
	s29 =	sor.u32 $0x1830, s26;
	v61 =	vld [tilespmem:s0+$0x0]  }
0x5f: {  	v5 =	vmax.f32 v5, v17;
	v6 =	vmax.f32 v6, v18;
	v7 =	vmax.f32 v7, v19;
	v62 =	vld [tilespmem:s29+$0x0];
	s30 =	sor.u32 $0x1840, s26  }
0x60: {  	v8 =	vmax.f32 v8, v20;
	v5 =	vmax.f32 v5, v21;
	v6 =	vmax.f32 v6, v22;
	s31 =	sor.u32 $0x1850, s26;
	v63 =	vld [tilespmem:s30+$0x0]  }
0x61: {  	v7 =	vmax.f32 v7, v23;
	v8 =	vmax.f32 v8, v24;
	s0 =	sor.u32 $0x1860, s26;
	v5 =	vmax.f32 v5, v25;
	v25 =	vld [tilespmem:s31+$0x0]  }
0x62: {  	s29 =	sor.u32 $0x1870, s26;
	v6 =	vmax.f32 v6, v26;
	v7 =	vmax.f32 v7, v27;
	v8 =	vmax.f32 v8, v28;
	v28 =	vld [tilespmem:s0+$0x0]  }
0x63: {  	s31 =	sor.u32 $0x1C10, s26;
	v5 =	vmax.f32 v5, v29;
	v6 =	vmax.f32 v6, v30;
	v7 =	vmax.f32 v7, v31;
	v31 =	vld [tilespmem:s29+$0x0]  }
0x64: {  	s0 =	sor.u32 $0x1C20, s26;
	v8 =	vmax.f32 v8, v32;
	v53 =	vld [tilespmem:s31+$0x0];
	v5 =	vmax.f32 v5, v33;
	v6 =	vmax.f32 v6, v34  }
0x65: {  	s30 =	sor.u32 $0x1C00, s26;
	v54 =	vld [tilespmem:s0+$0x0];
	v7 =	vmax.f32 v7, v35;
	v8 =	vmax.f32 v8, v36;
	v5 =	vmax.f32 v5, v37  }
0x66: {  	s29 =	sor.u32 $0x1C30, s26;
	v34 =	vld [tilespmem:s30+$0x0];
	v6 =	vmax.f32 v6, v38;
	v7 =	vmax.f32 v7, v39;
	v8 =	vmax.f32 v8, v40  }
0x67: {  	s31 =	sor.u32 $0x1C50, s26;
	v55 =	vld [tilespmem:s29+$0x0];
	v5 =	vmax.f32 v5, v41;
	v6 =	vmax.f32 v6, v42;
	v7 =	vmax.f32 v7, v43  }
0x68: {  	s30 =	sor.u32 $0x1C40, s26;
	v57 =	vld [tilespmem:s31+$0x0];
	v8 =	vmax.f32 v8, v44;
	v5 =	vmax.f32 v5, v45;
	v6 =	vmax.f32 v6, v46  }
0x69: {  	s26 =	sor.u32 $0x1C58, s26;
	v56 =	vld [tilespmem:s30+$0x0];
	v7 =	vmax.f32 v7, v47;
	v8 =	vmax.f32 v8, v48;
	v5 =	vmax.f32 v5, v49  }
0x6a: {  	v58 =	vld [tilespmem:s26+$0x0];
	v6 =	vmax.f32 v6, v50;
	v7 =	vmax.f32 v7, v51;
	v8 =	vmax.f32 v8, v52  }
0x6b: {  	v5 =	vmax.f32 v5, v59;
	v6 =	vmax.f32 v6, v60;
	v7 =	vmax.f32 v7, v61  }
0x6c: {  	v8 =	vmax.f32 v8, v62;
	v5 =	vmax.f32 v5, v63;
	v6 =	vmax.f32 v6, v25  }
0x6d: {  	v7 =	vmax.f32 v7, v28;
	v8 =	vmax.f32 v8, v31;
	v5 =	vmax.f32 v5, v34  }
0x6e: {  	v6 =	vmax.f32 v6, v53;
	v7 =	vmax.f32 v7, v54;
	v8 =	vmax.f32 v8, v55  }
0x6f: {  	v5 =	vmax.f32 v5, v56;
	v6 =	vmax.f32 v6, v57;
	v7 =	vmax.f32 v7, v58  }
0x70: {  	v5 =	vmax.f32 v5, v6;
	v6 =	vmax.f32 v7, v8  }
0x71: {  	v5 =	vmax.f32 v5, v6  }
0x72: {  	(xrf0) =	vmax.scan.msk.f32 $0xffff, v5;
	_ =	sdelay $0x4  }
0x73: {  	s0 =	sadd.s32 $0x80, s23  }
0x74: {  	s26 =	sand.u32 $0x280, s0;
	v5, _, _ =	vpop (xrf0)  }
0x75: {  	s29 =	sor.u32 s26, s25;
	[tilespmem:s21+$0xFFFFFF00] =	vst v5  }
0x76: {  	v5 =	vld [tilespmem:s29+$0x0]  }
0x77: {  	v6 =	vld [tilespmem:s29+$0x10]  }
0x78: {  	v7 =	vld [tilespmem:s29+$0x20]  }
0x79: {  	v8 =	vld [tilespmem:s29+$0x30]  }
0x7a: {  	v9 =	vld [tilespmem:s29+$0x40]  }
0x7b: {  	v59 =	vld [tilespmem:s29+$0x50]  }
0x7c: {  	v11 =	vld [tilespmem:s29+$0x60]  }
0x7d: {  	v12 =	vld [tilespmem:s29+$0x70]  }
0x7e: {  	v60 =	vld [tilespmem:s29+$0x400]  }
0x7f: {  	v14 =	vld [tilespmem:s29+$0x410]  }
0x80: {  	v15 =	vld [tilespmem:s29+$0x420]  }
0x81: {  	v61 =	vld [tilespmem:s29+$0x430]  }
0x82: {  	v17 =	vld [tilespmem:s29+$0x440]  }
0x83: {  	v18 =	vld [tilespmem:s29+$0x450]  }
0x84: {  	v62 =	vld [tilespmem:s29+$0x460]  }
0x85: {  	v20 =	vld [tilespmem:s29+$0x470]  }
0x86: {  	v21 =	vld [tilespmem:s29+$0x800]  }
0x87: {  	v63 =	vld [tilespmem:s29+$0x810]  }
0x88: {  	v23 =	vld [tilespmem:s29+$0x820]  }
0x89: {  	v24 =	vld [tilespmem:s29+$0x830]  }
0x8a: {  	v25 =	vld [tilespmem:s29+$0x840]  }
0x8b: {  	v26 =	vld [tilespmem:s29+$0x850]  }
0x8c: {  	v27 =	vld [tilespmem:s29+$0x860]  }
0x8d: {  	v28 =	vld [tilespmem:s29+$0x870]  }
0x8e: {  	v29 =	vld [tilespmem:s29+$0xC00]  }
0x8f: {  	v30 =	vld [tilespmem:s29+$0xC10]  }
0x90: {  	v31 =	vld [tilespmem:s29+$0xC20]  }
0x91: {  	s28 =	sand.u32 $0x7, s22;
	v32 =	vld [tilespmem:s29+$0xC30]  }
0x92: {  	s26 =	sshll.u32 s28, $0x7;
	v33 =	vld [tilespmem:s29+$0xC40]  }
0x93: {  	s26 =	sadd.s32 s24, s26;
	v34 =	vld [tilespmem:s29+$0xC50]  }
0x94: {  	s28 =	sadd.s32 $0x80, s26;
	v35 =	vld [tilespmem:s29+$0xC60]  }
0x95: {  	s30 =	sor.u32 $0x1000, s28;
	v36 =	vld [tilespmem:s29+$0xC70]  }
0x96: {  	s31 =	sor.u32 $0x1010, s28;
	v37 =	vld [tilespmem:s30+$0x0]  }
0x97: {  	s0 =	sor.u32 $0x1020, s28;
	v38 =	vld [tilespmem:s31+$0x0]  }
0x98: {  	v39 =	vld [tilespmem:s0+$0x0];
	s30 =	sor.u32 $0x1030, s28  }
0x99: {  	s31 =	sor.u32 $0x1040, s28;
	v40 =	vld [tilespmem:s30+$0x0]  }
0x9a: {  	s0 =	sor.u32 $0x1050, s28;
	v41 =	vld [tilespmem:s31+$0x0]  }
0x9b: {  	v42 =	vld [tilespmem:s0+$0x0];
	s30 =	sor.u32 $0x1060, s28  }
0x9c: {  	s31 =	sor.u32 $0x1070, s28;
	v43 =	vld [tilespmem:s30+$0x0]  }
0x9d: {  	s0 =	sor.u32 $0x1400, s28;
	v44 =	vld [tilespmem:s31+$0x0]  }
0x9e: {  	v45 =	vld [tilespmem:s0+$0x0];
	s30 =	sor.u32 $0x1410, s28  }
0x9f: {  	s31 =	sor.u32 $0x1420, s28;
	v56 =	vld [tilespmem:s30+$0x0]  }
0xa0: {  	s0 =	sor.u32 $0x1430, s28;
	v47 =	vld [tilespmem:s31+$0x0]  }
0xa1: {  	v48 =	vld [tilespmem:s0+$0x0];
	s30 =	sor.u32 $0x1440, s28  }
0xa2: {  	s31 =	sor.u32 $0x1450, s28;
	v57 =	vld [tilespmem:s30+$0x0]  }
0xa3: {  	s0 =	sor.u32 $0x1460, s28;
	v50 =	vld [tilespmem:s31+$0x0]  }
0xa4: {  	v51 =	vld [tilespmem:s0+$0x0];
	s30 =	sor.u32 $0x1470, s28  }
0xa5: {  	s31 =	sor.u32 $0x1800, s28;
	v58 =	vld [tilespmem:s30+$0x0]  }
0xa6: {  	s0 =	sor.u32 $0x1810, s28;
	v5 =	vmax.f32 v5, v9;
	v6 =	vmax.f32 v6, v59;
	v59 =	vld [tilespmem:s31+$0x0]  }
0xa7: {  	v7 =	vmax.f32 v7, v11;
	v8 =	vmax.f32 v8, v12;
	s30 =	sor.u32 $0x1820, s28;
	v5 =	vmax.f32 v5, v60;
	v60 =	vld [tilespmem:s0+$0x0]  }
0xa8: {  	s31 =	sor.u32 $0x1830, s28;
	v6 =	vmax.f32 v6, v14;
	v7 =	vmax.f32 v7, v15;
	v8 =	vmax.f32 v8, v61;
	v61 =	vld [tilespmem:s30+$0x0]  }
0xa9: {  	s0 =	sor.u32 $0x1840, s28;
	v5 =	vmax.f32 v5, v17;
	v6 =	vmax.f32 v6, v18;
	v7 =	vmax.f32 v7, v62;
	v62 =	vld [tilespmem:s31+$0x0]  }
0xaa: {  	s30 =	sor.u32 $0x1850, s28;
	v8 =	vmax.f32 v8, v20;
	v5 =	vmax.f32 v5, v21;
	v6 =	vmax.f32 v6, v63;
	v63 =	vld [tilespmem:s0+$0x0]  }
0xab: {  	s31 =	sor.u32 $0x1860, s28;
	v7 =	vmax.f32 v7, v23;
	v8 =	vmax.f32 v8, v24;
	v5 =	vmax.f32 v5, v25;
	v25 =	vld [tilespmem:s30+$0x0]  }
0xac: {  	s0 =	sor.u32 $0x1870, s28;
	v6 =	vmax.f32 v6, v26;
	v7 =	vmax.f32 v7, v27;
	v8 =	vmax.f32 v8, v28;
	v28 =	vld [tilespmem:s31+$0x0]  }
0xad: {  	s31 =	sor.u32 $0x1C10, s28;
	v5 =	vmax.f32 v5, v29;
	v6 =	vmax.f32 v6, v30;
	v7 =	vmax.f32 v7, v31;
	v31 =	vld [tilespmem:s0+$0x0]  }
0xae: {  	s30 =	sor.u32 $0x1C00, s28;
	v8 =	vmax.f32 v8, v32;
	v53 =	vld [tilespmem:s31+$0x0];
	v5 =	vmax.f32 v5, v33;
	v6 =	vmax.f32 v6, v34  }
0xaf: {  	s0 =	sor.u32 $0x1C20, s28;
	v34 =	vld [tilespmem:s30+$0x0];
	v7 =	vmax.f32 v7, v35;
	v8 =	vmax.f32 v8, v36;
	v5 =	vmax.f32 v5, v37  }
0xb0: {  	v54 =	vld [tilespmem:s0+$0x0];
	s30 =	sor.u32 $0x1C30, s28;
	v6 =	vmax.f32 v6, v38;
	v7 =	vmax.f32 v7, v39;
	v8 =	vmax.f32 v8, v40  }
0xb1: {  	s31 =	sor.u32 $0x1C40, s28;
	v55 =	vld [tilespmem:s30+$0x0];
	v5 =	vmax.f32 v5, v41;
	v6 =	vmax.f32 v6, v42;
	v7 =	vmax.f32 v7, v43  }
0xb2: {  	s0 =	sor.u32 $0x1C50, s28;
	v8 =	vmax.f32 v8, v44;
	v5 =	vmax.f32 v5, v45;
	v6 =	vmax.f32 v6, v56;
	v56 =	vld [tilespmem:s31+$0x0]  }
0xb3: {  	s28 =	sor.u32 $0x1C58, s28;
	v7 =	vmax.f32 v7, v47;
	v8 =	vmax.f32 v8, v48;
	v5 =	vmax.f32 v5, v57;
	v57 =	vld [tilespmem:s0+$0x0]  }
0xb4: {  	v6 =	vmax.f32 v6, v50;
	v7 =	vmax.f32 v7, v51;
	v8 =	vmax.f32 v8, v58;
	v58 =	vld [tilespmem:s28+$0x0]  }
0xb5: {  	v5 =	vmax.f32 v5, v59;
	v6 =	vmax.f32 v6, v60;
	v7 =	vmax.f32 v7, v61  }
0xb6: {  	v8 =	vmax.f32 v8, v62;
	v5 =	vmax.f32 v5, v63;
	v6 =	vmax.f32 v6, v25  }
0xb7: {  	v7 =	vmax.f32 v7, v28;
	v8 =	vmax.f32 v8, v31;
	v5 =	vmax.f32 v5, v34  }
0xb8: {  	v6 =	vmax.f32 v6, v53;
	v7 =	vmax.f32 v7, v54;
	v8 =	vmax.f32 v8, v55  }
0xb9: {  	v5 =	vmax.f32 v5, v56;
	v6 =	vmax.f32 v6, v57;
	v7 =	vmax.f32 v7, v58  }
0xba: {  	v5 =	vmax.f32 v5, v6;
	v6 =	vmax.f32 v7, v8  }
0xbb: {  	v5 =	vmax.f32 v5, v6  }
0xbc: {  	(xrf0) =	vmax.scan.msk.f32 $0xffff, v5;
	_ =	sdelay $0x4  }
0xbd: {  	s29 =	sadd.s32 $0x100, s23  }
0xbe: {  	s28 =	sand.u32 $0x300, s29;
	v5, _, _ =	vpop (xrf0)  }
0xbf: {  	s30 =	sor.u32 s28, s25;
	[tilespmem:s21+$0xFFFFFF80] =	vst v5  }
0xc0: {  	v5 =	vld [tilespmem:s30+$0x0]  }
0xc1: {  	v6 =	vld [tilespmem:s30+$0x10]  }
0xc2: {  	v7 =	vld [tilespmem:s30+$0x20]  }
0xc3: {  	v8 =	vld [tilespmem:s30+$0x30]  }
0xc4: {  	v9 =	vld [tilespmem:s30+$0x40]  }
0xc5: {  	v59 =	vld [tilespmem:s30+$0x50]  }
0xc6: {  	v11 =	vld [tilespmem:s30+$0x60]  }
0xc7: {  	v12 =	vld [tilespmem:s30+$0x70]  }
0xc8: {  	v60 =	vld [tilespmem:s30+$0x400]  }
0xc9: {  	v14 =	vld [tilespmem:s30+$0x410]  }
0xca: {  	v15 =	vld [tilespmem:s30+$0x420]  }
0xcb: {  	v61 =	vld [tilespmem:s30+$0x430]  }
0xcc: {  	v17 =	vld [tilespmem:s30+$0x440]  }
0xcd: {  	v18 =	vld [tilespmem:s30+$0x450]  }
0xce: {  	v62 =	vld [tilespmem:s30+$0x460]  }
0xcf: {  	v20 =	vld [tilespmem:s30+$0x470]  }
0xd0: {  	v21 =	vld [tilespmem:s30+$0x800]  }
0xd1: {  	v63 =	vld [tilespmem:s30+$0x810]  }
0xd2: {  	v23 =	vld [tilespmem:s30+$0x820]  }
0xd3: {  	v24 =	vld [tilespmem:s30+$0x830]  }
0xd4: {  	v25 =	vld [tilespmem:s30+$0x840]  }
0xd5: {  	v26 =	vld [tilespmem:s30+$0x850]  }
0xd6: {  	v27 =	vld [tilespmem:s30+$0x860]  }
0xd7: {  	v28 =	vld [tilespmem:s30+$0x870]  }
0xd8: {  	v29 =	vld [tilespmem:s30+$0xC00]  }
0xd9: {  	v30 =	vld [tilespmem:s30+$0xC10]  }
0xda: {  	v31 =	vld [tilespmem:s30+$0xC20]  }
0xdb: {  	s31 =	sand.u32 $0x3, s20;
	v32 =	vld [tilespmem:s30+$0xC30]  }
0xdc: {  	s28 =	sshll.u32 s31, $0x8;
	v33 =	vld [tilespmem:s30+$0xC40]  }
0xdd: {  	s28 =	sadd.s32 s24, s28;
	v34 =	vld [tilespmem:s30+$0xC50]  }
0xde: {  	s28 =	sadd.s32 $0x100, s28;
	v35 =	vld [tilespmem:s30+$0xC60]  }
0xdf: {  	s0 =	sor.u32 $0x1000, s28;
	v36 =	vld [tilespmem:s30+$0xC70]  }
0xe0: {  	s31 =	sor.u32 $0x1020, s28;
	v37 =	vld [tilespmem:s0+$0x0]  }
0xe1: {  	s30 =	sor.u32 $0x1010, s28;
	v39 =	vld [tilespmem:s31+$0x0]  }
0xe2: {  	s0 =	sor.u32 $0x1030, s28;
	v38 =	vld [tilespmem:s30+$0x0]  }
0xe3: {  	s31 =	sor.u32 $0x1050, s28;
	v40 =	vld [tilespmem:s0+$0x0]  }
0xe4: {  	s30 =	sor.u32 $0x1040, s28;
	v42 =	vld [tilespmem:s31+$0x0]  }
0xe5: {  	s0 =	sor.u32 $0x1060, s28;
	v41 =	vld [tilespmem:s30+$0x0]  }
0xe6: {  	s31 =	sor.u32 $0x1400, s28;
	v43 =	vld [tilespmem:s0+$0x0]  }
0xe7: {  	s30 =	sor.u32 $0x1070, s28;
	v45 =	vld [tilespmem:s31+$0x0]  }
0xe8: {  	s0 =	sor.u32 $0x1410, s28;
	v44 =	vld [tilespmem:s30+$0x0]  }
0xe9: {  	s31 =	sor.u32 $0x1430, s28;
	v46 =	vld [tilespmem:s0+$0x0]  }
0xea: {  	s30 =	sor.u32 $0x1420, s28;
	v48 =	vld [tilespmem:s31+$0x0]  }
0xeb: {  	s0 =	sor.u32 $0x1440, s28;
	v47 =	vld [tilespmem:s30+$0x0]  }
0xec: {  	s31 =	sor.u32 $0x1460, s28;
	v49 =	vld [tilespmem:s0+$0x0]  }
0xed: {  	s30 =	sor.u32 $0x1450, s28;
	v57 =	vld [tilespmem:s31+$0x0]  }
0xee: {  	s0 =	sor.u32 $0x1470, s28;
	v56 =	vld [tilespmem:s30+$0x0]  }
0xef: {  	v58 =	vld [tilespmem:s0+$0x0];
	s30 =	sor.u32 $0x1800, s28  }
0xf0: {  	s31 =	sor.u32 $0x1810, s28;
	v5 =	vmax.f32 v5, v9;
	v6 =	vmax.f32 v6, v59;
	v59 =	vld [tilespmem:s30+$0x0]  }
0xf1: {  	v7 =	vmax.f32 v7, v11;
	v8 =	vmax.f32 v8, v12;
	s0 =	sor.u32 $0x1820, s28;
	v5 =	vmax.f32 v5, v60;
	v60 =	vld [tilespmem:s31+$0x0]  }
0xf2: {  	v6 =	vmax.f32 v6, v14;
	v7 =	vmax.f32 v7, v15;
	v8 =	vmax.f32 v8, v61;
	v61 =	vld [tilespmem:s0+$0x0];
	s30 =	sor.u32 $0x1830, s28  }
0xf3: {  	s31 =	sor.u32 $0x1840, s28;
	v5 =	vmax.f32 v5, v17;
	v6 =	vmax.f32 v6, v18;
	v7 =	vmax.f32 v7, v62;
	v62 =	vld [tilespmem:s30+$0x0]  }
0xf4: {  	s0 =	sor.u32 $0x1850, s28;
	v8 =	vmax.f32 v8, v20;
	v5 =	vmax.f32 v5, v21;
	v6 =	vmax.f32 v6, v63;
	v63 =	vld [tilespmem:s31+$0x0]  }
0xf5: {  	s30 =	sor.u32 $0x1860, s28;
	v7 =	vmax.f32 v7, v23;
	v8 =	vmax.f32 v8, v24;
	v5 =	vmax.f32 v5, v25;
	v25 =	vld [tilespmem:s0+$0x0]  }
0xf6: {  	s31 =	sor.u32 $0x1870, s28;
	v6 =	vmax.f32 v6, v26;
	v7 =	vmax.f32 v7, v27;
	v8 =	vmax.f32 v8, v28;
	v28 =	vld [tilespmem:s30+$0x0]  }
0xf7: {  	s0 =	sor.u32 $0x1C00, s28;
	v5 =	vmax.f32 v5, v29;
	v6 =	vmax.f32 v6, v30;
	v7 =	vmax.f32 v7, v31;
	v31 =	vld [tilespmem:s31+$0x0]  }
0xf8: {  	s30 =	sor.u32 $0x1C10, s28;
	v8 =	vmax.f32 v8, v32;
	v5 =	vmax.f32 v5, v33;
	v6 =	vmax.f32 v6, v34;
	v34 =	vld [tilespmem:s0+$0x0]  }
0xf9: {  	s31 =	sor.u32 $0x1C20, s28;
	v7 =	vmax.f32 v7, v35;
	v8 =	vmax.f32 v8, v36;
	v5 =	vmax.f32 v5, v37;
	v37 =	vld [tilespmem:s30+$0x0]  }
0xfa: {  	s0 =	sor.u32 $0x1C30, s28;
	v6 =	vmax.f32 v6, v38;
	v7 =	vmax.f32 v7, v39;
	v8 =	vmax.f32 v8, v40;
	v40 =	vld [tilespmem:s31+$0x0]  }
0xfb: {  	s30 =	sor.u32 $0x1C40, s28;
	v5 =	vmax.f32 v5, v41;
	v6 =	vmax.f32 v6, v42;
	v7 =	vmax.f32 v7, v43;
	v43 =	vld [tilespmem:s0+$0x0]  }
0xfc: {  	s31 =	sor.u32 $0x1C50, s28;
	v8 =	vmax.f32 v8, v44;
	v53 =	vld [tilespmem:s30+$0x0];
	v5 =	vmax.f32 v5, v45;
	v6 =	vmax.f32 v6, v46  }
0xfd: {  	s28 =	sor.u32 $0x1C58, s28;
	v54 =	vld [tilespmem:s31+$0x0];
	v7 =	vmax.f32 v7, v47;
	v8 =	vmax.f32 v8, v48;
	v5 =	vmax.f32 v5, v49  }
0xfe: {  	v55 =	vld [tilespmem:s28+$0x0];
	v6 =	vmax.f32 v6, v56;
	v7 =	vmax.f32 v7, v57;
	v8 =	vmax.f32 v8, v58  }
0xff: {  	v5 =	vmax.f32 v5, v59;
	v6 =	vmax.f32 v6, v60;
	v7 =	vmax.f32 v7, v61  }
0x100: {  	v8 =	vmax.f32 v8, v62;
	v5 =	vmax.f32 v5, v63;
	v6 =	vmax.f32 v6, v25  }
0x101: {  	v7 =	vmax.f32 v7, v28;
	v8 =	vmax.f32 v8, v31;
	v5 =	vmax.f32 v5, v34  }
0x102: {  	v6 =	vmax.f32 v6, v37;
	v7 =	vmax.f32 v7, v40;
	v8 =	vmax.f32 v8, v43  }
0x103: {  	v5 =	vmax.f32 v5, v53;
	v6 =	vmax.f32 v6, v54;
	v7 =	vmax.f32 v7, v55  }
0x104: {  	v5 =	vmax.f32 v5, v6;
	v6 =	vmax.f32 v7, v8  }
0x105: {  	v5 =	vmax.f32 v5, v6  }
0x106: {  	(xrf0) =	vmax.scan.msk.f32 $0xffff, v5;
	_ =	sdelay $0x4  }
0x107: {  	s0 =	sadd.s32 $0x180, s23  }
0x108: {  	s28 =	sand.u32 $0x380, s0;
	v5, _, _ =	vpop (xrf0)  }
0x109: {  	s28 =	sor.u32 s28, s25;
	[tilespmem:s21+$0x0] =	vst v5  }
0x10a: {  	v5 =	vld [tilespmem:s28+$0x0]  }
0x10b: {  	v6 =	vld [tilespmem:s28+$0x10]  }
0x10c: {  	v7 =	vld [tilespmem:s28+$0x20]  }
0x10d: {  	v8 =	vld [tilespmem:s28+$0x30]  }
0x10e: {  	v9 =	vld [tilespmem:s28+$0x40]  }
0x10f: {  	v10 =	vld [tilespmem:s28+$0x50]  }
0x110: {  	v11 =	vld [tilespmem:s28+$0x60]  }
0x111: {  	v12 =	vld [tilespmem:s28+$0x70]  }
0x112: {  	v13 =	vld [tilespmem:s28+$0x400]  }
0x113: {  	v14 =	vld [tilespmem:s28+$0x410]  }
0x114: {  	v15 =	vld [tilespmem:s28+$0x420]  }
0x115: {  	v16 =	vld [tilespmem:s28+$0x430]  }
0x116: {  	v17 =	vld [tilespmem:s28+$0x440]  }
0x117: {  	v18 =	vld [tilespmem:s28+$0x450]  }
0x118: {  	v19 =	vld [tilespmem:s28+$0x460]  }
0x119: {  	v20 =	vld [tilespmem:s28+$0x470]  }
0x11a: {  	v21 =	vld [tilespmem:s28+$0x800]  }
0x11b: {  	v22 =	vld [tilespmem:s28+$0x810]  }
0x11c: {  	v23 =	vld [tilespmem:s28+$0x820]  }
0x11d: {  	v24 =	vld [tilespmem:s28+$0x830]  }
0x11e: {  	v25 =	vld [tilespmem:s28+$0x840]  }
0x11f: {  	v26 =	vld [tilespmem:s28+$0x850]  }
0x120: {  	v27 =	vld [tilespmem:s28+$0x860]  }
0x121: {  	v28 =	vld [tilespmem:s28+$0x870]  }
0x122: {  	v29 =	vld [tilespmem:s28+$0xC00]  }
0x123: {  	v30 =	vld [tilespmem:s28+$0xC10]  }
0x124: {  	v56 =	vld [tilespmem:s28+$0xC20]  }
0x125: {  	v32 =	vld [tilespmem:s28+$0xC30]  }
0x126: {  	v33 =	vld [tilespmem:s28+$0xC40]  }
0x127: {  	v57 =	vld [tilespmem:s28+$0xC50]  }
0x128: {  	s25 =	sadd.s32 $0x180, s26;
	v35 =	vld [tilespmem:s28+$0xC60]  }
0x129: {  	s26 =	sor.u32 $0x1000, s25;
	v36 =	vld [tilespmem:s28+$0xC70]  }
0x12a: {  	s29 =	sor.u32 $0x1020, s25;
	v58 =	vld [tilespmem:s26+$0x0]  }
0x12b: {  	s30 =	sor.u32 $0x1030, s25;
	v39 =	vld [tilespmem:s29+$0x0]  }
0x12c: {  	s31 =	sor.u32 $0x1040, s25;
	v59 =	vld [tilespmem:s30+$0x0]  }
0x12d: {  	s0 =	sor.u32 $0x1050, s25;
	v41 =	vld [tilespmem:s31+$0x0]  }
0x12e: {  	s28 =	sor.u32 $0x1010, s25;
	v42 =	vld [tilespmem:s0+$0x0]  }
0x12f: {  	s29 =	sor.u32 $0x1070, s25;
	v38 =	vld [tilespmem:s28+$0x0]  }
0x130: {  	s30 =	sor.u32 $0x1400, s25;
	v44 =	vld [tilespmem:s29+$0x0]  }
0x131: {  	s31 =	sor.u32 $0x1410, s25;
	v45 =	vld [tilespmem:s30+$0x0]  }
0x132: {  	s0 =	sor.u32 $0x1420, s25;
	v61 =	vld [tilespmem:s31+$0x0]  }
0x133: {  	s28 =	sor.u32 $0x1060, s25;
	v47 =	vld [tilespmem:s0+$0x0]  }
0x134: {  	s29 =	sor.u32 $0x1440, s25;
	v60 =	vld [tilespmem:s28+$0x0]  }
0x135: {  	s30 =	sor.u32 $0x1450, s25;
	v62 =	vld [tilespmem:s29+$0x0]  }
0x136: {  	s31 =	sor.u32 $0x1460, s25;
	v50 =	vld [tilespmem:s30+$0x0]  }
0x137: {  	s0 =	sor.u32 $0x1470, s25;
	v51 =	vld [tilespmem:s31+$0x0]  }
0x138: {  	s28 =	sor.u32 $0x1430, s25;
	v63 =	vld [tilespmem:s0+$0x0]  }
0x139: {  	s0 =	sor.u32 $0x1840, s25;
	v48 =	vld [tilespmem:s28+$0x0]  }
0x13a: {  	s28 =	sor.u32 $0x1800, s25;
	v53 =	vld [tilespmem:s0+$0x0];
	v5 =	vmax.f32 v5, v9;
	v6 =	vmax.f32 v6, v10  }
0x13b: {  	s29 =	sor.u32 $0x1810, s25;
	v9 =	vld [tilespmem:s28+$0x0];
	v7 =	vmax.f32 v7, v11;
	v8 =	vmax.f32 v8, v12;
	v5 =	vmax.f32 v5, v13  }
0x13c: {  	s30 =	sor.u32 $0x1820, s25;
	v10 =	vld [tilespmem:s29+$0x0];
	v6 =	vmax.f32 v6, v14;
	v7 =	vmax.f32 v7, v15;
	v8 =	vmax.f32 v8, v16  }
0x13d: {  	s31 =	sor.u32 $0x1830, s25;
	v11 =	vld [tilespmem:s30+$0x0];
	v5 =	vmax.f32 v5, v17;
	v6 =	vmax.f32 v6, v18;
	v7 =	vmax.f32 v7, v19  }
0x13e: {  	v12 =	vld [tilespmem:s31+$0x0];
	s28 =	sor.u32 $0x1850, s25;
	v8 =	vmax.f32 v8, v20;
	v5 =	vmax.f32 v5, v21;
	v6 =	vmax.f32 v6, v22  }
0x13f: {  	s29 =	sor.u32 $0x1860, s25;
	v54 =	vld [tilespmem:s28+$0x0];
	v7 =	vmax.f32 v7, v23;
	v8 =	vmax.f32 v8, v24;
	v5 =	vmax.f32 v5, v25  }
0x140: {  	s30 =	sor.u32 $0x1870, s25;
	v55 =	vld [tilespmem:s29+$0x0];
	v6 =	vmax.f32 v6, v26;
	v7 =	vmax.f32 v7, v27;
	v8 =	vmax.f32 v8, v28  }
0x141: {  	s31 =	sor.u32 $0x1C00, s25;
	v5 =	vmax.f32 v5, v29;
	v6 =	vmax.f32 v6, v30;
	v7 =	vmax.f32 v7, v56;
	v56 =	vld [tilespmem:s30+$0x0]  }
0x142: {  	s0 =	sor.u32 $0x1C10, s25;
	v8 =	vmax.f32 v8, v32;
	v5 =	vmax.f32 v5, v33;
	v6 =	vmax.f32 v6, v57;
	v57 =	vld [tilespmem:s31+$0x0]  }
0x143: {  	s28 =	sor.u32 $0x1C20, s25;
	v7 =	vmax.f32 v7, v35;
	v8 =	vmax.f32 v8, v36;
	v5 =	vmax.f32 v5, v58;
	v58 =	vld [tilespmem:s0+$0x0]  }
0x144: {  	s29 =	sor.u32 $0x1C30, s25;
	v6 =	vmax.f32 v6, v38;
	v7 =	vmax.f32 v7, v39;
	v8 =	vmax.f32 v8, v59;
	v59 =	vld [tilespmem:s28+$0x0]  }
0x145: {  	s30 =	sor.u32 $0x1C40, s25;
	v5 =	vmax.f32 v5, v41;
	v6 =	vmax.f32 v6, v42;
	v7 =	vmax.f32 v7, v60;
	v60 =	vld [tilespmem:s29+$0x0]  }
0x146: {  	s31 =	sor.u32 $0x1C50, s25;
	v8 =	vmax.f32 v8, v44;
	v5 =	vmax.f32 v5, v45;
	v6 =	vmax.f32 v6, v61;
	v61 =	vld [tilespmem:s30+$0x0]  }
0x147: {  	s25 =	sor.u32 $0x1C58, s25;
	v7 =	vmax.f32 v7, v47;
	v8 =	vmax.f32 v8, v48;
	v5 =	vmax.f32 v5, v62;
	v62 =	vld [tilespmem:s31+$0x0]  }
0x148: {  	v6 =	vmax.f32 v6, v50;
	v7 =	vmax.f32 v7, v51;
	v8 =	vmax.f32 v8, v63;
	v63 =	vld [tilespmem:s25+$0x0]  }
0x149: {  	v5 =	vmax.f32 v5, v9;
	v6 =	vmax.f32 v6, v10;
	v7 =	vmax.f32 v7, v11  }
0x14a: {  	v8 =	vmax.f32 v8, v12;
	v5 =	vmax.f32 v5, v53;
	v6 =	vmax.f32 v6, v54  }
0x14b: {  	v7 =	vmax.f32 v7, v55;
	v8 =	vmax.f32 v8, v56;
	v5 =	vmax.f32 v5, v57  }
0x14c: {  	v6 =	vmax.f32 v6, v58;
	v7 =	vmax.f32 v7, v59;
	v8 =	vmax.f32 v8, v60  }
0x14d: {  	v5 =	vmax.f32 v5, v61;
	v6 =	vmax.f32 v6, v62;
	v7 =	vmax.f32 v7, v63  }
0x14e: {  	v5 =	vmax.f32 v5, v6;
	v6 =	vmax.f32 v7, v8  }
0x14f: {  	v5 =	vmax.f32 v5, v6  }
0x150: {  	(xrf0) =	vmax.scan.msk.f32 $0xffff, v5;
	_ =	sdelay $0x1  }
0x151: {  	p1 =	sne.s32 s24, $0x3000  }
.Ltmp2:
0x152: {  	_ = 	snop;
	(pc) =	sbr.rel @p1 .LBB2_3-.Ltmp2, $3  }
0x153: {  	_ =	sdelay $0x1  }
0x154: {  	s22 =	sadd.s32 $0x4, s22;
	p0 =	por !p0, !p0;
	s20 =	sadd.s32 $0x2, s20;
	v5, _, _ =	vpop (xrf0)  }
0x155: {  	s24 =	sadd.s32 $0x1000, s24;
	s23 =	sadd.s32 $0x200, s23;
	[tilespmem:s21+$0x80] =	vst v5;
	s21 =	sadd.s32 $0x200, s21  }
0x156: {  	v5 =	vld [tilespmem:s19+$0x10010];
	_ =	sdelay $0x4  }
0x157: {  	v6 =	vld.idx.msk [tilespmem:v2+s14+$0x0], $0xffff;
	v7 =	vshll.u32 v5, $0x3  }
0x158: {  	v5 =	vand.u32 $0x7F, v5;
	v7 =	vand.u32 $0xFFFFFC00, v7  }
0x159: {  	v5 =	vor.u32 v5, v7  }
0x15a: {  	v5 =	vadd.s32 v3, v5;
	_ =	sdelay $0x1  }
0x15b: {  	v4 =	vsub.f32 v6, v4  }
0x15c: {  	s21 =	sor.u32 $0x10, s19;
	s20 =	simm.s32 $0x0;
	s22 =	simm.s32 $0x880  }
0x15d: {  	s23 =	simm.s32 $0x10500;
	p0 =	por $0x0, $0x0;
	s24 =	simm.s32 $0x0;
	[tilespmem:s19+$0x10200] =	vst v4  }
0x15e: {  	s25 =	simm.s32 $0x0;
	s26 =	simm.s32 $0x0;
	s28 =	simm.s32 $0x0;
	v4 =	vld.idx.msk [tilespmem:v5+s20+$0x0], $0xffff;
	[tilespmem:v5+s20+$0x0] =	vst.idx.msk $0xffff, v1  }
.LBB2_5:
0x15f: {  	s29 =	sadd.s32 $0xFFFFF780, s22  }
0x160: {  	s30 =	sand.u32 $0x2000, s28;
	s29 =	sand.u32 $0x200, s29  }
0x161: {  	s29 =	sor.u32 s29, s30  }
0x162: {  	v5 =	vld [tilespmem:s29+$0x4000]  }
0x163: {  	v6 =	vld [tilespmem:s29+$0x4010]  }
0x164: {  	v7 =	vld [tilespmem:s29+$0x4020]  }
0x165: {  	v8 =	vld [tilespmem:s29+$0x4030]  }
0x166: {  	v9 =	vld [tilespmem:s29+$0x4040]  }
0x167: {  	v10 =	vld [tilespmem:s29+$0x4050]  }
0x168: {  	v11 =	vld [tilespmem:s29+$0x4060]  }
0x169: {  	v12 =	vld [tilespmem:s29+$0x4070]  }
0x16a: {  	v21 =	vld [tilespmem:s29+$0x4800]  }
0x16b: {  	v22 =	vld [tilespmem:s29+$0x4810]  }
0x16c: {  	v23 =	vld [tilespmem:s29+$0x4820]  }
0x16d: {  	v24 =	vld [tilespmem:s29+$0x4830]  }
0x16e: {  	v25 =	vld [tilespmem:s29+$0x4840]  }
0x16f: {  	s31 =	sand.u32 $0xFFFFE000, s28;
	v26 =	vld [tilespmem:s29+$0x4850]  }
0x170: {  	s30 =	sadd.s32 s31, s24;
	v27 =	vld [tilespmem:s29+$0x4860]  }
0x171: {  	s31 =	sor.u32 $0x4400, s30;
	v28 =	vld [tilespmem:s29+$0x4870]  }
0x172: {  	v13 =	vld [tilespmem:s31+$0x0]  }
0x173: {  	v14 =	vld [tilespmem:s31+$0x10]  }
0x174: {  	v15 =	vld [tilespmem:s31+$0x20]  }
0x175: {  	v16 =	vld [tilespmem:s31+$0x30]  }
0x176: {  	v17 =	vld [tilespmem:s31+$0x40]  }
0x177: {  	v18 =	vld [tilespmem:s31+$0x50]  }
0x178: {  	v19 =	vld [tilespmem:s31+$0x60]  }
0x179: {  	s0 =	sor.u32 $0x4C00, s30;
	v20 =	vld [tilespmem:s31+$0x70]  }
0x17a: {  	v29 =	vld [tilespmem:s0+$0x0]  }
0x17b: {  	v30 =	vld [tilespmem:s0+$0x10]  }
0x17c: {  	v31 =	vld [tilespmem:s0+$0x20]  }
0x17d: {  	v32 =	vld [tilespmem:s0+$0x30]  }
0x17e: {  	v33 =	vld [tilespmem:s0+$0x40]  }
0x17f: {  	v34 =	vld [tilespmem:s0+$0x50]  }
0x180: {  	v35 =	vld [tilespmem:s0+$0x60]  }
0x181: {  	v36 =	vld [tilespmem:s0+$0x70];
	s0 =	sor.u32 $0x5400, s25  }
0x182: {  	v45 =	vld [tilespmem:s0+$0x0]  }
0x183: {  	v46 =	vld [tilespmem:s0+$0x10]  }
0x184: {  	v47 =	vld [tilespmem:s0+$0x20]  }
0x185: {  	v48 =	vld [tilespmem:s0+$0x30]  }
0x186: {  	v49 =	vld [tilespmem:s0+$0x40]  }
0x187: {  	v50 =	vld [tilespmem:s0+$0x50]  }
0x188: {  	v51 =	vld [tilespmem:s0+$0x60]  }
0x189: {  	s30 =	simm.s32 $0x1;
	v52 =	vld [tilespmem:s0+$0x70];
	s0 =	sor.u32 $0x5C00, s25  }
0x18a: {  	s30 =	simm.s32 @!p0 $0x0;
	v53 =	vld [tilespmem:s0+$0x10]  }
0x18b: {  	s30 =	sshll.u32 s30, $0x9;
	v54 =	vld [tilespmem:s0+$0x20]  }
0x18c: {  	s30 =	sadd.s32 s30, s28;
	v55 =	vld [tilespmem:s0+$0x30]  }
0x18d: {  	v56 =	vld [tilespmem:s0+$0x40];
	s31 =	sor.u32 $0x5000, s30  }
0x18e: {  	v37 =	vld [tilespmem:s31+$0x0]  }
0x18f: {  	v38 =	vld [tilespmem:s31+$0x10]  }
0x190: {  	v39 =	vld [tilespmem:s31+$0x20]  }
0x191: {  	v40 =	vld [tilespmem:s31+$0x30]  }
0x192: {  	v41 =	vld [tilespmem:s31+$0x40];
	v5 =	vmax.f32 v5, v9;
	v6 =	vmax.f32 v6, v10  }
0x193: {  	v42 =	vld [tilespmem:s31+$0x50];
	v7 =	vmax.f32 v7, v11;
	v8 =	vmax.f32 v8, v12;
	v5 =	vmax.f32 v5, v13  }
0x194: {  	v43 =	vld [tilespmem:s31+$0x60];
	v6 =	vmax.f32 v6, v14;
	v7 =	vmax.f32 v7, v15;
	v8 =	vmax.f32 v8, v16  }
0x195: {  	v44 =	vld [tilespmem:s31+$0x70];
	s31 =	sor.u32 $0x5800, s30;
	v5 =	vmax.f32 v5, v17;
	v6 =	vmax.f32 v6, v18;
	v7 =	vmax.f32 v7, v19  }
0x196: {  	v59 =	vld [tilespmem:s31+$0x0];
	v8 =	vmax.f32 v8, v20;
	v5 =	vmax.f32 v5, v21;
	v6 =	vmax.f32 v6, v22  }
0x197: {  	v60 =	vld [tilespmem:s31+$0x10];
	v7 =	vmax.f32 v7, v23;
	v8 =	vmax.f32 v8, v24;
	v5 =	vmax.f32 v5, v25  }
0x198: {  	v61 =	vld [tilespmem:s31+$0x20];
	v6 =	vmax.f32 v6, v26;
	v7 =	vmax.f32 v7, v27;
	v8 =	vmax.f32 v8, v28  }
0x199: {  	v62 =	vld [tilespmem:s31+$0x30];
	v5 =	vmax.f32 v5, v29;
	v6 =	vmax.f32 v6, v30;
	v7 =	vmax.f32 v7, v31  }
0x19a: {  	v63 =	vld [tilespmem:s31+$0x40];
	v8 =	vmax.f32 v8, v32;
	v5 =	vmax.f32 v5, v33;
	v6 =	vmax.f32 v6, v34  }
0x19b: {  	v25 =	vld [tilespmem:s31+$0x50];
	v7 =	vmax.f32 v7, v35;
	v8 =	vmax.f32 v8, v36;
	v5 =	vmax.f32 v5, v37  }
0x19c: {  	v28 =	vld [tilespmem:s31+$0x60];
	v6 =	vmax.f32 v6, v38;
	v7 =	vmax.f32 v7, v39;
	v8 =	vmax.f32 v8, v40  }
0x19d: {  	v31 =	vld [tilespmem:s31+$0x70];
	v5 =	vmax.f32 v5, v41;
	v6 =	vmax.f32 v6, v42;
	v7 =	vmax.f32 v7, v43  }
0x19e: {  	v34 =	vld [tilespmem:s0+$0x0];
	v8 =	vmax.f32 v8, v44;
	v5 =	vmax.f32 v5, v45;
	v6 =	vmax.f32 v6, v46  }
0x19f: {  	v57 =	vld [tilespmem:s0+$0x50];
	v7 =	vmax.f32 v7, v47;
	v8 =	vmax.f32 v8, v48;
	v5 =	vmax.f32 v5, v49  }
0x1a0: {  	v58 =	vld [tilespmem:s0+$0x58];
	v6 =	vmax.f32 v6, v50;
	v7 =	vmax.f32 v7, v51;
	v8 =	vmax.f32 v8, v52  }
0x1a1: {  	v5 =	vmax.f32 v5, v59;
	v6 =	vmax.f32 v6, v60;
	v7 =	vmax.f32 v7, v61  }
0x1a2: {  	v8 =	vmax.f32 v8, v62;
	v5 =	vmax.f32 v5, v63;
	v6 =	vmax.f32 v6, v25  }
0x1a3: {  	v7 =	vmax.f32 v7, v28;
	v8 =	vmax.f32 v8, v31;
	v5 =	vmax.f32 v5, v34  }
0x1a4: {  	v6 =	vmax.f32 v6, v53;
	v7 =	vmax.f32 v7, v54;
	v8 =	vmax.f32 v8, v55  }
0x1a5: {  	v5 =	vmax.f32 v5, v56;
	v6 =	vmax.f32 v6, v57;
	v7 =	vmax.f32 v7, v58  }
0x1a6: {  	v5 =	vmax.f32 v5, v6;
	v6 =	vmax.f32 v7, v8  }
0x1a7: {  	v5 =	vmax.f32 v5, v6  }
0x1a8: {  	(xrf0) =	vmax.scan.msk.f32 $0xffff, v5;
	_ =	sdelay $0x4  }
0x1a9: {  	s30 =	sadd.s32 $0x4400, s28  }
0x1aa: {  	s29 =	sand.u32 $0x6000, s30;
	s31 =	sand.u32 $0x280, s22;
	v5, _, _ =	vpop (xrf0)  }
0x1ab: {  	s30 =	sor.u32 s31, s29;
	[tilespmem:s23+$0xFFFFFF00] =	vst v5  }
0x1ac: {  	v5 =	vld [tilespmem:s30+$0x0]  }
0x1ad: {  	v6 =	vld [tilespmem:s30+$0x10]  }
0x1ae: {  	v7 =	vld [tilespmem:s30+$0x20]  }
0x1af: {  	v8 =	vld [tilespmem:s30+$0x30]  }
0x1b0: {  	v9 =	vld [tilespmem:s30+$0x40]  }
0x1b1: {  	v59 =	vld [tilespmem:s30+$0x50]  }
0x1b2: {  	v11 =	vld [tilespmem:s30+$0x60]  }
0x1b3: {  	v12 =	vld [tilespmem:s30+$0x70]  }
0x1b4: {  	v60 =	vld [tilespmem:s30+$0x400]  }
0x1b5: {  	v14 =	vld [tilespmem:s30+$0x410]  }
0x1b6: {  	v15 =	vld [tilespmem:s30+$0x420]  }
0x1b7: {  	v61 =	vld [tilespmem:s30+$0x430]  }
0x1b8: {  	v17 =	vld [tilespmem:s30+$0x440]  }
0x1b9: {  	v18 =	vld [tilespmem:s30+$0x450]  }
0x1ba: {  	v62 =	vld [tilespmem:s30+$0x460]  }
0x1bb: {  	v20 =	vld [tilespmem:s30+$0x470]  }
0x1bc: {  	v21 =	vld [tilespmem:s30+$0x800]  }
0x1bd: {  	v63 =	vld [tilespmem:s30+$0x810]  }
0x1be: {  	v23 =	vld [tilespmem:s30+$0x820]  }
0x1bf: {  	v24 =	vld [tilespmem:s30+$0x830]  }
0x1c0: {  	v25 =	vld [tilespmem:s30+$0x840]  }
0x1c1: {  	v26 =	vld [tilespmem:s30+$0x850]  }
0x1c2: {  	v27 =	vld [tilespmem:s30+$0x860]  }
0x1c3: {  	v28 =	vld [tilespmem:s30+$0x870]  }
0x1c4: {  	v29 =	vld [tilespmem:s30+$0xC00]  }
0x1c5: {  	v30 =	vld [tilespmem:s30+$0xC10]  }
0x1c6: {  	v31 =	vld [tilespmem:s30+$0xC20]  }
0x1c7: {  	v32 =	vld [tilespmem:s30+$0xC30]  }
0x1c8: {  	v33 =	vld [tilespmem:s30+$0xC40]  }
0x1c9: {  	v34 =	vld [tilespmem:s30+$0xC50]  }
0x1ca: {  	v35 =	vld [tilespmem:s30+$0xC60]  }
0x1cb: {  	v36 =	vld [tilespmem:s30+$0xC70]  }
0x1cc: {  	v37 =	vld [tilespmem:s30+$0x1000]  }
0x1cd: {  	v38 =	vld [tilespmem:s30+$0x1010]  }
0x1ce: {  	v39 =	vld [tilespmem:s30+$0x1020]  }
0x1cf: {  	s0 =	sand.u32 $0x7, s26;
	v40 =	vld [tilespmem:s30+$0x1030]  }
0x1d0: {  	s29 =	sshll.u32 s0, $0x7;
	v41 =	vld [tilespmem:s30+$0x1040]  }
0x1d1: {  	s29 =	sadd.s32 s28, s29;
	v42 =	vld [tilespmem:s30+$0x1050]  }
0x1d2: {  	s31 =	sadd.s32 $0x4480, s29;
	v43 =	vld [tilespmem:s30+$0x1060]  }
0x1d3: {  	s0 =	sor.u32 $0x1400, s31;
	v44 =	vld [tilespmem:s30+$0x1070]  }
0x1d4: {  	v45 =	vld [tilespmem:s0+$0x0];
	s0 =	sor.u32 $0x1410, s31  }
0x1d5: {  	v56 =	vld [tilespmem:s0+$0x0];
	s0 =	sor.u32 $0x1420, s31  }
0x1d6: {  	v47 =	vld [tilespmem:s0+$0x0];
	s0 =	sor.u32 $0x1430, s31  }
0x1d7: {  	v48 =	vld [tilespmem:s0+$0x0];
	s0 =	sor.u32 $0x1440, s31  }
0x1d8: {  	v57 =	vld [tilespmem:s0+$0x0];
	s0 =	sor.u32 $0x1450, s31  }
0x1d9: {  	v50 =	vld [tilespmem:s0+$0x0]  }
0x1da: {  	s0 =	sor.u32 $0x1460, s31;
	v6 =	vmax.f32 v6, v59;
	v59 =	vld [tilespmem:s30+$0x1800]  }
0x1db: {  	v5 =	vmax.f32 v5, v9;
	v51 =	vld [tilespmem:s0+$0x0]  }
0x1dc: {  	v8 =	vmax.f32 v8, v12;
	v5 =	vmax.f32 v5, v60;
	v60 =	vld [tilespmem:s30+$0x1810]  }
0x1dd: {  	v7 =	vmax.f32 v7, v11;
	s0 =	sor.u32 $0x1470, s31;
	v8 =	vmax.f32 v8, v61;
	v61 =	vld [tilespmem:s30+$0x1820]  }
0x1de: {  	v6 =	vmax.f32 v6, v14;
	v7 =	vmax.f32 v7, v15;
	v58 =	vld [tilespmem:s0+$0x0]  }
0x1df: {  	v5 =	vmax.f32 v5, v17;
	v6 =	vmax.f32 v6, v18;
	v7 =	vmax.f32 v7, v62;
	v62 =	vld [tilespmem:s30+$0x1830]  }
0x1e0: {  	v8 =	vmax.f32 v8, v20;
	v5 =	vmax.f32 v5, v21;
	v6 =	vmax.f32 v6, v63;
	v63 =	vld [tilespmem:s30+$0x1840]  }
0x1e1: {  	v7 =	vmax.f32 v7, v23;
	v8 =	vmax.f32 v8, v24;
	v5 =	vmax.f32 v5, v25;
	v25 =	vld [tilespmem:s30+$0x1850]  }
0x1e2: {  	v6 =	vmax.f32 v6, v26;
	v7 =	vmax.f32 v7, v27;
	v8 =	vmax.f32 v8, v28;
	v28 =	vld [tilespmem:s30+$0x1860]  }
0x1e3: {  	v5 =	vmax.f32 v5, v29;
	v6 =	vmax.f32 v6, v30;
	v7 =	vmax.f32 v7, v31;
	v31 =	vld [tilespmem:s30+$0x1870];
	s30 =	sor.u32 $0x1C00, s31  }
0x1e4: {  	v8 =	vmax.f32 v8, v32;
	v5 =	vmax.f32 v5, v33;
	v6 =	vmax.f32 v6, v34;
	v34 =	vld [tilespmem:s30+$0x0];
	s30 =	sor.u32 $0x1C10, s31  }
0x1e5: {  	v7 =	vmax.f32 v7, v35;
	v8 =	vmax.f32 v8, v36;
	v5 =	vmax.f32 v5, v37;
	v53 =	vld [tilespmem:s30+$0x0];
	s30 =	sor.u32 $0x1C20, s31  }
0x1e6: {  	v6 =	vmax.f32 v6, v38;
	v7 =	vmax.f32 v7, v39;
	v8 =	vmax.f32 v8, v40;
	v54 =	vld [tilespmem:s30+$0x0];
	s30 =	sor.u32 $0x1C30, s31  }
0x1e7: {  	v5 =	vmax.f32 v5, v41;
	v6 =	vmax.f32 v6, v42;
	v7 =	vmax.f32 v7, v43;
	v55 =	vld [tilespmem:s30+$0x0];
	s30 =	sor.u32 $0x1C40, s31  }
0x1e8: {  	v8 =	vmax.f32 v8, v44;
	v5 =	vmax.f32 v5, v45;
	v6 =	vmax.f32 v6, v56;
	v56 =	vld [tilespmem:s30+$0x0];
	s30 =	sor.u32 $0x1C50, s31  }
0x1e9: {  	v7 =	vmax.f32 v7, v47;
	v8 =	vmax.f32 v8, v48;
	v5 =	vmax.f32 v5, v57;
	v57 =	vld [tilespmem:s30+$0x0];
	s30 =	sor.u32 $0x1C58, s31  }
0x1ea: {  	v6 =	vmax.f32 v6, v50;
	v7 =	vmax.f32 v7, v51;
	v8 =	vmax.f32 v8, v58;
	v58 =	vld [tilespmem:s30+$0x0]  }
0x1eb: {  	v5 =	vmax.f32 v5, v59;
	v6 =	vmax.f32 v6, v60;
	v7 =	vmax.f32 v7, v61  }
0x1ec: {  	v8 =	vmax.f32 v8, v62;
	v5 =	vmax.f32 v5, v63;
	v6 =	vmax.f32 v6, v25  }
0x1ed: {  	v7 =	vmax.f32 v7, v28;
	v8 =	vmax.f32 v8, v31;
	v5 =	vmax.f32 v5, v34  }
0x1ee: {  	v6 =	vmax.f32 v6, v53;
	v7 =	vmax.f32 v7, v54;
	v8 =	vmax.f32 v8, v55  }
0x1ef: {  	v5 =	vmax.f32 v5, v56;
	v6 =	vmax.f32 v6, v57;
	v7 =	vmax.f32 v7, v58  }
0x1f0: {  	v5 =	vmax.f32 v5, v6;
	v6 =	vmax.f32 v7, v8  }
0x1f1: {  	v5 =	vmax.f32 v5, v6  }
0x1f2: {  	(xrf0) =	vmax.scan.msk.f32 $0xffff, v5;
	_ =	sdelay $0x4  }
0x1f3: {  	s0 =	sadd.s32 $0x4800, s28;
	s31 =	sadd.s32 $0x80, s22  }
0x1f4: {  	s0 =	sand.u32 $0x6000, s0;
	s30 =	sand.u32 $0x300, s31;
	v5, _, _ =	vpop (xrf0)  }
0x1f5: {  	s0 =	sor.u32 s30, s0;
	[tilespmem:s23+$0xFFFFFF80] =	vst v5  }
0x1f6: {  	v5 =	vld [tilespmem:s0+$0x0]  }
0x1f7: {  	v6 =	vld [tilespmem:s0+$0x10]  }
0x1f8: {  	v7 =	vld [tilespmem:s0+$0x20]  }
0x1f9: {  	v8 =	vld [tilespmem:s0+$0x30]  }
0x1fa: {  	v9 =	vld [tilespmem:s0+$0x40]  }
0x1fb: {  	v59 =	vld [tilespmem:s0+$0x50]  }
0x1fc: {  	v11 =	vld [tilespmem:s0+$0x60]  }
0x1fd: {  	v12 =	vld [tilespmem:s0+$0x70]  }
0x1fe: {  	v60 =	vld [tilespmem:s0+$0x400]  }
0x1ff: {  	v14 =	vld [tilespmem:s0+$0x410]  }
0x200: {  	v15 =	vld [tilespmem:s0+$0x420]  }
0x201: {  	v61 =	vld [tilespmem:s0+$0x430]  }
0x202: {  	v17 =	vld [tilespmem:s0+$0x440]  }
0x203: {  	v18 =	vld [tilespmem:s0+$0x450]  }
0x204: {  	v62 =	vld [tilespmem:s0+$0x460]  }
0x205: {  	v20 =	vld [tilespmem:s0+$0x470]  }
0x206: {  	v21 =	vld [tilespmem:s0+$0x800]  }
0x207: {  	v63 =	vld [tilespmem:s0+$0x810]  }
0x208: {  	v23 =	vld [tilespmem:s0+$0x820]  }
0x209: {  	v24 =	vld [tilespmem:s0+$0x830]  }
0x20a: {  	v25 =	vld [tilespmem:s0+$0x840]  }
0x20b: {  	v26 =	vld [tilespmem:s0+$0x850]  }
0x20c: {  	v27 =	vld [tilespmem:s0+$0x860]  }
0x20d: {  	v28 =	vld [tilespmem:s0+$0x870]  }
0x20e: {  	v29 =	vld [tilespmem:s0+$0xC00]  }
0x20f: {  	v30 =	vld [tilespmem:s0+$0xC10]  }
0x210: {  	v31 =	vld [tilespmem:s0+$0xC20]  }
0x211: {  	v32 =	vld [tilespmem:s0+$0xC30]  }
0x212: {  	v33 =	vld [tilespmem:s0+$0xC40]  }
0x213: {  	v34 =	vld [tilespmem:s0+$0xC50]  }
0x214: {  	v35 =	vld [tilespmem:s0+$0xC60]  }
0x215: {  	v36 =	vld [tilespmem:s0+$0xC70]  }
0x216: {  	v37 =	vld [tilespmem:s0+$0x1000]  }
0x217: {  	v38 =	vld [tilespmem:s0+$0x1010]  }
0x218: {  	v39 =	vld [tilespmem:s0+$0x1020]  }
0x219: {  	v40 =	vld [tilespmem:s0+$0x1030]  }
0x21a: {  	v41 =	vld [tilespmem:s0+$0x1040]  }
0x21b: {  	v42 =	vld [tilespmem:s0+$0x1050]  }
0x21c: {  	v43 =	vld [tilespmem:s0+$0x1060]  }
0x21d: {  	v44 =	vld [tilespmem:s0+$0x1070]  }
0x21e: {  	v45 =	vld [tilespmem:s0+$0x1400]  }
0x21f: {  	v46 =	vld [tilespmem:s0+$0x1410]  }
0x220: {  	v47 =	vld [tilespmem:s0+$0x1420]  }
0x221: {  	s31 =	sand.u32 $0x3, s20;
	v48 =	vld [tilespmem:s0+$0x1430]  }
0x222: {  	s30 =	sshll.u32 s31, $0x8;
	v49 =	vld [tilespmem:s0+$0x1440]  }
0x223: {  	s30 =	sadd.s32 s28, s30;
	v56 =	vld [tilespmem:s0+$0x1450]  }
0x224: {  	s30 =	sadd.s32 $0x4900, s30;
	v57 =	vld [tilespmem:s0+$0x1460]  }
0x225: {  	s31 =	sor.u32 $0x1800, s30;
	v58 =	vld [tilespmem:s0+$0x1470]  }
0x226: {  	v5 =	vmax.f32 v5, v9;
	v6 =	vmax.f32 v6, v59;
	v59 =	vld [tilespmem:s31+$0x0];
	s31 =	sor.u32 $0x1810, s30  }
0x227: {  	v7 =	vmax.f32 v7, v11;
	v8 =	vmax.f32 v8, v12;
	v5 =	vmax.f32 v5, v60;
	v60 =	vld [tilespmem:s31+$0x0];
	s31 =	sor.u32 $0x1820, s30  }
0x228: {  	v6 =	vmax.f32 v6, v14;
	v7 =	vmax.f32 v7, v15;
	v8 =	vmax.f32 v8, v61;
	v61 =	vld [tilespmem:s31+$0x0];
	s31 =	sor.u32 $0x1830, s30  }
0x229: {  	v5 =	vmax.f32 v5, v17;
	v6 =	vmax.f32 v6, v18;
	v7 =	vmax.f32 v7, v62;
	v62 =	vld [tilespmem:s31+$0x0];
	s31 =	sor.u32 $0x1840, s30  }
0x22a: {  	v8 =	vmax.f32 v8, v20;
	v5 =	vmax.f32 v5, v21;
	v6 =	vmax.f32 v6, v63;
	v63 =	vld [tilespmem:s31+$0x0];
	s31 =	sor.u32 $0x1850, s30  }
0x22b: {  	v7 =	vmax.f32 v7, v23;
	v8 =	vmax.f32 v8, v24;
	v5 =	vmax.f32 v5, v25;
	v25 =	vld [tilespmem:s31+$0x0];
	s31 =	sor.u32 $0x1860, s30  }
0x22c: {  	v6 =	vmax.f32 v6, v26;
	v7 =	vmax.f32 v7, v27;
	v8 =	vmax.f32 v8, v28;
	v28 =	vld [tilespmem:s31+$0x0];
	s31 =	sor.u32 $0x1870, s30  }
0x22d: {  	v5 =	vmax.f32 v5, v29;
	v6 =	vmax.f32 v6, v30;
	v7 =	vmax.f32 v7, v31;
	v31 =	vld [tilespmem:s31+$0x0];
	s31 =	sor.u32 $0x1C00, s30  }
0x22e: {  	v8 =	vmax.f32 v8, v32;
	v5 =	vmax.f32 v5, v33;
	v6 =	vmax.f32 v6, v34;
	v34 =	vld [tilespmem:s31+$0x0];
	s31 =	sor.u32 $0x1C10, s30  }
0x22f: {  	v7 =	vmax.f32 v7, v35;
	v8 =	vmax.f32 v8, v36;
	v5 =	vmax.f32 v5, v37;
	v37 =	vld [tilespmem:s31+$0x0];
	s31 =	sor.u32 $0x1C20, s30  }
0x230: {  	v6 =	vmax.f32 v6, v38;
	v7 =	vmax.f32 v7, v39;
	v8 =	vmax.f32 v8, v40;
	v40 =	vld [tilespmem:s31+$0x0];
	s31 =	sor.u32 $0x1C30, s30  }
0x231: {  	v5 =	vmax.f32 v5, v41;
	v6 =	vmax.f32 v6, v42;
	v7 =	vmax.f32 v7, v43;
	v43 =	vld [tilespmem:s31+$0x0];
	s31 =	sor.u32 $0x1C40, s30  }
0x232: {  	v8 =	vmax.f32 v8, v44;
	v5 =	vmax.f32 v5, v45;
	v6 =	vmax.f32 v6, v46;
	v53 =	vld [tilespmem:s31+$0x0];
	s31 =	sor.u32 $0x1C50, s30  }
0x233: {  	v7 =	vmax.f32 v7, v47;
	v8 =	vmax.f32 v8, v48;
	v5 =	vmax.f32 v5, v49;
	s30 =	sor.u32 $0x1C58, s30;
	v54 =	vld [tilespmem:s31+$0x0]  }
0x234: {  	v6 =	vmax.f32 v6, v56;
	v7 =	vmax.f32 v7, v57;
	v8 =	vmax.f32 v8, v58;
	v55 =	vld [tilespmem:s30+$0x0]  }
0x235: {  	v5 =	vmax.f32 v5, v59;
	v6 =	vmax.f32 v6, v60;
	v7 =	vmax.f32 v7, v61  }
0x236: {  	v8 =	vmax.f32 v8, v62;
	v5 =	vmax.f32 v5, v63;
	v6 =	vmax.f32 v6, v25  }
0x237: {  	v7 =	vmax.f32 v7, v28;
	v8 =	vmax.f32 v8, v31;
	v5 =	vmax.f32 v5, v34  }
0x238: {  	v6 =	vmax.f32 v6, v37;
	v7 =	vmax.f32 v7, v40;
	v8 =	vmax.f32 v8, v43  }
0x239: {  	v5 =	vmax.f32 v5, v53;
	v6 =	vmax.f32 v6, v54;
	v7 =	vmax.f32 v7, v55  }
0x23a: {  	v5 =	vmax.f32 v5, v6;
	v6 =	vmax.f32 v7, v8  }
0x23b: {  	v5 =	vmax.f32 v5, v6  }
0x23c: {  	(xrf0) =	vmax.scan.msk.f32 $0xffff, v5;
	_ =	sdelay $0x4  }
0x23d: {  	s0 =	sadd.s32 $0x4C00, s28;
	s31 =	sadd.s32 $0x100, s22  }
0x23e: {  	s0 =	sand.u32 $0x6000, s0;
	s30 =	sand.u32 $0x380, s31;
	v5, _, _ =	vpop (xrf0)  }
0x23f: {  	s30 =	sor.u32 s30, s0;
	[tilespmem:s23+$0x0] =	vst v5  }
0x240: {  	v5 =	vld [tilespmem:s30+$0x0]  }
0x241: {  	v6 =	vld [tilespmem:s30+$0x10]  }
0x242: {  	v7 =	vld [tilespmem:s30+$0x20]  }
0x243: {  	v8 =	vld [tilespmem:s30+$0x30]  }
0x244: {  	v9 =	vld [tilespmem:s30+$0x40]  }
0x245: {  	v10 =	vld [tilespmem:s30+$0x50]  }
0x246: {  	v11 =	vld [tilespmem:s30+$0x60]  }
0x247: {  	v12 =	vld [tilespmem:s30+$0x70]  }
0x248: {  	v13 =	vld [tilespmem:s30+$0x400]  }
0x249: {  	v14 =	vld [tilespmem:s30+$0x410]  }
0x24a: {  	v15 =	vld [tilespmem:s30+$0x420]  }
0x24b: {  	v16 =	vld [tilespmem:s30+$0x430]  }
0x24c: {  	v17 =	vld [tilespmem:s30+$0x440]  }
0x24d: {  	v18 =	vld [tilespmem:s30+$0x450]  }
0x24e: {  	v19 =	vld [tilespmem:s30+$0x460]  }
0x24f: {  	v20 =	vld [tilespmem:s30+$0x470]  }
0x250: {  	v21 =	vld [tilespmem:s30+$0x800]  }
0x251: {  	v22 =	vld [tilespmem:s30+$0x810]  }
0x252: {  	v23 =	vld [tilespmem:s30+$0x820]  }
0x253: {  	v24 =	vld [tilespmem:s30+$0x830]  }
0x254: {  	v25 =	vld [tilespmem:s30+$0x840]  }
0x255: {  	v26 =	vld [tilespmem:s30+$0x850]  }
0x256: {  	v27 =	vld [tilespmem:s30+$0x860]  }
0x257: {  	v28 =	vld [tilespmem:s30+$0x870]  }
0x258: {  	v29 =	vld [tilespmem:s30+$0xC00]  }
0x259: {  	v30 =	vld [tilespmem:s30+$0xC10]  }
0x25a: {  	v56 =	vld [tilespmem:s30+$0xC20]  }
0x25b: {  	v32 =	vld [tilespmem:s30+$0xC30]  }
0x25c: {  	v33 =	vld [tilespmem:s30+$0xC40]  }
0x25d: {  	v57 =	vld [tilespmem:s30+$0xC50]  }
0x25e: {  	v35 =	vld [tilespmem:s30+$0xC60]  }
0x25f: {  	v36 =	vld [tilespmem:s30+$0xC70]  }
0x260: {  	v58 =	vld [tilespmem:s30+$0x1000]  }
0x261: {  	v38 =	vld [tilespmem:s30+$0x1010]  }
0x262: {  	v39 =	vld [tilespmem:s30+$0x1020]  }
0x263: {  	v59 =	vld [tilespmem:s30+$0x1030]  }
0x264: {  	v41 =	vld [tilespmem:s30+$0x1040]  }
0x265: {  	v42 =	vld [tilespmem:s30+$0x1050]  }
0x266: {  	v60 =	vld [tilespmem:s30+$0x1060]  }
0x267: {  	v44 =	vld [tilespmem:s30+$0x1070]  }
0x268: {  	v45 =	vld [tilespmem:s30+$0x1400]  }
0x269: {  	v61 =	vld [tilespmem:s30+$0x1410]  }
0x26a: {  	v47 =	vld [tilespmem:s30+$0x1420]  }
0x26b: {  	v48 =	vld [tilespmem:s30+$0x1430]  }
0x26c: {  	v62 =	vld [tilespmem:s30+$0x1440]  }
0x26d: {  	v50 =	vld [tilespmem:s30+$0x1450]  }
0x26e: {  	v51 =	vld [tilespmem:s30+$0x1460]  }
0x26f: {  	v63 =	vld [tilespmem:s30+$0x1470]  }
0x270: {  	v53 =	vld [tilespmem:s30+$0x1840];
	v5 =	vmax.f32 v5, v9;
	v6 =	vmax.f32 v6, v10  }
0x271: {  	v54 =	vld [tilespmem:s30+$0x1850];
	v7 =	vmax.f32 v7, v11;
	v8 =	vmax.f32 v8, v12;
	v5 =	vmax.f32 v5, v13  }
0x272: {  	v55 =	vld [tilespmem:s30+$0x1860];
	v6 =	vmax.f32 v6, v14;
	v7 =	vmax.f32 v7, v15;
	v8 =	vmax.f32 v8, v16  }
0x273: {  	v9 =	vld [tilespmem:s30+$0x1800];
	v5 =	vmax.f32 v5, v17;
	v6 =	vmax.f32 v6, v18;
	v7 =	vmax.f32 v7, v19  }
0x274: {  	v10 =	vld [tilespmem:s30+$0x1810];
	v8 =	vmax.f32 v8, v20;
	v5 =	vmax.f32 v5, v21;
	v6 =	vmax.f32 v6, v22  }
0x275: {  	v11 =	vld [tilespmem:s30+$0x1820];
	v7 =	vmax.f32 v7, v23;
	v8 =	vmax.f32 v8, v24;
	v5 =	vmax.f32 v5, v25  }
0x276: {  	s0 =	sadd.s32 $0x4D80, s29;
	v12 =	vld [tilespmem:s30+$0x1830];
	v6 =	vmax.f32 v6, v26;
	v7 =	vmax.f32 v7, v27;
	v8 =	vmax.f32 v8, v28  }
0x277: {  	s29 =	sor.u32 $0x1C00, s0;
	v5 =	vmax.f32 v5, v29;
	v6 =	vmax.f32 v6, v30;
	v7 =	vmax.f32 v7, v56;
	v56 =	vld [tilespmem:s30+$0x1870]  }
0x278: {  	s31 =	sor.u32 $0x1C10, s0;
	v8 =	vmax.f32 v8, v32;
	v5 =	vmax.f32 v5, v33;
	v6 =	vmax.f32 v6, v57;
	v57 =	vld [tilespmem:s29+$0x0]  }
0x279: {  	s30 =	sor.u32 $0x1C20, s0;
	v7 =	vmax.f32 v7, v35;
	v8 =	vmax.f32 v8, v36;
	v5 =	vmax.f32 v5, v58;
	v58 =	vld [tilespmem:s31+$0x0]  }
0x27a: {  	v6 =	vmax.f32 v6, v38;
	v7 =	vmax.f32 v7, v39;
	v8 =	vmax.f32 v8, v59;
	v59 =	vld [tilespmem:s30+$0x0];
	s31 =	sor.u32 $0x1C30, s0  }
0x27b: {  	s30 =	sor.u32 $0x1C40, s0;
	v5 =	vmax.f32 v5, v41;
	v6 =	vmax.f32 v6, v42;
	v7 =	vmax.f32 v7, v60;
	v60 =	vld [tilespmem:s31+$0x0]  }
0x27c: {  	v8 =	vmax.f32 v8, v44;
	s31 =	sor.u32 $0x1C50, s0;
	v5 =	vmax.f32 v5, v45;
	v6 =	vmax.f32 v6, v61;
	v61 =	vld [tilespmem:s30+$0x0]  }
0x27d: {  	s0 =	sor.u32 $0x1C58, s0;
	v7 =	vmax.f32 v7, v47;
	v8 =	vmax.f32 v8, v48;
	v5 =	vmax.f32 v5, v62;
	v62 =	vld [tilespmem:s31+$0x0]  }
0x27e: {  	v6 =	vmax.f32 v6, v50;
	v7 =	vmax.f32 v7, v51;
	v8 =	vmax.f32 v8, v63;
	v63 =	vld [tilespmem:s0+$0x0]  }
0x27f: {  	v5 =	vmax.f32 v5, v9;
	v6 =	vmax.f32 v6, v10;
	v7 =	vmax.f32 v7, v11  }
0x280: {  	v8 =	vmax.f32 v8, v12;
	v5 =	vmax.f32 v5, v53;
	v6 =	vmax.f32 v6, v54  }
0x281: {  	v7 =	vmax.f32 v7, v55;
	v8 =	vmax.f32 v8, v56;
	v5 =	vmax.f32 v5, v57  }
0x282: {  	v6 =	vmax.f32 v6, v58;
	v7 =	vmax.f32 v7, v59;
	v8 =	vmax.f32 v8, v60  }
0x283: {  	v5 =	vmax.f32 v5, v61;
	v6 =	vmax.f32 v6, v62;
	v7 =	vmax.f32 v7, v63  }
0x284: {  	v5 =	vmax.f32 v5, v6;
	v6 =	vmax.f32 v7, v8  }
0x285: {  	v5 =	vmax.f32 v5, v6  }
0x286: {  	(xrf0) =	vmax.scan.msk.f32 $0xffff, v5;
	_ =	sdelay $0x1  }
0x287: {  	p1 =	sne.s32 s28, $0x3000  }
.Ltmp3:
0x288: {  	_ = 	snop;
	(pc) =	sbr.rel @p1 .LBB2_5-.Ltmp3, $4  }
0x289: {  	_ = 	snop  }
0x28a: {  	s24 =	sadd.s32 $0x200, s24;
	p0 =	por !p0, !p0  }
0x28b: {  	s25 =	sadd.s32 $0x1200, s25;
	s26 =	sadd.s32 $0x4, s26;
	s20 =	sadd.s32 $0x2, s20;
	v5, _, _ =	vpop (xrf0)  }
0x28c: {  	s28 =	sadd.s32 $0x1000, s28;
	s22 =	sadd.s32 $0x200, s22;
	[tilespmem:s23+$0x80] =	vst v5;
	s23 =	sadd.s32 $0x200, s23  }
0x28d: {  	_ =	sdelay $0x3  }
0x28e: {  	v5 =	vld.idx.msk [tilespmem:v2+s14+$0x0], $0xffff;
	_ =	sdelay $0x4  }
0x28f: {  	v4 =	vsub.f32 v5, v4  }
0x290: {  	s20 =	sshll.u32 s18, $0xD;
	p0 =	seq.s32 s18, $0x7  }
0x291: {  	s0 =	sadd.s32 @!p0 s20, s6;
	[tilespmem:s21+$0x10200] =	vst v4;
	s21 =	simm.s32 @!p0 $0x0  }
0x292: {  	[tilespmem:s21], [sflag:$0x1] =	stream.linear.gather @!p0 [hbm4b:s0+s21], $0x8000, $0x38;
	[tilespmem:$0x10C00] =	vst v63  }
0x293: {  	_ =	swait.ge [sflag:s15], $0x8000  }
0x294: {  	[sflag:s15] =	ssyncset.done $0x0  }
0x295: {  	[sflag:s15] =	ssyncadd.s32 $0xFFFF8000  }
0x296: {  	v4 =	vld [tilespmem:s19+$0x10020];
	_ =	sdelay $0x4  }
0x297: {  	v5 =	vshll.u32 v4, $0x3  }
0x298: {  	v4 =	vand.u32 $0x7F, v4;
	v5 =	vand.u32 $0xFFFFFC00, v5  }
0x299: {  	v4 =	vor.u32 v4, v5  }
0x29a: {  	v5 =	vadd.s32 v0, v4;
	_ =	sdelay $0x2  }
0x29b: {  	s22 =	simm.s32 $0x0  }
0x29c: {  	p1 =	por $0x0, $0x0;
	s23 =	simm.s32 $0x10500;
	s24 =	simm.s32 $0x0  }
0x29d: {  	s25 =	simm.s32 $0x0;
	s26 =	simm.s32 $0x0;
	s21 =	sor.u32 $0x20, s19;
	v4 =	vld.idx.msk [tilespmem:v5+s12+$0x0], $0xffff;
	[tilespmem:v5+s12+$0x0] =	vst.idx.msk $0xffff, v1  }
.LBB2_7:
0x29e: {  	s0 =	sand.u32 $0x2000, s26  }
0x29f: {  	s29 =	sand.u32 $0x200, s25;
	s28 =	sor.u32 $0x8000, s0  }
0x2a0: {  	s0 =	sor.u32 s29, s28  }
0x2a1: {  	v5 =	vld [tilespmem:s0+$0x0]  }
0x2a2: {  	v6 =	vld [tilespmem:s0+$0x10]  }
0x2a3: {  	v7 =	vld [tilespmem:s0+$0x20]  }
0x2a4: {  	v8 =	vld [tilespmem:s0+$0x30]  }
0x2a5: {  	v9 =	vld [tilespmem:s0+$0x40]  }
0x2a6: {  	v10 =	vld [tilespmem:s0+$0x50]  }
0x2a7: {  	v11 =	vld [tilespmem:s0+$0x60]  }
0x2a8: {  	v12 =	vld [tilespmem:s0+$0x70]  }
0x2a9: {  	v13 =	vld [tilespmem:s0+$0x400]  }
0x2aa: {  	v14 =	vld [tilespmem:s0+$0x410]  }
0x2ab: {  	v15 =	vld [tilespmem:s0+$0x420]  }
0x2ac: {  	v16 =	vld [tilespmem:s0+$0x430]  }
0x2ad: {  	v17 =	vld [tilespmem:s0+$0x440]  }
0x2ae: {  	v18 =	vld [tilespmem:s0+$0x450]  }
0x2af: {  	v19 =	vld [tilespmem:s0+$0x460]  }
0x2b0: {  	v20 =	vld [tilespmem:s0+$0x470]  }
0x2b1: {  	v21 =	vld [tilespmem:s0+$0x800]  }
0x2b2: {  	v22 =	vld [tilespmem:s0+$0x810]  }
0x2b3: {  	v23 =	vld [tilespmem:s0+$0x820]  }
0x2b4: {  	v24 =	vld [tilespmem:s0+$0x830]  }
0x2b5: {  	v25 =	vld [tilespmem:s0+$0x840]  }
0x2b6: {  	v26 =	vld [tilespmem:s0+$0x850]  }
0x2b7: {  	v27 =	vld [tilespmem:s0+$0x860]  }
0x2b8: {  	v28 =	vld [tilespmem:s0+$0x870]  }
0x2b9: {  	v29 =	vld [tilespmem:s0+$0xC00]  }
0x2ba: {  	v30 =	vld [tilespmem:s0+$0xC10]  }
0x2bb: {  	v31 =	vld [tilespmem:s0+$0xC20]  }
0x2bc: {  	s29 =	simm.s32 $0x1;
	v32 =	vld [tilespmem:s0+$0xC30]  }
0x2bd: {  	s29 =	simm.s32 @!p1 $0x0;
	v33 =	vld [tilespmem:s0+$0xC40]  }
0x2be: {  	v34 =	vld [tilespmem:s0+$0xC50];
	s29 =	sshll.u32 s29, $0x9  }
0x2bf: {  	v35 =	vld [tilespmem:s0+$0xC60];
	s29 =	sadd.s32 s29, s26  }
0x2c0: {  	v36 =	vld [tilespmem:s0+$0xC70];
	s31 =	sor.u32 $0x1000, s29  }
0x2c1: {  	s30 =	sor.u32 $0x1010, s29;
	v37 =	vld [tilespmem:s31+$0x8000]  }
0x2c2: {  	v38 =	vld [tilespmem:s30+$0x8000];
	s31 =	sor.u32 $0x1020, s29  }
0x2c3: {  	s30 =	sor.u32 $0x1030, s29;
	v39 =	vld [tilespmem:s31+$0x8000]  }
0x2c4: {  	v40 =	vld [tilespmem:s30+$0x8000];
	s31 =	sor.u32 $0x1040, s29  }
0x2c5: {  	s30 =	sor.u32 $0x1050, s29;
	v41 =	vld [tilespmem:s31+$0x8000]  }
0x2c6: {  	v42 =	vld [tilespmem:s30+$0x8000];
	s31 =	sor.u32 $0x1060, s29  }
0x2c7: {  	s30 =	sor.u32 $0x1070, s29;
	v43 =	vld [tilespmem:s31+$0x8000]  }
0x2c8: {  	v44 =	vld [tilespmem:s30+$0x8000];
	s31 =	sor.u32 $0x1400, s29  }
0x2c9: {  	s30 =	sor.u32 $0x1410, s29;
	v45 =	vld [tilespmem:s31+$0x8000]  }
0x2ca: {  	v46 =	vld [tilespmem:s30+$0x8000];
	s31 =	sor.u32 $0x1420, s29  }
0x2cb: {  	s30 =	sor.u32 $0x1430, s29;
	v47 =	vld [tilespmem:s31+$0x8000]  }
0x2cc: {  	v48 =	vld [tilespmem:s30+$0x8000];
	s31 =	sor.u32 $0x1440, s29  }
0x2cd: {  	s30 =	sor.u32 $0x1450, s29;
	v49 =	vld [tilespmem:s31+$0x8000]  }
0x2ce: {  	v50 =	vld [tilespmem:s30+$0x8000];
	s31 =	sor.u32 $0x1460, s29  }
0x2cf: {  	s30 =	sor.u32 $0x1470, s29;
	v51 =	vld [tilespmem:s31+$0x8000]  }
0x2d0: {  	v52 =	vld [tilespmem:s30+$0x8000];
	s31 =	sor.u32 $0x1800, s29  }
0x2d1: {  	v5 =	vmax.f32 v5, v9;
	v6 =	vmax.f32 v6, v10;
	s30 =	sor.u32 $0x1810, s29;
	v59 =	vld [tilespmem:s31+$0x8000]  }
0x2d2: {  	v7 =	vmax.f32 v7, v11;
	v8 =	vmax.f32 v8, v12;
	v5 =	vmax.f32 v5, v13;
	v60 =	vld [tilespmem:s30+$0x8000];
	s31 =	sor.u32 $0x1820, s29  }
0x2d3: {  	v6 =	vmax.f32 v6, v14;
	v7 =	vmax.f32 v7, v15;
	v8 =	vmax.f32 v8, v16;
	s30 =	sor.u32 $0x1830, s29;
	v61 =	vld [tilespmem:s31+$0x8000]  }
0x2d4: {  	v5 =	vmax.f32 v5, v17;
	v6 =	vmax.f32 v6, v18;
	v7 =	vmax.f32 v7, v19;
	v62 =	vld [tilespmem:s30+$0x8000];
	s31 =	sor.u32 $0x1840, s29  }
0x2d5: {  	v8 =	vmax.f32 v8, v20;
	v5 =	vmax.f32 v5, v21;
	v6 =	vmax.f32 v6, v22;
	s30 =	sor.u32 $0x1850, s29;
	v63 =	vld [tilespmem:s31+$0x8000]  }
0x2d6: {  	v7 =	vmax.f32 v7, v23;
	v8 =	vmax.f32 v8, v24;
	v5 =	vmax.f32 v5, v25;
	v25 =	vld [tilespmem:s30+$0x8000];
	s31 =	sor.u32 $0x1860, s29  }
0x2d7: {  	v6 =	vmax.f32 v6, v26;
	v7 =	vmax.f32 v7, v27;
	v8 =	vmax.f32 v8, v28;
	s30 =	sor.u32 $0x1870, s29;
	v28 =	vld [tilespmem:s31+$0x8000]  }
0x2d8: {  	v5 =	vmax.f32 v5, v29;
	v6 =	vmax.f32 v6, v30;
	v7 =	vmax.f32 v7, v31;
	v31 =	vld [tilespmem:s30+$0x8000];
	s31 =	sor.u32 $0x1C00, s29  }
0x2d9: {  	v8 =	vmax.f32 v8, v32;
	v5 =	vmax.f32 v5, v33;
	v6 =	vmax.f32 v6, v34;
	s30 =	sor.u32 $0x1C10, s29;
	v34 =	vld [tilespmem:s31+$0x8000]  }
0x2da: {  	v7 =	vmax.f32 v7, v35;
	v8 =	vmax.f32 v8, v36;
	v5 =	vmax.f32 v5, v37;
	v53 =	vld [tilespmem:s30+$0x8000];
	s31 =	sor.u32 $0x1C20, s29  }
0x2db: {  	v6 =	vmax.f32 v6, v38;
	v7 =	vmax.f32 v7, v39;
	v8 =	vmax.f32 v8, v40;
	s30 =	sor.u32 $0x1C30, s29;
	v54 =	vld [tilespmem:s31+$0x8000]  }
0x2dc: {  	v5 =	vmax.f32 v5, v41;
	v6 =	vmax.f32 v6, v42;
	v7 =	vmax.f32 v7, v43;
	v55 =	vld [tilespmem:s30+$0x8000];
	s31 =	sor.u32 $0x1C40, s29  }
0x2dd: {  	v8 =	vmax.f32 v8, v44;
	v5 =	vmax.f32 v5, v45;
	v6 =	vmax.f32 v6, v46;
	s30 =	sor.u32 $0x1C50, s29;
	v56 =	vld [tilespmem:s31+$0x8000]  }
0x2de: {  	v7 =	vmax.f32 v7, v47;
	v8 =	vmax.f32 v8, v48;
	v5 =	vmax.f32 v5, v49;
	v57 =	vld [tilespmem:s30+$0x8000];
	s31 =	sor.u32 $0x1C58, s29  }
0x2df: {  	v6 =	vmax.f32 v6, v50;
	v7 =	vmax.f32 v7, v51;
	v8 =	vmax.f32 v8, v52;
	v58 =	vld [tilespmem:s31+$0x8000]  }
0x2e0: {  	v5 =	vmax.f32 v5, v59;
	v6 =	vmax.f32 v6, v60;
	v7 =	vmax.f32 v7, v61  }
0x2e1: {  	v8 =	vmax.f32 v8, v62;
	v5 =	vmax.f32 v5, v63;
	v6 =	vmax.f32 v6, v25  }
0x2e2: {  	v7 =	vmax.f32 v7, v28;
	v8 =	vmax.f32 v8, v31;
	v5 =	vmax.f32 v5, v34  }
0x2e3: {  	v6 =	vmax.f32 v6, v53;
	v7 =	vmax.f32 v7, v54;
	v8 =	vmax.f32 v8, v55  }
0x2e4: {  	v5 =	vmax.f32 v5, v56;
	v6 =	vmax.f32 v6, v57;
	v7 =	vmax.f32 v7, v58  }
0x2e5: {  	v5 =	vmax.f32 v5, v6;
	v6 =	vmax.f32 v7, v8  }
0x2e6: {  	v5 =	vmax.f32 v5, v6  }
0x2e7: {  	(xrf0) =	vmax.scan.msk.f32 $0xffff, v5;
	_ =	sdelay $0x4  }
0x2e8: {  	s29 =	sadd.s32 $0x80, s25  }
0x2e9: {  	s0 =	sand.u32 $0x280, s29;
	v5, _, _ =	vpop (xrf0)  }
0x2ea: {  	s0 =	sor.u32 s0, s28;
	[tilespmem:s23+$0xFFFFFF00] =	vst v5  }
0x2eb: {  	v5 =	vld [tilespmem:s0+$0x0]  }
0x2ec: {  	v6 =	vld [tilespmem:s0+$0x10]  }
0x2ed: {  	v7 =	vld [tilespmem:s0+$0x20]  }
0x2ee: {  	v8 =	vld [tilespmem:s0+$0x30]  }
0x2ef: {  	v9 =	vld [tilespmem:s0+$0x40]  }
0x2f0: {  	v59 =	vld [tilespmem:s0+$0x50]  }
0x2f1: {  	v11 =	vld [tilespmem:s0+$0x60]  }
0x2f2: {  	v12 =	vld [tilespmem:s0+$0x70]  }
0x2f3: {  	v60 =	vld [tilespmem:s0+$0x400]  }
0x2f4: {  	v14 =	vld [tilespmem:s0+$0x410]  }
0x2f5: {  	v15 =	vld [tilespmem:s0+$0x420]  }
0x2f6: {  	v61 =	vld [tilespmem:s0+$0x430]  }
0x2f7: {  	v17 =	vld [tilespmem:s0+$0x440]  }
0x2f8: {  	v18 =	vld [tilespmem:s0+$0x450]  }
0x2f9: {  	v62 =	vld [tilespmem:s0+$0x460]  }
0x2fa: {  	v20 =	vld [tilespmem:s0+$0x470]  }
0x2fb: {  	v21 =	vld [tilespmem:s0+$0x800]  }
0x2fc: {  	v63 =	vld [tilespmem:s0+$0x810]  }
0x2fd: {  	v23 =	vld [tilespmem:s0+$0x820]  }
0x2fe: {  	v24 =	vld [tilespmem:s0+$0x830]  }
0x2ff: {  	v25 =	vld [tilespmem:s0+$0x840]  }
0x300: {  	v26 =	vld [tilespmem:s0+$0x850]  }
0x301: {  	v27 =	vld [tilespmem:s0+$0x860]  }
0x302: {  	v28 =	vld [tilespmem:s0+$0x870]  }
0x303: {  	v29 =	vld [tilespmem:s0+$0xC00]  }
0x304: {  	v30 =	vld [tilespmem:s0+$0xC10]  }
0x305: {  	v31 =	vld [tilespmem:s0+$0xC20]  }
0x306: {  	s30 =	sand.u32 $0x7, s24;
	v32 =	vld [tilespmem:s0+$0xC30]  }
0x307: {  	s29 =	sshll.u32 s30, $0x7;
	v33 =	vld [tilespmem:s0+$0xC40]  }
0x308: {  	s29 =	sadd.s32 s26, s29;
	v34 =	vld [tilespmem:s0+$0xC50]  }
0x309: {  	s30 =	sadd.s32 $0x80, s29;
	v35 =	vld [tilespmem:s0+$0xC60]  }
0x30a: {  	s31 =	sor.u32 $0x1000, s30;
	v36 =	vld [tilespmem:s0+$0xC70]  }
0x30b: {  	v37 =	vld [tilespmem:s31+$0x8000];
	s31 =	sor.u32 $0x1010, s30  }
0x30c: {  	v38 =	vld [tilespmem:s31+$0x8000];
	s31 =	sor.u32 $0x1020, s30  }
0x30d: {  	v39 =	vld [tilespmem:s31+$0x8000];
	s31 =	sor.u32 $0x1030, s30  }
0x30e: {  	v40 =	vld [tilespmem:s31+$0x8000];
	s31 =	sor.u32 $0x1040, s30  }
0x30f: {  	v41 =	vld [tilespmem:s31+$0x8000];
	s31 =	sor.u32 $0x1050, s30  }
0x310: {  	v42 =	vld [tilespmem:s31+$0x8000];
	s31 =	sor.u32 $0x1060, s30  }
0x311: {  	v43 =	vld [tilespmem:s31+$0x8000];
	s31 =	sor.u32 $0x1070, s30  }
0x312: {  	v44 =	vld [tilespmem:s31+$0x8000];
	s31 =	sor.u32 $0x1400, s30  }
0x313: {  	v45 =	vld [tilespmem:s31+$0x8000];
	s31 =	sor.u32 $0x1410, s30  }
0x314: {  	v56 =	vld [tilespmem:s31+$0x8000];
	s31 =	sor.u32 $0x1420, s30  }
0x315: {  	v47 =	vld [tilespmem:s31+$0x8000];
	s31 =	sor.u32 $0x1430, s30  }
0x316: {  	v48 =	vld [tilespmem:s31+$0x8000];
	s31 =	sor.u32 $0x1440, s30  }
0x317: {  	v57 =	vld [tilespmem:s31+$0x8000];
	s31 =	sor.u32 $0x1450, s30  }
0x318: {  	v50 =	vld [tilespmem:s31+$0x8000];
	s31 =	sor.u32 $0x1460, s30  }
0x319: {  	v51 =	vld [tilespmem:s31+$0x8000];
	s31 =	sor.u32 $0x1470, s30  }
0x31a: {  	v58 =	vld [tilespmem:s31+$0x8000];
	s31 =	sor.u32 $0x1800, s30  }
0x31b: {  	v5 =	vmax.f32 v5, v9;
	v6 =	vmax.f32 v6, v59;
	v59 =	vld [tilespmem:s31+$0x8000];
	s31 =	sor.u32 $0x1810, s30  }
0x31c: {  	v7 =	vmax.f32 v7, v11;
	v8 =	vmax.f32 v8, v12;
	v5 =	vmax.f32 v5, v60;
	v60 =	vld [tilespmem:s31+$0x8000];
	s31 =	sor.u32 $0x1820, s30  }
0x31d: {  	v6 =	vmax.f32 v6, v14;
	v7 =	vmax.f32 v7, v15;
	v8 =	vmax.f32 v8, v61;
	v61 =	vld [tilespmem:s31+$0x8000];
	s31 =	sor.u32 $0x1830, s30  }
0x31e: {  	v5 =	vmax.f32 v5, v17;
	v6 =	vmax.f32 v6, v18;
	v7 =	vmax.f32 v7, v62;
	v62 =	vld [tilespmem:s31+$0x8000];
	s31 =	sor.u32 $0x1840, s30  }
0x31f: {  	v8 =	vmax.f32 v8, v20;
	v5 =	vmax.f32 v5, v21;
	v6 =	vmax.f32 v6, v63;
	v63 =	vld [tilespmem:s31+$0x8000];
	s31 =	sor.u32 $0x1850, s30  }
0x320: {  	v7 =	vmax.f32 v7, v23;
	v8 =	vmax.f32 v8, v24;
	v5 =	vmax.f32 v5, v25;
	v25 =	vld [tilespmem:s31+$0x8000];
	s31 =	sor.u32 $0x1860, s30  }
0x321: {  	v6 =	vmax.f32 v6, v26;
	v7 =	vmax.f32 v7, v27;
	v8 =	vmax.f32 v8, v28;
	v28 =	vld [tilespmem:s31+$0x8000];
	s31 =	sor.u32 $0x1870, s30  }
0x322: {  	v5 =	vmax.f32 v5, v29;
	v6 =	vmax.f32 v6, v30;
	v7 =	vmax.f32 v7, v31;
	v31 =	vld [tilespmem:s31+$0x8000];
	s31 =	sor.u32 $0x1C00, s30  }
0x323: {  	v8 =	vmax.f32 v8, v32;
	v5 =	vmax.f32 v5, v33;
	v6 =	vmax.f32 v6, v34;
	v34 =	vld [tilespmem:s31+$0x8000];
	s31 =	sor.u32 $0x1C10, s30  }
0x324: {  	v7 =	vmax.f32 v7, v35;
	v8 =	vmax.f32 v8, v36;
	v5 =	vmax.f32 v5, v37;
	v53 =	vld [tilespmem:s31+$0x8000];
	s31 =	sor.u32 $0x1C20, s30  }
0x325: {  	v6 =	vmax.f32 v6, v38;
	v7 =	vmax.f32 v7, v39;
	v8 =	vmax.f32 v8, v40;
	v54 =	vld [tilespmem:s31+$0x8000];
	s31 =	sor.u32 $0x1C30, s30  }
0x326: {  	v5 =	vmax.f32 v5, v41;
	v6 =	vmax.f32 v6, v42;
	v7 =	vmax.f32 v7, v43;
	v55 =	vld [tilespmem:s31+$0x8000];
	s31 =	sor.u32 $0x1C40, s30  }
0x327: {  	v8 =	vmax.f32 v8, v44;
	v5 =	vmax.f32 v5, v45;
	v6 =	vmax.f32 v6, v56;
	v56 =	vld [tilespmem:s31+$0x8000];
	s31 =	sor.u32 $0x1C50, s30  }
0x328: {  	v7 =	vmax.f32 v7, v47;
	v8 =	vmax.f32 v8, v48;
	v5 =	vmax.f32 v5, v57;
	v57 =	vld [tilespmem:s31+$0x8000];
	s31 =	sor.u32 $0x1C58, s30  }
0x329: {  	v6 =	vmax.f32 v6, v50;
	v7 =	vmax.f32 v7, v51;
	v8 =	vmax.f32 v8, v58;
	v58 =	vld [tilespmem:s31+$0x8000]  }
0x32a: {  	v5 =	vmax.f32 v5, v59;
	v6 =	vmax.f32 v6, v60;
	v7 =	vmax.f32 v7, v61  }
0x32b: {  	v8 =	vmax.f32 v8, v62;
	v5 =	vmax.f32 v5, v63;
	v6 =	vmax.f32 v6, v25  }
0x32c: {  	v7 =	vmax.f32 v7, v28;
	v8 =	vmax.f32 v8, v31;
	v5 =	vmax.f32 v5, v34  }
0x32d: {  	v6 =	vmax.f32 v6, v53;
	v7 =	vmax.f32 v7, v54;
	v8 =	vmax.f32 v8, v55  }
0x32e: {  	v5 =	vmax.f32 v5, v56;
	v6 =	vmax.f32 v6, v57;
	v7 =	vmax.f32 v7, v58  }
0x32f: {  	v5 =	vmax.f32 v5, v6;
	v6 =	vmax.f32 v7, v8  }
0x330: {  	v5 =	vmax.f32 v5, v6  }
0x331: {  	(xrf0) =	vmax.scan.msk.f32 $0xffff, v5;
	_ =	sdelay $0x4  }
0x332: {  	s30 =	sadd.s32 $0x100, s25  }
0x333: {  	s0 =	sand.u32 $0x300, s30;
	v5, _, _ =	vpop (xrf0)  }
0x334: {  	s0 =	sor.u32 s0, s28;
	[tilespmem:s23+$0xFFFFFF80] =	vst v5  }
0x335: {  	v5 =	vld [tilespmem:s0+$0x0]  }
0x336: {  	v6 =	vld [tilespmem:s0+$0x10]  }
0x337: {  	v7 =	vld [tilespmem:s0+$0x20]  }
0x338: {  	v8 =	vld [tilespmem:s0+$0x30]  }
0x339: {  	v9 =	vld [tilespmem:s0+$0x40]  }
0x33a: {  	v59 =	vld [tilespmem:s0+$0x50]  }
0x33b: {  	v11 =	vld [tilespmem:s0+$0x60]  }
0x33c: {  	v12 =	vld [tilespmem:s0+$0x70]  }
0x33d: {  	v60 =	vld [tilespmem:s0+$0x400]  }
0x33e: {  	v14 =	vld [tilespmem:s0+$0x410]  }
0x33f: {  	v15 =	vld [tilespmem:s0+$0x420]  }
0x340: {  	v61 =	vld [tilespmem:s0+$0x430]  }
0x341: {  	v17 =	vld [tilespmem:s0+$0x440]  }
0x342: {  	v18 =	vld [tilespmem:s0+$0x450]  }
0x343: {  	v62 =	vld [tilespmem:s0+$0x460]  }
0x344: {  	v20 =	vld [tilespmem:s0+$0x470]  }
0x345: {  	v21 =	vld [tilespmem:s0+$0x800]  }
0x346: {  	v63 =	vld [tilespmem:s0+$0x810]  }
0x347: {  	v23 =	vld [tilespmem:s0+$0x820]  }
0x348: {  	v24 =	vld [tilespmem:s0+$0x830]  }
0x349: {  	v25 =	vld [tilespmem:s0+$0x840]  }
0x34a: {  	v26 =	vld [tilespmem:s0+$0x850]  }
0x34b: {  	v27 =	vld [tilespmem:s0+$0x860]  }
0x34c: {  	v28 =	vld [tilespmem:s0+$0x870]  }
0x34d: {  	v29 =	vld [tilespmem:s0+$0xC00]  }
0x34e: {  	v30 =	vld [tilespmem:s0+$0xC10]  }
0x34f: {  	v31 =	vld [tilespmem:s0+$0xC20]  }
0x350: {  	s31 =	sand.u32 $0x3, s22;
	v32 =	vld [tilespmem:s0+$0xC30]  }
0x351: {  	s30 =	sshll.u32 s31, $0x8;
	v33 =	vld [tilespmem:s0+$0xC40]  }
0x352: {  	s30 =	sadd.s32 s26, s30;
	v34 =	vld [tilespmem:s0+$0xC50]  }
0x353: {  	s30 =	sadd.s32 $0x100, s30;
	v35 =	vld [tilespmem:s0+$0xC60]  }
0x354: {  	s31 =	sor.u32 $0x1000, s30;
	v36 =	vld [tilespmem:s0+$0xC70]  }
0x355: {  	v37 =	vld [tilespmem:s31+$0x8000];
	s31 =	sor.u32 $0x1010, s30  }
0x356: {  	v38 =	vld [tilespmem:s31+$0x8000];
	s31 =	sor.u32 $0x1020, s30  }
0x357: {  	v39 =	vld [tilespmem:s31+$0x8000];
	s31 =	sor.u32 $0x1030, s30  }
0x358: {  	v40 =	vld [tilespmem:s31+$0x8000];
	s31 =	sor.u32 $0x1040, s30  }
0x359: {  	v41 =	vld [tilespmem:s31+$0x8000];
	s31 =	sor.u32 $0x1050, s30  }
0x35a: {  	v42 =	vld [tilespmem:s31+$0x8000];
	s31 =	sor.u32 $0x1060, s30  }
0x35b: {  	v43 =	vld [tilespmem:s31+$0x8000];
	s31 =	sor.u32 $0x1070, s30  }
0x35c: {  	v44 =	vld [tilespmem:s31+$0x8000];
	s31 =	sor.u32 $0x1400, s30  }
0x35d: {  	v45 =	vld [tilespmem:s31+$0x8000];
	s31 =	sor.u32 $0x1410, s30  }
0x35e: {  	v46 =	vld [tilespmem:s31+$0x8000];
	s31 =	sor.u32 $0x1420, s30  }
0x35f: {  	v47 =	vld [tilespmem:s31+$0x8000];
	s31 =	sor.u32 $0x1430, s30  }
0x360: {  	v48 =	vld [tilespmem:s31+$0x8000];
	s31 =	sor.u32 $0x1440, s30  }
0x361: {  	v49 =	vld [tilespmem:s31+$0x8000];
	s31 =	sor.u32 $0x1450, s30  }
0x362: {  	v56 =	vld [tilespmem:s31+$0x8000];
	s31 =	sor.u32 $0x1460, s30  }
0x363: {  	v57 =	vld [tilespmem:s31+$0x8000];
	s31 =	sor.u32 $0x1470, s30  }
0x364: {  	v58 =	vld [tilespmem:s31+$0x8000];
	s31 =	sor.u32 $0x1800, s30  }
0x365: {  	v5 =	vmax.f32 v5, v9;
	v6 =	vmax.f32 v6, v59;
	v59 =	vld [tilespmem:s31+$0x8000];
	s31 =	sor.u32 $0x1810, s30  }
0x366: {  	v7 =	vmax.f32 v7, v11;
	v8 =	vmax.f32 v8, v12;
	v5 =	vmax.f32 v5, v60;
	v60 =	vld [tilespmem:s31+$0x8000];
	s31 =	sor.u32 $0x1820, s30  }
0x367: {  	v6 =	vmax.f32 v6, v14;
	v7 =	vmax.f32 v7, v15;
	v8 =	vmax.f32 v8, v61;
	v61 =	vld [tilespmem:s31+$0x8000];
	s31 =	sor.u32 $0x1830, s30  }
0x368: {  	v5 =	vmax.f32 v5, v17;
	v6 =	vmax.f32 v6, v18;
	v7 =	vmax.f32 v7, v62;
	v62 =	vld [tilespmem:s31+$0x8000];
	s31 =	sor.u32 $0x1840, s30  }
0x369: {  	v8 =	vmax.f32 v8, v20;
	v5 =	vmax.f32 v5, v21;
	v6 =	vmax.f32 v6, v63;
	v63 =	vld [tilespmem:s31+$0x8000];
	s31 =	sor.u32 $0x1850, s30  }
0x36a: {  	v7 =	vmax.f32 v7, v23;
	v8 =	vmax.f32 v8, v24;
	v5 =	vmax.f32 v5, v25;
	v25 =	vld [tilespmem:s31+$0x8000];
	s31 =	sor.u32 $0x1860, s30  }
0x36b: {  	v6 =	vmax.f32 v6, v26;
	v7 =	vmax.f32 v7, v27;
	v8 =	vmax.f32 v8, v28;
	v28 =	vld [tilespmem:s31+$0x8000];
	s31 =	sor.u32 $0x1870, s30  }
0x36c: {  	v5 =	vmax.f32 v5, v29;
	v6 =	vmax.f32 v6, v30;
	v7 =	vmax.f32 v7, v31;
	v31 =	vld [tilespmem:s31+$0x8000];
	s31 =	sor.u32 $0x1C00, s30  }
0x36d: {  	v8 =	vmax.f32 v8, v32;
	v5 =	vmax.f32 v5, v33;
	v6 =	vmax.f32 v6, v34;
	v34 =	vld [tilespmem:s31+$0x8000];
	s31 =	sor.u32 $0x1C10, s30  }
0x36e: {  	v7 =	vmax.f32 v7, v35;
	v8 =	vmax.f32 v8, v36;
	v5 =	vmax.f32 v5, v37;
	v37 =	vld [tilespmem:s31+$0x8000];
	s31 =	sor.u32 $0x1C20, s30  }
0x36f: {  	v6 =	vmax.f32 v6, v38;
	v7 =	vmax.f32 v7, v39;
	v8 =	vmax.f32 v8, v40;
	v40 =	vld [tilespmem:s31+$0x8000];
	s31 =	sor.u32 $0x1C30, s30  }
0x370: {  	v5 =	vmax.f32 v5, v41;
	v6 =	vmax.f32 v6, v42;
	v7 =	vmax.f32 v7, v43;
	v43 =	vld [tilespmem:s31+$0x8000];
	s31 =	sor.u32 $0x1C40, s30  }
0x371: {  	v8 =	vmax.f32 v8, v44;
	v5 =	vmax.f32 v5, v45;
	v6 =	vmax.f32 v6, v46;
	v53 =	vld [tilespmem:s31+$0x8000];
	s31 =	sor.u32 $0x1C50, s30  }
0x372: {  	v7 =	vmax.f32 v7, v47;
	v8 =	vmax.f32 v8, v48;
	v5 =	vmax.f32 v5, v49;
	v54 =	vld [tilespmem:s31+$0x8000];
	s31 =	sor.u32 $0x1C58, s30  }
0x373: {  	v6 =	vmax.f32 v6, v56;
	v7 =	vmax.f32 v7, v57;
	v8 =	vmax.f32 v8, v58;
	v55 =	vld [tilespmem:s31+$0x8000]  }
0x374: {  	v5 =	vmax.f32 v5, v59;
	v6 =	vmax.f32 v6, v60;
	v7 =	vmax.f32 v7, v61  }
0x375: {  	v8 =	vmax.f32 v8, v62;
	v5 =	vmax.f32 v5, v63;
	v6 =	vmax.f32 v6, v25  }
0x376: {  	v7 =	vmax.f32 v7, v28;
	v8 =	vmax.f32 v8, v31;
	v5 =	vmax.f32 v5, v34  }
0x377: {  	v6 =	vmax.f32 v6, v37;
	v7 =	vmax.f32 v7, v40;
	v8 =	vmax.f32 v8, v43  }
0x378: {  	v5 =	vmax.f32 v5, v53;
	v6 =	vmax.f32 v6, v54;
	v7 =	vmax.f32 v7, v55  }
0x379: {  	v5 =	vmax.f32 v5, v6;
	v6 =	vmax.f32 v7, v8  }
0x37a: {  	v5 =	vmax.f32 v5, v6  }
0x37b: {  	(xrf0) =	vmax.scan.msk.f32 $0xffff, v5;
	_ =	sdelay $0x4  }
0x37c: {  	s30 =	sadd.s32 $0x180, s25  }
0x37d: {  	s0 =	sand.u32 $0x380, s30;
	v5, _, _ =	vpop (xrf0)  }
0x37e: {  	s0 =	sor.u32 s0, s28;
	[tilespmem:s23+$0x0] =	vst v5  }
0x37f: {  	v5 =	vld [tilespmem:s0+$0x0]  }
0x380: {  	v6 =	vld [tilespmem:s0+$0x10]  }
0x381: {  	v7 =	vld [tilespmem:s0+$0x20]  }
0x382: {  	v8 =	vld [tilespmem:s0+$0x30]  }
0x383: {  	v9 =	vld [tilespmem:s0+$0x40]  }
0x384: {  	v10 =	vld [tilespmem:s0+$0x50]  }
0x385: {  	v11 =	vld [tilespmem:s0+$0x60]  }
0x386: {  	v12 =	vld [tilespmem:s0+$0x70]  }
0x387: {  	v13 =	vld [tilespmem:s0+$0x400]  }
0x388: {  	v14 =	vld [tilespmem:s0+$0x410]  }
0x389: {  	v15 =	vld [tilespmem:s0+$0x420]  }
0x38a: {  	v16 =	vld [tilespmem:s0+$0x430]  }
0x38b: {  	v17 =	vld [tilespmem:s0+$0x440]  }
0x38c: {  	v18 =	vld [tilespmem:s0+$0x450]  }
0x38d: {  	v19 =	vld [tilespmem:s0+$0x460]  }
0x38e: {  	v20 =	vld [tilespmem:s0+$0x470]  }
0x38f: {  	v21 =	vld [tilespmem:s0+$0x800]  }
0x390: {  	v22 =	vld [tilespmem:s0+$0x810]  }
0x391: {  	v23 =	vld [tilespmem:s0+$0x820]  }
0x392: {  	v24 =	vld [tilespmem:s0+$0x830]  }
0x393: {  	v25 =	vld [tilespmem:s0+$0x840]  }
0x394: {  	v26 =	vld [tilespmem:s0+$0x850]  }
0x395: {  	v27 =	vld [tilespmem:s0+$0x860]  }
0x396: {  	v28 =	vld [tilespmem:s0+$0x870]  }
0x397: {  	v29 =	vld [tilespmem:s0+$0xC00]  }
0x398: {  	v30 =	vld [tilespmem:s0+$0xC10]  }
0x399: {  	v56 =	vld [tilespmem:s0+$0xC20]  }
0x39a: {  	v32 =	vld [tilespmem:s0+$0xC30]  }
0x39b: {  	v33 =	vld [tilespmem:s0+$0xC40]  }
0x39c: {  	v57 =	vld [tilespmem:s0+$0xC50]  }
0x39d: {  	s28 =	sadd.s32 $0x180, s29;
	v35 =	vld [tilespmem:s0+$0xC60]  }
0x39e: {  	s31 =	sor.u32 $0x1000, s28;
	v36 =	vld [tilespmem:s0+$0xC70]  }
0x39f: {  	s29 =	sor.u32 $0x1010, s28;
	v58 =	vld [tilespmem:s31+$0x8000]  }
0x3a0: {  	s30 =	sor.u32 $0x1020, s28;
	v38 =	vld [tilespmem:s29+$0x8000]  }
0x3a1: {  	v39 =	vld [tilespmem:s30+$0x8000];
	s31 =	sor.u32 $0x1030, s28  }
0x3a2: {  	s29 =	sor.u32 $0x1040, s28;
	v59 =	vld [tilespmem:s31+$0x8000]  }
0x3a3: {  	s30 =	sor.u32 $0x1050, s28;
	v41 =	vld [tilespmem:s29+$0x8000]  }
0x3a4: {  	v42 =	vld [tilespmem:s30+$0x8000];
	s31 =	sor.u32 $0x1060, s28  }
0x3a5: {  	s29 =	sor.u32 $0x1070, s28;
	v60 =	vld [tilespmem:s31+$0x8000]  }
0x3a6: {  	s30 =	sor.u32 $0x1400, s28;
	v44 =	vld [tilespmem:s29+$0x8000]  }
0x3a7: {  	v45 =	vld [tilespmem:s30+$0x8000];
	s31 =	sor.u32 $0x1410, s28  }
0x3a8: {  	s29 =	sor.u32 $0x1420, s28;
	v61 =	vld [tilespmem:s31+$0x8000]  }
0x3a9: {  	s30 =	sor.u32 $0x1430, s28;
	v47 =	vld [tilespmem:s29+$0x8000]  }
0x3aa: {  	v48 =	vld [tilespmem:s30+$0x8000];
	s31 =	sor.u32 $0x1440, s28  }
0x3ab: {  	s29 =	sor.u32 $0x1450, s28;
	v62 =	vld [tilespmem:s31+$0x8000]  }
0x3ac: {  	s30 =	sor.u32 $0x1460, s28;
	v50 =	vld [tilespmem:s29+$0x8000]  }
0x3ad: {  	v51 =	vld [tilespmem:s30+$0x8000];
	s31 =	sor.u32 $0x1470, s28  }
0x3ae: {  	s29 =	sor.u32 $0x1800, s28;
	v63 =	vld [tilespmem:s31+$0x8000]  }
0x3af: {  	s30 =	sor.u32 $0x1810, s28;
	v5 =	vmax.f32 v5, v9;
	v6 =	vmax.f32 v6, v10;
	v9 =	vld [tilespmem:s29+$0x8000]  }
0x3b0: {  	v7 =	vmax.f32 v7, v11;
	v8 =	vmax.f32 v8, v12;
	v10 =	vld [tilespmem:s30+$0x8000];
	s31 =	sor.u32 $0x1820, s28;
	v5 =	vmax.f32 v5, v13  }
0x3b1: {  	s29 =	sor.u32 $0x1830, s28;
	v6 =	vmax.f32 v6, v14;
	v7 =	vmax.f32 v7, v15;
	v8 =	vmax.f32 v8, v16;
	v11 =	vld [tilespmem:s31+$0x8000]  }
0x3b2: {  	s30 =	sor.u32 $0x1840, s28;
	v12 =	vld [tilespmem:s29+$0x8000];
	v5 =	vmax.f32 v5, v17;
	v6 =	vmax.f32 v6, v18;
	v7 =	vmax.f32 v7, v19  }
0x3b3: {  	v53 =	vld [tilespmem:s30+$0x8000];
	s31 =	sor.u32 $0x1850, s28;
	v8 =	vmax.f32 v8, v20;
	v5 =	vmax.f32 v5, v21;
	v6 =	vmax.f32 v6, v22  }
0x3b4: {  	s29 =	sor.u32 $0x1860, s28;
	v54 =	vld [tilespmem:s31+$0x8000];
	v7 =	vmax.f32 v7, v23;
	v8 =	vmax.f32 v8, v24;
	v5 =	vmax.f32 v5, v25  }
0x3b5: {  	s30 =	sor.u32 $0x1870, s28;
	v55 =	vld [tilespmem:s29+$0x8000];
	v6 =	vmax.f32 v6, v26;
	v7 =	vmax.f32 v7, v27;
	v8 =	vmax.f32 v8, v28  }
0x3b6: {  	s31 =	sor.u32 $0x1C00, s28;
	v5 =	vmax.f32 v5, v29;
	v6 =	vmax.f32 v6, v30;
	v7 =	vmax.f32 v7, v56;
	v56 =	vld [tilespmem:s30+$0x8000]  }
0x3b7: {  	s29 =	sor.u32 $0x1C10, s28;
	v8 =	vmax.f32 v8, v32;
	v5 =	vmax.f32 v5, v33;
	v6 =	vmax.f32 v6, v57;
	v57 =	vld [tilespmem:s31+$0x8000]  }
0x3b8: {  	s30 =	sor.u32 $0x1C20, s28;
	v7 =	vmax.f32 v7, v35;
	v8 =	vmax.f32 v8, v36;
	v5 =	vmax.f32 v5, v58;
	v58 =	vld [tilespmem:s29+$0x8000]  }
0x3b9: {  	s31 =	sor.u32 $0x1C30, s28;
	v6 =	vmax.f32 v6, v38;
	v7 =	vmax.f32 v7, v39;
	v8 =	vmax.f32 v8, v59;
	v59 =	vld [tilespmem:s30+$0x8000]  }
0x3ba: {  	s29 =	sor.u32 $0x1C40, s28;
	v5 =	vmax.f32 v5, v41;
	v6 =	vmax.f32 v6, v42;
	v7 =	vmax.f32 v7, v60;
	v60 =	vld [tilespmem:s31+$0x8000]  }
0x3bb: {  	s30 =	sor.u32 $0x1C50, s28;
	v8 =	vmax.f32 v8, v44;
	v5 =	vmax.f32 v5, v45;
	v6 =	vmax.f32 v6, v61;
	v61 =	vld [tilespmem:s29+$0x8000]  }
0x3bc: {  	s31 =	sor.u32 $0x1C58, s28;
	v7 =	vmax.f32 v7, v47;
	v8 =	vmax.f32 v8, v48;
	v5 =	vmax.f32 v5, v62;
	v62 =	vld [tilespmem:s30+$0x8000]  }
0x3bd: {  	v6 =	vmax.f32 v6, v50;
	v7 =	vmax.f32 v7, v51;
	v8 =	vmax.f32 v8, v63;
	v63 =	vld [tilespmem:s31+$0x8000]  }
0x3be: {  	v5 =	vmax.f32 v5, v9;
	v6 =	vmax.f32 v6, v10;
	v7 =	vmax.f32 v7, v11  }
0x3bf: {  	v8 =	vmax.f32 v8, v12;
	v5 =	vmax.f32 v5, v53;
	v6 =	vmax.f32 v6, v54  }
0x3c0: {  	v7 =	vmax.f32 v7, v55;
	v8 =	vmax.f32 v8, v56;
	v5 =	vmax.f32 v5, v57  }
0x3c1: {  	v6 =	vmax.f32 v6, v58;
	v7 =	vmax.f32 v7, v59;
	v8 =	vmax.f32 v8, v60  }
0x3c2: {  	v5 =	vmax.f32 v5, v61;
	v6 =	vmax.f32 v6, v62;
	v7 =	vmax.f32 v7, v63  }
0x3c3: {  	v5 =	vmax.f32 v5, v6;
	v6 =	vmax.f32 v7, v8  }
0x3c4: {  	v5 =	vmax.f32 v5, v6  }
0x3c5: {  	(xrf0) =	vmax.scan.msk.f32 $0xffff, v5;
	_ =	sdelay $0x1  }
0x3c6: {  	p2 =	sne.s32 s26, $0x3000  }
.Ltmp4:
0x3c7: {  	_ = 	snop;
	(pc) =	sbr.rel @p2 .LBB2_7-.Ltmp4, $3  }
0x3c8: {  	_ =	sdelay $0x1  }
0x3c9: {  	p1 =	por !p1, !p1;
	s24 =	sadd.s32 $0x4, s24;
	s22 =	sadd.s32 $0x2, s22;
	v5, _, _ =	vpop (xrf0)  }
0x3ca: {  	s26 =	sadd.s32 $0x1000, s26;
	s25 =	sadd.s32 $0x200, s25;
	[tilespmem:s23+$0x80] =	vst v5;
	s23 =	sadd.s32 $0x200, s23  }
0x3cb: {  	_ =	sdelay $0x3  }
0x3cc: {  	v5 =	vld.idx.msk [tilespmem:v2+s14+$0x0], $0xffff;
	_ =	sdelay $0x4  }
0x3cd: {  	v4 =	vsub.f32 v5, v4;
	_ =	sdelay $0x1  }
0x3ce: {  	[tilespmem:s21+$0x10200] =	vst v4  }
0x3cf: {  	v4 =	vld [tilespmem:s19+$0x10030];
	_ =	sdelay $0x4  }
0x3d0: {  	v5 =	vshll.u32 v4, $0x3  }
0x3d1: {  	v4 =	vand.u32 $0x7F, v4;
	v5 =	vand.u32 $0xFFFFFC00, v5  }
0x3d2: {  	v4 =	vor.u32 v4, v5  }
0x3d3: {  	v5 =	vadd.s32 v3, v4;
	_ =	sdelay $0x2  }
0x3d4: {  	s22 =	simm.s32 $0x0;
	s23 =	simm.s32 $0x10500;
	p1 =	por $0x0, $0x0  }
0x3d5: {  	s24 =	simm.s32 $0x0;
	s25 =	simm.s32 $0x0;
	s26 =	simm.s32 $0x0  }
0x3d6: {  	s28 =	simm.s32 $0x0;
	s21 =	simm.s32 $0x880;
	s19 =	sor.u32 $0x30, s19;
	v4 =	vld.idx.msk [tilespmem:v5+s12+$0x0], $0xffff;
	[tilespmem:v5+s12+$0x0] =	vst.idx.msk $0xffff, v1  }
.LBB2_9:
0x3d7: {  	s0 =	sadd.s32 $0xFFFFF780, s21  }
0x3d8: {  	s29 =	sand.u32 $0x2000, s28;
	s0 =	sand.u32 $0x200, s0  }
0x3d9: {  	s0 =	sor.u32 s0, s29  }
0x3da: {  	v5 =	vld [tilespmem:s0+$0xC000]  }
0x3db: {  	v6 =	vld [tilespmem:s0+$0xC010]  }
0x3dc: {  	v7 =	vld [tilespmem:s0+$0xC020]  }
0x3dd: {  	v8 =	vld [tilespmem:s0+$0xC030]  }
0x3de: {  	v9 =	vld [tilespmem:s0+$0xC040]  }
0x3df: {  	v10 =	vld [tilespmem:s0+$0xC050]  }
0x3e0: {  	v11 =	vld [tilespmem:s0+$0xC060]  }
0x3e1: {  	v12 =	vld [tilespmem:s0+$0xC070]  }
0x3e2: {  	v21 =	vld [tilespmem:s0+$0xC800]  }
0x3e3: {  	v22 =	vld [tilespmem:s0+$0xC810]  }
0x3e4: {  	v23 =	vld [tilespmem:s0+$0xC820]  }
0x3e5: {  	v24 =	vld [tilespmem:s0+$0xC830]  }
0x3e6: {  	v25 =	vld [tilespmem:s0+$0xC840]  }
0x3e7: {  	s31 =	sand.u32 $0xFFFFE000, s28;
	v26 =	vld [tilespmem:s0+$0xC850]  }
0x3e8: {  	s29 =	sadd.s32 s31, s24;
	v27 =	vld [tilespmem:s0+$0xC860]  }
0x3e9: {  	s30 =	sor.u32 $0x4400, s29;
	v28 =	vld [tilespmem:s0+$0xC870]  }
0x3ea: {  	v13 =	vld [tilespmem:s30+$0x8000]  }
0x3eb: {  	v14 =	vld [tilespmem:s30+$0x8010]  }
0x3ec: {  	v15 =	vld [tilespmem:s30+$0x8020]  }
0x3ed: {  	v16 =	vld [tilespmem:s30+$0x8030]  }
0x3ee: {  	v17 =	vld [tilespmem:s30+$0x8040]  }
0x3ef: {  	v18 =	vld [tilespmem:s30+$0x8050]  }
0x3f0: {  	v19 =	vld [tilespmem:s30+$0x8060]  }
0x3f1: {  	v20 =	vld [tilespmem:s30+$0x8070];
	s30 =	sor.u32 $0x4C00, s29  }
0x3f2: {  	v29 =	vld [tilespmem:s30+$0x8000]  }
0x3f3: {  	v30 =	vld [tilespmem:s30+$0x8010]  }
0x3f4: {  	v31 =	vld [tilespmem:s30+$0x8020]  }
0x3f5: {  	v32 =	vld [tilespmem:s30+$0x8030]  }
0x3f6: {  	v33 =	vld [tilespmem:s30+$0x8040]  }
0x3f7: {  	v34 =	vld [tilespmem:s30+$0x8050]  }
0x3f8: {  	v35 =	vld [tilespmem:s30+$0x8060]  }
0x3f9: {  	v36 =	vld [tilespmem:s30+$0x8070];
	s30 =	sor.u32 $0x5400, s25  }
0x3fa: {  	v45 =	vld [tilespmem:s30+$0x8000]  }
0x3fb: {  	v46 =	vld [tilespmem:s30+$0x8010]  }
0x3fc: {  	v47 =	vld [tilespmem:s30+$0x8020]  }
0x3fd: {  	s29 =	simm.s32 $0x1;
	v48 =	vld [tilespmem:s30+$0x8030]  }
0x3fe: {  	s29 =	simm.s32 @!p1 $0x0;
	v49 =	vld [tilespmem:s30+$0x8040]  }
0x3ff: {  	s29 =	sshll.u32 s29, $0x9;
	v50 =	vld [tilespmem:s30+$0x8050]  }
0x400: {  	v51 =	vld [tilespmem:s30+$0x8060];
	s29 =	sadd.s32 s29, s28  }
0x401: {  	v52 =	vld [tilespmem:s30+$0x8070];
	s31 =	sor.u32 $0x5000, s29  }
0x402: {  	v37 =	vld [tilespmem:s31+$0x8000]  }
0x403: {  	v38 =	vld [tilespmem:s31+$0x8010]  }
0x404: {  	v39 =	vld [tilespmem:s31+$0x8020]  }
0x405: {  	v40 =	vld [tilespmem:s31+$0x8030]  }
0x406: {  	v41 =	vld [tilespmem:s31+$0x8040]  }
0x407: {  	v42 =	vld [tilespmem:s31+$0x8050]  }
0x408: {  	v43 =	vld [tilespmem:s31+$0x8060]  }
0x409: {  	v44 =	vld [tilespmem:s31+$0x8070];
	s31 =	sor.u32 $0x5800, s29  }
0x40a: {  	v5 =	vmax.f32 v5, v9;
	v6 =	vmax.f32 v6, v10;
	v59 =	vld [tilespmem:s31+$0x8000]  }
0x40b: {  	v7 =	vmax.f32 v7, v11;
	v8 =	vmax.f32 v8, v12;
	v5 =	vmax.f32 v5, v13;
	v60 =	vld [tilespmem:s31+$0x8010]  }
0x40c: {  	v6 =	vmax.f32 v6, v14;
	v7 =	vmax.f32 v7, v15;
	v8 =	vmax.f32 v8, v16;
	v61 =	vld [tilespmem:s31+$0x8020]  }
0x40d: {  	v5 =	vmax.f32 v5, v17;
	v6 =	vmax.f32 v6, v18;
	v7 =	vmax.f32 v7, v19;
	v62 =	vld [tilespmem:s31+$0x8030]  }
0x40e: {  	s29 =	sor.u32 $0x5C00, s25;
	v8 =	vmax.f32 v8, v20;
	v63 =	vld [tilespmem:s31+$0x8040];
	v5 =	vmax.f32 v5, v21;
	v6 =	vmax.f32 v6, v22  }
0x40f: {  	v53 =	vld [tilespmem:s29+$0x8010];
	v7 =	vmax.f32 v7, v23;
	v8 =	vmax.f32 v8, v24;
	v5 =	vmax.f32 v5, v25  }
0x410: {  	v54 =	vld [tilespmem:s29+$0x8020];
	v6 =	vmax.f32 v6, v26;
	v7 =	vmax.f32 v7, v27;
	v8 =	vmax.f32 v8, v28  }
0x411: {  	v55 =	vld [tilespmem:s29+$0x8030];
	v5 =	vmax.f32 v5, v29;
	v6 =	vmax.f32 v6, v30;
	v7 =	vmax.f32 v7, v31  }
0x412: {  	v56 =	vld [tilespmem:s29+$0x8040];
	v8 =	vmax.f32 v8, v32;
	v5 =	vmax.f32 v5, v33;
	v6 =	vmax.f32 v6, v34  }
0x413: {  	v25 =	vld [tilespmem:s31+$0x8050];
	v7 =	vmax.f32 v7, v35;
	v8 =	vmax.f32 v8, v36;
	v5 =	vmax.f32 v5, v37  }
0x414: {  	v28 =	vld [tilespmem:s31+$0x8060];
	v6 =	vmax.f32 v6, v38;
	v7 =	vmax.f32 v7, v39;
	v8 =	vmax.f32 v8, v40  }
0x415: {  	v31 =	vld [tilespmem:s31+$0x8070];
	v5 =	vmax.f32 v5, v41;
	v6 =	vmax.f32 v6, v42;
	v7 =	vmax.f32 v7, v43  }
0x416: {  	v34 =	vld [tilespmem:s29+$0x8000];
	v8 =	vmax.f32 v8, v44;
	v5 =	vmax.f32 v5, v45;
	v6 =	vmax.f32 v6, v46  }
0x417: {  	v57 =	vld [tilespmem:s29+$0x8050];
	v7 =	vmax.f32 v7, v47;
	v8 =	vmax.f32 v8, v48;
	v5 =	vmax.f32 v5, v49  }
0x418: {  	v58 =	vld [tilespmem:s29+$0x8058];
	v6 =	vmax.f32 v6, v50;
	v7 =	vmax.f32 v7, v51;
	v8 =	vmax.f32 v8, v52  }
0x419: {  	v5 =	vmax.f32 v5, v59;
	v6 =	vmax.f32 v6, v60;
	v7 =	vmax.f32 v7, v61  }
0x41a: {  	v8 =	vmax.f32 v8, v62;
	v5 =	vmax.f32 v5, v63;
	v6 =	vmax.f32 v6, v25  }
0x41b: {  	v7 =	vmax.f32 v7, v28;
	v8 =	vmax.f32 v8, v31;
	v5 =	vmax.f32 v5, v34  }
0x41c: {  	v6 =	vmax.f32 v6, v53;
	v7 =	vmax.f32 v7, v54;
	v8 =	vmax.f32 v8, v55  }
0x41d: {  	v5 =	vmax.f32 v5, v56;
	v6 =	vmax.f32 v6, v57;
	v7 =	vmax.f32 v7, v58  }
0x41e: {  	v5 =	vmax.f32 v5, v6;
	v6 =	vmax.f32 v7, v8  }
0x41f: {  	v5 =	vmax.f32 v5, v6  }
0x420: {  	(xrf0) =	vmax.scan.msk.f32 $0xffff, v5;
	_ =	sdelay $0x4  }
0x421: {  	s30 =	sadd.s32 $0x4400, s28  }
0x422: {  	s0 =	sand.u32 $0x6000, s30;
	s31 =	sand.u32 $0x280, s21;
	v5, _, _ =	vpop (xrf0)  }
0x423: {  	s30 =	sor.u32 s31, s0;
	[tilespmem:s23+$0xFFFFFF00] =	vst v5  }
0x424: {  	v5 =	vld [tilespmem:s30+$0x8000]  }
0x425: {  	v6 =	vld [tilespmem:s30+$0x8010]  }
0x426: {  	v7 =	vld [tilespmem:s30+$0x8020]  }
0x427: {  	v8 =	vld [tilespmem:s30+$0x8030]  }
0x428: {  	v9 =	vld [tilespmem:s30+$0x8040]  }
0x429: {  	v59 =	vld [tilespmem:s30+$0x8050]  }
0x42a: {  	v11 =	vld [tilespmem:s30+$0x8060]  }
0x42b: {  	v12 =	vld [tilespmem:s30+$0x8070]  }
0x42c: {  	v60 =	vld [tilespmem:s30+$0x8400]  }
0x42d: {  	v14 =	vld [tilespmem:s30+$0x8410]  }
0x42e: {  	v15 =	vld [tilespmem:s30+$0x8420]  }
0x42f: {  	v61 =	vld [tilespmem:s30+$0x8430]  }
0x430: {  	v17 =	vld [tilespmem:s30+$0x8440]  }
0x431: {  	v18 =	vld [tilespmem:s30+$0x8450]  }
0x432: {  	v62 =	vld [tilespmem:s30+$0x8460]  }
0x433: {  	v20 =	vld [tilespmem:s30+$0x8470]  }
0x434: {  	v21 =	vld [tilespmem:s30+$0x8800]  }
0x435: {  	v63 =	vld [tilespmem:s30+$0x8810]  }
0x436: {  	v23 =	vld [tilespmem:s30+$0x8820]  }
0x437: {  	v24 =	vld [tilespmem:s30+$0x8830]  }
0x438: {  	v25 =	vld [tilespmem:s30+$0x8840]  }
0x439: {  	v26 =	vld [tilespmem:s30+$0x8850]  }
0x43a: {  	v27 =	vld [tilespmem:s30+$0x8860]  }
0x43b: {  	v28 =	vld [tilespmem:s30+$0x8870]  }
0x43c: {  	v29 =	vld [tilespmem:s30+$0x8C00]  }
0x43d: {  	v30 =	vld [tilespmem:s30+$0x8C10]  }
0x43e: {  	v31 =	vld [tilespmem:s30+$0x8C20]  }
0x43f: {  	v32 =	vld [tilespmem:s30+$0x8C30]  }
0x440: {  	v33 =	vld [tilespmem:s30+$0x8C40]  }
0x441: {  	v34 =	vld [tilespmem:s30+$0x8C50]  }
0x442: {  	v35 =	vld [tilespmem:s30+$0x8C60]  }
0x443: {  	v36 =	vld [tilespmem:s30+$0x8C70]  }
0x444: {  	v37 =	vld [tilespmem:s30+$0x9000]  }
0x445: {  	v38 =	vld [tilespmem:s30+$0x9010]  }
0x446: {  	v39 =	vld [tilespmem:s30+$0x9020]  }
0x447: {  	s29 =	sand.u32 $0x7, s26;
	v40 =	vld [tilespmem:s30+$0x9030]  }
0x448: {  	s0 =	sshll.u32 s29, $0x7;
	v41 =	vld [tilespmem:s30+$0x9040]  }
0x449: {  	s29 =	sadd.s32 s28, s0;
	v42 =	vld [tilespmem:s30+$0x9050]  }
0x44a: {  	s31 =	sadd.s32 $0x4480, s29;
	v43 =	vld [tilespmem:s30+$0x9060]  }
0x44b: {  	s0 =	sor.u32 $0x1400, s31;
	v44 =	vld [tilespmem:s30+$0x9070]  }
0x44c: {  	v45 =	vld [tilespmem:s0+$0x8000];
	s0 =	sor.u32 $0x1410, s31  }
0x44d: {  	v56 =	vld [tilespmem:s0+$0x8000];
	s0 =	sor.u32 $0x1420, s31  }
0x44e: {  	v47 =	vld [tilespmem:s0+$0x8000];
	s0 =	sor.u32 $0x1430, s31  }
0x44f: {  	v48 =	vld [tilespmem:s0+$0x8000];
	s0 =	sor.u32 $0x1440, s31  }
0x450: {  	v57 =	vld [tilespmem:s0+$0x8000];
	s0 =	sor.u32 $0x1450, s31  }
0x451: {  	v50 =	vld [tilespmem:s0+$0x8000]  }
0x452: {  	s0 =	sor.u32 $0x1460, s31;
	v6 =	vmax.f32 v6, v59;
	v59 =	vld [tilespmem:s30+$0x9800]  }
0x453: {  	v5 =	vmax.f32 v5, v9;
	v51 =	vld [tilespmem:s0+$0x8000]  }
0x454: {  	v8 =	vmax.f32 v8, v12;
	v5 =	vmax.f32 v5, v60;
	v60 =	vld [tilespmem:s30+$0x9810]  }
0x455: {  	v7 =	vmax.f32 v7, v11;
	s0 =	sor.u32 $0x1470, s31;
	v8 =	vmax.f32 v8, v61;
	v61 =	vld [tilespmem:s30+$0x9820]  }
0x456: {  	v6 =	vmax.f32 v6, v14;
	v7 =	vmax.f32 v7, v15;
	v58 =	vld [tilespmem:s0+$0x8000]  }
0x457: {  	v5 =	vmax.f32 v5, v17;
	v6 =	vmax.f32 v6, v18;
	v7 =	vmax.f32 v7, v62;
	v62 =	vld [tilespmem:s30+$0x9830]  }
0x458: {  	v8 =	vmax.f32 v8, v20;
	v5 =	vmax.f32 v5, v21;
	v6 =	vmax.f32 v6, v63;
	v63 =	vld [tilespmem:s30+$0x9840]  }
0x459: {  	v7 =	vmax.f32 v7, v23;
	v8 =	vmax.f32 v8, v24;
	v5 =	vmax.f32 v5, v25;
	v25 =	vld [tilespmem:s30+$0x9850]  }
0x45a: {  	v6 =	vmax.f32 v6, v26;
	v7 =	vmax.f32 v7, v27;
	v8 =	vmax.f32 v8, v28;
	v28 =	vld [tilespmem:s30+$0x9860]  }
0x45b: {  	v5 =	vmax.f32 v5, v29;
	v6 =	vmax.f32 v6, v30;
	v7 =	vmax.f32 v7, v31;
	v31 =	vld [tilespmem:s30+$0x9870];
	s30 =	sor.u32 $0x1C00, s31  }
0x45c: {  	v8 =	vmax.f32 v8, v32;
	v5 =	vmax.f32 v5, v33;
	v6 =	vmax.f32 v6, v34;
	v34 =	vld [tilespmem:s30+$0x8000];
	s30 =	sor.u32 $0x1C10, s31  }
0x45d: {  	v7 =	vmax.f32 v7, v35;
	v8 =	vmax.f32 v8, v36;
	v5 =	vmax.f32 v5, v37;
	v53 =	vld [tilespmem:s30+$0x8000];
	s30 =	sor.u32 $0x1C20, s31  }
0x45e: {  	v6 =	vmax.f32 v6, v38;
	v7 =	vmax.f32 v7, v39;
	v8 =	vmax.f32 v8, v40;
	v54 =	vld [tilespmem:s30+$0x8000];
	s30 =	sor.u32 $0x1C30, s31  }
0x45f: {  	v5 =	vmax.f32 v5, v41;
	v6 =	vmax.f32 v6, v42;
	v7 =	vmax.f32 v7, v43;
	v55 =	vld [tilespmem:s30+$0x8000];
	s30 =	sor.u32 $0x1C40, s31  }
0x460: {  	v8 =	vmax.f32 v8, v44;
	v5 =	vmax.f32 v5, v45;
	v6 =	vmax.f32 v6, v56;
	v56 =	vld [tilespmem:s30+$0x8000];
	s30 =	sor.u32 $0x1C50, s31  }
0x461: {  	v7 =	vmax.f32 v7, v47;
	v8 =	vmax.f32 v8, v48;
	v5 =	vmax.f32 v5, v57;
	v57 =	vld [tilespmem:s30+$0x8000];
	s30 =	sor.u32 $0x1C58, s31  }
0x462: {  	v6 =	vmax.f32 v6, v50;
	v7 =	vmax.f32 v7, v51;
	v8 =	vmax.f32 v8, v58;
	v58 =	vld [tilespmem:s30+$0x8000]  }
0x463: {  	v5 =	vmax.f32 v5, v59;
	v6 =	vmax.f32 v6, v60;
	v7 =	vmax.f32 v7, v61  }
0x464: {  	v8 =	vmax.f32 v8, v62;
	v5 =	vmax.f32 v5, v63;
	v6 =	vmax.f32 v6, v25  }
0x465: {  	v7 =	vmax.f32 v7, v28;
	v8 =	vmax.f32 v8, v31;
	v5 =	vmax.f32 v5, v34  }
0x466: {  	v6 =	vmax.f32 v6, v53;
	v7 =	vmax.f32 v7, v54;
	v8 =	vmax.f32 v8, v55  }
0x467: {  	v5 =	vmax.f32 v5, v56;
	v6 =	vmax.f32 v6, v57;
	v7 =	vmax.f32 v7, v58  }
0x468: {  	v5 =	vmax.f32 v5, v6;
	v6 =	vmax.f32 v7, v8  }
0x469: {  	v5 =	vmax.f32 v5, v6  }
0x46a: {  	(xrf0) =	vmax.scan.msk.f32 $0xffff, v5;
	_ =	sdelay $0x4  }
0x46b: {  	s0 =	sadd.s32 $0x4800, s28;
	s31 =	sadd.s32 $0x80, s21  }
0x46c: {  	s0 =	sand.u32 $0x6000, s0;
	s30 =	sand.u32 $0x300, s31;
	v5, _, _ =	vpop (xrf0)  }
0x46d: {  	s0 =	sor.u32 s30, s0;
	[tilespmem:s23+$0xFFFFFF80] =	vst v5  }
0x46e: {  	v5 =	vld [tilespmem:s0+$0x8000]  }
0x46f: {  	v6 =	vld [tilespmem:s0+$0x8010]  }
0x470: {  	v7 =	vld [tilespmem:s0+$0x8020]  }
0x471: {  	v8 =	vld [tilespmem:s0+$0x8030]  }
0x472: {  	v9 =	vld [tilespmem:s0+$0x8040]  }
0x473: {  	v59 =	vld [tilespmem:s0+$0x8050]  }
0x474: {  	v11 =	vld [tilespmem:s0+$0x8060]  }
0x475: {  	v12 =	vld [tilespmem:s0+$0x8070]  }
0x476: {  	v60 =	vld [tilespmem:s0+$0x8400]  }
0x477: {  	v14 =	vld [tilespmem:s0+$0x8410]  }
0x478: {  	v15 =	vld [tilespmem:s0+$0x8420]  }
0x479: {  	v61 =	vld [tilespmem:s0+$0x8430]  }
0x47a: {  	v17 =	vld [tilespmem:s0+$0x8440]  }
0x47b: {  	v18 =	vld [tilespmem:s0+$0x8450]  }
0x47c: {  	v62 =	vld [tilespmem:s0+$0x8460]  }
0x47d: {  	v20 =	vld [tilespmem:s0+$0x8470]  }
0x47e: {  	v21 =	vld [tilespmem:s0+$0x8800]  }
0x47f: {  	v63 =	vld [tilespmem:s0+$0x8810]  }
0x480: {  	v23 =	vld [tilespmem:s0+$0x8820]  }
0x481: {  	v24 =	vld [tilespmem:s0+$0x8830]  }
0x482: {  	v25 =	vld [tilespmem:s0+$0x8840]  }
0x483: {  	v26 =	vld [tilespmem:s0+$0x8850]  }
0x484: {  	v27 =	vld [tilespmem:s0+$0x8860]  }
0x485: {  	v28 =	vld [tilespmem:s0+$0x8870]  }
0x486: {  	v29 =	vld [tilespmem:s0+$0x8C00]  }
0x487: {  	v30 =	vld [tilespmem:s0+$0x8C10]  }
0x488: {  	v31 =	vld [tilespmem:s0+$0x8C20]  }
0x489: {  	v32 =	vld [tilespmem:s0+$0x8C30]  }
0x48a: {  	v33 =	vld [tilespmem:s0+$0x8C40]  }
0x48b: {  	v34 =	vld [tilespmem:s0+$0x8C50]  }
0x48c: {  	v35 =	vld [tilespmem:s0+$0x8C60]  }
0x48d: {  	v36 =	vld [tilespmem:s0+$0x8C70]  }
0x48e: {  	v37 =	vld [tilespmem:s0+$0x9000]  }
0x48f: {  	v38 =	vld [tilespmem:s0+$0x9010]  }
0x490: {  	v39 =	vld [tilespmem:s0+$0x9020]  }
0x491: {  	v40 =	vld [tilespmem:s0+$0x9030]  }
0x492: {  	v41 =	vld [tilespmem:s0+$0x9040]  }
0x493: {  	v42 =	vld [tilespmem:s0+$0x9050]  }
0x494: {  	v43 =	vld [tilespmem:s0+$0x9060]  }
0x495: {  	v44 =	vld [tilespmem:s0+$0x9070]  }
0x496: {  	v45 =	vld [tilespmem:s0+$0x9400]  }
0x497: {  	v46 =	vld [tilespmem:s0+$0x9410]  }
0x498: {  	v47 =	vld [tilespmem:s0+$0x9420]  }
0x499: {  	s31 =	sand.u32 $0x3, s22;
	v48 =	vld [tilespmem:s0+$0x9430]  }
0x49a: {  	s30 =	sshll.u32 s31, $0x8;
	v49 =	vld [tilespmem:s0+$0x9440]  }
0x49b: {  	s30 =	sadd.s32 s28, s30;
	v56 =	vld [tilespmem:s0+$0x9450]  }
0x49c: {  	s30 =	sadd.s32 $0x4900, s30;
	v57 =	vld [tilespmem:s0+$0x9460]  }
0x49d: {  	s31 =	sor.u32 $0x1800, s30;
	v58 =	vld [tilespmem:s0+$0x9470]  }
0x49e: {  	v5 =	vmax.f32 v5, v9;
	v6 =	vmax.f32 v6, v59;
	v59 =	vld [tilespmem:s31+$0x8000];
	s31 =	sor.u32 $0x1810, s30  }
0x49f: {  	v7 =	vmax.f32 v7, v11;
	v8 =	vmax.f32 v8, v12;
	v5 =	vmax.f32 v5, v60;
	v60 =	vld [tilespmem:s31+$0x8000];
	s31 =	sor.u32 $0x1820, s30  }
0x4a0: {  	v6 =	vmax.f32 v6, v14;
	v7 =	vmax.f32 v7, v15;
	v8 =	vmax.f32 v8, v61;
	v61 =	vld [tilespmem:s31+$0x8000];
	s31 =	sor.u32 $0x1830, s30  }
0x4a1: {  	v5 =	vmax.f32 v5, v17;
	v6 =	vmax.f32 v6, v18;
	v7 =	vmax.f32 v7, v62;
	v62 =	vld [tilespmem:s31+$0x8000];
	s31 =	sor.u32 $0x1840, s30  }
0x4a2: {  	v8 =	vmax.f32 v8, v20;
	v5 =	vmax.f32 v5, v21;
	v6 =	vmax.f32 v6, v63;
	v63 =	vld [tilespmem:s31+$0x8000];
	s31 =	sor.u32 $0x1850, s30  }
0x4a3: {  	v7 =	vmax.f32 v7, v23;
	v8 =	vmax.f32 v8, v24;
	v5 =	vmax.f32 v5, v25;
	v25 =	vld [tilespmem:s31+$0x8000];
	s31 =	sor.u32 $0x1860, s30  }
0x4a4: {  	v6 =	vmax.f32 v6, v26;
	v7 =	vmax.f32 v7, v27;
	v8 =	vmax.f32 v8, v28;
	v28 =	vld [tilespmem:s31+$0x8000];
	s31 =	sor.u32 $0x1870, s30  }
0x4a5: {  	v5 =	vmax.f32 v5, v29;
	v6 =	vmax.f32 v6, v30;
	v7 =	vmax.f32 v7, v31;
	v31 =	vld [tilespmem:s31+$0x8000];
	s31 =	sor.u32 $0x1C00, s30  }
0x4a6: {  	v8 =	vmax.f32 v8, v32;
	v5 =	vmax.f32 v5, v33;
	v6 =	vmax.f32 v6, v34;
	v34 =	vld [tilespmem:s31+$0x8000];
	s31 =	sor.u32 $0x1C10, s30  }
0x4a7: {  	v7 =	vmax.f32 v7, v35;
	v8 =	vmax.f32 v8, v36;
	v5 =	vmax.f32 v5, v37;
	v37 =	vld [tilespmem:s31+$0x8000];
	s31 =	sor.u32 $0x1C20, s30  }
0x4a8: {  	v6 =	vmax.f32 v6, v38;
	v7 =	vmax.f32 v7, v39;
	v8 =	vmax.f32 v8, v40;
	v40 =	vld [tilespmem:s31+$0x8000];
	s31 =	sor.u32 $0x1C30, s30  }
0x4a9: {  	v5 =	vmax.f32 v5, v41;
	v6 =	vmax.f32 v6, v42;
	v7 =	vmax.f32 v7, v43;
	v43 =	vld [tilespmem:s31+$0x8000];
	s31 =	sor.u32 $0x1C40, s30  }
0x4aa: {  	v8 =	vmax.f32 v8, v44;
	v5 =	vmax.f32 v5, v45;
	v6 =	vmax.f32 v6, v46;
	v53 =	vld [tilespmem:s31+$0x8000];
	s31 =	sor.u32 $0x1C50, s30  }
0x4ab: {  	v7 =	vmax.f32 v7, v47;
	v8 =	vmax.f32 v8, v48;
	v5 =	vmax.f32 v5, v49;
	s30 =	sor.u32 $0x1C58, s30;
	v54 =	vld [tilespmem:s31+$0x8000]  }
0x4ac: {  	v6 =	vmax.f32 v6, v56;
	v7 =	vmax.f32 v7, v57;
	v8 =	vmax.f32 v8, v58;
	v55 =	vld [tilespmem:s30+$0x8000]  }
0x4ad: {  	v5 =	vmax.f32 v5, v59;
	v6 =	vmax.f32 v6, v60;
	v7 =	vmax.f32 v7, v61  }
0x4ae: {  	v8 =	vmax.f32 v8, v62;
	v5 =	vmax.f32 v5, v63;
	v6 =	vmax.f32 v6, v25  }
0x4af: {  	v7 =	vmax.f32 v7, v28;
	v8 =	vmax.f32 v8, v31;
	v5 =	vmax.f32 v5, v34  }
0x4b0: {  	v6 =	vmax.f32 v6, v37;
	v7 =	vmax.f32 v7, v40;
	v8 =	vmax.f32 v8, v43  }
0x4b1: {  	v5 =	vmax.f32 v5, v53;
	v6 =	vmax.f32 v6, v54;
	v7 =	vmax.f32 v7, v55  }
0x4b2: {  	v5 =	vmax.f32 v5, v6;
	v6 =	vmax.f32 v7, v8  }
0x4b3: {  	v5 =	vmax.f32 v5, v6  }
0x4b4: {  	(xrf0) =	vmax.scan.msk.f32 $0xffff, v5;
	_ =	sdelay $0x4  }
0x4b5: {  	s0 =	sadd.s32 $0x4C00, s28;
	s31 =	sadd.s32 $0x100, s21  }
0x4b6: {  	s0 =	sand.u32 $0x6000, s0;
	s30 =	sand.u32 $0x380, s31;
	v5, _, _ =	vpop (xrf0)  }
0x4b7: {  	s30 =	sor.u32 s30, s0;
	[tilespmem:s23+$0x0] =	vst v5  }
0x4b8: {  	v5 =	vld [tilespmem:s30+$0x8000]  }
0x4b9: {  	v6 =	vld [tilespmem:s30+$0x8010]  }
0x4ba: {  	v7 =	vld [tilespmem:s30+$0x8020]  }
0x4bb: {  	v8 =	vld [tilespmem:s30+$0x8030]  }
0x4bc: {  	v9 =	vld [tilespmem:s30+$0x8040]  }
0x4bd: {  	v10 =	vld [tilespmem:s30+$0x8050]  }
0x4be: {  	v11 =	vld [tilespmem:s30+$0x8060]  }
0x4bf: {  	v12 =	vld [tilespmem:s30+$0x8070]  }
0x4c0: {  	v13 =	vld [tilespmem:s30+$0x8400]  }
0x4c1: {  	v14 =	vld [tilespmem:s30+$0x8410]  }
0x4c2: {  	v15 =	vld [tilespmem:s30+$0x8420]  }
0x4c3: {  	v16 =	vld [tilespmem:s30+$0x8430]  }
0x4c4: {  	v17 =	vld [tilespmem:s30+$0x8440]  }
0x4c5: {  	v18 =	vld [tilespmem:s30+$0x8450]  }
0x4c6: {  	v19 =	vld [tilespmem:s30+$0x8460]  }
0x4c7: {  	v20 =	vld [tilespmem:s30+$0x8470]  }
0x4c8: {  	v21 =	vld [tilespmem:s30+$0x8800]  }
0x4c9: {  	v22 =	vld [tilespmem:s30+$0x8810]  }
0x4ca: {  	v23 =	vld [tilespmem:s30+$0x8820]  }
0x4cb: {  	v24 =	vld [tilespmem:s30+$0x8830]  }
0x4cc: {  	v25 =	vld [tilespmem:s30+$0x8840]  }
0x4cd: {  	v26 =	vld [tilespmem:s30+$0x8850]  }
0x4ce: {  	v27 =	vld [tilespmem:s30+$0x8860]  }
0x4cf: {  	v28 =	vld [tilespmem:s30+$0x8870]  }
0x4d0: {  	v29 =	vld [tilespmem:s30+$0x8C00]  }
0x4d1: {  	v30 =	vld [tilespmem:s30+$0x8C10]  }
0x4d2: {  	v56 =	vld [tilespmem:s30+$0x8C20]  }
0x4d3: {  	v32 =	vld [tilespmem:s30+$0x8C30]  }
0x4d4: {  	v33 =	vld [tilespmem:s30+$0x8C40]  }
0x4d5: {  	v57 =	vld [tilespmem:s30+$0x8C50]  }
0x4d6: {  	v35 =	vld [tilespmem:s30+$0x8C60]  }
0x4d7: {  	v36 =	vld [tilespmem:s30+$0x8C70]  }
0x4d8: {  	v58 =	vld [tilespmem:s30+$0x9000]  }
0x4d9: {  	v38 =	vld [tilespmem:s30+$0x9010]  }
0x4da: {  	v39 =	vld [tilespmem:s30+$0x9020]  }
0x4db: {  	v59 =	vld [tilespmem:s30+$0x9030]  }
0x4dc: {  	v41 =	vld [tilespmem:s30+$0x9040]  }
0x4dd: {  	v42 =	vld [tilespmem:s30+$0x9050]  }
0x4de: {  	v60 =	vld [tilespmem:s30+$0x9060]  }
0x4df: {  	v44 =	vld [tilespmem:s30+$0x9070]  }
0x4e0: {  	v45 =	vld [tilespmem:s30+$0x9400]  }
0x4e1: {  	v61 =	vld [tilespmem:s30+$0x9410]  }
0x4e2: {  	v47 =	vld [tilespmem:s30+$0x9420]  }
0x4e3: {  	v48 =	vld [tilespmem:s30+$0x9430]  }
0x4e4: {  	v62 =	vld [tilespmem:s30+$0x9440]  }
0x4e5: {  	v50 =	vld [tilespmem:s30+$0x9450]  }
0x4e6: {  	v51 =	vld [tilespmem:s30+$0x9460]  }
0x4e7: {  	v63 =	vld [tilespmem:s30+$0x9470]  }
0x4e8: {  	v53 =	vld [tilespmem:s30+$0x9840];
	v5 =	vmax.f32 v5, v9;
	v6 =	vmax.f32 v6, v10  }
0x4e9: {  	v54 =	vld [tilespmem:s30+$0x9850];
	v7 =	vmax.f32 v7, v11;
	v8 =	vmax.f32 v8, v12;
	v5 =	vmax.f32 v5, v13  }
0x4ea: {  	v55 =	vld [tilespmem:s30+$0x9860];
	v6 =	vmax.f32 v6, v14;
	v7 =	vmax.f32 v7, v15;
	v8 =	vmax.f32 v8, v16  }
0x4eb: {  	v9 =	vld [tilespmem:s30+$0x9800];
	v5 =	vmax.f32 v5, v17;
	v6 =	vmax.f32 v6, v18;
	v7 =	vmax.f32 v7, v19  }
0x4ec: {  	v10 =	vld [tilespmem:s30+$0x9810];
	v8 =	vmax.f32 v8, v20;
	v5 =	vmax.f32 v5, v21;
	v6 =	vmax.f32 v6, v22  }
0x4ed: {  	v11 =	vld [tilespmem:s30+$0x9820];
	v7 =	vmax.f32 v7, v23;
	v8 =	vmax.f32 v8, v24;
	v5 =	vmax.f32 v5, v25  }
0x4ee: {  	s0 =	sadd.s32 $0x4D80, s29;
	v12 =	vld [tilespmem:s30+$0x9830];
	v6 =	vmax.f32 v6, v26;
	v7 =	vmax.f32 v7, v27;
	v8 =	vmax.f32 v8, v28  }
0x4ef: {  	s29 =	sor.u32 $0x1C00, s0;
	v5 =	vmax.f32 v5, v29;
	v6 =	vmax.f32 v6, v30;
	v7 =	vmax.f32 v7, v56;
	v56 =	vld [tilespmem:s30+$0x9870]  }
0x4f0: {  	s31 =	sor.u32 $0x1C10, s0;
	v8 =	vmax.f32 v8, v32;
	v5 =	vmax.f32 v5, v33;
	v6 =	vmax.f32 v6, v57;
	v57 =	vld [tilespmem:s29+$0x8000]  }
0x4f1: {  	s30 =	sor.u32 $0x1C20, s0;
	v7 =	vmax.f32 v7, v35;
	v8 =	vmax.f32 v8, v36;
	v5 =	vmax.f32 v5, v58;
	v58 =	vld [tilespmem:s31+$0x8000]  }
0x4f2: {  	v6 =	vmax.f32 v6, v38;
	v7 =	vmax.f32 v7, v39;
	v8 =	vmax.f32 v8, v59;
	v59 =	vld [tilespmem:s30+$0x8000];
	s31 =	sor.u32 $0x1C30, s0  }
0x4f3: {  	s30 =	sor.u32 $0x1C40, s0;
	v5 =	vmax.f32 v5, v41;
	v6 =	vmax.f32 v6, v42;
	v7 =	vmax.f32 v7, v60;
	v60 =	vld [tilespmem:s31+$0x8000]  }
0x4f4: {  	v8 =	vmax.f32 v8, v44;
	s31 =	sor.u32 $0x1C50, s0;
	v5 =	vmax.f32 v5, v45;
	v6 =	vmax.f32 v6, v61;
	v61 =	vld [tilespmem:s30+$0x8000]  }
0x4f5: {  	s0 =	sor.u32 $0x1C58, s0;
	v7 =	vmax.f32 v7, v47;
	v8 =	vmax.f32 v8, v48;
	v5 =	vmax.f32 v5, v62;
	v62 =	vld [tilespmem:s31+$0x8000]  }
0x4f6: {  	v6 =	vmax.f32 v6, v50;
	v7 =	vmax.f32 v7, v51;
	v8 =	vmax.f32 v8, v63;
	v63 =	vld [tilespmem:s0+$0x8000]  }
0x4f7: {  	v5 =	vmax.f32 v5, v9;
	v6 =	vmax.f32 v6, v10;
	v7 =	vmax.f32 v7, v11  }
0x4f8: {  	v8 =	vmax.f32 v8, v12;
	v5 =	vmax.f32 v5, v53;
	v6 =	vmax.f32 v6, v54  }
0x4f9: {  	v7 =	vmax.f32 v7, v55;
	v8 =	vmax.f32 v8, v56;
	v5 =	vmax.f32 v5, v57  }
0x4fa: {  	v6 =	vmax.f32 v6, v58;
	v7 =	vmax.f32 v7, v59;
	v8 =	vmax.f32 v8, v60  }
0x4fb: {  	v5 =	vmax.f32 v5, v61;
	v6 =	vmax.f32 v6, v62;
	v7 =	vmax.f32 v7, v63  }
0x4fc: {  	v5 =	vmax.f32 v5, v6;
	v6 =	vmax.f32 v7, v8  }
0x4fd: {  	v5 =	vmax.f32 v5, v6  }
0x4fe: {  	(xrf0) =	vmax.scan.msk.f32 $0xffff, v5;
	_ =	sdelay $0x1  }
0x4ff: {  	p2 =	sne.s32 s28, $0x3000  }
.Ltmp5:
0x500: {  	_ = 	snop;
	(pc) =	sbr.rel @p2 .LBB2_9-.Ltmp5, $4  }
0x501: {  	_ = 	snop  }
0x502: {  	s24 =	sadd.s32 $0x200, s24;
	p1 =	por !p1, !p1  }
0x503: {  	s25 =	sadd.s32 $0x1200, s25;
	s26 =	sadd.s32 $0x4, s26;
	s22 =	sadd.s32 $0x2, s22;
	v5, _, _ =	vpop (xrf0)  }
0x504: {  	s28 =	sadd.s32 $0x1000, s28;
	s21 =	sadd.s32 $0x200, s21;
	[tilespmem:s23+$0x80] =	vst v5;
	s23 =	sadd.s32 $0x200, s23  }
0x505: {  	_ =	sdelay $0x3  }
0x506: {  	v5 =	vld.idx.msk [tilespmem:v2+s14+$0x0], $0xffff;
	_ =	sdelay $0x2  }
.Ltmp6:
0x507: {  	_ = 	snop;
	(pc) =	sbr.rel @p0 .LBB2_12-.Ltmp6, $3  }
0x508: {  	_ = 	snop  }
0x509: {  	v4 =	vsub.f32 v5, v4;
	_ =	sdelay $0x1  }
0x50a: {  	[tilespmem:s19+$0x10200] =	vst v4  }
.Ltmp7:
0x50b: {  	(pc) =	sbr.rel .LBB2_2-.Ltmp7, $3  }
0x50c: {  	_ =	sdelay $0x1  }
0x50d: {  	s0 =	sadd.s32 s20, s7;
	s18 =	sadd.s32 $0x1, s18  }
0x50e: {  	[tilespmem:s12], [sflag:$0x2] =	stream.linear.gather [hbm4b:s0+s2], $0x8000, $0x38;
	[tilespmem:$0x10C00] =	vst v63  }
.LBB2_13:
0x50f: {  	_ =	sfence.sel $0x180000  }
0x510: {  	[bflag:$0x0] =	sbarrier.arrive $0xFFFF  }
0x511: {  	_ =	strace $0x90000047  }
0x512: {  	[bflag:$0x2] =	sbarrier.arrive $0xFFFF  }
0x513: {  	p0 =	sne.s32 s1, $0x0;
	s0 =	rddreg [dreg:$0x3]  }
0x514: {  	s0 =	sadd.s32 @!p0 $0x100000, s0  }
0x515: {  	[sflag:s0] =	ssyncadd.tile.s32 @!p0 $0x1;
	_ =	shalt  }
.Lfunc_end2:
_tile_overlayer_lowered:
.L_overlay_start_2:
0x516: {  	(tag) =	ssettag $0x2  }
0x517: {  	s0 =	rddreg [dreg:$0x0];
	s2 =	stileid.u32  }
0x518: {  	s1 =	rddreg [dreg:$0x1];
	p0 =	sne.s32 s2, $0x0  }
0x519: {  	s3 =	rddreg [dreg:$0x2];
	[bflag:$0x3] =	sbarrier.arrive $0xFFFF;
	s2 =	simm.s32 @!p0 $0x1C03  }
0x51a: {  	[timem:s3], [sflag:s2] =	dma.local @!p0 [hbm:s0], s1  }
0x51b: {  	s0 =	simm.s32 @!p0 $0x3  }
0x51c: {  	_ =	swait.ge @!p0 [sflag:s0], s1  }
0x51d: {  	s1 =	ssub.s32 @!p0 $0x0, s1;
	[sflag:s0] =	ssyncset.done @!p0 $0x0  }
0x51e: {  	[sflag:s0] =	ssyncadd.s32 @!p0 s1  }
0x51f: {  	[bflag:$0x3] =	sbarrier.arrive $0xFFFF  }
0x520: {  	_ =	shalt  }

</sc_bundles>
